<compile_context>
chip_gen: v7x
topology: tpu7x:2x2x1
jax: 0.10.2.dev20260603
libtpu: 0.0.44.dev20260713+nightly
codegen_flags: <defaults>
</compile_context>

<pallas_src>
import functools

import jax
import jax.numpy as jnp
from jax import lax
from jax.experimental import pallas as pl
from jax.experimental.pallas import tpu as pltpu
from jax.experimental.pallas import tpu_sc as plsc

D = 128
LANES = 16
NVEC = D // LANES
N_INNER = 256
N_OUTER = 16
EPAD = 288
SLAB_BITS = 11
SLAB = 1 << SLAB_BITS
NROWS = 100000
NSLAB = (NROWS + SLAB - 1) >> SLAB_BITS
LAST_START = NROWS - SLAB
LAST_ADJ = NSLAB * SLAB - NROWS
CHUNK = 64


def _sc_make(B):
    NC, NS = 2, 16
    NW = NC * NS
    per = B // NW
    nedge = per * EPAD
    srt_cap = nedge + NSLAB * 2 * CHUNK
    mesh = plsc.VectorSubcoreMesh(core_axis_name="c", subcore_axis_name="s")

    @functools.partial(
        pl.kernel,
        mesh=mesh,
        compiler_params=pltpu.CompilerParams(needs_layout_passes=False),
        out_type=jax.ShapeDtypeStruct((B, 3 * D), jnp.float32),
        scratch_types=[
            pltpu.VMEM((per, EPAD), jnp.int32),
            pltpu.VMEM((srt_cap,), jnp.int32),
            pltpu.VMEM((srt_cap,), jnp.int32),
            pltpu.VMEM((-(-NSLAB * LANES // 128) * 128,), jnp.int32),
            pltpu.VMEM((CHUNK, D), jnp.float32),
            pltpu.VMEM((CHUNK, D), jnp.float32),
            pltpu.VMEM_SHARED((NS * 4 * per, D), jnp.float32),
            pltpu.VMEM((per, 3 * D), jnp.float32),
            pltpu.VMEM_SHARED((2, SLAB, D), jnp.float32),
            pltpu.SMEM((NSLAB + 7,), jnp.int32),
            pltpu.SemaphoreType.DMA,
            pltpu.SemaphoreType.DMA,
            pltpu.SemaphoreType.DMA,
            pltpu.SemaphoreType.DMA,
        ],
    )
    def sc_kernel(embed_hbm, idx_hbm, out_hbm, idx_v, srt_row, srt_dest,
                  hist, g0, g1, acc, out_v, slab, soff,
                  ssem0, ssem1, gsem, asem):
        sid = lax.axis_index("s")
        wid = sid * NC + lax.axis_index("c")
        base = wid * per
        share = SLAB // NS
        srow = pl.multiple_of(sid * share, share)

        def fire_fill(start, buf):
            sem = ssem0 if buf == 0 else ssem1
            st = pl.multiple_of(start + srow, 8)
            pltpu.async_copy(embed_hbm.at[pl.ds(st, share)],
                             slab.at[buf, pl.ds(srow, share)], sem)

        def drain_fill(buf):
            sem = ssem0 if buf == 0 else ssem1
            pltpu.make_async_copy(embed_hbm.at[pl.ds(0, share)],
                                  slab.at[buf, pl.ds(srow, share)],
                                  sem).wait()

        fire_fill(0, 0)
        pltpu.sync_copy(idx_hbm.at[pl.ds(base, per)], idx_v)

        lanes = lax.iota(jnp.int32, LANES)
        zi = jnp.zeros((LANES,), jnp.int32)
        zf = jnp.zeros((LANES,), jnp.float32)

        def zero_hist(i, _):
            hist[pl.ds(i * LANES, LANES)] = zi
            return 0

        lax.fori_loop(0, NSLAB, zero_hist, 0)

        arow = sid * (4 * per)
        dummy_dest = jnp.broadcast_to(arow + 3, (LANES,)).astype(jnp.int32)

        def prefill(i, _):
            srt_row[pl.ds(i * LANES, LANES)] = zi
            srt_dest[pl.ds(i * LANES, LANES)] = dummy_dest
            return 0

        lax.fori_loop(0, srt_cap // LANES, prefill, 0)

        def zero_g(i, _):
            for j in range(NVEC):
                g0[i, pl.ds(j * LANES, LANES)] = zf
            return 0

        lax.fori_loop(0, CHUNK, zero_g, 0)
        ab = pl.multiple_of(arow, CHUNK)
        pltpu.sync_copy(g0, acc.at[pl.ds(ab, CHUNK)])
        pltpu.sync_copy(g0, acc.at[pl.ds(ab + CHUNK, CHUNK)])

        lane0 = lanes < 1

        def pass_a(e, _):
            for vc in range(EPAD // LANES):
                iv = idx_v[e, pl.ds(vc * LANES, LANES)]
                h = (iv >> SLAB_BITS) * LANES + lanes
                c = plsc.load_gather(hist, [h])
                msk = lane0 if vc == EPAD // LANES - 1 else None
                plsc.store_scatter(hist, [h], c + 1, mask=msk)
            return 0

        lax.fori_loop(0, per, pass_a, 0)

        def pfx(s, carry):
            cv = hist[pl.ds(s * LANES, LANES)]
            tot = jnp.sum(cv)
            cs = plsc.cumsum(cv)
            hist[pl.ds(s * LANES, LANES)] = carry + (cs - cv)
            soff[s] = carry
            return (carry + tot + 7) & (-8)

        carry = lax.fori_loop(0, NSLAB, pfx, 0)
        soff[NSLAB] = carry

        seg2 = jnp.where(lanes < 1, 2, 3)

        def pass_b(e, _):
            for vc in range(EPAD // LANES):
                iv = idx_v[e, pl.ds(vc * LANES, LANES)]
                slb = iv >> SLAB_BITS
                loc = (iv & (SLAB - 1)) + jnp.where(slb == NSLAB - 1,
                                                    LAST_ADJ, 0)
                if vc < 16:
                    seg = 0
                elif vc == 16:
                    seg = 1
                else:
                    seg = seg2
                dest = arow + e * 4 + seg
                h = slb * LANES + lanes
                msk = lane0 if vc == EPAD // LANES - 1 else None
                p = plsc.load_gather(hist, [h])
                plsc.store_scatter(srt_row, [p], loc, mask=msk)
                plsc.store_scatter(srt_dest, [p],
                                   jnp.broadcast_to(dest, (LANES,)).astype(jnp.int32),
                                   mask=msk)
                plsc.store_scatter(hist, [h], p + 1, mask=msk)
            return 0

        lax.fori_loop(0, per, pass_b, 0)

        def process(k, buf):
            sbuf = slab.at[buf]
            p0 = soff[k]
            p1 = soff[k + 1]
            nch = (p1 - p0) >> 6
            rem = (p1 - p0) - (nch << 6)
            npair = nch >> 1

            def chunkpair(c, _):
                o0 = pl.multiple_of(p0 + c * 2 * CHUNK, CHUNK)
                o1 = pl.multiple_of(p0 + c * 2 * CHUNK + CHUNK, CHUNK)
                d0 = pltpu.async_copy(sbuf.at[srt_row.at[pl.ds(o0, CHUNK)]],
                                      g0, gsem)
                d1 = pltpu.async_copy(sbuf.at[srt_row.at[pl.ds(o1, CHUNK)]],
                                      g1, gsem)
                d0.wait()
                pltpu.async_copy(g0, acc.at[srt_dest.at[pl.ds(o0, CHUNK)]],
                                 asem, add=True)
                d1.wait()
                pltpu.async_copy(g1, acc.at[srt_dest.at[pl.ds(o1, CHUNK)]],
                                 asem, add=True)
                pltpu.make_async_copy(embed_hbm.at[pl.ds(0, CHUNK)], g0,
                                      asem).wait()
                pltpu.make_async_copy(embed_hbm.at[pl.ds(0, CHUNK)], g1,
                                      asem).wait()
                return 0

            lax.fori_loop(0, npair, chunkpair, 0)

            @pl.when((nch & 1) == 1)
            def _():
                ot = pl.multiple_of(p0 + (nch - 1) * CHUNK, CHUNK)
                dt = pltpu.async_copy(sbuf.at[srt_row.at[pl.ds(ot, CHUNK)]],
                                      g0, gsem)
                dt.wait()
                pltpu.async_copy(g0, acc.at[srt_dest.at[pl.ds(ot, CHUNK)]],
                                 asem, add=True)
                pltpu.make_async_copy(embed_hbm.at[pl.ds(0, CHUNK)], g0,
                                      asem).wait()

            for sz in range(8, CHUNK, 8):
                @pl.when(rem == sz)
                def _(sz=sz):
                    orr = pl.multiple_of(p0 + (nch << 6), 8)
                    dr = pltpu.async_copy(
                        sbuf.at[srt_row.at[pl.ds(orr, sz)]],
                        g0.at[pl.ds(0, sz)], gsem)
                    dr.wait()
                    pltpu.async_copy(g0.at[pl.ds(0, sz)],
                                     acc.at[srt_dest.at[pl.ds(orr, sz)]],
                                     asem, add=True)
                    pltpu.make_async_copy(embed_hbm.at[pl.ds(0, sz)],
                                          g0.at[pl.ds(0, sz)], asem).wait()

        def slab_pair(j, _):
            k0 = 2 * j
            drain_fill(0)
            plsc.subcore_barrier()
            fire_fill(jnp.where(k0 == NSLAB - 2, LAST_START,
                                (k0 + 1) * SLAB), 1)
            process(k0, 0)
            drain_fill(1)
            plsc.subcore_barrier()

            @pl.when(k0 + 2 < NSLAB)
            def _():
                fire_fill(jnp.where(k0 + 2 == NSLAB - 1, LAST_START,
                                    (k0 + 2) * SLAB), 0)

            process(k0 + 1, 1)
            return 0

        lax.fori_loop(0, NSLAB // 2, slab_pair, 0)
        drain_fill(0)
        plsc.subcore_barrier()
        process(NSLAB - 1, 0)

        pltpu.sync_copy(acc.at[pl.ds(ab, CHUNK)], g0)
        pltpu.sync_copy(acc.at[pl.ds(ab + CHUNK, CHUNK)], g1)

        def outp(e, _):
            for gref, eo in ((g0, 0), (g1, per // 2)):
                ee = e + eo
                for j in range(NVEC):
                    dsj = pl.ds(j * LANES, LANES)
                    out_v[ee, dsj] = gref[e * 4, dsj] * (1.0 / N_INNER)
                    out_v[ee, pl.ds(D + j * LANES, LANES)] = \
                        gref[e * 4 + 1, dsj] * (1.0 / N_OUTER)
                    out_v[ee, pl.ds(2 * D + j * LANES, LANES)] = \
                        gref[e * 4 + 2, dsj]
            return 0

        lax.fori_loop(0, per // 2, outp, 0)
        pltpu.sync_copy(out_v, out_hbm.at[pl.ds(base, per)])

    return sc_kernel


def _tc_dense(sc_out, W1, W0, b0):
    B = sc_out.shape[0]

    def body(sc_ref, w1_ref, w0_ref, b0_ref, out_ref):
        m1 = sc_ref[:, 0:D]
        m0 = sc_ref[:, D:2 * D]
        hv = sc_ref[:, 2 * D:3 * D]
        mean_n = (jnp.dot(m0, w1_ref[0:D, :], preferred_element_type=jnp.float32)
                  + jnp.dot(m1, w1_ref[D:2 * D, :], preferred_element_type=jnp.float32))
        z = (jnp.dot(hv, w0_ref[0:D, :], preferred_element_type=jnp.float32)
             + jnp.dot(mean_n, w0_ref[D:2 * D, :], preferred_element_type=jnp.float32)
             + b0_ref[:])
        out_ref[:] = jax.nn.sigmoid(z)

    return pl.pallas_call(
        body,
        out_shape=jax.ShapeDtypeStruct((B, D), jnp.float32),
    )(sc_out, W1, W0, b0)


def kernel(inputs, neighbors0, neighbors1, embed, W0, b0, W1):
    B = inputs.shape[0]
    idx = jnp.concatenate([
        neighbors1.reshape(B, N_INNER).astype(jnp.int32),
        neighbors0.reshape(B, N_OUTER).astype(jnp.int32),
        inputs.reshape(B, 1).astype(jnp.int32),
        jnp.zeros((B, EPAD - N_INNER - N_OUTER - 1), jnp.int32),
    ], axis=1)
    sc_out = _sc_make(B)(embed, idx)
    return _tc_dense(sc_out, W1, W0, b0.reshape(1, D))

# --- scband reference (transcript-rebuilt; emitter-appended) ---
"""Pipeline reference for scband-graph-sage-90907277787727 (READ-ONLY COPY).

The authoritative reference and input builder live on the scoring server;
editing this copy changes nothing except your own understanding.
"""

import jax, jax.numpy as jnp
import numpy as np

NODE_CNT = 100000
EMBED_DIM = 128
N0, N1 = 16, 16
B = 1024
H0, H1 = 128, 128


def setup_inputs(seed: int = 0) -> dict:
    key = jax.random.key(seed)
    ks = jax.random.split(key, 7)
    inputs = jax.random.randint(ks[0], (B,), 0, NODE_CNT)
    neighbors0 = jax.random.randint(ks[1], (B, N0), 0, NODE_CNT)
    neighbors1 = jax.random.randint(ks[2], (B, N0, N1), 0, NODE_CNT)
    # learned parameters (sized per init_kwargs)
    embed = jax.random.normal(ks[3], (NODE_CNT + 1, EMBED_DIM), dtype=jnp.float32) * 0.05
    # fc1 (last layer in hidden_dim_list): applied at the inner hop, no bias, linear
    W1 = jax.random.normal(ks[4], (2 * EMBED_DIM, H1), dtype=jnp.float32) * 0.05
    # fc0: applied at the outer hop, bias + sigmoid
    W0 = jax.random.normal(ks[5], (EMBED_DIM + H1, H0), dtype=jnp.float32) * 0.05
    b0 = jnp.zeros((H0,), dtype=jnp.float32)
    return {
        'inputs': inputs,
        'neighbors0': neighbors0,
        'neighbors1': neighbors1,
        'embed': embed,
        'W0': W0,
        'b0': b0,
        'W1': W1,
    }


def reference(inputs, neighbors0, neighbors1, embed, W0, b0, W1):
    # Vectorized GraphSAGE two-hop aggregation.
    # Inner hop (lay_index == last): leaf neighbor embeddings via table lookup
    e_nn = jnp.take(embed, neighbors1, axis=0)          # [B, N0, N1, d]
    mean_nn = jnp.mean(e_nn, axis=2)                    # [B, N0, d]
    h_n = jnp.take(embed, neighbors0, axis=0)           # [B, N0, d]
    con1 = jnp.concatenate([h_n, mean_nn], axis=-1)     # [B, N0, 2d]
    h1 = con1 @ W1                                      # last fc: no bias, linear -> [B, N0, H1]
    # Outer hop (lay_index == 0)
    mean_n = jnp.mean(h1, axis=1)                       # [B, H1]
    h_v = jnp.take(embed, inputs, axis=0)               # [B, d]
    con0 = jnp.concatenate([h_v, mean_n], axis=-1)      # [B, d+H1]
    out = jax.nn.sigmoid(con0 @ W0 + b0)                # fc0: bias + sigmoid -> [B, H0]
    return out

if __name__ == "__main__":
    import jax
    _d = setup_inputs()
    print(jax.jit(kernel)(*tuple(_d.values())))

</pallas_src>

<mosaic_0001>
#map = affine_map<(d0, d1) -> (0, 0)>
module attributes {stable_mosaic.version = 14 : i64} {
  func.func @sc_kernel(%arg0: i32, %arg1: i32, %arg2: memref<100001x128xf32, #tpu.memory_space<hbm>>, %arg3: memref<1024x288xi32, #tpu.memory_space<hbm>>, %arg4: memref<1024x384xf32, #tpu.memory_space<hbm>>, %arg5: memref<32x288xi32, #tpu.memory_space<vmem>>, %arg6: memref<15488xi32, #tpu.memory_space<vmem>>, %arg7: memref<15488xi32, #tpu.memory_space<vmem>>, %arg8: memref<896xi32, #tpu.memory_space<vmem>>, %arg9: memref<64x128xf32, #tpu.memory_space<vmem>>, %arg10: memref<64x128xf32, #tpu.memory_space<vmem>>, %arg11: memref<2048x128xf32, #tpu.memory_space<vmem_shared>>, %arg12: memref<32x384xf32, #tpu.memory_space<vmem>>, %arg13: memref<2x2048x128xf32, #tpu.memory_space<vmem_shared>>, %arg14: memref<56xi32, #tpu.memory_space<smem>>, %arg15: memref<!tpu.dma_semaphore, #tpu.memory_space<semaphore_mem>>, %arg16: memref<!tpu.dma_semaphore, #tpu.memory_space<semaphore_mem>>, %arg17: memref<!tpu.dma_semaphore, #tpu.memory_space<semaphore_mem>>, %arg18: memref<!tpu.dma_semaphore, #tpu.memory_space<semaphore_mem>>) attributes {dimension_semantics = [#tpu.dimension_semantics<core_parallel>, #tpu.dimension_semantics<subcore_parallel>], iteration_bounds = array<i64: 2, 16>, scalar_prefetch = 0 : i64, scratch_operands = 14 : i64, tpu.core_type = #tpu.core_type<sc_vector_subcore>, window_params = [{transform_indices = #map}, {transform_indices = #map}, {transform_indices = #map}]} {
    %mul3A = arith.constant 2 : i32
    %mul3A_0 = arith.muli %arg1, %mul3A : i32
    %add3A = arith.addi %mul3A_0, %arg0 : i32
    %mul3A_1 = arith.constant 32 : i32
    %mul3A_2 = arith.muli %add3A, %mul3A_1 : i32
    %mul3A_3 = arith.constant 128 : i32
    %mul3A_4 = arith.muli %arg1, %mul3A_3 : i32
    %multiple_of3A = tpu.assume_multiple %mul3A_4, 128 : i32
    %add3A_5 = arith.constant 0 : i32
    %add3A_6 = arith.addi %add3A_5, %multiple_of3A : i32
    %multiple_of3A_7 = tpu.assume_multiple %add3A_6, 8 : i32
    %dma_start3A = arith.constant 0 : i32
    %dma_start3A_8 = arith.constant 0 : i32
    %dma_start3A_9 = tpu.memref_slice %arg13[%dma_start3A, %multiple_of3A, %dma_start3A_8] : memref<2x2048x128xf32, #tpu.memory_space<vmem_shared>> -> memref<1x128x128xf32, #tpu.memory_space<vmem_shared>>
    %dma_start3A_10 = tpu.memref_squeeze %dma_start3A_9 : memref<1x128x128xf32, #tpu.memory_space<vmem_shared>> -> memref<128x128xf32, #tpu.memory_space<vmem_shared>>
    %dma_start3A_11 = arith.constant 0 : i32
    %dma_start3A_12 = tpu.memref_slice %arg2[%multiple_of3A_7, %dma_start3A_11] : memref<100001x128xf32, #tpu.memory_space<hbm>> -> memref<128x128xf32, #tpu.memory_space<hbm>>
    tpu.enqueue_dma source(%dma_start3A_12 : memref<128x128xf32, #tpu.memory_space<hbm>>) target(%dma_start3A_10 : memref<128x128xf32, #tpu.memory_space<vmem_shared>>) target_semaphore(%arg15 : memref<!tpu.dma_semaphore, #tpu.memory_space<semaphore_mem>>)
    "tpu.region"() ({
      %run_scoped3A = tpu.sem_alloc : memref<!tpu.dma_semaphore, #tpu.memory_space<semaphore_mem>>
      %dma_start3A_166 = arith.constant 0 : i32
      %dma_start3A_167 = tpu.memref_slice %arg3[%mul3A_2, %dma_start3A_166] : memref<1024x288xi32, #tpu.memory_space<hbm>> -> memref<32x288xi32, #tpu.memory_space<hbm>>
      %dma_start3A_168 = arith.constant 0 : i32
      %dma_start3A_169 = tpu.memref_slice %arg3[%mul3A_2, %dma_start3A_168] : memref<1024x288xi32, #tpu.memory_space<hbm>> -> memref<32x288xi32, #tpu.memory_space<hbm>>
      tpu.enqueue_dma source(%dma_start3A_169 : memref<32x288xi32, #tpu.memory_space<hbm>>) target(%arg5 : memref<32x288xi32, #tpu.memory_space<vmem>>) target_semaphore(%run_scoped3A : memref<!tpu.dma_semaphore, #tpu.memory_space<semaphore_mem>>)
      %dma_wait3A_170 = arith.constant 0 : i32
      %dma_wait3A_171 = tpu.memref_slice %arg3[%mul3A_2, %dma_wait3A_170] : memref<1024x288xi32, #tpu.memory_space<hbm>> -> memref<32x288xi32, #tpu.memory_space<hbm>>
      %dma_wait3A_172 = arith.constant 0 : i32
      %dma_wait3A_173 = tpu.memref_slice %arg3[%mul3A_2, %dma_wait3A_172] : memref<1024x288xi32, #tpu.memory_space<hbm>> -> memref<32x288xi32, #tpu.memory_space<hbm>>
      tpu.wait_dma2 semaphore(%run_scoped3A : memref<!tpu.dma_semaphore, #tpu.memory_space<semaphore_mem>>) src(%dma_wait3A_173 : memref<32x288xi32, #tpu.memory_space<hbm>>) dst(%arg5 : memref<32x288xi32, #tpu.memory_space<vmem>>)
      tpu.yield
    }) : () -> ()
    %iota3A = tpu.iota {dimensions = array<i32: 0>} : vector<16xi32>
    %broadcast_in_dim3A = arith.constant 0 : i32
    %broadcast_in_dim3A_13 = vector.broadcast %broadcast_in_dim3A : i32 to vector<16xi32>
    %broadcast_in_dim3A_14 = arith.constant 0.000000e+00 : f32
    %broadcast_in_dim3A_15 = vector.broadcast %broadcast_in_dim3A_14 : f32 to vector<16xf32>
    %scan3A = arith.constant 0 : i32
    %scan3A_16 = arith.constant 0 : i32
    %scan3A_17 = arith.constant 49 : i32
    %scan3A_18 = arith.addi %scan3A_16, %scan3A_17 : i32
    %scan3A_19 = arith.constant 1 : i32
    %scan3A_20 = scf.for %scan3A_166 = %scan3A_16 to %scan3A_18 step %scan3A_19 iter_args(%scan3A_167 = %scan3A) -> (i32)  : i32 {
      %mul3A_168 = arith.constant 16 : i32
      %mul3A_169 = arith.muli %scan3A_166, %mul3A_168 : i32
      %swap3A_170 = arith.index_cast %mul3A_169 : i32 to index
      %swap3A_171 = tpu.vector_load %arg8[%swap3A_170] {strides = array<i32>} : memref<896xi32, #tpu.memory_space<vmem>>, vector<16xi32>,
      tpu.vector_store %arg8[%swap3A_170], %broadcast_in_dim3A_13 {strides = array<i32>} : memref<896xi32, #tpu.memory_space<vmem>>, vector<16xi32>,
      %scan3A_172 = arith.constant 0 : i32
      scf.yield %scan3A_172 : i32
    }
    %scan3A_21 = arith.constant 49 : i32
    %mul3A_22 = arith.constant 128 : i32
    %mul3A_23 = arith.muli %arg1, %mul3A_22 : i32
    %add3A_24 = arith.constant 3 : i32
    %add3A_25 = arith.addi %mul3A_23, %add3A_24 : i32
    %broadcast_in_dim3A_26 = vector.broadcast %add3A_25 : i32 to vector<16xi32>
    %scan3A_27 = arith.constant 0 : i32
    %scan3A_28 = arith.constant 0 : i32
    %scan3A_29 = arith.constant 968 : i32
    %scan3A_30 = arith.addi %scan3A_28, %scan3A_29 : i32
    %scan3A_31 = arith.constant 1 : i32
    %scan3A_32 = scf.for %scan3A_166 = %scan3A_28 to %scan3A_30 step %scan3A_31 iter_args(%scan3A_167 = %scan3A_27) -> (i32)  : i32 {
      %mul3A_168 = arith.constant 16 : i32
      %mul3A_169 = arith.muli %scan3A_166, %mul3A_168 : i32
      %swap3A_170 = arith.index_cast %mul3A_169 : i32 to index
      %swap3A_171 = tpu.vector_load %arg6[%swap3A_170] {strides = array<i32>} : memref<15488xi32, #tpu.memory_space<vmem>>, vector<16xi32>,
      tpu.vector_store %arg6[%swap3A_170], %broadcast_in_dim3A_13 {strides = array<i32>} : memref<15488xi32, #tpu.memory_space<vmem>>, vector<16xi32>,
      %mul3A_172 = arith.constant 16 : i32
      %mul3A_173 = arith.muli %scan3A_166, %mul3A_172 : i32
      %swap3A_174 = arith.index_cast %mul3A_173 : i32 to index
      %swap3A_175 = tpu.vector_load %arg7[%swap3A_174] {strides = array<i32>} : memref<15488xi32, #tpu.memory_space<vmem>>, vector<16xi32>,
      tpu.vector_store %arg7[%swap3A_174], %broadcast_in_dim3A_26 {strides = array<i32>} : memref<15488xi32, #tpu.memory_space<vmem>>, vector<16xi32>,
      %scan3A_176 = arith.constant 0 : i32
      scf.yield %scan3A_176 : i32
    }
    %scan3A_33 = arith.constant 968 : i32
    %scan3A_34 = arith.constant 0 : i32
    %scan3A_35 = arith.constant 0 : i32
    %scan3A_36 = arith.constant 64 : i32
    %scan3A_37 = arith.addi %scan3A_35, %scan3A_36 : i32
    %scan3A_38 = arith.constant 1 : i32
    %scan3A_39 = scf.for %scan3A_166 = %scan3A_35 to %scan3A_37 step %scan3A_38 iter_args(%scan3A_167 = %scan3A_34) -> (i32)  : i32 {
      %swap3A_168 = arith.index_cast %scan3A_166 : i32 to index
      %swap3A_169 = arith.constant 0 : index
      %swap3A_170 = tpu.vector_load %arg9[%swap3A_168, %swap3A_169] {strides = array<i32>} : memref<64x128xf32, #tpu.memory_space<vmem>>, vector<16xf32>,
      tpu.vector_store %arg9[%swap3A_168, %swap3A_169], %broadcast_in_dim3A_15 {strides = array<i32>} : memref<64x128xf32, #tpu.memory_space<vmem>>, vector<16xf32>,
      %swap3A_171 = arith.index_cast %scan3A_166 : i32 to index
      %swap3A_172 = arith.constant 16 : index
      %swap3A_173 = tpu.vector_load %arg9[%swap3A_171, %swap3A_172] {strides = array<i32>} : memref<64x128xf32, #tpu.memory_space<vmem>>, vector<16xf32>,
      tpu.vector_store %arg9[%swap3A_171, %swap3A_172], %broadcast_in_dim3A_15 {strides = array<i32>} : memref<64x128xf32, #tpu.memory_space<vmem>>, vector<16xf32>,
      %swap3A_174 = arith.index_cast %scan3A_166 : i32 to index
      %swap3A_175 = arith.constant 32 : index
      %swap3A_176 = tpu.vector_load %arg9[%swap3A_174, %swap3A_175] {strides = array<i32>} : memref<64x128xf32, #tpu.memory_space<vmem>>, vector<16xf32>,
      tpu.vector_store %arg9[%swap3A_174, %swap3A_175], %broadcast_in_dim3A_15 {strides = array<i32>} : memref<64x128xf32, #tpu.memory_space<vmem>>, vector<16xf32>,
      %swap3A_177 = arith.index_cast %scan3A_166 : i32 to index
      %swap3A_178 = arith.constant 48 : index
      %swap3A_179 = tpu.vector_load %arg9[%swap3A_177, %swap3A_178] {strides = array<i32>} : memref<64x128xf32, #tpu.memory_space<vmem>>, vector<16xf32>,
      tpu.vector_store %arg9[%swap3A_177, %swap3A_178], %broadcast_in_dim3A_15 {strides = array<i32>} : memref<64x128xf32, #tpu.memory_space<vmem>>, vector<16xf32>,
      %swap3A_180 = arith.index_cast %scan3A_166 : i32 to index
      %swap3A_181 = arith.constant 64 : index
      %swap3A_182 = tpu.vector_load %arg9[%swap3A_180, %swap3A_181] {strides = array<i32>} : memref<64x128xf32, #tpu.memory_space<vmem>>, vector<16xf32>,
      tpu.vector_store %arg9[%swap3A_180, %swap3A_181], %broadcast_in_dim3A_15 {strides = array<i32>} : memref<64x128xf32, #tpu.memory_space<vmem>>, vector<16xf32>,
      %swap3A_183 = arith.index_cast %scan3A_166 : i32 to index
      %swap3A_184 = arith.constant 80 : index
      %swap3A_185 = tpu.vector_load %arg9[%swap3A_183, %swap3A_184] {strides = array<i32>} : memref<64x128xf32, #tpu.memory_space<vmem>>, vector<16xf32>,
      tpu.vector_store %arg9[%swap3A_183, %swap3A_184], %broadcast_in_dim3A_15 {strides = array<i32>} : memref<64x128xf32, #tpu.memory_space<vmem>>, vector<16xf32>,
      %swap3A_186 = arith.index_cast %scan3A_166 : i32 to index
      %swap3A_187 = arith.constant 96 : index
      %swap3A_188 = tpu.vector_load %arg9[%swap3A_186, %swap3A_187] {strides = array<i32>} : memref<64x128xf32, #tpu.memory_space<vmem>>, vector<16xf32>,
      tpu.vector_store %arg9[%swap3A_186, %swap3A_187], %broadcast_in_dim3A_15 {strides = array<i32>} : memref<64x128xf32, #tpu.memory_space<vmem>>, vector<16xf32>,
      %swap3A_189 = arith.index_cast %scan3A_166 : i32 to index
      %swap3A_190 = arith.constant 112 : index
      %swap3A_191 = tpu.vector_load %arg9[%swap3A_189, %swap3A_190] {strides = array<i32>} : memref<64x128xf32, #tpu.memory_space<vmem>>, vector<16xf32>,
      tpu.vector_store %arg9[%swap3A_189, %swap3A_190], %broadcast_in_dim3A_15 {strides = array<i32>} : memref<64x128xf32, #tpu.memory_space<vmem>>, vector<16xf32>,
      %scan3A_192 = arith.constant 0 : i32
      scf.yield %scan3A_192 : i32
    }
    %scan3A_40 = arith.constant 64 : i32
    %multiple_of3A_41 = tpu.assume_multiple %mul3A_23, 64 : i32
    "tpu.region"() ({
      %run_scoped3A = tpu.sem_alloc : memref<!tpu.dma_semaphore, #tpu.memory_space<semaphore_mem>>
      %dma_start3A_166 = arith.constant 0 : i32
      %dma_start3A_167 = tpu.memref_slice %arg11[%multiple_of3A_41, %dma_start3A_166] : memref<2048x128xf32, #tpu.memory_space<vmem_shared>> -> memref<64x128xf32, #tpu.memory_space<vmem_shared>>
      %dma_start3A_168 = arith.constant 0 : i32
      %dma_start3A_169 = tpu.memref_slice %arg11[%multiple_of3A_41, %dma_start3A_168] : memref<2048x128xf32, #tpu.memory_space<vmem_shared>> -> memref<64x128xf32, #tpu.memory_space<vmem_shared>>
      tpu.enqueue_dma source(%arg9 : memref<64x128xf32, #tpu.memory_space<vmem>>) target(%dma_start3A_169 : memref<64x128xf32, #tpu.memory_space<vmem_shared>>) target_semaphore(%run_scoped3A : memref<!tpu.dma_semaphore, #tpu.memory_space<semaphore_mem>>)
      %dma_wait3A_170 = arith.constant 0 : i32
      %dma_wait3A_171 = tpu.memref_slice %arg11[%multiple_of3A_41, %dma_wait3A_170] : memref<2048x128xf32, #tpu.memory_space<vmem_shared>> -> memref<64x128xf32, #tpu.memory_space<vmem_shared>>
      %dma_wait3A_172 = arith.constant 0 : i32
      %dma_wait3A_173 = tpu.memref_slice %arg11[%multiple_of3A_41, %dma_wait3A_172] : memref<2048x128xf32, #tpu.memory_space<vmem_shared>> -> memref<64x128xf32, #tpu.memory_space<vmem_shared>>
      tpu.wait_dma2 semaphore(%run_scoped3A : memref<!tpu.dma_semaphore, #tpu.memory_space<semaphore_mem>>) src(%arg9 : memref<64x128xf32, #tpu.memory_space<vmem>>) dst(%dma_wait3A_173 : memref<64x128xf32, #tpu.memory_space<vmem_shared>>)
      tpu.yield
    }) : () -> ()
    %add3A_42 = arith.constant 64 : i32
    %add3A_43 = arith.addi %multiple_of3A_41, %add3A_42 : i32
    "tpu.region"() ({
      %run_scoped3A = tpu.sem_alloc : memref<!tpu.dma_semaphore, #tpu.memory_space<semaphore_mem>>
      %dma_start3A_166 = arith.constant 0 : i32
      %dma_start3A_167 = tpu.memref_slice %arg11[%add3A_43, %dma_start3A_166] : memref<2048x128xf32, #tpu.memory_space<vmem_shared>> -> memref<64x128xf32, #tpu.memory_space<vmem_shared>>
      %dma_start3A_168 = arith.constant 0 : i32
      %dma_start3A_169 = tpu.memref_slice %arg11[%add3A_43, %dma_start3A_168] : memref<2048x128xf32, #tpu.memory_space<vmem_shared>> -> memref<64x128xf32, #tpu.memory_space<vmem_shared>>
      tpu.enqueue_dma source(%arg9 : memref<64x128xf32, #tpu.memory_space<vmem>>) target(%dma_start3A_169 : memref<64x128xf32, #tpu.memory_space<vmem_shared>>) target_semaphore(%run_scoped3A : memref<!tpu.dma_semaphore, #tpu.memory_space<semaphore_mem>>)
      %dma_wait3A_170 = arith.constant 0 : i32
      %dma_wait3A_171 = tpu.memref_slice %arg11[%add3A_43, %dma_wait3A_170] : memref<2048x128xf32, #tpu.memory_space<vmem_shared>> -> memref<64x128xf32, #tpu.memory_space<vmem_shared>>
      %dma_wait3A_172 = arith.constant 0 : i32
      %dma_wait3A_173 = tpu.memref_slice %arg11[%add3A_43, %dma_wait3A_172] : memref<2048x128xf32, #tpu.memory_space<vmem_shared>> -> memref<64x128xf32, #tpu.memory_space<vmem_shared>>
      tpu.wait_dma2 semaphore(%run_scoped3A : memref<!tpu.dma_semaphore, #tpu.memory_space<semaphore_mem>>) src(%arg9 : memref<64x128xf32, #tpu.memory_space<vmem>>) dst(%dma_wait3A_173 : memref<64x128xf32, #tpu.memory_space<vmem_shared>>)
      tpu.yield
    }) : () -> ()
    %lt3A = arith.constant 1 : i32
    %lt3A_44 = vector.broadcast %lt3A : i32 to vector<16xi32>
    %lt3A_45 = arith.cmpi slt, %iota3A, %lt3A_44 : vector<16xi32>
    %scan3A_46 = arith.constant 0 : i32
    %scan3A_47 = arith.constant 0 : i32
    %scan3A_48 = arith.constant 32 : i32
    %scan3A_49 = arith.addi %scan3A_47, %scan3A_48 : i32
    %scan3A_50 = arith.constant 1 : i32
    %scan3A_51 = scf.for %scan3A_166 = %scan3A_47 to %scan3A_49 step %scan3A_50 iter_args(%scan3A_167 = %scan3A_46) -> (i32)  : i32 {
      %get3A_168 = arith.index_cast %scan3A_166 : i32 to index
      %get3A_169 = arith.constant 0 : index
      %get3A_170 = tpu.vector_load %arg5[%get3A_168, %get3A_169] {strides = array<i32>} : memref<32x288xi32, #tpu.memory_space<vmem>>, vector<16xi32>,
      %shift_right_arithmetic3A_171 = arith.constant 11 : i32
      %shift_right_arithmetic3A_172 = vector.broadcast %shift_right_arithmetic3A_171 : i32 to vector<16xi32>
      %shift_right_arithmetic3A_173 = arith.shrsi %get3A_170, %shift_right_arithmetic3A_172 : vector<16xi32>
      %mul3A_174 = arith.constant 16 : i32
      %mul3A_175 = vector.broadcast %mul3A_174 : i32 to vector<16xi32>
      %mul3A_176 = arith.muli %shift_right_arithmetic3A_173, %mul3A_175 : vector<16xi32>
      %add3A_177 = arith.addi %mul3A_176, %iota3A : vector<16xi32>
      %gather3A = tpu.vector_load_idx %arg8[%add3A_177] : memref<896xi32, #tpu.memory_space<vmem>>[vector<16xi32>], vector<16xi32>,
      %add3A_178 = arith.constant 1 : i32
      %add3A_179 = vector.broadcast %add3A_178 : i32 to vector<16xi32>
      %add3A_180 = arith.addi %gather3A, %add3A_179 : vector<16xi32>
      tpu.vector_store_idx %arg8[%add3A_177], %add3A_180 : memref<896xi32, #tpu.memory_space<vmem>>[vector<16xi32>], vector<16xi32>,
      %get3A_181 = arith.index_cast %scan3A_166 : i32 to index
      %get3A_182 = arith.constant 16 : index
      %get3A_183 = tpu.vector_load %arg5[%get3A_181, %get3A_182] {strides = array<i32>} : memref<32x288xi32, #tpu.memory_space<vmem>>, vector<16xi32>,
      %shift_right_arithmetic3A_184 = arith.constant 11 : i32
      %shift_right_arithmetic3A_185 = vector.broadcast %shift_right_arithmetic3A_184 : i32 to vector<16xi32>
      %shift_right_arithmetic3A_186 = arith.shrsi %get3A_183, %shift_right_arithmetic3A_185 : vector<16xi32>
      %mul3A_187 = arith.constant 16 : i32
      %mul3A_188 = vector.broadcast %mul3A_187 : i32 to vector<16xi32>
      %mul3A_189 = arith.muli %shift_right_arithmetic3A_186, %mul3A_188 : vector<16xi32>
      %add3A_190 = arith.addi %mul3A_189, %iota3A : vector<16xi32>
      %gather3A_191 = tpu.vector_load_idx %arg8[%add3A_190] : memref<896xi32, #tpu.memory_space<vmem>>[vector<16xi32>], vector<16xi32>,
      %add3A_192 = arith.constant 1 : i32
      %add3A_193 = vector.broadcast %add3A_192 : i32 to vector<16xi32>
      %add3A_194 = arith.addi %gather3A_191, %add3A_193 : vector<16xi32>
      tpu.vector_store_idx %arg8[%add3A_190], %add3A_194 : memref<896xi32, #tpu.memory_space<vmem>>[vector<16xi32>], vector<16xi32>,
      %get3A_195 = arith.index_cast %scan3A_166 : i32 to index
      %get3A_196 = arith.constant 32 : index
      %get3A_197 = tpu.vector_load %arg5[%get3A_195, %get3A_196] {strides = array<i32>} : memref<32x288xi32, #tpu.memory_space<vmem>>, vector<16xi32>,
      %shift_right_arithmetic3A_198 = arith.constant 11 : i32
      %shift_right_arithmetic3A_199 = vector.broadcast %shift_right_arithmetic3A_198 : i32 to vector<16xi32>
      %shift_right_arithmetic3A_200 = arith.shrsi %get3A_197, %shift_right_arithmetic3A_199 : vector<16xi32>
      %mul3A_201 = arith.constant 16 : i32
      %mul3A_202 = vector.broadcast %mul3A_201 : i32 to vector<16xi32>
      %mul3A_203 = arith.muli %shift_right_arithmetic3A_200, %mul3A_202 : vector<16xi32>
      %add3A_204 = arith.addi %mul3A_203, %iota3A : vector<16xi32>
      %gather3A_205 = tpu.vector_load_idx %arg8[%add3A_204] : memref<896xi32, #tpu.memory_space<vmem>>[vector<16xi32>], vector<16xi32>,
      %add3A_206 = arith.constant 1 : i32
      %add3A_207 = vector.broadcast %add3A_206 : i32 to vector<16xi32>
      %add3A_208 = arith.addi %gather3A_205, %add3A_207 : vector<16xi32>
      tpu.vector_store_idx %arg8[%add3A_204], %add3A_208 : memref<896xi32, #tpu.memory_space<vmem>>[vector<16xi32>], vector<16xi32>,
      %get3A_209 = arith.index_cast %scan3A_166 : i32 to index
      %get3A_210 = arith.constant 48 : index
      %get3A_211 = tpu.vector_load %arg5[%get3A_209, %get3A_210] {strides = array<i32>} : memref<32x288xi32, #tpu.memory_space<vmem>>, vector<16xi32>,
      %shift_right_arithmetic3A_212 = arith.constant 11 : i32
      %shift_right_arithmetic3A_213 = vector.broadcast %shift_right_arithmetic3A_212 : i32 to vector<16xi32>
      %shift_right_arithmetic3A_214 = arith.shrsi %get3A_211, %shift_right_arithmetic3A_213 : vector<16xi32>
      %mul3A_215 = arith.constant 16 : i32
      %mul3A_216 = vector.broadcast %mul3A_215 : i32 to vector<16xi32>
      %mul3A_217 = arith.muli %shift_right_arithmetic3A_214, %mul3A_216 : vector<16xi32>
      %add3A_218 = arith.addi %mul3A_217, %iota3A : vector<16xi32>
      %gather3A_219 = tpu.vector_load_idx %arg8[%add3A_218] : memref<896xi32, #tpu.memory_space<vmem>>[vector<16xi32>], vector<16xi32>,
      %add3A_220 = arith.constant 1 : i32
      %add3A_221 = vector.broadcast %add3A_220 : i32 to vector<16xi32>
      %add3A_222 = arith.addi %gather3A_219, %add3A_221 : vector<16xi32>
      tpu.vector_store_idx %arg8[%add3A_218], %add3A_222 : memref<896xi32, #tpu.memory_space<vmem>>[vector<16xi32>], vector<16xi32>,
      %get3A_223 = arith.index_cast %scan3A_166 : i32 to index
      %get3A_224 = arith.constant 64 : index
      %get3A_225 = tpu.vector_load %arg5[%get3A_223, %get3A_224] {strides = array<i32>} : memref<32x288xi32, #tpu.memory_space<vmem>>, vector<16xi32>,
      %shift_right_arithmetic3A_226 = arith.constant 11 : i32
      %shift_right_arithmetic3A_227 = vector.broadcast %shift_right_arithmetic3A_226 : i32 to vector<16xi32>
      %shift_right_arithmetic3A_228 = arith.shrsi %get3A_225, %shift_right_arithmetic3A_227 : vector<16xi32>
      %mul3A_229 = arith.constant 16 : i32
      %mul3A_230 = vector.broadcast %mul3A_229 : i32 to vector<16xi32>
      %mul3A_231 = arith.muli %shift_right_arithmetic3A_228, %mul3A_230 : vector<16xi32>
      %add3A_232 = arith.addi %mul3A_231, %iota3A : vector<16xi32>
      %gather3A_233 = tpu.vector_load_idx %arg8[%add3A_232] : memref<896xi32, #tpu.memory_space<vmem>>[vector<16xi32>], vector<16xi32>,
      %add3A_234 = arith.constant 1 : i32
      %add3A_235 = vector.broadcast %add3A_234 : i32 to vector<16xi32>
      %add3A_236 = arith.addi %gather3A_233, %add3A_235 : vector<16xi32>
      tpu.vector_store_idx %arg8[%add3A_232], %add3A_236 : memref<896xi32, #tpu.memory_space<vmem>>[vector<16xi32>], vector<16xi32>,
      %get3A_237 = arith.index_cast %scan3A_166 : i32 to index
      %get3A_238 = arith.constant 80 : index
      %get3A_239 = tpu.vector_load %arg5[%get3A_237, %get3A_238] {strides = array<i32>} : memref<32x288xi32, #tpu.memory_space<vmem>>, vector<16xi32>,
      %shift_right_arithmetic3A_240 = arith.constant 11 : i32
      %shift_right_arithmetic3A_241 = vector.broadcast %shift_right_arithmetic3A_240 : i32 to vector<16xi32>
      %shift_right_arithmetic3A_242 = arith.shrsi %get3A_239, %shift_right_arithmetic3A_241 : vector<16xi32>
      %mul3A_243 = arith.constant 16 : i32
      %mul3A_244 = vector.broadcast %mul3A_243 : i32 to vector<16xi32>
      %mul3A_245 = arith.muli %shift_right_arithmetic3A_242, %mul3A_244 : vector<16xi32>
      %add3A_246 = arith.addi %mul3A_245, %iota3A : vector<16xi32>
      %gather3A_247 = tpu.vector_load_idx %arg8[%add3A_246] : memref<896xi32, #tpu.memory_space<vmem>>[vector<16xi32>], vector<16xi32>,
      %add3A_248 = arith.constant 1 : i32
      %add3A_249 = vector.broadcast %add3A_248 : i32 to vector<16xi32>
      %add3A_250 = arith.addi %gather3A_247, %add3A_249 : vector<16xi32>
      tpu.vector_store_idx %arg8[%add3A_246], %add3A_250 : memref<896xi32, #tpu.memory_space<vmem>>[vector<16xi32>], vector<16xi32>,
      %get3A_251 = arith.index_cast %scan3A_166 : i32 to index
      %get3A_252 = arith.constant 96 : index
      %get3A_253 = tpu.vector_load %arg5[%get3A_251, %get3A_252] {strides = array<i32>} : memref<32x288xi32, #tpu.memory_space<vmem>>, vector<16xi32>,
      %shift_right_arithmetic3A_254 = arith.constant 11 : i32
      %shift_right_arithmetic3A_255 = vector.broadcast %shift_right_arithmetic3A_254 : i32 to vector<16xi32>
      %shift_right_arithmetic3A_256 = arith.shrsi %get3A_253, %shift_right_arithmetic3A_255 : vector<16xi32>
      %mul3A_257 = arith.constant 16 : i32
      %mul3A_258 = vector.broadcast %mul3A_257 : i32 to vector<16xi32>
      %mul3A_259 = arith.muli %shift_right_arithmetic3A_256, %mul3A_258 : vector<16xi32>
      %add3A_260 = arith.addi %mul3A_259, %iota3A : vector<16xi32>
      %gather3A_261 = tpu.vector_load_idx %arg8[%add3A_260] : memref<896xi32, #tpu.memory_space<vmem>>[vector<16xi32>], vector<16xi32>,
      %add3A_262 = arith.constant 1 : i32
      %add3A_263 = vector.broadcast %add3A_262 : i32 to vector<16xi32>
      %add3A_264 = arith.addi %gather3A_261, %add3A_263 : vector<16xi32>
      tpu.vector_store_idx %arg8[%add3A_260], %add3A_264 : memref<896xi32, #tpu.memory_space<vmem>>[vector<16xi32>], vector<16xi32>,
      %get3A_265 = arith.index_cast %scan3A_166 : i32 to index
      %get3A_266 = arith.constant 112 : index
      %get3A_267 = tpu.vector_load %arg5[%get3A_265, %get3A_266] {strides = array<i32>} : memref<32x288xi32, #tpu.memory_space<vmem>>, vector<16xi32>,
      %shift_right_arithmetic3A_268 = arith.constant 11 : i32
      %shift_right_arithmetic3A_269 = vector.broadcast %shift_right_arithmetic3A_268 : i32 to vector<16xi32>
      %shift_right_arithmetic3A_270 = arith.shrsi %get3A_267, %shift_right_arithmetic3A_269 : vector<16xi32>
      %mul3A_271 = arith.constant 16 : i32
      %mul3A_272 = vector.broadcast %mul3A_271 : i32 to vector<16xi32>
      %mul3A_273 = arith.muli %shift_right_arithmetic3A_270, %mul3A_272 : vector<16xi32>
      %add3A_274 = arith.addi %mul3A_273, %iota3A : vector<16xi32>
      %gather3A_275 = tpu.vector_load_idx %arg8[%add3A_274] : memref<896xi32, #tpu.memory_space<vmem>>[vector<16xi32>], vector<16xi32>,
      %add3A_276 = arith.constant 1 : i32
      %add3A_277 = vector.broadcast %add3A_276 : i32 to vector<16xi32>
      %add3A_278 = arith.addi %gather3A_275, %add3A_277 : vector<16xi32>
      tpu.vector_store_idx %arg8[%add3A_274], %add3A_278 : memref<896xi32, #tpu.memory_space<vmem>>[vector<16xi32>], vector<16xi32>,
      %get3A_279 = arith.index_cast %scan3A_166 : i32 to index
      %get3A_280 = arith.constant 128 : index
      %get3A_281 = tpu.vector_load %arg5[%get3A_279, %get3A_280] {strides = array<i32>} : memref<32x288xi32, #tpu.memory_space<vmem>>, vector<16xi32>,
      %shift_right_arithmetic3A_282 = arith.constant 11 : i32
      %shift_right_arithmetic3A_283 = vector.broadcast %shift_right_arithmetic3A_282 : i32 to vector<16xi32>
      %shift_right_arithmetic3A_284 = arith.shrsi %get3A_281, %shift_right_arithmetic3A_283 : vector<16xi32>
      %mul3A_285 = arith.constant 16 : i32
      %mul3A_286 = vector.broadcast %mul3A_285 : i32 to vector<16xi32>
      %mul3A_287 = arith.muli %shift_right_arithmetic3A_284, %mul3A_286 : vector<16xi32>
      %add3A_288 = arith.addi %mul3A_287, %iota3A : vector<16xi32>
      %gather3A_289 = tpu.vector_load_idx %arg8[%add3A_288] : memref<896xi32, #tpu.memory_space<vmem>>[vector<16xi32>], vector<16xi32>,
      %add3A_290 = arith.constant 1 : i32
      %add3A_291 = vector.broadcast %add3A_290 : i32 to vector<16xi32>
      %add3A_292 = arith.addi %gather3A_289, %add3A_291 : vector<16xi32>
      tpu.vector_store_idx %arg8[%add3A_288], %add3A_292 : memref<896xi32, #tpu.memory_space<vmem>>[vector<16xi32>], vector<16xi32>,
      %get3A_293 = arith.index_cast %scan3A_166 : i32 to index
      %get3A_294 = arith.constant 144 : index
      %get3A_295 = tpu.vector_load %arg5[%get3A_293, %get3A_294] {strides = array<i32>} : memref<32x288xi32, #tpu.memory_space<vmem>>, vector<16xi32>,
      %shift_right_arithmetic3A_296 = arith.constant 11 : i32
      %shift_right_arithmetic3A_297 = vector.broadcast %shift_right_arithmetic3A_296 : i32 to vector<16xi32>
      %shift_right_arithmetic3A_298 = arith.shrsi %get3A_295, %shift_right_arithmetic3A_297 : vector<16xi32>
      %mul3A_299 = arith.constant 16 : i32
      %mul3A_300 = vector.broadcast %mul3A_299 : i32 to vector<16xi32>
      %mul3A_301 = arith.muli %shift_right_arithmetic3A_298, %mul3A_300 : vector<16xi32>
      %add3A_302 = arith.addi %mul3A_301, %iota3A : vector<16xi32>
      %gather3A_303 = tpu.vector_load_idx %arg8[%add3A_302] : memref<896xi32, #tpu.memory_space<vmem>>[vector<16xi32>], vector<16xi32>,
      %add3A_304 = arith.constant 1 : i32
      %add3A_305 = vector.broadcast %add3A_304 : i32 to vector<16xi32>
      %add3A_306 = arith.addi %gather3A_303, %add3A_305 : vector<16xi32>
      tpu.vector_store_idx %arg8[%add3A_302], %add3A_306 : memref<896xi32, #tpu.memory_space<vmem>>[vector<16xi32>], vector<16xi32>,
      %get3A_307 = arith.index_cast %scan3A_166 : i32 to index
      %get3A_308 = arith.constant 160 : index
      %get3A_309 = tpu.vector_load %arg5[%get3A_307, %get3A_308] {strides = array<i32>} : memref<32x288xi32, #tpu.memory_space<vmem>>, vector<16xi32>,
      %shift_right_arithmetic3A_310 = arith.constant 11 : i32
      %shift_right_arithmetic3A_311 = vector.broadcast %shift_right_arithmetic3A_310 : i32 to vector<16xi32>
      %shift_right_arithmetic3A_312 = arith.shrsi %get3A_309, %shift_right_arithmetic3A_311 : vector<16xi32>
      %mul3A_313 = arith.constant 16 : i32
      %mul3A_314 = vector.broadcast %mul3A_313 : i32 to vector<16xi32>
      %mul3A_315 = arith.muli %shift_right_arithmetic3A_312, %mul3A_314 : vector<16xi32>
      %add3A_316 = arith.addi %mul3A_315, %iota3A : vector<16xi32>
      %gather3A_317 = tpu.vector_load_idx %arg8[%add3A_316] : memref<896xi32, #tpu.memory_space<vmem>>[vector<16xi32>], vector<16xi32>,
      %add3A_318 = arith.constant 1 : i32
      %add3A_319 = vector.broadcast %add3A_318 : i32 to vector<16xi32>
      %add3A_320 = arith.addi %gather3A_317, %add3A_319 : vector<16xi32>
      tpu.vector_store_idx %arg8[%add3A_316], %add3A_320 : memref<896xi32, #tpu.memory_space<vmem>>[vector<16xi32>], vector<16xi32>,
      %get3A_321 = arith.index_cast %scan3A_166 : i32 to index
      %get3A_322 = arith.constant 176 : index
      %get3A_323 = tpu.vector_load %arg5[%get3A_321, %get3A_322] {strides = array<i32>} : memref<32x288xi32, #tpu.memory_space<vmem>>, vector<16xi32>,
      %shift_right_arithmetic3A_324 = arith.constant 11 : i32
      %shift_right_arithmetic3A_325 = vector.broadcast %shift_right_arithmetic3A_324 : i32 to vector<16xi32>
      %shift_right_arithmetic3A_326 = arith.shrsi %get3A_323, %shift_right_arithmetic3A_325 : vector<16xi32>
      %mul3A_327 = arith.constant 16 : i32
      %mul3A_328 = vector.broadcast %mul3A_327 : i32 to vector<16xi32>
      %mul3A_329 = arith.muli %shift_right_arithmetic3A_326, %mul3A_328 : vector<16xi32>
      %add3A_330 = arith.addi %mul3A_329, %iota3A : vector<16xi32>
      %gather3A_331 = tpu.vector_load_idx %arg8[%add3A_330] : memref<896xi32, #tpu.memory_space<vmem>>[vector<16xi32>], vector<16xi32>,
      %add3A_332 = arith.constant 1 : i32
      %add3A_333 = vector.broadcast %add3A_332 : i32 to vector<16xi32>
      %add3A_334 = arith.addi %gather3A_331, %add3A_333 : vector<16xi32>
      tpu.vector_store_idx %arg8[%add3A_330], %add3A_334 : memref<896xi32, #tpu.memory_space<vmem>>[vector<16xi32>], vector<16xi32>,
      %get3A_335 = arith.index_cast %scan3A_166 : i32 to index
      %get3A_336 = arith.constant 192 : index
      %get3A_337 = tpu.vector_load %arg5[%get3A_335, %get3A_336] {strides = array<i32>} : memref<32x288xi32, #tpu.memory_space<vmem>>, vector<16xi32>,
      %shift_right_arithmetic3A_338 = arith.constant 11 : i32
      %shift_right_arithmetic3A_339 = vector.broadcast %shift_right_arithmetic3A_338 : i32 to vector<16xi32>
      %shift_right_arithmetic3A_340 = arith.shrsi %get3A_337, %shift_right_arithmetic3A_339 : vector<16xi32>
      %mul3A_341 = arith.constant 16 : i32
      %mul3A_342 = vector.broadcast %mul3A_341 : i32 to vector<16xi32>
      %mul3A_343 = arith.muli %shift_right_arithmetic3A_340, %mul3A_342 : vector<16xi32>
      %add3A_344 = arith.addi %mul3A_343, %iota3A : vector<16xi32>
      %gather3A_345 = tpu.vector_load_idx %arg8[%add3A_344] : memref<896xi32, #tpu.memory_space<vmem>>[vector<16xi32>], vector<16xi32>,
      %add3A_346 = arith.constant 1 : i32
      %add3A_347 = vector.broadcast %add3A_346 : i32 to vector<16xi32>
      %add3A_348 = arith.addi %gather3A_345, %add3A_347 : vector<16xi32>
      tpu.vector_store_idx %arg8[%add3A_344], %add3A_348 : memref<896xi32, #tpu.memory_space<vmem>>[vector<16xi32>], vector<16xi32>,
      %get3A_349 = arith.index_cast %scan3A_166 : i32 to index
      %get3A_350 = arith.constant 208 : index
      %get3A_351 = tpu.vector_load %arg5[%get3A_349, %get3A_350] {strides = array<i32>} : memref<32x288xi32, #tpu.memory_space<vmem>>, vector<16xi32>,
      %shift_right_arithmetic3A_352 = arith.constant 11 : i32
      %shift_right_arithmetic3A_353 = vector.broadcast %shift_right_arithmetic3A_352 : i32 to vector<16xi32>
      %shift_right_arithmetic3A_354 = arith.shrsi %get3A_351, %shift_right_arithmetic3A_353 : vector<16xi32>
      %mul3A_355 = arith.constant 16 : i32
      %mul3A_356 = vector.broadcast %mul3A_355 : i32 to vector<16xi32>
      %mul3A_357 = arith.muli %shift_right_arithmetic3A_354, %mul3A_356 : vector<16xi32>
      %add3A_358 = arith.addi %mul3A_357, %iota3A : vector<16xi32>
      %gather3A_359 = tpu.vector_load_idx %arg8[%add3A_358] : memref<896xi32, #tpu.memory_space<vmem>>[vector<16xi32>], vector<16xi32>,
      %add3A_360 = arith.constant 1 : i32
      %add3A_361 = vector.broadcast %add3A_360 : i32 to vector<16xi32>
      %add3A_362 = arith.addi %gather3A_359, %add3A_361 : vector<16xi32>
      tpu.vector_store_idx %arg8[%add3A_358], %add3A_362 : memref<896xi32, #tpu.memory_space<vmem>>[vector<16xi32>], vector<16xi32>,
      %get3A_363 = arith.index_cast %scan3A_166 : i32 to index
      %get3A_364 = arith.constant 224 : index
      %get3A_365 = tpu.vector_load %arg5[%get3A_363, %get3A_364] {strides = array<i32>} : memref<32x288xi32, #tpu.memory_space<vmem>>, vector<16xi32>,
      %shift_right_arithmetic3A_366 = arith.constant 11 : i32
      %shift_right_arithmetic3A_367 = vector.broadcast %shift_right_arithmetic3A_366 : i32 to vector<16xi32>
      %shift_right_arithmetic3A_368 = arith.shrsi %get3A_365, %shift_right_arithmetic3A_367 : vector<16xi32>
      %mul3A_369 = arith.constant 16 : i32
      %mul3A_370 = vector.broadcast %mul3A_369 : i32 to vector<16xi32>
      %mul3A_371 = arith.muli %shift_right_arithmetic3A_368, %mul3A_370 : vector<16xi32>
      %add3A_372 = arith.addi %mul3A_371, %iota3A : vector<16xi32>
      %gather3A_373 = tpu.vector_load_idx %arg8[%add3A_372] : memref<896xi32, #tpu.memory_space<vmem>>[vector<16xi32>], vector<16xi32>,
      %add3A_374 = arith.constant 1 : i32
      %add3A_375 = vector.broadcast %add3A_374 : i32 to vector<16xi32>
      %add3A_376 = arith.addi %gather3A_373, %add3A_375 : vector<16xi32>
      tpu.vector_store_idx %arg8[%add3A_372], %add3A_376 : memref<896xi32, #tpu.memory_space<vmem>>[vector<16xi32>], vector<16xi32>,
      %get3A_377 = arith.index_cast %scan3A_166 : i32 to index
      %get3A_378 = arith.constant 240 : index
      %get3A_379 = tpu.vector_load %arg5[%get3A_377, %get3A_378] {strides = array<i32>} : memref<32x288xi32, #tpu.memory_space<vmem>>, vector<16xi32>,
      %shift_right_arithmetic3A_380 = arith.constant 11 : i32
      %shift_right_arithmetic3A_381 = vector.broadcast %shift_right_arithmetic3A_380 : i32 to vector<16xi32>
      %shift_right_arithmetic3A_382 = arith.shrsi %get3A_379, %shift_right_arithmetic3A_381 : vector<16xi32>
      %mul3A_383 = arith.constant 16 : i32
      %mul3A_384 = vector.broadcast %mul3A_383 : i32 to vector<16xi32>
      %mul3A_385 = arith.muli %shift_right_arithmetic3A_382, %mul3A_384 : vector<16xi32>
      %add3A_386 = arith.addi %mul3A_385, %iota3A : vector<16xi32>
      %gather3A_387 = tpu.vector_load_idx %arg8[%add3A_386] : memref<896xi32, #tpu.memory_space<vmem>>[vector<16xi32>], vector<16xi32>,
      %add3A_388 = arith.constant 1 : i32
      %add3A_389 = vector.broadcast %add3A_388 : i32 to vector<16xi32>
      %add3A_390 = arith.addi %gather3A_387, %add3A_389 : vector<16xi32>
      tpu.vector_store_idx %arg8[%add3A_386], %add3A_390 : memref<896xi32, #tpu.memory_space<vmem>>[vector<16xi32>], vector<16xi32>,
      %get3A_391 = arith.index_cast %scan3A_166 : i32 to index
      %get3A_392 = arith.constant 256 : index
      %get3A_393 = tpu.vector_load %arg5[%get3A_391, %get3A_392] {strides = array<i32>} : memref<32x288xi32, #tpu.memory_space<vmem>>, vector<16xi32>,
      %shift_right_arithmetic3A_394 = arith.constant 11 : i32
      %shift_right_arithmetic3A_395 = vector.broadcast %shift_right_arithmetic3A_394 : i32 to vector<16xi32>
      %shift_right_arithmetic3A_396 = arith.shrsi %get3A_393, %shift_right_arithmetic3A_395 : vector<16xi32>
      %mul3A_397 = arith.constant 16 : i32
      %mul3A_398 = vector.broadcast %mul3A_397 : i32 to vector<16xi32>
      %mul3A_399 = arith.muli %shift_right_arithmetic3A_396, %mul3A_398 : vector<16xi32>
      %add3A_400 = arith.addi %mul3A_399, %iota3A : vector<16xi32>
      %gather3A_401 = tpu.vector_load_idx %arg8[%add3A_400] : memref<896xi32, #tpu.memory_space<vmem>>[vector<16xi32>], vector<16xi32>,
      %add3A_402 = arith.constant 1 : i32
      %add3A_403 = vector.broadcast %add3A_402 : i32 to vector<16xi32>
      %add3A_404 = arith.addi %gather3A_401, %add3A_403 : vector<16xi32>
      tpu.vector_store_idx %arg8[%add3A_400], %add3A_404 : memref<896xi32, #tpu.memory_space<vmem>>[vector<16xi32>], vector<16xi32>,
      %get3A_405 = arith.index_cast %scan3A_166 : i32 to index
      %get3A_406 = arith.constant 272 : index
      %get3A_407 = tpu.vector_load %arg5[%get3A_405, %get3A_406] {strides = array<i32>} : memref<32x288xi32, #tpu.memory_space<vmem>>, vector<16xi32>,
      %shift_right_arithmetic3A_408 = arith.constant 11 : i32
      %shift_right_arithmetic3A_409 = vector.broadcast %shift_right_arithmetic3A_408 : i32 to vector<16xi32>
      %shift_right_arithmetic3A_410 = arith.shrsi %get3A_407, %shift_right_arithmetic3A_409 : vector<16xi32>
      %mul3A_411 = arith.constant 16 : i32
      %mul3A_412 = vector.broadcast %mul3A_411 : i32 to vector<16xi32>
      %mul3A_413 = arith.muli %shift_right_arithmetic3A_410, %mul3A_412 : vector<16xi32>
      %add3A_414 = arith.addi %mul3A_413, %iota3A : vector<16xi32>
      %gather3A_415 = tpu.vector_load_idx %arg8[%add3A_414] : memref<896xi32, #tpu.memory_space<vmem>>[vector<16xi32>], vector<16xi32>,
      %add3A_416 = arith.constant 1 : i32
      %add3A_417 = vector.broadcast %add3A_416 : i32 to vector<16xi32>
      %add3A_418 = arith.addi %gather3A_415, %add3A_417 : vector<16xi32>
      tpu.vector_store_idx %arg8[%add3A_414], %add3A_418 masked %lt3A_45 : memref<896xi32, #tpu.memory_space<vmem>>[vector<16xi32>], vector<16xi32>, vector<16xi1>
      %scan3A_419 = arith.constant 0 : i32
      scf.yield %scan3A_419 : i32
    }
    %scan3A_52 = arith.constant 32 : i32
    %scan3A_53 = arith.constant 0 : i32
    %scan3A_54 = arith.constant 0 : i32
    %scan3A_55 = arith.constant 49 : i32
    %scan3A_56 = arith.addi %scan3A_54, %scan3A_55 : i32
    %scan3A_57 = arith.constant 1 : i32
    %scan3A_58 = scf.for %scan3A_166 = %scan3A_54 to %scan3A_56 step %scan3A_57 iter_args(%scan3A_167 = %scan3A_53) -> (i32)  : i32 {
      %mul3A_168 = arith.constant 16 : i32
      %mul3A_169 = arith.muli %scan3A_166, %mul3A_168 : i32
      %get3A_170 = arith.index_cast %mul3A_169 : i32 to index
      %get3A_171 = tpu.vector_load %arg8[%get3A_170] {strides = array<i32>} : memref<896xi32, #tpu.memory_space<vmem>>, vector<16xi32>,
      %reduce_sum3A = arith.constant true
      %reduce_sum3A_172 = vector.broadcast %reduce_sum3A : i1 to vector<16xi1>
      %reduce_sum3A_173 = tpu.scan <sum>, %get3A_171 masked %reduce_sum3A_172 : vector<16xi32>, vector<16xi1> -> vector<16xi32>
      %reduce_sum3A_174 = vector.extract %reduce_sum3A_173[15] : i32 from vector<16xi32>
      %broadcast_in_dim3A_175 = arith.constant true
      %broadcast_in_dim3A_176 = vector.broadcast %broadcast_in_dim3A_175 : i1 to vector<16xi1>
      %masked_cumsum3A = tpu.scan <sum>, %get3A_171 masked %broadcast_in_dim3A_176 : vector<16xi32>, vector<16xi1> -> vector<16xi32>
      %sub3A_177 = arith.subi %masked_cumsum3A, %get3A_171 : vector<16xi32>
      %add3A_178 = vector.broadcast %scan3A_167 : i32 to vector<16xi32>
      %add3A_179 = arith.addi %add3A_178, %sub3A_177 : vector<16xi32>
      %mul3A_180 = arith.constant 16 : i32
      %mul3A_181 = arith.muli %scan3A_166, %mul3A_180 : i32
      %swap3A_182 = arith.index_cast %mul3A_181 : i32 to index
      %swap3A_183 = tpu.vector_load %arg8[%swap3A_182] {strides = array<i32>} : memref<896xi32, #tpu.memory_space<vmem>>, vector<16xi32>,
      tpu.vector_store %arg8[%swap3A_182], %add3A_179 {strides = array<i32>} : memref<896xi32, #tpu.memory_space<vmem>>, vector<16xi32>,
      %swap3A_184 = arith.index_cast %scan3A_166 : i32 to index
      %swap3A_185 = memref.load %arg14[%swap3A_184] : memref<56xi32, #tpu.memory_space<smem>>
      memref.store %scan3A_167, %arg14[%swap3A_184] : memref<56xi32, #tpu.memory_space<smem>>
      %add3A_186 = arith.addi %scan3A_167, %reduce_sum3A_174 : i32
      %add3A_187 = arith.constant 7 : i32
      %add3A_188 = arith.addi %add3A_186, %add3A_187 : i32
      %and3A_189 = arith.constant -8 : i32
      %and3A_190 = arith.andi %add3A_188, %and3A_189 : i32
      scf.yield %and3A_190 : i32
    }
    %scan3A_59 = arith.constant 49 : i32
    %swap3A = arith.constant 49 : i32
    %swap3A_60 = arith.index_cast %swap3A : i32 to index
    %swap3A_61 = memref.load %arg14[%swap3A_60] : memref<56xi32, #tpu.memory_space<smem>>
    memref.store %scan3A_58, %arg14[%swap3A_60] : memref<56xi32, #tpu.memory_space<smem>>
    %lt3A_62 = arith.constant 1 : i32
    %lt3A_63 = vector.broadcast %lt3A_62 : i32 to vector<16xi32>
    %lt3A_64 = arith.cmpi slt, %iota3A, %lt3A_63 : vector<16xi32>
    %jit3A = arith.constant 2 : i32
    %jit3A_65 = arith.constant 3 : i32
    %broadcast_in_dim3A_66 = vector.broadcast %jit3A : i32 to vector<16xi32>
    %broadcast_in_dim3A_67 = vector.broadcast %jit3A_65 : i32 to vector<16xi32>
    %select_n3A = arith.select %lt3A_64, %broadcast_in_dim3A_66, %broadcast_in_dim3A_67 : vector<16xi1>, vector<16xi32>
    %scan3A_68 = arith.constant 0 : i32
    %scan3A_69 = arith.constant 0 : i32
    %scan3A_70 = arith.constant 32 : i32
    %scan3A_71 = arith.addi %scan3A_69, %scan3A_70 : i32
    %scan3A_72 = arith.constant 1 : i32
    %scan3A_73 = scf.for %scan3A_166 = %scan3A_69 to %scan3A_71 step %scan3A_72 iter_args(%scan3A_167 = %scan3A_68) -> (i32)  : i32 {
      %get3A_168 = arith.index_cast %scan3A_166 : i32 to index
      %get3A_169 = arith.constant 0 : index
      %get3A_170 = tpu.vector_load %arg5[%get3A_168, %get3A_169] {strides = array<i32>} : memref<32x288xi32, #tpu.memory_space<vmem>>, vector<16xi32>,
      %shift_right_arithmetic3A_171 = arith.constant 11 : i32
      %shift_right_arithmetic3A_172 = vector.broadcast %shift_right_arithmetic3A_171 : i32 to vector<16xi32>
      %shift_right_arithmetic3A_173 = arith.shrsi %get3A_170, %shift_right_arithmetic3A_172 : vector<16xi32>
      %and3A_174 = arith.constant 2047 : i32
      %and3A_175 = vector.broadcast %and3A_174 : i32 to vector<16xi32>
      %and3A_176 = arith.andi %get3A_170, %and3A_175 : vector<16xi32>
      %eq3A_177 = arith.constant 48 : i32
      %eq3A_178 = vector.broadcast %eq3A_177 : i32 to vector<16xi32>
      %eq3A_179 = arith.cmpi eq, %shift_right_arithmetic3A_173, %eq3A_178 : vector<16xi32>
      %jit3A_180 = arith.constant 352 : i32
      %jit3A_181 = arith.constant 0 : i32
      %broadcast_in_dim3A_182 = vector.broadcast %jit3A_180 : i32 to vector<16xi32>
      %broadcast_in_dim3A_183 = vector.broadcast %jit3A_181 : i32 to vector<16xi32>
      %select_n3A_184 = arith.select %eq3A_179, %broadcast_in_dim3A_182, %broadcast_in_dim3A_183 : vector<16xi1>, vector<16xi32>
      %add3A_185 = arith.addi %and3A_176, %select_n3A_184 : vector<16xi32>
      %mul3A_186 = arith.constant 4 : i32
      %mul3A_187 = arith.muli %scan3A_166, %mul3A_186 : i32
      %add3A_188 = arith.addi %mul3A_23, %mul3A_187 : i32
      %add3A_189 = arith.constant 0 : i32
      %add3A_190 = arith.addi %add3A_188, %add3A_189 : i32
      %mul3A_191 = arith.constant 16 : i32
      %mul3A_192 = vector.broadcast %mul3A_191 : i32 to vector<16xi32>
      %mul3A_193 = arith.muli %shift_right_arithmetic3A_173, %mul3A_192 : vector<16xi32>
      %add3A_194 = arith.addi %mul3A_193, %iota3A : vector<16xi32>
      %gather3A = tpu.vector_load_idx %arg8[%add3A_194] : memref<896xi32, #tpu.memory_space<vmem>>[vector<16xi32>], vector<16xi32>,
      tpu.vector_store_idx %arg6[%gather3A], %add3A_185 : memref<15488xi32, #tpu.memory_space<vmem>>[vector<16xi32>], vector<16xi32>,
      %broadcast_in_dim3A_195 = vector.broadcast %add3A_190 : i32 to vector<16xi32>
      tpu.vector_store_idx %arg7[%gather3A], %broadcast_in_dim3A_195 : memref<15488xi32, #tpu.memory_space<vmem>>[vector<16xi32>], vector<16xi32>,
      %add3A_196 = arith.constant 1 : i32
      %add3A_197 = vector.broadcast %add3A_196 : i32 to vector<16xi32>
      %add3A_198 = arith.addi %gather3A, %add3A_197 : vector<16xi32>
      tpu.vector_store_idx %arg8[%add3A_194], %add3A_198 : memref<896xi32, #tpu.memory_space<vmem>>[vector<16xi32>], vector<16xi32>,
      %get3A_199 = arith.index_cast %scan3A_166 : i32 to index
      %get3A_200 = arith.constant 16 : index
      %get3A_201 = tpu.vector_load %arg5[%get3A_199, %get3A_200] {strides = array<i32>} : memref<32x288xi32, #tpu.memory_space<vmem>>, vector<16xi32>,
      %shift_right_arithmetic3A_202 = arith.constant 11 : i32
      %shift_right_arithmetic3A_203 = vector.broadcast %shift_right_arithmetic3A_202 : i32 to vector<16xi32>
      %shift_right_arithmetic3A_204 = arith.shrsi %get3A_201, %shift_right_arithmetic3A_203 : vector<16xi32>
      %and3A_205 = arith.constant 2047 : i32
      %and3A_206 = vector.broadcast %and3A_205 : i32 to vector<16xi32>
      %and3A_207 = arith.andi %get3A_201, %and3A_206 : vector<16xi32>
      %eq3A_208 = arith.constant 48 : i32
      %eq3A_209 = vector.broadcast %eq3A_208 : i32 to vector<16xi32>
      %eq3A_210 = arith.cmpi eq, %shift_right_arithmetic3A_204, %eq3A_209 : vector<16xi32>
      %jit3A_211 = arith.constant 352 : i32
      %jit3A_212 = arith.constant 0 : i32
      %broadcast_in_dim3A_213 = vector.broadcast %jit3A_211 : i32 to vector<16xi32>
      %broadcast_in_dim3A_214 = vector.broadcast %jit3A_212 : i32 to vector<16xi32>
      %select_n3A_215 = arith.select %eq3A_210, %broadcast_in_dim3A_213, %broadcast_in_dim3A_214 : vector<16xi1>, vector<16xi32>
      %add3A_216 = arith.addi %and3A_207, %select_n3A_215 : vector<16xi32>
      %mul3A_217 = arith.constant 4 : i32
      %mul3A_218 = arith.muli %scan3A_166, %mul3A_217 : i32
      %add3A_219 = arith.addi %mul3A_23, %mul3A_218 : i32
      %add3A_220 = arith.constant 0 : i32
      %add3A_221 = arith.addi %add3A_219, %add3A_220 : i32
      %mul3A_222 = arith.constant 16 : i32
      %mul3A_223 = vector.broadcast %mul3A_222 : i32 to vector<16xi32>
      %mul3A_224 = arith.muli %shift_right_arithmetic3A_204, %mul3A_223 : vector<16xi32>
      %add3A_225 = arith.addi %mul3A_224, %iota3A : vector<16xi32>
      %gather3A_226 = tpu.vector_load_idx %arg8[%add3A_225] : memref<896xi32, #tpu.memory_space<vmem>>[vector<16xi32>], vector<16xi32>,
      tpu.vector_store_idx %arg6[%gather3A_226], %add3A_216 : memref<15488xi32, #tpu.memory_space<vmem>>[vector<16xi32>], vector<16xi32>,
      %broadcast_in_dim3A_227 = vector.broadcast %add3A_221 : i32 to vector<16xi32>
      tpu.vector_store_idx %arg7[%gather3A_226], %broadcast_in_dim3A_227 : memref<15488xi32, #tpu.memory_space<vmem>>[vector<16xi32>], vector<16xi32>,
      %add3A_228 = arith.constant 1 : i32
      %add3A_229 = vector.broadcast %add3A_228 : i32 to vector<16xi32>
      %add3A_230 = arith.addi %gather3A_226, %add3A_229 : vector<16xi32>
      tpu.vector_store_idx %arg8[%add3A_225], %add3A_230 : memref<896xi32, #tpu.memory_space<vmem>>[vector<16xi32>], vector<16xi32>,
      %get3A_231 = arith.index_cast %scan3A_166 : i32 to index
      %get3A_232 = arith.constant 32 : index
      %get3A_233 = tpu.vector_load %arg5[%get3A_231, %get3A_232] {strides = array<i32>} : memref<32x288xi32, #tpu.memory_space<vmem>>, vector<16xi32>,
      %shift_right_arithmetic3A_234 = arith.constant 11 : i32
      %shift_right_arithmetic3A_235 = vector.broadcast %shift_right_arithmetic3A_234 : i32 to vector<16xi32>
      %shift_right_arithmetic3A_236 = arith.shrsi %get3A_233, %shift_right_arithmetic3A_235 : vector<16xi32>
      %and3A_237 = arith.constant 2047 : i32
      %and3A_238 = vector.broadcast %and3A_237 : i32 to vector<16xi32>
      %and3A_239 = arith.andi %get3A_233, %and3A_238 : vector<16xi32>
      %eq3A_240 = arith.constant 48 : i32
      %eq3A_241 = vector.broadcast %eq3A_240 : i32 to vector<16xi32>
      %eq3A_242 = arith.cmpi eq, %shift_right_arithmetic3A_236, %eq3A_241 : vector<16xi32>
      %jit3A_243 = arith.constant 352 : i32
      %jit3A_244 = arith.constant 0 : i32
      %broadcast_in_dim3A_245 = vector.broadcast %jit3A_243 : i32 to vector<16xi32>
      %broadcast_in_dim3A_246 = vector.broadcast %jit3A_244 : i32 to vector<16xi32>
      %select_n3A_247 = arith.select %eq3A_242, %broadcast_in_dim3A_245, %broadcast_in_dim3A_246 : vector<16xi1>, vector<16xi32>
      %add3A_248 = arith.addi %and3A_239, %select_n3A_247 : vector<16xi32>
      %mul3A_249 = arith.constant 4 : i32
      %mul3A_250 = arith.muli %scan3A_166, %mul3A_249 : i32
      %add3A_251 = arith.addi %mul3A_23, %mul3A_250 : i32
      %add3A_252 = arith.constant 0 : i32
      %add3A_253 = arith.addi %add3A_251, %add3A_252 : i32
      %mul3A_254 = arith.constant 16 : i32
      %mul3A_255 = vector.broadcast %mul3A_254 : i32 to vector<16xi32>
      %mul3A_256 = arith.muli %shift_right_arithmetic3A_236, %mul3A_255 : vector<16xi32>
      %add3A_257 = arith.addi %mul3A_256, %iota3A : vector<16xi32>
      %gather3A_258 = tpu.vector_load_idx %arg8[%add3A_257] : memref<896xi32, #tpu.memory_space<vmem>>[vector<16xi32>], vector<16xi32>,
      tpu.vector_store_idx %arg6[%gather3A_258], %add3A_248 : memref<15488xi32, #tpu.memory_space<vmem>>[vector<16xi32>], vector<16xi32>,
      %broadcast_in_dim3A_259 = vector.broadcast %add3A_253 : i32 to vector<16xi32>
      tpu.vector_store_idx %arg7[%gather3A_258], %broadcast_in_dim3A_259 : memref<15488xi32, #tpu.memory_space<vmem>>[vector<16xi32>], vector<16xi32>,
      %add3A_260 = arith.constant 1 : i32
      %add3A_261 = vector.broadcast %add3A_260 : i32 to vector<16xi32>
      %add3A_262 = arith.addi %gather3A_258, %add3A_261 : vector<16xi32>
      tpu.vector_store_idx %arg8[%add3A_257], %add3A_262 : memref<896xi32, #tpu.memory_space<vmem>>[vector<16xi32>], vector<16xi32>,
      %get3A_263 = arith.index_cast %scan3A_166 : i32 to index
      %get3A_264 = arith.constant 48 : index
      %get3A_265 = tpu.vector_load %arg5[%get3A_263, %get3A_264] {strides = array<i32>} : memref<32x288xi32, #tpu.memory_space<vmem>>, vector<16xi32>,
      %shift_right_arithmetic3A_266 = arith.constant 11 : i32
      %shift_right_arithmetic3A_267 = vector.broadcast %shift_right_arithmetic3A_266 : i32 to vector<16xi32>
      %shift_right_arithmetic3A_268 = arith.shrsi %get3A_265, %shift_right_arithmetic3A_267 : vector<16xi32>
      %and3A_269 = arith.constant 2047 : i32
      %and3A_270 = vector.broadcast %and3A_269 : i32 to vector<16xi32>
      %and3A_271 = arith.andi %get3A_265, %and3A_270 : vector<16xi32>
      %eq3A_272 = arith.constant 48 : i32
      %eq3A_273 = vector.broadcast %eq3A_272 : i32 to vector<16xi32>
      %eq3A_274 = arith.cmpi eq, %shift_right_arithmetic3A_268, %eq3A_273 : vector<16xi32>
      %jit3A_275 = arith.constant 352 : i32
      %jit3A_276 = arith.constant 0 : i32
      %broadcast_in_dim3A_277 = vector.broadcast %jit3A_275 : i32 to vector<16xi32>
      %broadcast_in_dim3A_278 = vector.broadcast %jit3A_276 : i32 to vector<16xi32>
      %select_n3A_279 = arith.select %eq3A_274, %broadcast_in_dim3A_277, %broadcast_in_dim3A_278 : vector<16xi1>, vector<16xi32>
      %add3A_280 = arith.addi %and3A_271, %select_n3A_279 : vector<16xi32>
      %mul3A_281 = arith.constant 4 : i32
      %mul3A_282 = arith.muli %scan3A_166, %mul3A_281 : i32
      %add3A_283 = arith.addi %mul3A_23, %mul3A_282 : i32
      %add3A_284 = arith.constant 0 : i32
      %add3A_285 = arith.addi %add3A_283, %add3A_284 : i32
      %mul3A_286 = arith.constant 16 : i32
      %mul3A_287 = vector.broadcast %mul3A_286 : i32 to vector<16xi32>
      %mul3A_288 = arith.muli %shift_right_arithmetic3A_268, %mul3A_287 : vector<16xi32>
      %add3A_289 = arith.addi %mul3A_288, %iota3A : vector<16xi32>
      %gather3A_290 = tpu.vector_load_idx %arg8[%add3A_289] : memref<896xi32, #tpu.memory_space<vmem>>[vector<16xi32>], vector<16xi32>,
      tpu.vector_store_idx %arg6[%gather3A_290], %add3A_280 : memref<15488xi32, #tpu.memory_space<vmem>>[vector<16xi32>], vector<16xi32>,
      %broadcast_in_dim3A_291 = vector.broadcast %add3A_285 : i32 to vector<16xi32>
      tpu.vector_store_idx %arg7[%gather3A_290], %broadcast_in_dim3A_291 : memref<15488xi32, #tpu.memory_space<vmem>>[vector<16xi32>], vector<16xi32>,
      %add3A_292 = arith.constant 1 : i32
      %add3A_293 = vector.broadcast %add3A_292 : i32 to vector<16xi32>
      %add3A_294 = arith.addi %gather3A_290, %add3A_293 : vector<16xi32>
      tpu.vector_store_idx %arg8[%add3A_289], %add3A_294 : memref<896xi32, #tpu.memory_space<vmem>>[vector<16xi32>], vector<16xi32>,
      %get3A_295 = arith.index_cast %scan3A_166 : i32 to index
      %get3A_296 = arith.constant 64 : index
      %get3A_297 = tpu.vector_load %arg5[%get3A_295, %get3A_296] {strides = array<i32>} : memref<32x288xi32, #tpu.memory_space<vmem>>, vector<16xi32>,
      %shift_right_arithmetic3A_298 = arith.constant 11 : i32
      %shift_right_arithmetic3A_299 = vector.broadcast %shift_right_arithmetic3A_298 : i32 to vector<16xi32>
      %shift_right_arithmetic3A_300 = arith.shrsi %get3A_297, %shift_right_arithmetic3A_299 : vector<16xi32>
      %and3A_301 = arith.constant 2047 : i32
      %and3A_302 = vector.broadcast %and3A_301 : i32 to vector<16xi32>
      %and3A_303 = arith.andi %get3A_297, %and3A_302 : vector<16xi32>
      %eq3A_304 = arith.constant 48 : i32
      %eq3A_305 = vector.broadcast %eq3A_304 : i32 to vector<16xi32>
      %eq3A_306 = arith.cmpi eq, %shift_right_arithmetic3A_300, %eq3A_305 : vector<16xi32>
      %jit3A_307 = arith.constant 352 : i32
      %jit3A_308 = arith.constant 0 : i32
      %broadcast_in_dim3A_309 = vector.broadcast %jit3A_307 : i32 to vector<16xi32>
      %broadcast_in_dim3A_310 = vector.broadcast %jit3A_308 : i32 to vector<16xi32>
      %select_n3A_311 = arith.select %eq3A_306, %broadcast_in_dim3A_309, %broadcast_in_dim3A_310 : vector<16xi1>, vector<16xi32>
      %add3A_312 = arith.addi %and3A_303, %select_n3A_311 : vector<16xi32>
      %mul3A_313 = arith.constant 4 : i32
      %mul3A_314 = arith.muli %scan3A_166, %mul3A_313 : i32
      %add3A_315 = arith.addi %mul3A_23, %mul3A_314 : i32
      %add3A_316 = arith.constant 0 : i32
      %add3A_317 = arith.addi %add3A_315, %add3A_316 : i32
      %mul3A_318 = arith.constant 16 : i32
      %mul3A_319 = vector.broadcast %mul3A_318 : i32 to vector<16xi32>
      %mul3A_320 = arith.muli %shift_right_arithmetic3A_300, %mul3A_319 : vector<16xi32>
      %add3A_321 = arith.addi %mul3A_320, %iota3A : vector<16xi32>
      %gather3A_322 = tpu.vector_load_idx %arg8[%add3A_321] : memref<896xi32, #tpu.memory_space<vmem>>[vector<16xi32>], vector<16xi32>,
      tpu.vector_store_idx %arg6[%gather3A_322], %add3A_312 : memref<15488xi32, #tpu.memory_space<vmem>>[vector<16xi32>], vector<16xi32>,
      %broadcast_in_dim3A_323 = vector.broadcast %add3A_317 : i32 to vector<16xi32>
      tpu.vector_store_idx %arg7[%gather3A_322], %broadcast_in_dim3A_323 : memref<15488xi32, #tpu.memory_space<vmem>>[vector<16xi32>], vector<16xi32>,
      %add3A_324 = arith.constant 1 : i32
      %add3A_325 = vector.broadcast %add3A_324 : i32 to vector<16xi32>
      %add3A_326 = arith.addi %gather3A_322, %add3A_325 : vector<16xi32>
      tpu.vector_store_idx %arg8[%add3A_321], %add3A_326 : memref<896xi32, #tpu.memory_space<vmem>>[vector<16xi32>], vector<16xi32>,
      %get3A_327 = arith.index_cast %scan3A_166 : i32 to index
      %get3A_328 = arith.constant 80 : index
      %get3A_329 = tpu.vector_load %arg5[%get3A_327, %get3A_328] {strides = array<i32>} : memref<32x288xi32, #tpu.memory_space<vmem>>, vector<16xi32>,
      %shift_right_arithmetic3A_330 = arith.constant 11 : i32
      %shift_right_arithmetic3A_331 = vector.broadcast %shift_right_arithmetic3A_330 : i32 to vector<16xi32>
      %shift_right_arithmetic3A_332 = arith.shrsi %get3A_329, %shift_right_arithmetic3A_331 : vector<16xi32>
      %and3A_333 = arith.constant 2047 : i32
      %and3A_334 = vector.broadcast %and3A_333 : i32 to vector<16xi32>
      %and3A_335 = arith.andi %get3A_329, %and3A_334 : vector<16xi32>
      %eq3A_336 = arith.constant 48 : i32
      %eq3A_337 = vector.broadcast %eq3A_336 : i32 to vector<16xi32>
      %eq3A_338 = arith.cmpi eq, %shift_right_arithmetic3A_332, %eq3A_337 : vector<16xi32>
      %jit3A_339 = arith.constant 352 : i32
      %jit3A_340 = arith.constant 0 : i32
      %broadcast_in_dim3A_341 = vector.broadcast %jit3A_339 : i32 to vector<16xi32>
      %broadcast_in_dim3A_342 = vector.broadcast %jit3A_340 : i32 to vector<16xi32>
      %select_n3A_343 = arith.select %eq3A_338, %broadcast_in_dim3A_341, %broadcast_in_dim3A_342 : vector<16xi1>, vector<16xi32>
      %add3A_344 = arith.addi %and3A_335, %select_n3A_343 : vector<16xi32>
      %mul3A_345 = arith.constant 4 : i32
      %mul3A_346 = arith.muli %scan3A_166, %mul3A_345 : i32
      %add3A_347 = arith.addi %mul3A_23, %mul3A_346 : i32
      %add3A_348 = arith.constant 0 : i32
      %add3A_349 = arith.addi %add3A_347, %add3A_348 : i32
      %mul3A_350 = arith.constant 16 : i32
      %mul3A_351 = vector.broadcast %mul3A_350 : i32 to vector<16xi32>
      %mul3A_352 = arith.muli %shift_right_arithmetic3A_332, %mul3A_351 : vector<16xi32>
      %add3A_353 = arith.addi %mul3A_352, %iota3A : vector<16xi32>
      %gather3A_354 = tpu.vector_load_idx %arg8[%add3A_353] : memref<896xi32, #tpu.memory_space<vmem>>[vector<16xi32>], vector<16xi32>,
      tpu.vector_store_idx %arg6[%gather3A_354], %add3A_344 : memref<15488xi32, #tpu.memory_space<vmem>>[vector<16xi32>], vector<16xi32>,
      %broadcast_in_dim3A_355 = vector.broadcast %add3A_349 : i32 to vector<16xi32>
      tpu.vector_store_idx %arg7[%gather3A_354], %broadcast_in_dim3A_355 : memref<15488xi32, #tpu.memory_space<vmem>>[vector<16xi32>], vector<16xi32>,
      %add3A_356 = arith.constant 1 : i32
      %add3A_357 = vector.broadcast %add3A_356 : i32 to vector<16xi32>
      %add3A_358 = arith.addi %gather3A_354, %add3A_357 : vector<16xi32>
      tpu.vector_store_idx %arg8[%add3A_353], %add3A_358 : memref<896xi32, #tpu.memory_space<vmem>>[vector<16xi32>], vector<16xi32>,
      %get3A_359 = arith.index_cast %scan3A_166 : i32 to index
      %get3A_360 = arith.constant 96 : index
      %get3A_361 = tpu.vector_load %arg5[%get3A_359, %get3A_360] {strides = array<i32>} : memref<32x288xi32, #tpu.memory_space<vmem>>, vector<16xi32>,
      %shift_right_arithmetic3A_362 = arith.constant 11 : i32
      %shift_right_arithmetic3A_363 = vector.broadcast %shift_right_arithmetic3A_362 : i32 to vector<16xi32>
      %shift_right_arithmetic3A_364 = arith.shrsi %get3A_361, %shift_right_arithmetic3A_363 : vector<16xi32>
      %and3A_365 = arith.constant 2047 : i32
      %and3A_366 = vector.broadcast %and3A_365 : i32 to vector<16xi32>
      %and3A_367 = arith.andi %get3A_361, %and3A_366 : vector<16xi32>
      %eq3A_368 = arith.constant 48 : i32
      %eq3A_369 = vector.broadcast %eq3A_368 : i32 to vector<16xi32>
      %eq3A_370 = arith.cmpi eq, %shift_right_arithmetic3A_364, %eq3A_369 : vector<16xi32>
      %jit3A_371 = arith.constant 352 : i32
      %jit3A_372 = arith.constant 0 : i32
      %broadcast_in_dim3A_373 = vector.broadcast %jit3A_371 : i32 to vector<16xi32>
      %broadcast_in_dim3A_374 = vector.broadcast %jit3A_372 : i32 to vector<16xi32>
      %select_n3A_375 = arith.select %eq3A_370, %broadcast_in_dim3A_373, %broadcast_in_dim3A_374 : vector<16xi1>, vector<16xi32>
      %add3A_376 = arith.addi %and3A_367, %select_n3A_375 : vector<16xi32>
      %mul3A_377 = arith.constant 4 : i32
      %mul3A_378 = arith.muli %scan3A_166, %mul3A_377 : i32
      %add3A_379 = arith.addi %mul3A_23, %mul3A_378 : i32
      %add3A_380 = arith.constant 0 : i32
      %add3A_381 = arith.addi %add3A_379, %add3A_380 : i32
      %mul3A_382 = arith.constant 16 : i32
      %mul3A_383 = vector.broadcast %mul3A_382 : i32 to vector<16xi32>
      %mul3A_384 = arith.muli %shift_right_arithmetic3A_364, %mul3A_383 : vector<16xi32>
      %add3A_385 = arith.addi %mul3A_384, %iota3A : vector<16xi32>
      %gather3A_386 = tpu.vector_load_idx %arg8[%add3A_385] : memref<896xi32, #tpu.memory_space<vmem>>[vector<16xi32>], vector<16xi32>,
      tpu.vector_store_idx %arg6[%gather3A_386], %add3A_376 : memref<15488xi32, #tpu.memory_space<vmem>>[vector<16xi32>], vector<16xi32>,
      %broadcast_in_dim3A_387 = vector.broadcast %add3A_381 : i32 to vector<16xi32>
      tpu.vector_store_idx %arg7[%gather3A_386], %broadcast_in_dim3A_387 : memref<15488xi32, #tpu.memory_space<vmem>>[vector<16xi32>], vector<16xi32>,
      %add3A_388 = arith.constant 1 : i32
      %add3A_389 = vector.broadcast %add3A_388 : i32 to vector<16xi32>
      %add3A_390 = arith.addi %gather3A_386, %add3A_389 : vector<16xi32>
      tpu.vector_store_idx %arg8[%add3A_385], %add3A_390 : memref<896xi32, #tpu.memory_space<vmem>>[vector<16xi32>], vector<16xi32>,
      %get3A_391 = arith.index_cast %scan3A_166 : i32 to index
      %get3A_392 = arith.constant 112 : index
      %get3A_393 = tpu.vector_load %arg5[%get3A_391, %get3A_392] {strides = array<i32>} : memref<32x288xi32, #tpu.memory_space<vmem>>, vector<16xi32>,
      %shift_right_arithmetic3A_394 = arith.constant 11 : i32
      %shift_right_arithmetic3A_395 = vector.broadcast %shift_right_arithmetic3A_394 : i32 to vector<16xi32>
      %shift_right_arithmetic3A_396 = arith.shrsi %get3A_393, %shift_right_arithmetic3A_395 : vector<16xi32>
      %and3A_397 = arith.constant 2047 : i32
      %and3A_398 = vector.broadcast %and3A_397 : i32 to vector<16xi32>
      %and3A_399 = arith.andi %get3A_393, %and3A_398 : vector<16xi32>
      %eq3A_400 = arith.constant 48 : i32
      %eq3A_401 = vector.broadcast %eq3A_400 : i32 to vector<16xi32>
      %eq3A_402 = arith.cmpi eq, %shift_right_arithmetic3A_396, %eq3A_401 : vector<16xi32>
      %jit3A_403 = arith.constant 352 : i32
      %jit3A_404 = arith.constant 0 : i32
      %broadcast_in_dim3A_405 = vector.broadcast %jit3A_403 : i32 to vector<16xi32>
      %broadcast_in_dim3A_406 = vector.broadcast %jit3A_404 : i32 to vector<16xi32>
      %select_n3A_407 = arith.select %eq3A_402, %broadcast_in_dim3A_405, %broadcast_in_dim3A_406 : vector<16xi1>, vector<16xi32>
      %add3A_408 = arith.addi %and3A_399, %select_n3A_407 : vector<16xi32>
      %mul3A_409 = arith.constant 4 : i32
      %mul3A_410 = arith.muli %scan3A_166, %mul3A_409 : i32
      %add3A_411 = arith.addi %mul3A_23, %mul3A_410 : i32
      %add3A_412 = arith.constant 0 : i32
      %add3A_413 = arith.addi %add3A_411, %add3A_412 : i32
      %mul3A_414 = arith.constant 16 : i32
      %mul3A_415 = vector.broadcast %mul3A_414 : i32 to vector<16xi32>
      %mul3A_416 = arith.muli %shift_right_arithmetic3A_396, %mul3A_415 : vector<16xi32>
      %add3A_417 = arith.addi %mul3A_416, %iota3A : vector<16xi32>
      %gather3A_418 = tpu.vector_load_idx %arg8[%add3A_417] : memref<896xi32, #tpu.memory_space<vmem>>[vector<16xi32>], vector<16xi32>,
      tpu.vector_store_idx %arg6[%gather3A_418], %add3A_408 : memref<15488xi32, #tpu.memory_space<vmem>>[vector<16xi32>], vector<16xi32>,
      %broadcast_in_dim3A_419 = vector.broadcast %add3A_413 : i32 to vector<16xi32>
      tpu.vector_store_idx %arg7[%gather3A_418], %broadcast_in_dim3A_419 : memref<15488xi32, #tpu.memory_space<vmem>>[vector<16xi32>], vector<16xi32>,
      %add3A_420 = arith.constant 1 : i32
      %add3A_421 = vector.broadcast %add3A_420 : i32 to vector<16xi32>
      %add3A_422 = arith.addi %gather3A_418, %add3A_421 : vector<16xi32>
      tpu.vector_store_idx %arg8[%add3A_417], %add3A_422 : memref<896xi32, #tpu.memory_space<vmem>>[vector<16xi32>], vector<16xi32>,
      %get3A_423 = arith.index_cast %scan3A_166 : i32 to index
      %get3A_424 = arith.constant 128 : index
      %get3A_425 = tpu.vector_load %arg5[%get3A_423, %get3A_424] {strides = array<i32>} : memref<32x288xi32, #tpu.memory_space<vmem>>, vector<16xi32>,
      %shift_right_arithmetic3A_426 = arith.constant 11 : i32
      %shift_right_arithmetic3A_427 = vector.broadcast %shift_right_arithmetic3A_426 : i32 to vector<16xi32>
      %shift_right_arithmetic3A_428 = arith.shrsi %get3A_425, %shift_right_arithmetic3A_427 : vector<16xi32>
      %and3A_429 = arith.constant 2047 : i32
      %and3A_430 = vector.broadcast %and3A_429 : i32 to vector<16xi32>
      %and3A_431 = arith.andi %get3A_425, %and3A_430 : vector<16xi32>
      %eq3A_432 = arith.constant 48 : i32
      %eq3A_433 = vector.broadcast %eq3A_432 : i32 to vector<16xi32>
      %eq3A_434 = arith.cmpi eq, %shift_right_arithmetic3A_428, %eq3A_433 : vector<16xi32>
      %jit3A_435 = arith.constant 352 : i32
      %jit3A_436 = arith.constant 0 : i32
      %broadcast_in_dim3A_437 = vector.broadcast %jit3A_435 : i32 to vector<16xi32>
      %broadcast_in_dim3A_438 = vector.broadcast %jit3A_436 : i32 to vector<16xi32>
      %select_n3A_439 = arith.select %eq3A_434, %broadcast_in_dim3A_437, %broadcast_in_dim3A_438 : vector<16xi1>, vector<16xi32>
      %add3A_440 = arith.addi %and3A_431, %select_n3A_439 : vector<16xi32>
      %mul3A_441 = arith.constant 4 : i32
      %mul3A_442 = arith.muli %scan3A_166, %mul3A_441 : i32
      %add3A_443 = arith.addi %mul3A_23, %mul3A_442 : i32
      %add3A_444 = arith.constant 0 : i32
      %add3A_445 = arith.addi %add3A_443, %add3A_444 : i32
      %mul3A_446 = arith.constant 16 : i32
      %mul3A_447 = vector.broadcast %mul3A_446 : i32 to vector<16xi32>
      %mul3A_448 = arith.muli %shift_right_arithmetic3A_428, %mul3A_447 : vector<16xi32>
      %add3A_449 = arith.addi %mul3A_448, %iota3A : vector<16xi32>
      %gather3A_450 = tpu.vector_load_idx %arg8[%add3A_449] : memref<896xi32, #tpu.memory_space<vmem>>[vector<16xi32>], vector<16xi32>,
      tpu.vector_store_idx %arg6[%gather3A_450], %add3A_440 : memref<15488xi32, #tpu.memory_space<vmem>>[vector<16xi32>], vector<16xi32>,
      %broadcast_in_dim3A_451 = vector.broadcast %add3A_445 : i32 to vector<16xi32>
      tpu.vector_store_idx %arg7[%gather3A_450], %broadcast_in_dim3A_451 : memref<15488xi32, #tpu.memory_space<vmem>>[vector<16xi32>], vector<16xi32>,
      %add3A_452 = arith.constant 1 : i32
      %add3A_453 = vector.broadcast %add3A_452 : i32 to vector<16xi32>
      %add3A_454 = arith.addi %gather3A_450, %add3A_453 : vector<16xi32>
      tpu.vector_store_idx %arg8[%add3A_449], %add3A_454 : memref<896xi32, #tpu.memory_space<vmem>>[vector<16xi32>], vector<16xi32>,
      %get3A_455 = arith.index_cast %scan3A_166 : i32 to index
      %get3A_456 = arith.constant 144 : index
      %get3A_457 = tpu.vector_load %arg5[%get3A_455, %get3A_456] {strides = array<i32>} : memref<32x288xi32, #tpu.memory_space<vmem>>, vector<16xi32>,
      %shift_right_arithmetic3A_458 = arith.constant 11 : i32
      %shift_right_arithmetic3A_459 = vector.broadcast %shift_right_arithmetic3A_458 : i32 to vector<16xi32>
      %shift_right_arithmetic3A_460 = arith.shrsi %get3A_457, %shift_right_arithmetic3A_459 : vector<16xi32>
      %and3A_461 = arith.constant 2047 : i32
      %and3A_462 = vector.broadcast %and3A_461 : i32 to vector<16xi32>
      %and3A_463 = arith.andi %get3A_457, %and3A_462 : vector<16xi32>
      %eq3A_464 = arith.constant 48 : i32
      %eq3A_465 = vector.broadcast %eq3A_464 : i32 to vector<16xi32>
      %eq3A_466 = arith.cmpi eq, %shift_right_arithmetic3A_460, %eq3A_465 : vector<16xi32>
      %jit3A_467 = arith.constant 352 : i32
      %jit3A_468 = arith.constant 0 : i32
      %broadcast_in_dim3A_469 = vector.broadcast %jit3A_467 : i32 to vector<16xi32>
      %broadcast_in_dim3A_470 = vector.broadcast %jit3A_468 : i32 to vector<16xi32>
      %select_n3A_471 = arith.select %eq3A_466, %broadcast_in_dim3A_469, %broadcast_in_dim3A_470 : vector<16xi1>, vector<16xi32>
      %add3A_472 = arith.addi %and3A_463, %select_n3A_471 : vector<16xi32>
      %mul3A_473 = arith.constant 4 : i32
      %mul3A_474 = arith.muli %scan3A_166, %mul3A_473 : i32
      %add3A_475 = arith.addi %mul3A_23, %mul3A_474 : i32
      %add3A_476 = arith.constant 0 : i32
      %add3A_477 = arith.addi %add3A_475, %add3A_476 : i32
      %mul3A_478 = arith.constant 16 : i32
      %mul3A_479 = vector.broadcast %mul3A_478 : i32 to vector<16xi32>
      %mul3A_480 = arith.muli %shift_right_arithmetic3A_460, %mul3A_479 : vector<16xi32>
      %add3A_481 = arith.addi %mul3A_480, %iota3A : vector<16xi32>
      %gather3A_482 = tpu.vector_load_idx %arg8[%add3A_481] : memref<896xi32, #tpu.memory_space<vmem>>[vector<16xi32>], vector<16xi32>,
      tpu.vector_store_idx %arg6[%gather3A_482], %add3A_472 : memref<15488xi32, #tpu.memory_space<vmem>>[vector<16xi32>], vector<16xi32>,
      %broadcast_in_dim3A_483 = vector.broadcast %add3A_477 : i32 to vector<16xi32>
      tpu.vector_store_idx %arg7[%gather3A_482], %broadcast_in_dim3A_483 : memref<15488xi32, #tpu.memory_space<vmem>>[vector<16xi32>], vector<16xi32>,
      %add3A_484 = arith.constant 1 : i32
      %add3A_485 = vector.broadcast %add3A_484 : i32 to vector<16xi32>
      %add3A_486 = arith.addi %gather3A_482, %add3A_485 : vector<16xi32>
      tpu.vector_store_idx %arg8[%add3A_481], %add3A_486 : memref<896xi32, #tpu.memory_space<vmem>>[vector<16xi32>], vector<16xi32>,
      %get3A_487 = arith.index_cast %scan3A_166 : i32 to index
      %get3A_488 = arith.constant 160 : index
      %get3A_489 = tpu.vector_load %arg5[%get3A_487, %get3A_488] {strides = array<i32>} : memref<32x288xi32, #tpu.memory_space<vmem>>, vector<16xi32>,
      %shift_right_arithmetic3A_490 = arith.constant 11 : i32
      %shift_right_arithmetic3A_491 = vector.broadcast %shift_right_arithmetic3A_490 : i32 to vector<16xi32>
      %shift_right_arithmetic3A_492 = arith.shrsi %get3A_489, %shift_right_arithmetic3A_491 : vector<16xi32>
      %and3A_493 = arith.constant 2047 : i32
      %and3A_494 = vector.broadcast %and3A_493 : i32 to vector<16xi32>
      %and3A_495 = arith.andi %get3A_489, %and3A_494 : vector<16xi32>
      %eq3A_496 = arith.constant 48 : i32
      %eq3A_497 = vector.broadcast %eq3A_496 : i32 to vector<16xi32>
      %eq3A_498 = arith.cmpi eq, %shift_right_arithmetic3A_492, %eq3A_497 : vector<16xi32>
      %jit3A_499 = arith.constant 352 : i32
      %jit3A_500 = arith.constant 0 : i32
      %broadcast_in_dim3A_501 = vector.broadcast %jit3A_499 : i32 to vector<16xi32>
      %broadcast_in_dim3A_502 = vector.broadcast %jit3A_500 : i32 to vector<16xi32>
      %select_n3A_503 = arith.select %eq3A_498, %broadcast_in_dim3A_501, %broadcast_in_dim3A_502 : vector<16xi1>, vector<16xi32>
      %add3A_504 = arith.addi %and3A_495, %select_n3A_503 : vector<16xi32>
      %mul3A_505 = arith.constant 4 : i32
      %mul3A_506 = arith.muli %scan3A_166, %mul3A_505 : i32
      %add3A_507 = arith.addi %mul3A_23, %mul3A_506 : i32
      %add3A_508 = arith.constant 0 : i32
      %add3A_509 = arith.addi %add3A_507, %add3A_508 : i32
      %mul3A_510 = arith.constant 16 : i32
      %mul3A_511 = vector.broadcast %mul3A_510 : i32 to vector<16xi32>
      %mul3A_512 = arith.muli %shift_right_arithmetic3A_492, %mul3A_511 : vector<16xi32>
      %add3A_513 = arith.addi %mul3A_512, %iota3A : vector<16xi32>
      %gather3A_514 = tpu.vector_load_idx %arg8[%add3A_513] : memref<896xi32, #tpu.memory_space<vmem>>[vector<16xi32>], vector<16xi32>,
      tpu.vector_store_idx %arg6[%gather3A_514], %add3A_504 : memref<15488xi32, #tpu.memory_space<vmem>>[vector<16xi32>], vector<16xi32>,
      %broadcast_in_dim3A_515 = vector.broadcast %add3A_509 : i32 to vector<16xi32>
      tpu.vector_store_idx %arg7[%gather3A_514], %broadcast_in_dim3A_515 : memref<15488xi32, #tpu.memory_space<vmem>>[vector<16xi32>], vector<16xi32>,
      %add3A_516 = arith.constant 1 : i32
      %add3A_517 = vector.broadcast %add3A_516 : i32 to vector<16xi32>
      %add3A_518 = arith.addi %gather3A_514, %add3A_517 : vector<16xi32>
      tpu.vector_store_idx %arg8[%add3A_513], %add3A_518 : memref<896xi32, #tpu.memory_space<vmem>>[vector<16xi32>], vector<16xi32>,
      %get3A_519 = arith.index_cast %scan3A_166 : i32 to index
      %get3A_520 = arith.constant 176 : index
      %get3A_521 = tpu.vector_load %arg5[%get3A_519, %get3A_520] {strides = array<i32>} : memref<32x288xi32, #tpu.memory_space<vmem>>, vector<16xi32>,
      %shift_right_arithmetic3A_522 = arith.constant 11 : i32
      %shift_right_arithmetic3A_523 = vector.broadcast %shift_right_arithmetic3A_522 : i32 to vector<16xi32>
      %shift_right_arithmetic3A_524 = arith.shrsi %get3A_521, %shift_right_arithmetic3A_523 : vector<16xi32>
      %and3A_525 = arith.constant 2047 : i32
      %and3A_526 = vector.broadcast %and3A_525 : i32 to vector<16xi32>
      %and3A_527 = arith.andi %get3A_521, %and3A_526 : vector<16xi32>
      %eq3A_528 = arith.constant 48 : i32
      %eq3A_529 = vector.broadcast %eq3A_528 : i32 to vector<16xi32>
      %eq3A_530 = arith.cmpi eq, %shift_right_arithmetic3A_524, %eq3A_529 : vector<16xi32>
      %jit3A_531 = arith.constant 352 : i32
      %jit3A_532 = arith.constant 0 : i32
      %broadcast_in_dim3A_533 = vector.broadcast %jit3A_531 : i32 to vector<16xi32>
      %broadcast_in_dim3A_534 = vector.broadcast %jit3A_532 : i32 to vector<16xi32>
      %select_n3A_535 = arith.select %eq3A_530, %broadcast_in_dim3A_533, %broadcast_in_dim3A_534 : vector<16xi1>, vector<16xi32>
      %add3A_536 = arith.addi %and3A_527, %select_n3A_535 : vector<16xi32>
      %mul3A_537 = arith.constant 4 : i32
      %mul3A_538 = arith.muli %scan3A_166, %mul3A_537 : i32
      %add3A_539 = arith.addi %mul3A_23, %mul3A_538 : i32
      %add3A_540 = arith.constant 0 : i32
      %add3A_541 = arith.addi %add3A_539, %add3A_540 : i32
      %mul3A_542 = arith.constant 16 : i32
      %mul3A_543 = vector.broadcast %mul3A_542 : i32 to vector<16xi32>
      %mul3A_544 = arith.muli %shift_right_arithmetic3A_524, %mul3A_543 : vector<16xi32>
      %add3A_545 = arith.addi %mul3A_544, %iota3A : vector<16xi32>
      %gather3A_546 = tpu.vector_load_idx %arg8[%add3A_545] : memref<896xi32, #tpu.memory_space<vmem>>[vector<16xi32>], vector<16xi32>,
      tpu.vector_store_idx %arg6[%gather3A_546], %add3A_536 : memref<15488xi32, #tpu.memory_space<vmem>>[vector<16xi32>], vector<16xi32>,
      %broadcast_in_dim3A_547 = vector.broadcast %add3A_541 : i32 to vector<16xi32>
      tpu.vector_store_idx %arg7[%gather3A_546], %broadcast_in_dim3A_547 : memref<15488xi32, #tpu.memory_space<vmem>>[vector<16xi32>], vector<16xi32>,
      %add3A_548 = arith.constant 1 : i32
      %add3A_549 = vector.broadcast %add3A_548 : i32 to vector<16xi32>
      %add3A_550 = arith.addi %gather3A_546, %add3A_549 : vector<16xi32>
      tpu.vector_store_idx %arg8[%add3A_545], %add3A_550 : memref<896xi32, #tpu.memory_space<vmem>>[vector<16xi32>], vector<16xi32>,
      %get3A_551 = arith.index_cast %scan3A_166 : i32 to index
      %get3A_552 = arith.constant 192 : index
      %get3A_553 = tpu.vector_load %arg5[%get3A_551, %get3A_552] {strides = array<i32>} : memref<32x288xi32, #tpu.memory_space<vmem>>, vector<16xi32>,
      %shift_right_arithmetic3A_554 = arith.constant 11 : i32
      %shift_right_arithmetic3A_555 = vector.broadcast %shift_right_arithmetic3A_554 : i32 to vector<16xi32>
      %shift_right_arithmetic3A_556 = arith.shrsi %get3A_553, %shift_right_arithmetic3A_555 : vector<16xi32>
      %and3A_557 = arith.constant 2047 : i32
      %and3A_558 = vector.broadcast %and3A_557 : i32 to vector<16xi32>
      %and3A_559 = arith.andi %get3A_553, %and3A_558 : vector<16xi32>
      %eq3A_560 = arith.constant 48 : i32
      %eq3A_561 = vector.broadcast %eq3A_560 : i32 to vector<16xi32>
      %eq3A_562 = arith.cmpi eq, %shift_right_arithmetic3A_556, %eq3A_561 : vector<16xi32>
      %jit3A_563 = arith.constant 352 : i32
      %jit3A_564 = arith.constant 0 : i32
      %broadcast_in_dim3A_565 = vector.broadcast %jit3A_563 : i32 to vector<16xi32>
      %broadcast_in_dim3A_566 = vector.broadcast %jit3A_564 : i32 to vector<16xi32>
      %select_n3A_567 = arith.select %eq3A_562, %broadcast_in_dim3A_565, %broadcast_in_dim3A_566 : vector<16xi1>, vector<16xi32>
      %add3A_568 = arith.addi %and3A_559, %select_n3A_567 : vector<16xi32>
      %mul3A_569 = arith.constant 4 : i32
      %mul3A_570 = arith.muli %scan3A_166, %mul3A_569 : i32
      %add3A_571 = arith.addi %mul3A_23, %mul3A_570 : i32
      %add3A_572 = arith.constant 0 : i32
      %add3A_573 = arith.addi %add3A_571, %add3A_572 : i32
      %mul3A_574 = arith.constant 16 : i32
      %mul3A_575 = vector.broadcast %mul3A_574 : i32 to vector<16xi32>
      %mul3A_576 = arith.muli %shift_right_arithmetic3A_556, %mul3A_575 : vector<16xi32>
      %add3A_577 = arith.addi %mul3A_576, %iota3A : vector<16xi32>
      %gather3A_578 = tpu.vector_load_idx %arg8[%add3A_577] : memref<896xi32, #tpu.memory_space<vmem>>[vector<16xi32>], vector<16xi32>,
      tpu.vector_store_idx %arg6[%gather3A_578], %add3A_568 : memref<15488xi32, #tpu.memory_space<vmem>>[vector<16xi32>], vector<16xi32>,
      %broadcast_in_dim3A_579 = vector.broadcast %add3A_573 : i32 to vector<16xi32>
      tpu.vector_store_idx %arg7[%gather3A_578], %broadcast_in_dim3A_579 : memref<15488xi32, #tpu.memory_space<vmem>>[vector<16xi32>], vector<16xi32>,
      %add3A_580 = arith.constant 1 : i32
      %add3A_581 = vector.broadcast %add3A_580 : i32 to vector<16xi32>
      %add3A_582 = arith.addi %gather3A_578, %add3A_581 : vector<16xi32>
      tpu.vector_store_idx %arg8[%add3A_577], %add3A_582 : memref<896xi32, #tpu.memory_space<vmem>>[vector<16xi32>], vector<16xi32>,
      %get3A_583 = arith.index_cast %scan3A_166 : i32 to index
      %get3A_584 = arith.constant 208 : index
      %get3A_585 = tpu.vector_load %arg5[%get3A_583, %get3A_584] {strides = array<i32>} : memref<32x288xi32, #tpu.memory_space<vmem>>, vector<16xi32>,
      %shift_right_arithmetic3A_586 = arith.constant 11 : i32
      %shift_right_arithmetic3A_587 = vector.broadcast %shift_right_arithmetic3A_586 : i32 to vector<16xi32>
      %shift_right_arithmetic3A_588 = arith.shrsi %get3A_585, %shift_right_arithmetic3A_587 : vector<16xi32>
      %and3A_589 = arith.constant 2047 : i32
      %and3A_590 = vector.broadcast %and3A_589 : i32 to vector<16xi32>
      %and3A_591 = arith.andi %get3A_585, %and3A_590 : vector<16xi32>
      %eq3A_592 = arith.constant 48 : i32
      %eq3A_593 = vector.broadcast %eq3A_592 : i32 to vector<16xi32>
      %eq3A_594 = arith.cmpi eq, %shift_right_arithmetic3A_588, %eq3A_593 : vector<16xi32>
      %jit3A_595 = arith.constant 352 : i32
      %jit3A_596 = arith.constant 0 : i32
      %broadcast_in_dim3A_597 = vector.broadcast %jit3A_595 : i32 to vector<16xi32>
      %broadcast_in_dim3A_598 = vector.broadcast %jit3A_596 : i32 to vector<16xi32>
      %select_n3A_599 = arith.select %eq3A_594, %broadcast_in_dim3A_597, %broadcast_in_dim3A_598 : vector<16xi1>, vector<16xi32>
      %add3A_600 = arith.addi %and3A_591, %select_n3A_599 : vector<16xi32>
      %mul3A_601 = arith.constant 4 : i32
      %mul3A_602 = arith.muli %scan3A_166, %mul3A_601 : i32
      %add3A_603 = arith.addi %mul3A_23, %mul3A_602 : i32
      %add3A_604 = arith.constant 0 : i32
      %add3A_605 = arith.addi %add3A_603, %add3A_604 : i32
      %mul3A_606 = arith.constant 16 : i32
      %mul3A_607 = vector.broadcast %mul3A_606 : i32 to vector<16xi32>
      %mul3A_608 = arith.muli %shift_right_arithmetic3A_588, %mul3A_607 : vector<16xi32>
      %add3A_609 = arith.addi %mul3A_608, %iota3A : vector<16xi32>
      %gather3A_610 = tpu.vector_load_idx %arg8[%add3A_609] : memref<896xi32, #tpu.memory_space<vmem>>[vector<16xi32>], vector<16xi32>,
      tpu.vector_store_idx %arg6[%gather3A_610], %add3A_600 : memref<15488xi32, #tpu.memory_space<vmem>>[vector<16xi32>], vector<16xi32>,
      %broadcast_in_dim3A_611 = vector.broadcast %add3A_605 : i32 to vector<16xi32>
      tpu.vector_store_idx %arg7[%gather3A_610], %broadcast_in_dim3A_611 : memref<15488xi32, #tpu.memory_space<vmem>>[vector<16xi32>], vector<16xi32>,
      %add3A_612 = arith.constant 1 : i32
      %add3A_613 = vector.broadcast %add3A_612 : i32 to vector<16xi32>
      %add3A_614 = arith.addi %gather3A_610, %add3A_613 : vector<16xi32>
      tpu.vector_store_idx %arg8[%add3A_609], %add3A_614 : memref<896xi32, #tpu.memory_space<vmem>>[vector<16xi32>], vector<16xi32>,
      %get3A_615 = arith.index_cast %scan3A_166 : i32 to index
      %get3A_616 = arith.constant 224 : index
      %get3A_617 = tpu.vector_load %arg5[%get3A_615, %get3A_616] {strides = array<i32>} : memref<32x288xi32, #tpu.memory_space<vmem>>, vector<16xi32>,
      %shift_right_arithmetic3A_618 = arith.constant 11 : i32
      %shift_right_arithmetic3A_619 = vector.broadcast %shift_right_arithmetic3A_618 : i32 to vector<16xi32>
      %shift_right_arithmetic3A_620 = arith.shrsi %get3A_617, %shift_right_arithmetic3A_619 : vector<16xi32>
      %and3A_621 = arith.constant 2047 : i32
      %and3A_622 = vector.broadcast %and3A_621 : i32 to vector<16xi32>
      %and3A_623 = arith.andi %get3A_617, %and3A_622 : vector<16xi32>
      %eq3A_624 = arith.constant 48 : i32
      %eq3A_625 = vector.broadcast %eq3A_624 : i32 to vector<16xi32>
      %eq3A_626 = arith.cmpi eq, %shift_right_arithmetic3A_620, %eq3A_625 : vector<16xi32>
      %jit3A_627 = arith.constant 352 : i32
      %jit3A_628 = arith.constant 0 : i32
      %broadcast_in_dim3A_629 = vector.broadcast %jit3A_627 : i32 to vector<16xi32>
      %broadcast_in_dim3A_630 = vector.broadcast %jit3A_628 : i32 to vector<16xi32>
      %select_n3A_631 = arith.select %eq3A_626, %broadcast_in_dim3A_629, %broadcast_in_dim3A_630 : vector<16xi1>, vector<16xi32>
      %add3A_632 = arith.addi %and3A_623, %select_n3A_631 : vector<16xi32>
      %mul3A_633 = arith.constant 4 : i32
      %mul3A_634 = arith.muli %scan3A_166, %mul3A_633 : i32
      %add3A_635 = arith.addi %mul3A_23, %mul3A_634 : i32
      %add3A_636 = arith.constant 0 : i32
      %add3A_637 = arith.addi %add3A_635, %add3A_636 : i32
      %mul3A_638 = arith.constant 16 : i32
      %mul3A_639 = vector.broadcast %mul3A_638 : i32 to vector<16xi32>
      %mul3A_640 = arith.muli %shift_right_arithmetic3A_620, %mul3A_639 : vector<16xi32>
      %add3A_641 = arith.addi %mul3A_640, %iota3A : vector<16xi32>
      %gather3A_642 = tpu.vector_load_idx %arg8[%add3A_641] : memref<896xi32, #tpu.memory_space<vmem>>[vector<16xi32>], vector<16xi32>,
      tpu.vector_store_idx %arg6[%gather3A_642], %add3A_632 : memref<15488xi32, #tpu.memory_space<vmem>>[vector<16xi32>], vector<16xi32>,
      %broadcast_in_dim3A_643 = vector.broadcast %add3A_637 : i32 to vector<16xi32>
      tpu.vector_store_idx %arg7[%gather3A_642], %broadcast_in_dim3A_643 : memref<15488xi32, #tpu.memory_space<vmem>>[vector<16xi32>], vector<16xi32>,
      %add3A_644 = arith.constant 1 : i32
      %add3A_645 = vector.broadcast %add3A_644 : i32 to vector<16xi32>
      %add3A_646 = arith.addi %gather3A_642, %add3A_645 : vector<16xi32>
      tpu.vector_store_idx %arg8[%add3A_641], %add3A_646 : memref<896xi32, #tpu.memory_space<vmem>>[vector<16xi32>], vector<16xi32>,
      %get3A_647 = arith.index_cast %scan3A_166 : i32 to index
      %get3A_648 = arith.constant 240 : index
      %get3A_649 = tpu.vector_load %arg5[%get3A_647, %get3A_648] {strides = array<i32>} : memref<32x288xi32, #tpu.memory_space<vmem>>, vector<16xi32>,
      %shift_right_arithmetic3A_650 = arith.constant 11 : i32
      %shift_right_arithmetic3A_651 = vector.broadcast %shift_right_arithmetic3A_650 : i32 to vector<16xi32>
      %shift_right_arithmetic3A_652 = arith.shrsi %get3A_649, %shift_right_arithmetic3A_651 : vector<16xi32>
      %and3A_653 = arith.constant 2047 : i32
      %and3A_654 = vector.broadcast %and3A_653 : i32 to vector<16xi32>
      %and3A_655 = arith.andi %get3A_649, %and3A_654 : vector<16xi32>
      %eq3A_656 = arith.constant 48 : i32
      %eq3A_657 = vector.broadcast %eq3A_656 : i32 to vector<16xi32>
      %eq3A_658 = arith.cmpi eq, %shift_right_arithmetic3A_652, %eq3A_657 : vector<16xi32>
      %jit3A_659 = arith.constant 352 : i32
      %jit3A_660 = arith.constant 0 : i32
      %broadcast_in_dim3A_661 = vector.broadcast %jit3A_659 : i32 to vector<16xi32>
      %broadcast_in_dim3A_662 = vector.broadcast %jit3A_660 : i32 to vector<16xi32>
      %select_n3A_663 = arith.select %eq3A_658, %broadcast_in_dim3A_661, %broadcast_in_dim3A_662 : vector<16xi1>, vector<16xi32>
      %add3A_664 = arith.addi %and3A_655, %select_n3A_663 : vector<16xi32>
      %mul3A_665 = arith.constant 4 : i32
      %mul3A_666 = arith.muli %scan3A_166, %mul3A_665 : i32
      %add3A_667 = arith.addi %mul3A_23, %mul3A_666 : i32
      %add3A_668 = arith.constant 0 : i32
      %add3A_669 = arith.addi %add3A_667, %add3A_668 : i32
      %mul3A_670 = arith.constant 16 : i32
      %mul3A_671 = vector.broadcast %mul3A_670 : i32 to vector<16xi32>
      %mul3A_672 = arith.muli %shift_right_arithmetic3A_652, %mul3A_671 : vector<16xi32>
      %add3A_673 = arith.addi %mul3A_672, %iota3A : vector<16xi32>
      %gather3A_674 = tpu.vector_load_idx %arg8[%add3A_673] : memref<896xi32, #tpu.memory_space<vmem>>[vector<16xi32>], vector<16xi32>,
      tpu.vector_store_idx %arg6[%gather3A_674], %add3A_664 : memref<15488xi32, #tpu.memory_space<vmem>>[vector<16xi32>], vector<16xi32>,
      %broadcast_in_dim3A_675 = vector.broadcast %add3A_669 : i32 to vector<16xi32>
      tpu.vector_store_idx %arg7[%gather3A_674], %broadcast_in_dim3A_675 : memref<15488xi32, #tpu.memory_space<vmem>>[vector<16xi32>], vector<16xi32>,
      %add3A_676 = arith.constant 1 : i32
      %add3A_677 = vector.broadcast %add3A_676 : i32 to vector<16xi32>
      %add3A_678 = arith.addi %gather3A_674, %add3A_677 : vector<16xi32>
      tpu.vector_store_idx %arg8[%add3A_673], %add3A_678 : memref<896xi32, #tpu.memory_space<vmem>>[vector<16xi32>], vector<16xi32>,
      %get3A_679 = arith.index_cast %scan3A_166 : i32 to index
      %get3A_680 = arith.constant 256 : index
      %get3A_681 = tpu.vector_load %arg5[%get3A_679, %get3A_680] {strides = array<i32>} : memref<32x288xi32, #tpu.memory_space<vmem>>, vector<16xi32>,
      %shift_right_arithmetic3A_682 = arith.constant 11 : i32
      %shift_right_arithmetic3A_683 = vector.broadcast %shift_right_arithmetic3A_682 : i32 to vector<16xi32>
      %shift_right_arithmetic3A_684 = arith.shrsi %get3A_681, %shift_right_arithmetic3A_683 : vector<16xi32>
      %and3A_685 = arith.constant 2047 : i32
      %and3A_686 = vector.broadcast %and3A_685 : i32 to vector<16xi32>
      %and3A_687 = arith.andi %get3A_681, %and3A_686 : vector<16xi32>
      %eq3A_688 = arith.constant 48 : i32
      %eq3A_689 = vector.broadcast %eq3A_688 : i32 to vector<16xi32>
      %eq3A_690 = arith.cmpi eq, %shift_right_arithmetic3A_684, %eq3A_689 : vector<16xi32>
      %jit3A_691 = arith.constant 352 : i32
      %jit3A_692 = arith.constant 0 : i32
      %broadcast_in_dim3A_693 = vector.broadcast %jit3A_691 : i32 to vector<16xi32>
      %broadcast_in_dim3A_694 = vector.broadcast %jit3A_692 : i32 to vector<16xi32>
      %select_n3A_695 = arith.select %eq3A_690, %broadcast_in_dim3A_693, %broadcast_in_dim3A_694 : vector<16xi1>, vector<16xi32>
      %add3A_696 = arith.addi %and3A_687, %select_n3A_695 : vector<16xi32>
      %mul3A_697 = arith.constant 4 : i32
      %mul3A_698 = arith.muli %scan3A_166, %mul3A_697 : i32
      %add3A_699 = arith.addi %mul3A_23, %mul3A_698 : i32
      %add3A_700 = arith.constant 1 : i32
      %add3A_701 = arith.addi %add3A_699, %add3A_700 : i32
      %mul3A_702 = arith.constant 16 : i32
      %mul3A_703 = vector.broadcast %mul3A_702 : i32 to vector<16xi32>
      %mul3A_704 = arith.muli %shift_right_arithmetic3A_684, %mul3A_703 : vector<16xi32>
      %add3A_705 = arith.addi %mul3A_704, %iota3A : vector<16xi32>
      %gather3A_706 = tpu.vector_load_idx %arg8[%add3A_705] : memref<896xi32, #tpu.memory_space<vmem>>[vector<16xi32>], vector<16xi32>,
      tpu.vector_store_idx %arg6[%gather3A_706], %add3A_696 : memref<15488xi32, #tpu.memory_space<vmem>>[vector<16xi32>], vector<16xi32>,
      %broadcast_in_dim3A_707 = vector.broadcast %add3A_701 : i32 to vector<16xi32>
      tpu.vector_store_idx %arg7[%gather3A_706], %broadcast_in_dim3A_707 : memref<15488xi32, #tpu.memory_space<vmem>>[vector<16xi32>], vector<16xi32>,
      %add3A_708 = arith.constant 1 : i32
      %add3A_709 = vector.broadcast %add3A_708 : i32 to vector<16xi32>
      %add3A_710 = arith.addi %gather3A_706, %add3A_709 : vector<16xi32>
      tpu.vector_store_idx %arg8[%add3A_705], %add3A_710 : memref<896xi32, #tpu.memory_space<vmem>>[vector<16xi32>], vector<16xi32>,
      %get3A_711 = arith.index_cast %scan3A_166 : i32 to index
      %get3A_712 = arith.constant 272 : index
      %get3A_713 = tpu.vector_load %arg5[%get3A_711, %get3A_712] {strides = array<i32>} : memref<32x288xi32, #tpu.memory_space<vmem>>, vector<16xi32>,
      %shift_right_arithmetic3A_714 = arith.constant 11 : i32
      %shift_right_arithmetic3A_715 = vector.broadcast %shift_right_arithmetic3A_714 : i32 to vector<16xi32>
      %shift_right_arithmetic3A_716 = arith.shrsi %get3A_713, %shift_right_arithmetic3A_715 : vector<16xi32>
      %and3A_717 = arith.constant 2047 : i32
      %and3A_718 = vector.broadcast %and3A_717 : i32 to vector<16xi32>
      %and3A_719 = arith.andi %get3A_713, %and3A_718 : vector<16xi32>
      %eq3A_720 = arith.constant 48 : i32
      %eq3A_721 = vector.broadcast %eq3A_720 : i32 to vector<16xi32>
      %eq3A_722 = arith.cmpi eq, %shift_right_arithmetic3A_716, %eq3A_721 : vector<16xi32>
      %jit3A_723 = arith.constant 352 : i32
      %jit3A_724 = arith.constant 0 : i32
      %broadcast_in_dim3A_725 = vector.broadcast %jit3A_723 : i32 to vector<16xi32>
      %broadcast_in_dim3A_726 = vector.broadcast %jit3A_724 : i32 to vector<16xi32>
      %select_n3A_727 = arith.select %eq3A_722, %broadcast_in_dim3A_725, %broadcast_in_dim3A_726 : vector<16xi1>, vector<16xi32>
      %add3A_728 = arith.addi %and3A_719, %select_n3A_727 : vector<16xi32>
      %mul3A_729 = arith.constant 4 : i32
      %mul3A_730 = arith.muli %scan3A_166, %mul3A_729 : i32
      %add3A_731 = arith.addi %mul3A_23, %mul3A_730 : i32
      %add3A_732 = vector.broadcast %add3A_731 : i32 to vector<16xi32>
      %add3A_733 = arith.addi %add3A_732, %select_n3A : vector<16xi32>
      %mul3A_734 = arith.constant 16 : i32
      %mul3A_735 = vector.broadcast %mul3A_734 : i32 to vector<16xi32>
      %mul3A_736 = arith.muli %shift_right_arithmetic3A_716, %mul3A_735 : vector<16xi32>
      %add3A_737 = arith.addi %mul3A_736, %iota3A : vector<16xi32>
      %gather3A_738 = tpu.vector_load_idx %arg8[%add3A_737] : memref<896xi32, #tpu.memory_space<vmem>>[vector<16xi32>], vector<16xi32>,
      tpu.vector_store_idx %arg6[%gather3A_738], %add3A_728 masked %lt3A_45 : memref<15488xi32, #tpu.memory_space<vmem>>[vector<16xi32>], vector<16xi32>, vector<16xi1>
      tpu.vector_store_idx %arg7[%gather3A_738], %add3A_733 masked %lt3A_45 : memref<15488xi32, #tpu.memory_space<vmem>>[vector<16xi32>], vector<16xi32>, vector<16xi1>
      %add3A_739 = arith.constant 1 : i32
      %add3A_740 = vector.broadcast %add3A_739 : i32 to vector<16xi32>
      %add3A_741 = arith.addi %gather3A_738, %add3A_740 : vector<16xi32>
      tpu.vector_store_idx %arg8[%add3A_737], %add3A_741 masked %lt3A_45 : memref<896xi32, #tpu.memory_space<vmem>>[vector<16xi32>], vector<16xi32>, vector<16xi1>
      %scan3A_742 = arith.constant 0 : i32
      scf.yield %scan3A_742 : i32
    }
    %scan3A_74 = arith.constant 32 : i32
    %scan3A_75 = arith.constant 0 : i32
    %scan3A_76 = arith.constant 0 : i32
    %scan3A_77 = arith.constant 24 : i32
    %scan3A_78 = arith.addi %scan3A_76, %scan3A_77 : i32
    %scan3A_79 = arith.constant 1 : i32
    %scan3A_80 = scf.for %scan3A_166 = %scan3A_76 to %scan3A_78 step %scan3A_79 iter_args(%scan3A_167 = %scan3A_75) -> (i32)  : i32 {
      %mul3A_168 = arith.constant 2 : i32
      %mul3A_169 = arith.muli %mul3A_168, %scan3A_166 : i32
      %dma_wait3A_170 = arith.constant 0 : i32
      %dma_wait3A_171 = arith.constant 0 : i32
      %dma_wait3A_172 = tpu.memref_slice %arg13[%dma_wait3A_170, %multiple_of3A, %dma_wait3A_171] : memref<2x2048x128xf32, #tpu.memory_space<vmem_shared>> -> memref<1x128x128xf32, #tpu.memory_space<vmem_shared>>
      %dma_wait3A_173 = tpu.memref_squeeze %dma_wait3A_172 : memref<1x128x128xf32, #tpu.memory_space<vmem_shared>> -> memref<128x128xf32, #tpu.memory_space<vmem_shared>>
      %dma_wait3A_174 = arith.constant 0 : i32
      %dma_wait3A_175 = arith.constant 0 : i32
      %dma_wait3A_176 = tpu.memref_slice %arg2[%dma_wait3A_174, %dma_wait3A_175] : memref<100001x128xf32, #tpu.memory_space<hbm>> -> memref<128x128xf32, #tpu.memory_space<hbm>>
      tpu.wait_dma2 semaphore(%arg15 : memref<!tpu.dma_semaphore, #tpu.memory_space<semaphore_mem>>) src(%dma_wait3A_176 : memref<128x128xf32, #tpu.memory_space<hbm>>) dst(%dma_wait3A_173 : memref<128x128xf32, #tpu.memory_space<vmem_shared>>)
      %barrier3A_177 = arith.constant 0 : index
      tpu.barrier barrier_id(%barrier3A_177)
      %eq3A_178 = arith.constant 47 : i32
      %eq3A_179 = arith.cmpi eq, %mul3A_169, %eq3A_178 : i32
      %add3A_180 = arith.constant 1 : i32
      %add3A_181 = arith.addi %mul3A_169, %add3A_180 : i32
      %mul3A_182 = arith.constant 2048 : i32
      %mul3A_183 = arith.muli %add3A_181, %mul3A_182 : i32
      %jit3A_184 = arith.constant 97952 : i32
      %select_n3A_185 = arith.select %eq3A_179, %jit3A_184, %mul3A_183 : i32
      %add3A_186 = arith.addi %select_n3A_185, %multiple_of3A : i32
      %multiple_of3A_187 = tpu.assume_multiple %add3A_186, 8 : i32
      %dma_start3A_188 = arith.constant 1 : i32
      %dma_start3A_189 = arith.constant 0 : i32
      %dma_start3A_190 = tpu.memref_slice %arg13[%dma_start3A_188, %multiple_of3A, %dma_start3A_189] : memref<2x2048x128xf32, #tpu.memory_space<vmem_shared>> -> memref<1x128x128xf32, #tpu.memory_space<vmem_shared>>
      %dma_start3A_191 = tpu.memref_squeeze %dma_start3A_190 : memref<1x128x128xf32, #tpu.memory_space<vmem_shared>> -> memref<128x128xf32, #tpu.memory_space<vmem_shared>>
      %dma_start3A_192 = arith.constant 0 : i32
      %dma_start3A_193 = tpu.memref_slice %arg2[%multiple_of3A_187, %dma_start3A_192] : memref<100001x128xf32, #tpu.memory_space<hbm>> -> memref<128x128xf32, #tpu.memory_space<hbm>>
      tpu.enqueue_dma source(%dma_start3A_193 : memref<128x128xf32, #tpu.memory_space<hbm>>) target(%dma_start3A_191 : memref<128x128xf32, #tpu.memory_space<vmem_shared>>) target_semaphore(%arg16 : memref<!tpu.dma_semaphore, #tpu.memory_space<semaphore_mem>>)
      %get3A_194 = arith.index_cast %mul3A_169 : i32 to index
      %get3A_195 = memref.load %arg14[%get3A_194] : memref<56xi32, #tpu.memory_space<smem>>
      %add3A_196 = arith.constant 1 : i32
      %add3A_197 = arith.addi %mul3A_169, %add3A_196 : i32
      %get3A_198 = arith.index_cast %add3A_197 : i32 to index
      %get3A_199 = memref.load %arg14[%get3A_198] : memref<56xi32, #tpu.memory_space<smem>>
      %sub3A_200 = arith.subi %get3A_199, %get3A_195 : i32
      %shift_right_arithmetic3A_201 = arith.constant 6 : i32
      %shift_right_arithmetic3A_202 = arith.shrsi %sub3A_200, %shift_right_arithmetic3A_201 : i32
      %sub3A_203 = arith.subi %get3A_199, %get3A_195 : i32
      %shift_left3A_204 = arith.constant 6 : i32
      %shift_left3A_205 = arith.shli %shift_right_arithmetic3A_202, %shift_left3A_204 : i32
      %sub3A_206 = arith.subi %sub3A_203, %shift_left3A_205 : i32
      %shift_right_arithmetic3A_207 = arith.constant 1 : i32
      %shift_right_arithmetic3A_208 = arith.shrsi %shift_right_arithmetic3A_202, %shift_right_arithmetic3A_207 : i32
      %while3A_209 = arith.constant 0 : i32
      %while3A_210 = arith.constant 0 : i32
      %while3A_211 = arith.constant 0 : i32
      %while3A_212 = arith.subi %shift_right_arithmetic3A_208, %while3A_210 : i32
      %while3A_213 = arith.addi %while3A_210, %while3A_212 : i32
      %while3A_214 = arith.constant 1 : i32
      %while3A_215 = arith.divsi %while3A_212, %while3A_214 : i32
      %while3A_216 = arith.muli %while3A_215, %while3A_214 : i32
      %while3A_217 = arith.addi %while3A_210, %while3A_216 : i32
      %while3A_218 = arith.constant 1 : i32
      %while3A_219 = scf.for %while3A_368 = %while3A_210 to %while3A_217 step %while3A_218 iter_args(%while3A_369 = %while3A_211) -> (i32)  : i32 {
        %mul3A_370 = arith.constant 2 : i32
        %mul3A_371 = arith.muli %while3A_368, %mul3A_370 : i32
        %mul3A_372 = arith.constant 64 : i32
        %mul3A_373 = arith.muli %mul3A_371, %mul3A_372 : i32
        %add3A_374 = arith.addi %get3A_195, %mul3A_373 : i32
        %multiple_of3A_375 = tpu.assume_multiple %add3A_374, 64 : i32
        %mul3A_376 = arith.constant 2 : i32
        %mul3A_377 = arith.muli %while3A_368, %mul3A_376 : i32
        %mul3A_378 = arith.constant 64 : i32
        %mul3A_379 = arith.muli %mul3A_377, %mul3A_378 : i32
        %add3A_380 = arith.addi %get3A_195, %mul3A_379 : i32
        %add3A_381 = arith.constant 64 : i32
        %add3A_382 = arith.addi %add3A_380, %add3A_381 : i32
        %multiple_of3A_383 = tpu.assume_multiple %add3A_382, 64 : i32
        %dma_start3A_384 = tpu.memref_slice %arg6[%multiple_of3A_375] : memref<15488xi32, #tpu.memory_space<vmem>> -> memref<64xi32, #tpu.memory_space<vmem>>
        %dma_start3A_385 = arith.constant 0 : i32
        %dma_start3A_386 = arith.constant 0 : i32
        %dma_start3A_387 = tpu.memref_slice %arg13[%while3A_209, %dma_start3A_385, %dma_start3A_386] : memref<2x2048x128xf32, #tpu.memory_space<vmem_shared>> -> memref<1x2048x128xf32, #tpu.memory_space<vmem_shared>>
        %dma_start3A_388 = tpu.memref_squeeze %dma_start3A_387 : memref<1x2048x128xf32, #tpu.memory_space<vmem_shared>> -> memref<2048x128xf32, #tpu.memory_space<vmem_shared>>
        %dma_start3A_389 = arith.constant 0 : i32
        %dma_start3A_390 = arith.constant 0 : i32
        %dma_start3A_391 = tpu.memref_slice %dma_start3A_388[%dma_start3A_389, %dma_start3A_390] : memref<2048x128xf32, #tpu.memory_space<vmem_shared>> -> memref<2048x128xf32, #tpu.memory_space<vmem_shared>>
        tpu.enqueue_indirect_dma source(%dma_start3A_391 : memref<2048x128xf32, #tpu.memory_space<vmem_shared>>) target(%arg9 : memref<64x128xf32, #tpu.memory_space<vmem>>) offsets(%dma_start3A_384 : memref<64xi32, #tpu.memory_space<vmem>>) semaphore(%arg17 : memref<!tpu.dma_semaphore, #tpu.memory_space<semaphore_mem>>)
        %dma_start3A_392 = tpu.memref_slice %arg6[%multiple_of3A_383] : memref<15488xi32, #tpu.memory_space<vmem>> -> memref<64xi32, #tpu.memory_space<vmem>>
        %dma_start3A_393 = arith.constant 0 : i32
        %dma_start3A_394 = arith.constant 0 : i32
        %dma_start3A_395 = tpu.memref_slice %arg13[%while3A_209, %dma_start3A_393, %dma_start3A_394] : memref<2x2048x128xf32, #tpu.memory_space<vmem_shared>> -> memref<1x2048x128xf32, #tpu.memory_space<vmem_shared>>
        %dma_start3A_396 = tpu.memref_squeeze %dma_start3A_395 : memref<1x2048x128xf32, #tpu.memory_space<vmem_shared>> -> memref<2048x128xf32, #tpu.memory_space<vmem_shared>>
        %dma_start3A_397 = arith.constant 0 : i32
        %dma_start3A_398 = arith.constant 0 : i32
        %dma_start3A_399 = tpu.memref_slice %dma_start3A_396[%dma_start3A_397, %dma_start3A_398] : memref<2048x128xf32, #tpu.memory_space<vmem_shared>> -> memref<2048x128xf32, #tpu.memory_space<vmem_shared>>
        tpu.enqueue_indirect_dma source(%dma_start3A_399 : memref<2048x128xf32, #tpu.memory_space<vmem_shared>>) target(%arg10 : memref<64x128xf32, #tpu.memory_space<vmem>>) offsets(%dma_start3A_392 : memref<64xi32, #tpu.memory_space<vmem>>) semaphore(%arg17 : memref<!tpu.dma_semaphore, #tpu.memory_space<semaphore_mem>>)
        %dma_wait3A_400 = tpu.memref_slice %arg6[%multiple_of3A_375] : memref<15488xi32, #tpu.memory_space<vmem>> -> memref<64xi32, #tpu.memory_space<vmem>>
        %dma_wait3A_401 = arith.constant 0 : i32
        %dma_wait3A_402 = arith.constant 0 : i32
        %dma_wait3A_403 = tpu.memref_slice %arg13[%while3A_209, %dma_wait3A_401, %dma_wait3A_402] : memref<2x2048x128xf32, #tpu.memory_space<vmem_shared>> -> memref<1x2048x128xf32, #tpu.memory_space<vmem_shared>>
        %dma_wait3A_404 = tpu.memref_squeeze %dma_wait3A_403 : memref<1x2048x128xf32, #tpu.memory_space<vmem_shared>> -> memref<2048x128xf32, #tpu.memory_space<vmem_shared>>
        %dma_wait3A_405 = arith.constant 0 : i32
        %dma_wait3A_406 = arith.constant 0 : i32
        %dma_wait3A_407 = tpu.memref_slice %dma_wait3A_404[%dma_wait3A_405, %dma_wait3A_406] : memref<2048x128xf32, #tpu.memory_space<vmem_shared>> -> memref<2048x128xf32, #tpu.memory_space<vmem_shared>>
        tpu.wait_indirect_dma semaphore(%arg17 : memref<!tpu.dma_semaphore, #tpu.memory_space<semaphore_mem>>) src(%dma_wait3A_407 : memref<2048x128xf32, #tpu.memory_space<vmem_shared>>) dst(%arg9 : memref<64x128xf32, #tpu.memory_space<vmem>>)
        %dma_start3A_408 = tpu.memref_slice %arg7[%multiple_of3A_375] : memref<15488xi32, #tpu.memory_space<vmem>> -> memref<64xi32, #tpu.memory_space<vmem>>
        %dma_start3A_409 = arith.constant 0 : i32
        %dma_start3A_410 = arith.constant 0 : i32
        %dma_start3A_411 = tpu.memref_slice %arg11[%dma_start3A_409, %dma_start3A_410] : memref<2048x128xf32, #tpu.memory_space<vmem_shared>> -> memref<2048x128xf32, #tpu.memory_space<vmem_shared>>
        tpu.enqueue_indirect_dma source(%arg9 : memref<64x128xf32, #tpu.memory_space<vmem>>) target(%dma_start3A_411 : memref<2048x128xf32, #tpu.memory_space<vmem_shared>>) offsets(%dma_start3A_408 : memref<64xi32, #tpu.memory_space<vmem>>) semaphore(%arg18 : memref<!tpu.dma_semaphore, #tpu.memory_space<semaphore_mem>>) {add = true}
        %dma_wait3A_412 = tpu.memref_slice %arg6[%multiple_of3A_383] : memref<15488xi32, #tpu.memory_space<vmem>> -> memref<64xi32, #tpu.memory_space<vmem>>
        %dma_wait3A_413 = arith.constant 0 : i32
        %dma_wait3A_414 = arith.constant 0 : i32
        %dma_wait3A_415 = tpu.memref_slice %arg13[%while3A_209, %dma_wait3A_413, %dma_wait3A_414] : memref<2x2048x128xf32, #tpu.memory_space<vmem_shared>> -> memref<1x2048x128xf32, #tpu.memory_space<vmem_shared>>
        %dma_wait3A_416 = tpu.memref_squeeze %dma_wait3A_415 : memref<1x2048x128xf32, #tpu.memory_space<vmem_shared>> -> memref<2048x128xf32, #tpu.memory_space<vmem_shared>>
        %dma_wait3A_417 = arith.constant 0 : i32
        %dma_wait3A_418 = arith.constant 0 : i32
        %dma_wait3A_419 = tpu.memref_slice %dma_wait3A_416[%dma_wait3A_417, %dma_wait3A_418] : memref<2048x128xf32, #tpu.memory_space<vmem_shared>> -> memref<2048x128xf32, #tpu.memory_space<vmem_shared>>
        tpu.wait_indirect_dma semaphore(%arg17 : memref<!tpu.dma_semaphore, #tpu.memory_space<semaphore_mem>>) src(%dma_wait3A_419 : memref<2048x128xf32, #tpu.memory_space<vmem_shared>>) dst(%arg10 : memref<64x128xf32, #tpu.memory_space<vmem>>)
        %dma_start3A_420 = tpu.memref_slice %arg7[%multiple_of3A_383] : memref<15488xi32, #tpu.memory_space<vmem>> -> memref<64xi32, #tpu.memory_space<vmem>>
        %dma_start3A_421 = arith.constant 0 : i32
        %dma_start3A_422 = arith.constant 0 : i32
        %dma_start3A_423 = tpu.memref_slice %arg11[%dma_start3A_421, %dma_start3A_422] : memref<2048x128xf32, #tpu.memory_space<vmem_shared>> -> memref<2048x128xf32, #tpu.memory_space<vmem_shared>>
        tpu.enqueue_indirect_dma source(%arg10 : memref<64x128xf32, #tpu.memory_space<vmem>>) target(%dma_start3A_423 : memref<2048x128xf32, #tpu.memory_space<vmem_shared>>) offsets(%dma_start3A_420 : memref<64xi32, #tpu.memory_space<vmem>>) semaphore(%arg18 : memref<!tpu.dma_semaphore, #tpu.memory_space<semaphore_mem>>) {add = true}
        %dma_wait3A_424 = arith.constant 0 : i32
        %dma_wait3A_425 = arith.constant 0 : i32
        %dma_wait3A_426 = tpu.memref_slice %arg2[%dma_wait3A_424, %dma_wait3A_425] : memref<100001x128xf32, #tpu.memory_space<hbm>> -> memref<64x128xf32, #tpu.memory_space<hbm>>
        %dma_wait3A_427 = arith.constant 0 : i32
        %dma_wait3A_428 = arith.constant 0 : i32
        %dma_wait3A_429 = tpu.memref_slice %arg2[%dma_wait3A_427, %dma_wait3A_428] : memref<100001x128xf32, #tpu.memory_space<hbm>> -> memref<64x128xf32, #tpu.memory_space<hbm>>
        tpu.wait_dma2 semaphore(%arg18 : memref<!tpu.dma_semaphore, #tpu.memory_space<semaphore_mem>>) src(%dma_wait3A_429 : memref<64x128xf32, #tpu.memory_space<hbm>>) dst(%arg9 : memref<64x128xf32, #tpu.memory_space<vmem>>)
        %dma_wait3A_430 = arith.constant 0 : i32
        %dma_wait3A_431 = arith.constant 0 : i32
        %dma_wait3A_432 = tpu.memref_slice %arg2[%dma_wait3A_430, %dma_wait3A_431] : memref<100001x128xf32, #tpu.memory_space<hbm>> -> memref<64x128xf32, #tpu.memory_space<hbm>>
        %dma_wait3A_433 = arith.constant 0 : i32
        %dma_wait3A_434 = arith.constant 0 : i32
        %dma_wait3A_435 = tpu.memref_slice %arg2[%dma_wait3A_433, %dma_wait3A_434] : memref<100001x128xf32, #tpu.memory_space<hbm>> -> memref<64x128xf32, #tpu.memory_space<hbm>>
        tpu.wait_dma2 semaphore(%arg18 : memref<!tpu.dma_semaphore, #tpu.memory_space<semaphore_mem>>) src(%dma_wait3A_435 : memref<64x128xf32, #tpu.memory_space<hbm>>) dst(%arg10 : memref<64x128xf32, #tpu.memory_space<vmem>>)
        %while3A_436 = arith.constant 0 : i32
        scf.yield %while3A_436 : i32
      }
      %while3A_220 = arith.constant 1 : i32
      %while3A_221 = scf.for %while3A_368 = %while3A_217 to %while3A_213 step %while3A_220 iter_args(%while3A_369 = %while3A_219) -> (i32)  : i32 {
        %mul3A_370 = arith.constant 2 : i32
        %mul3A_371 = arith.muli %while3A_368, %mul3A_370 : i32
        %mul3A_372 = arith.constant 64 : i32
        %mul3A_373 = arith.muli %mul3A_371, %mul3A_372 : i32
        %add3A_374 = arith.addi %get3A_195, %mul3A_373 : i32
        %multiple_of3A_375 = tpu.assume_multiple %add3A_374, 64 : i32
        %mul3A_376 = arith.constant 2 : i32
        %mul3A_377 = arith.muli %while3A_368, %mul3A_376 : i32
        %mul3A_378 = arith.constant 64 : i32
        %mul3A_379 = arith.muli %mul3A_377, %mul3A_378 : i32
        %add3A_380 = arith.addi %get3A_195, %mul3A_379 : i32
        %add3A_381 = arith.constant 64 : i32
        %add3A_382 = arith.addi %add3A_380, %add3A_381 : i32
        %multiple_of3A_383 = tpu.assume_multiple %add3A_382, 64 : i32
        %dma_start3A_384 = tpu.memref_slice %arg6[%multiple_of3A_375] : memref<15488xi32, #tpu.memory_space<vmem>> -> memref<64xi32, #tpu.memory_space<vmem>>
        %dma_start3A_385 = arith.constant 0 : i32
        %dma_start3A_386 = arith.constant 0 : i32
        %dma_start3A_387 = tpu.memref_slice %arg13[%while3A_209, %dma_start3A_385, %dma_start3A_386] : memref<2x2048x128xf32, #tpu.memory_space<vmem_shared>> -> memref<1x2048x128xf32, #tpu.memory_space<vmem_shared>>
        %dma_start3A_388 = tpu.memref_squeeze %dma_start3A_387 : memref<1x2048x128xf32, #tpu.memory_space<vmem_shared>> -> memref<2048x128xf32, #tpu.memory_space<vmem_shared>>
        %dma_start3A_389 = arith.constant 0 : i32
        %dma_start3A_390 = arith.constant 0 : i32
        %dma_start3A_391 = tpu.memref_slice %dma_start3A_388[%dma_start3A_389, %dma_start3A_390] : memref<2048x128xf32, #tpu.memory_space<vmem_shared>> -> memref<2048x128xf32, #tpu.memory_space<vmem_shared>>
        tpu.enqueue_indirect_dma source(%dma_start3A_391 : memref<2048x128xf32, #tpu.memory_space<vmem_shared>>) target(%arg9 : memref<64x128xf32, #tpu.memory_space<vmem>>) offsets(%dma_start3A_384 : memref<64xi32, #tpu.memory_space<vmem>>) semaphore(%arg17 : memref<!tpu.dma_semaphore, #tpu.memory_space<semaphore_mem>>)
        %dma_start3A_392 = tpu.memref_slice %arg6[%multiple_of3A_383] : memref<15488xi32, #tpu.memory_space<vmem>> -> memref<64xi32, #tpu.memory_space<vmem>>
        %dma_start3A_393 = arith.constant 0 : i32
        %dma_start3A_394 = arith.constant 0 : i32
        %dma_start3A_395 = tpu.memref_slice %arg13[%while3A_209, %dma_start3A_393, %dma_start3A_394] : memref<2x2048x128xf32, #tpu.memory_space<vmem_shared>> -> memref<1x2048x128xf32, #tpu.memory_space<vmem_shared>>
        %dma_start3A_396 = tpu.memref_squeeze %dma_start3A_395 : memref<1x2048x128xf32, #tpu.memory_space<vmem_shared>> -> memref<2048x128xf32, #tpu.memory_space<vmem_shared>>
        %dma_start3A_397 = arith.constant 0 : i32
        %dma_start3A_398 = arith.constant 0 : i32
        %dma_start3A_399 = tpu.memref_slice %dma_start3A_396[%dma_start3A_397, %dma_start3A_398] : memref<2048x128xf32, #tpu.memory_space<vmem_shared>> -> memref<2048x128xf32, #tpu.memory_space<vmem_shared>>
        tpu.enqueue_indirect_dma source(%dma_start3A_399 : memref<2048x128xf32, #tpu.memory_space<vmem_shared>>) target(%arg10 : memref<64x128xf32, #tpu.memory_space<vmem>>) offsets(%dma_start3A_392 : memref<64xi32, #tpu.memory_space<vmem>>) semaphore(%arg17 : memref<!tpu.dma_semaphore, #tpu.memory_space<semaphore_mem>>)
        %dma_wait3A_400 = tpu.memref_slice %arg6[%multiple_of3A_375] : memref<15488xi32, #tpu.memory_space<vmem>> -> memref<64xi32, #tpu.memory_space<vmem>>
        %dma_wait3A_401 = arith.constant 0 : i32
        %dma_wait3A_402 = arith.constant 0 : i32
        %dma_wait3A_403 = tpu.memref_slice %arg13[%while3A_209, %dma_wait3A_401, %dma_wait3A_402] : memref<2x2048x128xf32, #tpu.memory_space<vmem_shared>> -> memref<1x2048x128xf32, #tpu.memory_space<vmem_shared>>
        %dma_wait3A_404 = tpu.memref_squeeze %dma_wait3A_403 : memref<1x2048x128xf32, #tpu.memory_space<vmem_shared>> -> memref<2048x128xf32, #tpu.memory_space<vmem_shared>>
        %dma_wait3A_405 = arith.constant 0 : i32
        %dma_wait3A_406 = arith.constant 0 : i32
        %dma_wait3A_407 = tpu.memref_slice %dma_wait3A_404[%dma_wait3A_405, %dma_wait3A_406] : memref<2048x128xf32, #tpu.memory_space<vmem_shared>> -> memref<2048x128xf32, #tpu.memory_space<vmem_shared>>
        tpu.wait_indirect_dma semaphore(%arg17 : memref<!tpu.dma_semaphore, #tpu.memory_space<semaphore_mem>>) src(%dma_wait3A_407 : memref<2048x128xf32, #tpu.memory_space<vmem_shared>>) dst(%arg9 : memref<64x128xf32, #tpu.memory_space<vmem>>)
        %dma_start3A_408 = tpu.memref_slice %arg7[%multiple_of3A_375] : memref<15488xi32, #tpu.memory_space<vmem>> -> memref<64xi32, #tpu.memory_space<vmem>>
        %dma_start3A_409 = arith.constant 0 : i32
        %dma_start3A_410 = arith.constant 0 : i32
        %dma_start3A_411 = tpu.memref_slice %arg11[%dma_start3A_409, %dma_start3A_410] : memref<2048x128xf32, #tpu.memory_space<vmem_shared>> -> memref<2048x128xf32, #tpu.memory_space<vmem_shared>>
        tpu.enqueue_indirect_dma source(%arg9 : memref<64x128xf32, #tpu.memory_space<vmem>>) target(%dma_start3A_411 : memref<2048x128xf32, #tpu.memory_space<vmem_shared>>) offsets(%dma_start3A_408 : memref<64xi32, #tpu.memory_space<vmem>>) semaphore(%arg18 : memref<!tpu.dma_semaphore, #tpu.memory_space<semaphore_mem>>) {add = true}
        %dma_wait3A_412 = tpu.memref_slice %arg6[%multiple_of3A_383] : memref<15488xi32, #tpu.memory_space<vmem>> -> memref<64xi32, #tpu.memory_space<vmem>>
        %dma_wait3A_413 = arith.constant 0 : i32
        %dma_wait3A_414 = arith.constant 0 : i32
        %dma_wait3A_415 = tpu.memref_slice %arg13[%while3A_209, %dma_wait3A_413, %dma_wait3A_414] : memref<2x2048x128xf32, #tpu.memory_space<vmem_shared>> -> memref<1x2048x128xf32, #tpu.memory_space<vmem_shared>>
        %dma_wait3A_416 = tpu.memref_squeeze %dma_wait3A_415 : memref<1x2048x128xf32, #tpu.memory_space<vmem_shared>> -> memref<2048x128xf32, #tpu.memory_space<vmem_shared>>
        %dma_wait3A_417 = arith.constant 0 : i32
        %dma_wait3A_418 = arith.constant 0 : i32
        %dma_wait3A_419 = tpu.memref_slice %dma_wait3A_416[%dma_wait3A_417, %dma_wait3A_418] : memref<2048x128xf32, #tpu.memory_space<vmem_shared>> -> memref<2048x128xf32, #tpu.memory_space<vmem_shared>>
        tpu.wait_indirect_dma semaphore(%arg17 : memref<!tpu.dma_semaphore, #tpu.memory_space<semaphore_mem>>) src(%dma_wait3A_419 : memref<2048x128xf32, #tpu.memory_space<vmem_shared>>) dst(%arg10 : memref<64x128xf32, #tpu.memory_space<vmem>>)
        %dma_start3A_420 = tpu.memref_slice %arg7[%multiple_of3A_383] : memref<15488xi32, #tpu.memory_space<vmem>> -> memref<64xi32, #tpu.memory_space<vmem>>
        %dma_start3A_421 = arith.constant 0 : i32
        %dma_start3A_422 = arith.constant 0 : i32
        %dma_start3A_423 = tpu.memref_slice %arg11[%dma_start3A_421, %dma_start3A_422] : memref<2048x128xf32, #tpu.memory_space<vmem_shared>> -> memref<2048x128xf32, #tpu.memory_space<vmem_shared>>
        tpu.enqueue_indirect_dma source(%arg10 : memref<64x128xf32, #tpu.memory_space<vmem>>) target(%dma_start3A_423 : memref<2048x128xf32, #tpu.memory_space<vmem_shared>>) offsets(%dma_start3A_420 : memref<64xi32, #tpu.memory_space<vmem>>) semaphore(%arg18 : memref<!tpu.dma_semaphore, #tpu.memory_space<semaphore_mem>>) {add = true}
        %dma_wait3A_424 = arith.constant 0 : i32
        %dma_wait3A_425 = arith.constant 0 : i32
        %dma_wait3A_426 = tpu.memref_slice %arg2[%dma_wait3A_424, %dma_wait3A_425] : memref<100001x128xf32, #tpu.memory_space<hbm>> -> memref<64x128xf32, #tpu.memory_space<hbm>>
        %dma_wait3A_427 = arith.constant 0 : i32
        %dma_wait3A_428 = arith.constant 0 : i32
        %dma_wait3A_429 = tpu.memref_slice %arg2[%dma_wait3A_427, %dma_wait3A_428] : memref<100001x128xf32, #tpu.memory_space<hbm>> -> memref<64x128xf32, #tpu.memory_space<hbm>>
        tpu.wait_dma2 semaphore(%arg18 : memref<!tpu.dma_semaphore, #tpu.memory_space<semaphore_mem>>) src(%dma_wait3A_429 : memref<64x128xf32, #tpu.memory_space<hbm>>) dst(%arg9 : memref<64x128xf32, #tpu.memory_space<vmem>>)
        %dma_wait3A_430 = arith.constant 0 : i32
        %dma_wait3A_431 = arith.constant 0 : i32
        %dma_wait3A_432 = tpu.memref_slice %arg2[%dma_wait3A_430, %dma_wait3A_431] : memref<100001x128xf32, #tpu.memory_space<hbm>> -> memref<64x128xf32, #tpu.memory_space<hbm>>
        %dma_wait3A_433 = arith.constant 0 : i32
        %dma_wait3A_434 = arith.constant 0 : i32
        %dma_wait3A_435 = tpu.memref_slice %arg2[%dma_wait3A_433, %dma_wait3A_434] : memref<100001x128xf32, #tpu.memory_space<hbm>> -> memref<64x128xf32, #tpu.memory_space<hbm>>
        tpu.wait_dma2 semaphore(%arg18 : memref<!tpu.dma_semaphore, #tpu.memory_space<semaphore_mem>>) src(%dma_wait3A_435 : memref<64x128xf32, #tpu.memory_space<hbm>>) dst(%arg10 : memref<64x128xf32, #tpu.memory_space<vmem>>)
        %while3A_436 = arith.constant 0 : i32
        scf.yield %while3A_436 : i32
      }
      %and3A_222 = arith.constant 1 : i32
      %and3A_223 = arith.andi %shift_right_arithmetic3A_202, %and3A_222 : i32
      %eq3A_224 = arith.constant 1 : i32
      %eq3A_225 = arith.cmpi eq, %and3A_223, %eq3A_224 : i32
      %convert_element_type3A_226 = arith.extui %eq3A_225 : i1 to i32
      %cond3A_227 = arith.constant 0 : i32
      %cond3A_228 = arith.constant 0 : i32
      %cond3A_229 = arith.cmpi ne, %convert_element_type3A_226, %cond3A_228 : i32
      scf.if %cond3A_229 {
        %sub3A_368 = arith.constant 1 : i32
        %sub3A_369 = arith.subi %shift_right_arithmetic3A_202, %sub3A_368 : i32
        %mul3A_370 = arith.constant 64 : i32
        %mul3A_371 = arith.muli %sub3A_369, %mul3A_370 : i32
        %add3A_372 = arith.addi %get3A_195, %mul3A_371 : i32
        %multiple_of3A_373 = tpu.assume_multiple %add3A_372, 64 : i32
        %dma_start3A_374 = tpu.memref_slice %arg6[%multiple_of3A_373] : memref<15488xi32, #tpu.memory_space<vmem>> -> memref<64xi32, #tpu.memory_space<vmem>>
        %dma_start3A_375 = arith.constant 0 : i32
        %dma_start3A_376 = arith.constant 0 : i32
        %dma_start3A_377 = tpu.memref_slice %arg13[%cond3A_227, %dma_start3A_375, %dma_start3A_376] : memref<2x2048x128xf32, #tpu.memory_space<vmem_shared>> -> memref<1x2048x128xf32, #tpu.memory_space<vmem_shared>>
        %dma_start3A_378 = tpu.memref_squeeze %dma_start3A_377 : memref<1x2048x128xf32, #tpu.memory_space<vmem_shared>> -> memref<2048x128xf32, #tpu.memory_space<vmem_shared>>
        %dma_start3A_379 = arith.constant 0 : i32
        %dma_start3A_380 = arith.constant 0 : i32
        %dma_start3A_381 = tpu.memref_slice %dma_start3A_378[%dma_start3A_379, %dma_start3A_380] : memref<2048x128xf32, #tpu.memory_space<vmem_shared>> -> memref<2048x128xf32, #tpu.memory_space<vmem_shared>>
        tpu.enqueue_indirect_dma source(%dma_start3A_381 : memref<2048x128xf32, #tpu.memory_space<vmem_shared>>) target(%arg9 : memref<64x128xf32, #tpu.memory_space<vmem>>) offsets(%dma_start3A_374 : memref<64xi32, #tpu.memory_space<vmem>>) semaphore(%arg17 : memref<!tpu.dma_semaphore, #tpu.memory_space<semaphore_mem>>)
        %dma_wait3A_382 = tpu.memref_slice %arg6[%multiple_of3A_373] : memref<15488xi32, #tpu.memory_space<vmem>> -> memref<64xi32, #tpu.memory_space<vmem>>
        %dma_wait3A_383 = arith.constant 0 : i32
        %dma_wait3A_384 = arith.constant 0 : i32
        %dma_wait3A_385 = tpu.memref_slice %arg13[%cond3A_227, %dma_wait3A_383, %dma_wait3A_384] : memref<2x2048x128xf32, #tpu.memory_space<vmem_shared>> -> memref<1x2048x128xf32, #tpu.memory_space<vmem_shared>>
        %dma_wait3A_386 = tpu.memref_squeeze %dma_wait3A_385 : memref<1x2048x128xf32, #tpu.memory_space<vmem_shared>> -> memref<2048x128xf32, #tpu.memory_space<vmem_shared>>
        %dma_wait3A_387 = arith.constant 0 : i32
        %dma_wait3A_388 = arith.constant 0 : i32
        %dma_wait3A_389 = tpu.memref_slice %dma_wait3A_386[%dma_wait3A_387, %dma_wait3A_388] : memref<2048x128xf32, #tpu.memory_space<vmem_shared>> -> memref<2048x128xf32, #tpu.memory_space<vmem_shared>>
        tpu.wait_indirect_dma semaphore(%arg17 : memref<!tpu.dma_semaphore, #tpu.memory_space<semaphore_mem>>) src(%dma_wait3A_389 : memref<2048x128xf32, #tpu.memory_space<vmem_shared>>) dst(%arg9 : memref<64x128xf32, #tpu.memory_space<vmem>>)
        %dma_start3A_390 = tpu.memref_slice %arg7[%multiple_of3A_373] : memref<15488xi32, #tpu.memory_space<vmem>> -> memref<64xi32, #tpu.memory_space<vmem>>
        %dma_start3A_391 = arith.constant 0 : i32
        %dma_start3A_392 = arith.constant 0 : i32
        %dma_start3A_393 = tpu.memref_slice %arg11[%dma_start3A_391, %dma_start3A_392] : memref<2048x128xf32, #tpu.memory_space<vmem_shared>> -> memref<2048x128xf32, #tpu.memory_space<vmem_shared>>
        tpu.enqueue_indirect_dma source(%arg9 : memref<64x128xf32, #tpu.memory_space<vmem>>) target(%dma_start3A_393 : memref<2048x128xf32, #tpu.memory_space<vmem_shared>>) offsets(%dma_start3A_390 : memref<64xi32, #tpu.memory_space<vmem>>) semaphore(%arg18 : memref<!tpu.dma_semaphore, #tpu.memory_space<semaphore_mem>>) {add = true}
        %dma_wait3A_394 = arith.constant 0 : i32
        %dma_wait3A_395 = arith.constant 0 : i32
        %dma_wait3A_396 = tpu.memref_slice %arg2[%dma_wait3A_394, %dma_wait3A_395] : memref<100001x128xf32, #tpu.memory_space<hbm>> -> memref<64x128xf32, #tpu.memory_space<hbm>>
        %dma_wait3A_397 = arith.constant 0 : i32
        %dma_wait3A_398 = arith.constant 0 : i32
        %dma_wait3A_399 = tpu.memref_slice %arg2[%dma_wait3A_397, %dma_wait3A_398] : memref<100001x128xf32, #tpu.memory_space<hbm>> -> memref<64x128xf32, #tpu.memory_space<hbm>>
        tpu.wait_dma2 semaphore(%arg18 : memref<!tpu.dma_semaphore, #tpu.memory_space<semaphore_mem>>) src(%dma_wait3A_399 : memref<64x128xf32, #tpu.memory_space<hbm>>) dst(%arg9 : memref<64x128xf32, #tpu.memory_space<vmem>>)
      } else {
      }
      %eq3A_230 = arith.constant 8 : i32
      %eq3A_231 = arith.cmpi eq, %sub3A_206, %eq3A_230 : i32
      %convert_element_type3A_232 = arith.extui %eq3A_231 : i1 to i32
      %cond3A_233 = arith.constant 0 : i32
      %cond3A_234 = arith.constant 0 : i32
      %cond3A_235 = arith.cmpi ne, %convert_element_type3A_232, %cond3A_234 : i32
      scf.if %cond3A_235 {
        %shift_left3A_368 = arith.constant 6 : i32
        %shift_left3A_369 = arith.shli %shift_right_arithmetic3A_202, %shift_left3A_368 : i32
        %add3A_370 = arith.addi %get3A_195, %shift_left3A_369 : i32
        %multiple_of3A_371 = tpu.assume_multiple %add3A_370, 8 : i32
        %dma_start3A_372 = arith.constant 0 : i32
        %dma_start3A_373 = arith.constant 0 : i32
        %dma_start3A_374 = tpu.memref_slice %arg9[%dma_start3A_372, %dma_start3A_373] : memref<64x128xf32, #tpu.memory_space<vmem>> -> memref<8x128xf32, #tpu.memory_space<vmem>>
        %dma_start3A_375 = tpu.memref_slice %arg6[%multiple_of3A_371] : memref<15488xi32, #tpu.memory_space<vmem>> -> memref<8xi32, #tpu.memory_space<vmem>>
        %dma_start3A_376 = arith.constant 0 : i32
        %dma_start3A_377 = arith.constant 0 : i32
        %dma_start3A_378 = tpu.memref_slice %arg13[%cond3A_233, %dma_start3A_376, %dma_start3A_377] : memref<2x2048x128xf32, #tpu.memory_space<vmem_shared>> -> memref<1x2048x128xf32, #tpu.memory_space<vmem_shared>>
        %dma_start3A_379 = tpu.memref_squeeze %dma_start3A_378 : memref<1x2048x128xf32, #tpu.memory_space<vmem_shared>> -> memref<2048x128xf32, #tpu.memory_space<vmem_shared>>
        %dma_start3A_380 = arith.constant 0 : i32
        %dma_start3A_381 = arith.constant 0 : i32
        %dma_start3A_382 = tpu.memref_slice %dma_start3A_379[%dma_start3A_380, %dma_start3A_381] : memref<2048x128xf32, #tpu.memory_space<vmem_shared>> -> memref<2048x128xf32, #tpu.memory_space<vmem_shared>>
        tpu.enqueue_indirect_dma source(%dma_start3A_382 : memref<2048x128xf32, #tpu.memory_space<vmem_shared>>) target(%dma_start3A_374 : memref<8x128xf32, #tpu.memory_space<vmem>>) offsets(%dma_start3A_375 : memref<8xi32, #tpu.memory_space<vmem>>) semaphore(%arg17 : memref<!tpu.dma_semaphore, #tpu.memory_space<semaphore_mem>>)
        %dma_wait3A_383 = arith.constant 0 : i32
        %dma_wait3A_384 = arith.constant 0 : i32
        %dma_wait3A_385 = tpu.memref_slice %arg9[%dma_wait3A_383, %dma_wait3A_384] : memref<64x128xf32, #tpu.memory_space<vmem>> -> memref<8x128xf32, #tpu.memory_space<vmem>>
        %dma_wait3A_386 = tpu.memref_slice %arg6[%multiple_of3A_371] : memref<15488xi32, #tpu.memory_space<vmem>> -> memref<8xi32, #tpu.memory_space<vmem>>
        %dma_wait3A_387 = arith.constant 0 : i32
        %dma_wait3A_388 = arith.constant 0 : i32
        %dma_wait3A_389 = tpu.memref_slice %arg13[%cond3A_233, %dma_wait3A_387, %dma_wait3A_388] : memref<2x2048x128xf32, #tpu.memory_space<vmem_shared>> -> memref<1x2048x128xf32, #tpu.memory_space<vmem_shared>>
        %dma_wait3A_390 = tpu.memref_squeeze %dma_wait3A_389 : memref<1x2048x128xf32, #tpu.memory_space<vmem_shared>> -> memref<2048x128xf32, #tpu.memory_space<vmem_shared>>
        %dma_wait3A_391 = arith.constant 0 : i32
        %dma_wait3A_392 = arith.constant 0 : i32
        %dma_wait3A_393 = tpu.memref_slice %dma_wait3A_390[%dma_wait3A_391, %dma_wait3A_392] : memref<2048x128xf32, #tpu.memory_space<vmem_shared>> -> memref<2048x128xf32, #tpu.memory_space<vmem_shared>>
        tpu.wait_indirect_dma semaphore(%arg17 : memref<!tpu.dma_semaphore, #tpu.memory_space<semaphore_mem>>) src(%dma_wait3A_393 : memref<2048x128xf32, #tpu.memory_space<vmem_shared>>) dst(%dma_wait3A_385 : memref<8x128xf32, #tpu.memory_space<vmem>>)
        %dma_start3A_394 = arith.constant 0 : i32
        %dma_start3A_395 = arith.constant 0 : i32
        %dma_start3A_396 = tpu.memref_slice %arg9[%dma_start3A_394, %dma_start3A_395] : memref<64x128xf32, #tpu.memory_space<vmem>> -> memref<8x128xf32, #tpu.memory_space<vmem>>
        %dma_start3A_397 = tpu.memref_slice %arg7[%multiple_of3A_371] : memref<15488xi32, #tpu.memory_space<vmem>> -> memref<8xi32, #tpu.memory_space<vmem>>
        %dma_start3A_398 = arith.constant 0 : i32
        %dma_start3A_399 = arith.constant 0 : i32
        %dma_start3A_400 = tpu.memref_slice %arg11[%dma_start3A_398, %dma_start3A_399] : memref<2048x128xf32, #tpu.memory_space<vmem_shared>> -> memref<2048x128xf32, #tpu.memory_space<vmem_shared>>
        tpu.enqueue_indirect_dma source(%dma_start3A_396 : memref<8x128xf32, #tpu.memory_space<vmem>>) target(%dma_start3A_400 : memref<2048x128xf32, #tpu.memory_space<vmem_shared>>) offsets(%dma_start3A_397 : memref<8xi32, #tpu.memory_space<vmem>>) semaphore(%arg18 : memref<!tpu.dma_semaphore, #tpu.memory_space<semaphore_mem>>) {add = true}
        %dma_wait3A_401 = arith.constant 0 : i32
        %dma_wait3A_402 = arith.constant 0 : i32
        %dma_wait3A_403 = tpu.memref_slice %arg9[%dma_wait3A_401, %dma_wait3A_402] : memref<64x128xf32, #tpu.memory_space<vmem>> -> memref<8x128xf32, #tpu.memory_space<vmem>>
        %dma_wait3A_404 = arith.constant 0 : i32
        %dma_wait3A_405 = arith.constant 0 : i32
        %dma_wait3A_406 = tpu.memref_slice %arg2[%dma_wait3A_404, %dma_wait3A_405] : memref<100001x128xf32, #tpu.memory_space<hbm>> -> memref<8x128xf32, #tpu.memory_space<hbm>>
        %dma_wait3A_407 = arith.constant 0 : i32
        %dma_wait3A_408 = arith.constant 0 : i32
        %dma_wait3A_409 = tpu.memref_slice %arg9[%dma_wait3A_407, %dma_wait3A_408] : memref<64x128xf32, #tpu.memory_space<vmem>> -> memref<8x128xf32, #tpu.memory_space<vmem>>
        %dma_wait3A_410 = arith.constant 0 : i32
        %dma_wait3A_411 = arith.constant 0 : i32
        %dma_wait3A_412 = tpu.memref_slice %arg2[%dma_wait3A_410, %dma_wait3A_411] : memref<100001x128xf32, #tpu.memory_space<hbm>> -> memref<8x128xf32, #tpu.memory_space<hbm>>
        tpu.wait_dma2 semaphore(%arg18 : memref<!tpu.dma_semaphore, #tpu.memory_space<semaphore_mem>>) src(%dma_wait3A_412 : memref<8x128xf32, #tpu.memory_space<hbm>>) dst(%dma_wait3A_409 : memref<8x128xf32, #tpu.memory_space<vmem>>)
      } else {
      }
      %eq3A_236 = arith.constant 16 : i32
      %eq3A_237 = arith.cmpi eq, %sub3A_206, %eq3A_236 : i32
      %convert_element_type3A_238 = arith.extui %eq3A_237 : i1 to i32
      %cond3A_239 = arith.constant 0 : i32
      %cond3A_240 = arith.constant 0 : i32
      %cond3A_241 = arith.cmpi ne, %convert_element_type3A_238, %cond3A_240 : i32
      scf.if %cond3A_241 {
        %shift_left3A_368 = arith.constant 6 : i32
        %shift_left3A_369 = arith.shli %shift_right_arithmetic3A_202, %shift_left3A_368 : i32
        %add3A_370 = arith.addi %get3A_195, %shift_left3A_369 : i32
        %multiple_of3A_371 = tpu.assume_multiple %add3A_370, 8 : i32
        %dma_start3A_372 = arith.constant 0 : i32
        %dma_start3A_373 = arith.constant 0 : i32
        %dma_start3A_374 = tpu.memref_slice %arg9[%dma_start3A_372, %dma_start3A_373] : memref<64x128xf32, #tpu.memory_space<vmem>> -> memref<16x128xf32, #tpu.memory_space<vmem>>
        %dma_start3A_375 = tpu.memref_slice %arg6[%multiple_of3A_371] : memref<15488xi32, #tpu.memory_space<vmem>> -> memref<16xi32, #tpu.memory_space<vmem>>
        %dma_start3A_376 = arith.constant 0 : i32
        %dma_start3A_377 = arith.constant 0 : i32
        %dma_start3A_378 = tpu.memref_slice %arg13[%cond3A_239, %dma_start3A_376, %dma_start3A_377] : memref<2x2048x128xf32, #tpu.memory_space<vmem_shared>> -> memref<1x2048x128xf32, #tpu.memory_space<vmem_shared>>
        %dma_start3A_379 = tpu.memref_squeeze %dma_start3A_378 : memref<1x2048x128xf32, #tpu.memory_space<vmem_shared>> -> memref<2048x128xf32, #tpu.memory_space<vmem_shared>>
        %dma_start3A_380 = arith.constant 0 : i32
        %dma_start3A_381 = arith.constant 0 : i32
        %dma_start3A_382 = tpu.memref_slice %dma_start3A_379[%dma_start3A_380, %dma_start3A_381] : memref<2048x128xf32, #tpu.memory_space<vmem_shared>> -> memref<2048x128xf32, #tpu.memory_space<vmem_shared>>
        tpu.enqueue_indirect_dma source(%dma_start3A_382 : memref<2048x128xf32, #tpu.memory_space<vmem_shared>>) target(%dma_start3A_374 : memref<16x128xf32, #tpu.memory_space<vmem>>) offsets(%dma_start3A_375 : memref<16xi32, #tpu.memory_space<vmem>>) semaphore(%arg17 : memref<!tpu.dma_semaphore, #tpu.memory_space<semaphore_mem>>)
        %dma_wait3A_383 = arith.constant 0 : i32
        %dma_wait3A_384 = arith.constant 0 : i32
        %dma_wait3A_385 = tpu.memref_slice %arg9[%dma_wait3A_383, %dma_wait3A_384] : memref<64x128xf32, #tpu.memory_space<vmem>> -> memref<16x128xf32, #tpu.memory_space<vmem>>
        %dma_wait3A_386 = tpu.memref_slice %arg6[%multiple_of3A_371] : memref<15488xi32, #tpu.memory_space<vmem>> -> memref<16xi32, #tpu.memory_space<vmem>>
        %dma_wait3A_387 = arith.constant 0 : i32
        %dma_wait3A_388 = arith.constant 0 : i32
        %dma_wait3A_389 = tpu.memref_slice %arg13[%cond3A_239, %dma_wait3A_387, %dma_wait3A_388] : memref<2x2048x128xf32, #tpu.memory_space<vmem_shared>> -> memref<1x2048x128xf32, #tpu.memory_space<vmem_shared>>
        %dma_wait3A_390 = tpu.memref_squeeze %dma_wait3A_389 : memref<1x2048x128xf32, #tpu.memory_space<vmem_shared>> -> memref<2048x128xf32, #tpu.memory_space<vmem_shared>>
        %dma_wait3A_391 = arith.constant 0 : i32
        %dma_wait3A_392 = arith.constant 0 : i32
        %dma_wait3A_393 = tpu.memref_slice %dma_wait3A_390[%dma_wait3A_391, %dma_wait3A_392] : memref<2048x128xf32, #tpu.memory_space<vmem_shared>> -> memref<2048x128xf32, #tpu.memory_space<vmem_shared>>
        tpu.wait_indirect_dma semaphore(%arg17 : memref<!tpu.dma_semaphore, #tpu.memory_space<semaphore_mem>>) src(%dma_wait3A_393 : memref<2048x128xf32, #tpu.memory_space<vmem_shared>>) dst(%dma_wait3A_385 : memref<16x128xf32, #tpu.memory_space<vmem>>)
        %dma_start3A_394 = arith.constant 0 : i32
        %dma_start3A_395 = arith.constant 0 : i32
        %dma_start3A_396 = tpu.memref_slice %arg9[%dma_start3A_394, %dma_start3A_395] : memref<64x128xf32, #tpu.memory_space<vmem>> -> memref<16x128xf32, #tpu.memory_space<vmem>>
        %dma_start3A_397 = tpu.memref_slice %arg7[%multiple_of3A_371] : memref<15488xi32, #tpu.memory_space<vmem>> -> memref<16xi32, #tpu.memory_space<vmem>>
        %dma_start3A_398 = arith.constant 0 : i32
        %dma_start3A_399 = arith.constant 0 : i32
        %dma_start3A_400 = tpu.memref_slice %arg11[%dma_start3A_398, %dma_start3A_399] : memref<2048x128xf32, #tpu.memory_space<vmem_shared>> -> memref<2048x128xf32, #tpu.memory_space<vmem_shared>>
        tpu.enqueue_indirect_dma source(%dma_start3A_396 : memref<16x128xf32, #tpu.memory_space<vmem>>) target(%dma_start3A_400 : memref<2048x128xf32, #tpu.memory_space<vmem_shared>>) offsets(%dma_start3A_397 : memref<16xi32, #tpu.memory_space<vmem>>) semaphore(%arg18 : memref<!tpu.dma_semaphore, #tpu.memory_space<semaphore_mem>>) {add = true}
        %dma_wait3A_401 = arith.constant 0 : i32
        %dma_wait3A_402 = arith.constant 0 : i32
        %dma_wait3A_403 = tpu.memref_slice %arg9[%dma_wait3A_401, %dma_wait3A_402] : memref<64x128xf32, #tpu.memory_space<vmem>> -> memref<16x128xf32, #tpu.memory_space<vmem>>
        %dma_wait3A_404 = arith.constant 0 : i32
        %dma_wait3A_405 = arith.constant 0 : i32
        %dma_wait3A_406 = tpu.memref_slice %arg2[%dma_wait3A_404, %dma_wait3A_405] : memref<100001x128xf32, #tpu.memory_space<hbm>> -> memref<16x128xf32, #tpu.memory_space<hbm>>
        %dma_wait3A_407 = arith.constant 0 : i32
        %dma_wait3A_408 = arith.constant 0 : i32
        %dma_wait3A_409 = tpu.memref_slice %arg9[%dma_wait3A_407, %dma_wait3A_408] : memref<64x128xf32, #tpu.memory_space<vmem>> -> memref<16x128xf32, #tpu.memory_space<vmem>>
        %dma_wait3A_410 = arith.constant 0 : i32
        %dma_wait3A_411 = arith.constant 0 : i32
        %dma_wait3A_412 = tpu.memref_slice %arg2[%dma_wait3A_410, %dma_wait3A_411] : memref<100001x128xf32, #tpu.memory_space<hbm>> -> memref<16x128xf32, #tpu.memory_space<hbm>>
        tpu.wait_dma2 semaphore(%arg18 : memref<!tpu.dma_semaphore, #tpu.memory_space<semaphore_mem>>) src(%dma_wait3A_412 : memref<16x128xf32, #tpu.memory_space<hbm>>) dst(%dma_wait3A_409 : memref<16x128xf32, #tpu.memory_space<vmem>>)
      } else {
      }
      %eq3A_242 = arith.constant 24 : i32
      %eq3A_243 = arith.cmpi eq, %sub3A_206, %eq3A_242 : i32
      %convert_element_type3A_244 = arith.extui %eq3A_243 : i1 to i32
      %cond3A_245 = arith.constant 0 : i32
      %cond3A_246 = arith.constant 0 : i32
      %cond3A_247 = arith.cmpi ne, %convert_element_type3A_244, %cond3A_246 : i32
      scf.if %cond3A_247 {
        %shift_left3A_368 = arith.constant 6 : i32
        %shift_left3A_369 = arith.shli %shift_right_arithmetic3A_202, %shift_left3A_368 : i32
        %add3A_370 = arith.addi %get3A_195, %shift_left3A_369 : i32
        %multiple_of3A_371 = tpu.assume_multiple %add3A_370, 8 : i32
        %dma_start3A_372 = arith.constant 0 : i32
        %dma_start3A_373 = arith.constant 0 : i32
        %dma_start3A_374 = tpu.memref_slice %arg9[%dma_start3A_372, %dma_start3A_373] : memref<64x128xf32, #tpu.memory_space<vmem>> -> memref<24x128xf32, #tpu.memory_space<vmem>>
        %dma_start3A_375 = tpu.memref_slice %arg6[%multiple_of3A_371] : memref<15488xi32, #tpu.memory_space<vmem>> -> memref<24xi32, #tpu.memory_space<vmem>>
        %dma_start3A_376 = arith.constant 0 : i32
        %dma_start3A_377 = arith.constant 0 : i32
        %dma_start3A_378 = tpu.memref_slice %arg13[%cond3A_245, %dma_start3A_376, %dma_start3A_377] : memref<2x2048x128xf32, #tpu.memory_space<vmem_shared>> -> memref<1x2048x128xf32, #tpu.memory_space<vmem_shared>>
        %dma_start3A_379 = tpu.memref_squeeze %dma_start3A_378 : memref<1x2048x128xf32, #tpu.memory_space<vmem_shared>> -> memref<2048x128xf32, #tpu.memory_space<vmem_shared>>
        %dma_start3A_380 = arith.constant 0 : i32
        %dma_start3A_381 = arith.constant 0 : i32
        %dma_start3A_382 = tpu.memref_slice %dma_start3A_379[%dma_start3A_380, %dma_start3A_381] : memref<2048x128xf32, #tpu.memory_space<vmem_shared>> -> memref<2048x128xf32, #tpu.memory_space<vmem_shared>>
        tpu.enqueue_indirect_dma source(%dma_start3A_382 : memref<2048x128xf32, #tpu.memory_space<vmem_shared>>) target(%dma_start3A_374 : memref<24x128xf32, #tpu.memory_space<vmem>>) offsets(%dma_start3A_375 : memref<24xi32, #tpu.memory_space<vmem>>) semaphore(%arg17 : memref<!tpu.dma_semaphore, #tpu.memory_space<semaphore_mem>>)
        %dma_wait3A_383 = arith.constant 0 : i32
        %dma_wait3A_384 = arith.constant 0 : i32
        %dma_wait3A_385 = tpu.memref_slice %arg9[%dma_wait3A_383, %dma_wait3A_384] : memref<64x128xf32, #tpu.memory_space<vmem>> -> memref<24x128xf32, #tpu.memory_space<vmem>>
        %dma_wait3A_386 = tpu.memref_slice %arg6[%multiple_of3A_371] : memref<15488xi32, #tpu.memory_space<vmem>> -> memref<24xi32, #tpu.memory_space<vmem>>
        %dma_wait3A_387 = arith.constant 0 : i32
        %dma_wait3A_388 = arith.constant 0 : i32
        %dma_wait3A_389 = tpu.memref_slice %arg13[%cond3A_245, %dma_wait3A_387, %dma_wait3A_388] : memref<2x2048x128xf32, #tpu.memory_space<vmem_shared>> -> memref<1x2048x128xf32, #tpu.memory_space<vmem_shared>>
        %dma_wait3A_390 = tpu.memref_squeeze %dma_wait3A_389 : memref<1x2048x128xf32, #tpu.memory_space<vmem_shared>> -> memref<2048x128xf32, #tpu.memory_space<vmem_shared>>
        %dma_wait3A_391 = arith.constant 0 : i32
        %dma_wait3A_392 = arith.constant 0 : i32
        %dma_wait3A_393 = tpu.memref_slice %dma_wait3A_390[%dma_wait3A_391, %dma_wait3A_392] : memref<2048x128xf32, #tpu.memory_space<vmem_shared>> -> memref<2048x128xf32, #tpu.memory_space<vmem_shared>>
        tpu.wait_indirect_dma semaphore(%arg17 : memref<!tpu.dma_semaphore, #tpu.memory_space<semaphore_mem>>) src(%dma_wait3A_393 : memref<2048x128xf32, #tpu.memory_space<vmem_shared>>) dst(%dma_wait3A_385 : memref<24x128xf32, #tpu.memory_space<vmem>>)
        %dma_start3A_394 = arith.constant 0 : i32
        %dma_start3A_395 = arith.constant 0 : i32
        %dma_start3A_396 = tpu.memref_slice %arg9[%dma_start3A_394, %dma_start3A_395] : memref<64x128xf32, #tpu.memory_space<vmem>> -> memref<24x128xf32, #tpu.memory_space<vmem>>
        %dma_start3A_397 = tpu.memref_slice %arg7[%multiple_of3A_371] : memref<15488xi32, #tpu.memory_space<vmem>> -> memref<24xi32, #tpu.memory_space<vmem>>
        %dma_start3A_398 = arith.constant 0 : i32
        %dma_start3A_399 = arith.constant 0 : i32
        %dma_start3A_400 = tpu.memref_slice %arg11[%dma_start3A_398, %dma_start3A_399] : memref<2048x128xf32, #tpu.memory_space<vmem_shared>> -> memref<2048x128xf32, #tpu.memory_space<vmem_shared>>
        tpu.enqueue_indirect_dma source(%dma_start3A_396 : memref<24x128xf32, #tpu.memory_space<vmem>>) target(%dma_start3A_400 : memref<2048x128xf32, #tpu.memory_space<vmem_shared>>) offsets(%dma_start3A_397 : memref<24xi32, #tpu.memory_space<vmem>>) semaphore(%arg18 : memref<!tpu.dma_semaphore, #tpu.memory_space<semaphore_mem>>) {add = true}
        %dma_wait3A_401 = arith.constant 0 : i32
        %dma_wait3A_402 = arith.constant 0 : i32
        %dma_wait3A_403 = tpu.memref_slice %arg9[%dma_wait3A_401, %dma_wait3A_402] : memref<64x128xf32, #tpu.memory_space<vmem>> -> memref<24x128xf32, #tpu.memory_space<vmem>>
        %dma_wait3A_404 = arith.constant 0 : i32
        %dma_wait3A_405 = arith.constant 0 : i32
        %dma_wait3A_406 = tpu.memref_slice %arg2[%dma_wait3A_404, %dma_wait3A_405] : memref<100001x128xf32, #tpu.memory_space<hbm>> -> memref<24x128xf32, #tpu.memory_space<hbm>>
        %dma_wait3A_407 = arith.constant 0 : i32
        %dma_wait3A_408 = arith.constant 0 : i32
        %dma_wait3A_409 = tpu.memref_slice %arg9[%dma_wait3A_407, %dma_wait3A_408] : memref<64x128xf32, #tpu.memory_space<vmem>> -> memref<24x128xf32, #tpu.memory_space<vmem>>
        %dma_wait3A_410 = arith.constant 0 : i32
        %dma_wait3A_411 = arith.constant 0 : i32
        %dma_wait3A_412 = tpu.memref_slice %arg2[%dma_wait3A_410, %dma_wait3A_411] : memref<100001x128xf32, #tpu.memory_space<hbm>> -> memref<24x128xf32, #tpu.memory_space<hbm>>
        tpu.wait_dma2 semaphore(%arg18 : memref<!tpu.dma_semaphore, #tpu.memory_space<semaphore_mem>>) src(%dma_wait3A_412 : memref<24x128xf32, #tpu.memory_space<hbm>>) dst(%dma_wait3A_409 : memref<24x128xf32, #tpu.memory_space<vmem>>)
      } else {
      }
      %eq3A_248 = arith.constant 32 : i32
      %eq3A_249 = arith.cmpi eq, %sub3A_206, %eq3A_248 : i32
      %convert_element_type3A_250 = arith.extui %eq3A_249 : i1 to i32
      %cond3A_251 = arith.constant 0 : i32
      %cond3A_252 = arith.constant 0 : i32
      %cond3A_253 = arith.cmpi ne, %convert_element_type3A_250, %cond3A_252 : i32
      scf.if %cond3A_253 {
        %shift_left3A_368 = arith.constant 6 : i32
        %shift_left3A_369 = arith.shli %shift_right_arithmetic3A_202, %shift_left3A_368 : i32
        %add3A_370 = arith.addi %get3A_195, %shift_left3A_369 : i32
        %multiple_of3A_371 = tpu.assume_multiple %add3A_370, 8 : i32
        %dma_start3A_372 = arith.constant 0 : i32
        %dma_start3A_373 = arith.constant 0 : i32
        %dma_start3A_374 = tpu.memref_slice %arg9[%dma_start3A_372, %dma_start3A_373] : memref<64x128xf32, #tpu.memory_space<vmem>> -> memref<32x128xf32, #tpu.memory_space<vmem>>
        %dma_start3A_375 = tpu.memref_slice %arg6[%multiple_of3A_371] : memref<15488xi32, #tpu.memory_space<vmem>> -> memref<32xi32, #tpu.memory_space<vmem>>
        %dma_start3A_376 = arith.constant 0 : i32
        %dma_start3A_377 = arith.constant 0 : i32
        %dma_start3A_378 = tpu.memref_slice %arg13[%cond3A_251, %dma_start3A_376, %dma_start3A_377] : memref<2x2048x128xf32, #tpu.memory_space<vmem_shared>> -> memref<1x2048x128xf32, #tpu.memory_space<vmem_shared>>
        %dma_start3A_379 = tpu.memref_squeeze %dma_start3A_378 : memref<1x2048x128xf32, #tpu.memory_space<vmem_shared>> -> memref<2048x128xf32, #tpu.memory_space<vmem_shared>>
        %dma_start3A_380 = arith.constant 0 : i32
        %dma_start3A_381 = arith.constant 0 : i32
        %dma_start3A_382 = tpu.memref_slice %dma_start3A_379[%dma_start3A_380, %dma_start3A_381] : memref<2048x128xf32, #tpu.memory_space<vmem_shared>> -> memref<2048x128xf32, #tpu.memory_space<vmem_shared>>
        tpu.enqueue_indirect_dma source(%dma_start3A_382 : memref<2048x128xf32, #tpu.memory_space<vmem_shared>>) target(%dma_start3A_374 : memref<32x128xf32, #tpu.memory_space<vmem>>) offsets(%dma_start3A_375 : memref<32xi32, #tpu.memory_space<vmem>>) semaphore(%arg17 : memref<!tpu.dma_semaphore, #tpu.memory_space<semaphore_mem>>)
        %dma_wait3A_383 = arith.constant 0 : i32
        %dma_wait3A_384 = arith.constant 0 : i32
        %dma_wait3A_385 = tpu.memref_slice %arg9[%dma_wait3A_383, %dma_wait3A_384] : memref<64x128xf32, #tpu.memory_space<vmem>> -> memref<32x128xf32, #tpu.memory_space<vmem>>
        %dma_wait3A_386 = tpu.memref_slice %arg6[%multiple_of3A_371] : memref<15488xi32, #tpu.memory_space<vmem>> -> memref<32xi32, #tpu.memory_space<vmem>>
        %dma_wait3A_387 = arith.constant 0 : i32
        %dma_wait3A_388 = arith.constant 0 : i32
        %dma_wait3A_389 = tpu.memref_slice %arg13[%cond3A_251, %dma_wait3A_387, %dma_wait3A_388] : memref<2x2048x128xf32, #tpu.memory_space<vmem_shared>> -> memref<1x2048x128xf32, #tpu.memory_space<vmem_shared>>
        %dma_wait3A_390 = tpu.memref_squeeze %dma_wait3A_389 : memref<1x2048x128xf32, #tpu.memory_space<vmem_shared>> -> memref<2048x128xf32, #tpu.memory_space<vmem_shared>>
        %dma_wait3A_391 = arith.constant 0 : i32
        %dma_wait3A_392 = arith.constant 0 : i32
        %dma_wait3A_393 = tpu.memref_slice %dma_wait3A_390[%dma_wait3A_391, %dma_wait3A_392] : memref<2048x128xf32, #tpu.memory_space<vmem_shared>> -> memref<2048x128xf32, #tpu.memory_space<vmem_shared>>
        tpu.wait_indirect_dma semaphore(%arg17 : memref<!tpu.dma_semaphore, #tpu.memory_space<semaphore_mem>>) src(%dma_wait3A_393 : memref<2048x128xf32, #tpu.memory_space<vmem_shared>>) dst(%dma_wait3A_385 : memref<32x128xf32, #tpu.memory_space<vmem>>)
        %dma_start3A_394 = arith.constant 0 : i32
        %dma_start3A_395 = arith.constant 0 : i32
        %dma_start3A_396 = tpu.memref_slice %arg9[%dma_start3A_394, %dma_start3A_395] : memref<64x128xf32, #tpu.memory_space<vmem>> -> memref<32x128xf32, #tpu.memory_space<vmem>>
        %dma_start3A_397 = tpu.memref_slice %arg7[%multiple_of3A_371] : memref<15488xi32, #tpu.memory_space<vmem>> -> memref<32xi32, #tpu.memory_space<vmem>>
        %dma_start3A_398 = arith.constant 0 : i32
        %dma_start3A_399 = arith.constant 0 : i32
        %dma_start3A_400 = tpu.memref_slice %arg11[%dma_start3A_398, %dma_start3A_399] : memref<2048x128xf32, #tpu.memory_space<vmem_shared>> -> memref<2048x128xf32, #tpu.memory_space<vmem_shared>>
        tpu.enqueue_indirect_dma source(%dma_start3A_396 : memref<32x128xf32, #tpu.memory_space<vmem>>) target(%dma_start3A_400 : memref<2048x128xf32, #tpu.memory_space<vmem_shared>>) offsets(%dma_start3A_397 : memref<32xi32, #tpu.memory_space<vmem>>) semaphore(%arg18 : memref<!tpu.dma_semaphore, #tpu.memory_space<semaphore_mem>>) {add = true}
        %dma_wait3A_401 = arith.constant 0 : i32
        %dma_wait3A_402 = arith.constant 0 : i32
        %dma_wait3A_403 = tpu.memref_slice %arg9[%dma_wait3A_401, %dma_wait3A_402] : memref<64x128xf32, #tpu.memory_space<vmem>> -> memref<32x128xf32, #tpu.memory_space<vmem>>
        %dma_wait3A_404 = arith.constant 0 : i32
        %dma_wait3A_405 = arith.constant 0 : i32
        %dma_wait3A_406 = tpu.memref_slice %arg2[%dma_wait3A_404, %dma_wait3A_405] : memref<100001x128xf32, #tpu.memory_space<hbm>> -> memref<32x128xf32, #tpu.memory_space<hbm>>
        %dma_wait3A_407 = arith.constant 0 : i32
        %dma_wait3A_408 = arith.constant 0 : i32
        %dma_wait3A_409 = tpu.memref_slice %arg9[%dma_wait3A_407, %dma_wait3A_408] : memref<64x128xf32, #tpu.memory_space<vmem>> -> memref<32x128xf32, #tpu.memory_space<vmem>>
        %dma_wait3A_410 = arith.constant 0 : i32
        %dma_wait3A_411 = arith.constant 0 : i32
        %dma_wait3A_412 = tpu.memref_slice %arg2[%dma_wait3A_410, %dma_wait3A_411] : memref<100001x128xf32, #tpu.memory_space<hbm>> -> memref<32x128xf32, #tpu.memory_space<hbm>>
        tpu.wait_dma2 semaphore(%arg18 : memref<!tpu.dma_semaphore, #tpu.memory_space<semaphore_mem>>) src(%dma_wait3A_412 : memref<32x128xf32, #tpu.memory_space<hbm>>) dst(%dma_wait3A_409 : memref<32x128xf32, #tpu.memory_space<vmem>>)
      } else {
      }
      %eq3A_254 = arith.constant 40 : i32
      %eq3A_255 = arith.cmpi eq, %sub3A_206, %eq3A_254 : i32
      %convert_element_type3A_256 = arith.extui %eq3A_255 : i1 to i32
      %cond3A_257 = arith.constant 0 : i32
      %cond3A_258 = arith.constant 0 : i32
      %cond3A_259 = arith.cmpi ne, %convert_element_type3A_256, %cond3A_258 : i32
      scf.if %cond3A_259 {
        %shift_left3A_368 = arith.constant 6 : i32
        %shift_left3A_369 = arith.shli %shift_right_arithmetic3A_202, %shift_left3A_368 : i32
        %add3A_370 = arith.addi %get3A_195, %shift_left3A_369 : i32
        %multiple_of3A_371 = tpu.assume_multiple %add3A_370, 8 : i32
        %dma_start3A_372 = arith.constant 0 : i32
        %dma_start3A_373 = arith.constant 0 : i32
        %dma_start3A_374 = tpu.memref_slice %arg9[%dma_start3A_372, %dma_start3A_373] : memref<64x128xf32, #tpu.memory_space<vmem>> -> memref<40x128xf32, #tpu.memory_space<vmem>>
        %dma_start3A_375 = tpu.memref_slice %arg6[%multiple_of3A_371] : memref<15488xi32, #tpu.memory_space<vmem>> -> memref<40xi32, #tpu.memory_space<vmem>>
        %dma_start3A_376 = arith.constant 0 : i32
        %dma_start3A_377 = arith.constant 0 : i32
        %dma_start3A_378 = tpu.memref_slice %arg13[%cond3A_257, %dma_start3A_376, %dma_start3A_377] : memref<2x2048x128xf32, #tpu.memory_space<vmem_shared>> -> memref<1x2048x128xf32, #tpu.memory_space<vmem_shared>>
        %dma_start3A_379 = tpu.memref_squeeze %dma_start3A_378 : memref<1x2048x128xf32, #tpu.memory_space<vmem_shared>> -> memref<2048x128xf32, #tpu.memory_space<vmem_shared>>
        %dma_start3A_380 = arith.constant 0 : i32
        %dma_start3A_381 = arith.constant 0 : i32
        %dma_start3A_382 = tpu.memref_slice %dma_start3A_379[%dma_start3A_380, %dma_start3A_381] : memref<2048x128xf32, #tpu.memory_space<vmem_shared>> -> memref<2048x128xf32, #tpu.memory_space<vmem_shared>>
        tpu.enqueue_indirect_dma source(%dma_start3A_382 : memref<2048x128xf32, #tpu.memory_space<vmem_shared>>) target(%dma_start3A_374 : memref<40x128xf32, #tpu.memory_space<vmem>>) offsets(%dma_start3A_375 : memref<40xi32, #tpu.memory_space<vmem>>) semaphore(%arg17 : memref<!tpu.dma_semaphore, #tpu.memory_space<semaphore_mem>>)
        %dma_wait3A_383 = arith.constant 0 : i32
        %dma_wait3A_384 = arith.constant 0 : i32
        %dma_wait3A_385 = tpu.memref_slice %arg9[%dma_wait3A_383, %dma_wait3A_384] : memref<64x128xf32, #tpu.memory_space<vmem>> -> memref<40x128xf32, #tpu.memory_space<vmem>>
        %dma_wait3A_386 = tpu.memref_slice %arg6[%multiple_of3A_371] : memref<15488xi32, #tpu.memory_space<vmem>> -> memref<40xi32, #tpu.memory_space<vmem>>
        %dma_wait3A_387 = arith.constant 0 : i32
        %dma_wait3A_388 = arith.constant 0 : i32
        %dma_wait3A_389 = tpu.memref_slice %arg13[%cond3A_257, %dma_wait3A_387, %dma_wait3A_388] : memref<2x2048x128xf32, #tpu.memory_space<vmem_shared>> -> memref<1x2048x128xf32, #tpu.memory_space<vmem_shared>>
        %dma_wait3A_390 = tpu.memref_squeeze %dma_wait3A_389 : memref<1x2048x128xf32, #tpu.memory_space<vmem_shared>> -> memref<2048x128xf32, #tpu.memory_space<vmem_shared>>
        %dma_wait3A_391 = arith.constant 0 : i32
        %dma_wait3A_392 = arith.constant 0 : i32
        %dma_wait3A_393 = tpu.memref_slice %dma_wait3A_390[%dma_wait3A_391, %dma_wait3A_392] : memref<2048x128xf32, #tpu.memory_space<vmem_shared>> -> memref<2048x128xf32, #tpu.memory_space<vmem_shared>>
        tpu.wait_indirect_dma semaphore(%arg17 : memref<!tpu.dma_semaphore, #tpu.memory_space<semaphore_mem>>) src(%dma_wait3A_393 : memref<2048x128xf32, #tpu.memory_space<vmem_shared>>) dst(%dma_wait3A_385 : memref<40x128xf32, #tpu.memory_space<vmem>>)
        %dma_start3A_394 = arith.constant 0 : i32
        %dma_start3A_395 = arith.constant 0 : i32
        %dma_start3A_396 = tpu.memref_slice %arg9[%dma_start3A_394, %dma_start3A_395] : memref<64x128xf32, #tpu.memory_space<vmem>> -> memref<40x128xf32, #tpu.memory_space<vmem>>
        %dma_start3A_397 = tpu.memref_slice %arg7[%multiple_of3A_371] : memref<15488xi32, #tpu.memory_space<vmem>> -> memref<40xi32, #tpu.memory_space<vmem>>
        %dma_start3A_398 = arith.constant 0 : i32
        %dma_start3A_399 = arith.constant 0 : i32
        %dma_start3A_400 = tpu.memref_slice %arg11[%dma_start3A_398, %dma_start3A_399] : memref<2048x128xf32, #tpu.memory_space<vmem_shared>> -> memref<2048x128xf32, #tpu.memory_space<vmem_shared>>
        tpu.enqueue_indirect_dma source(%dma_start3A_396 : memref<40x128xf32, #tpu.memory_space<vmem>>) target(%dma_start3A_400 : memref<2048x128xf32, #tpu.memory_space<vmem_shared>>) offsets(%dma_start3A_397 : memref<40xi32, #tpu.memory_space<vmem>>) semaphore(%arg18 : memref<!tpu.dma_semaphore, #tpu.memory_space<semaphore_mem>>) {add = true}
        %dma_wait3A_401 = arith.constant 0 : i32
        %dma_wait3A_402 = arith.constant 0 : i32
        %dma_wait3A_403 = tpu.memref_slice %arg9[%dma_wait3A_401, %dma_wait3A_402] : memref<64x128xf32, #tpu.memory_space<vmem>> -> memref<40x128xf32, #tpu.memory_space<vmem>>
        %dma_wait3A_404 = arith.constant 0 : i32
        %dma_wait3A_405 = arith.constant 0 : i32
        %dma_wait3A_406 = tpu.memref_slice %arg2[%dma_wait3A_404, %dma_wait3A_405] : memref<100001x128xf32, #tpu.memory_space<hbm>> -> memref<40x128xf32, #tpu.memory_space<hbm>>
        %dma_wait3A_407 = arith.constant 0 : i32
        %dma_wait3A_408 = arith.constant 0 : i32
        %dma_wait3A_409 = tpu.memref_slice %arg9[%dma_wait3A_407, %dma_wait3A_408] : memref<64x128xf32, #tpu.memory_space<vmem>> -> memref<40x128xf32, #tpu.memory_space<vmem>>
        %dma_wait3A_410 = arith.constant 0 : i32
        %dma_wait3A_411 = arith.constant 0 : i32
        %dma_wait3A_412 = tpu.memref_slice %arg2[%dma_wait3A_410, %dma_wait3A_411] : memref<100001x128xf32, #tpu.memory_space<hbm>> -> memref<40x128xf32, #tpu.memory_space<hbm>>
        tpu.wait_dma2 semaphore(%arg18 : memref<!tpu.dma_semaphore, #tpu.memory_space<semaphore_mem>>) src(%dma_wait3A_412 : memref<40x128xf32, #tpu.memory_space<hbm>>) dst(%dma_wait3A_409 : memref<40x128xf32, #tpu.memory_space<vmem>>)
      } else {
      }
      %eq3A_260 = arith.constant 48 : i32
      %eq3A_261 = arith.cmpi eq, %sub3A_206, %eq3A_260 : i32
      %convert_element_type3A_262 = arith.extui %eq3A_261 : i1 to i32
      %cond3A_263 = arith.constant 0 : i32
      %cond3A_264 = arith.constant 0 : i32
      %cond3A_265 = arith.cmpi ne, %convert_element_type3A_262, %cond3A_264 : i32
      scf.if %cond3A_265 {
        %shift_left3A_368 = arith.constant 6 : i32
        %shift_left3A_369 = arith.shli %shift_right_arithmetic3A_202, %shift_left3A_368 : i32
        %add3A_370 = arith.addi %get3A_195, %shift_left3A_369 : i32
        %multiple_of3A_371 = tpu.assume_multiple %add3A_370, 8 : i32
        %dma_start3A_372 = arith.constant 0 : i32
        %dma_start3A_373 = arith.constant 0 : i32
        %dma_start3A_374 = tpu.memref_slice %arg9[%dma_start3A_372, %dma_start3A_373] : memref<64x128xf32, #tpu.memory_space<vmem>> -> memref<48x128xf32, #tpu.memory_space<vmem>>
        %dma_start3A_375 = tpu.memref_slice %arg6[%multiple_of3A_371] : memref<15488xi32, #tpu.memory_space<vmem>> -> memref<48xi32, #tpu.memory_space<vmem>>
        %dma_start3A_376 = arith.constant 0 : i32
        %dma_start3A_377 = arith.constant 0 : i32
        %dma_start3A_378 = tpu.memref_slice %arg13[%cond3A_263, %dma_start3A_376, %dma_start3A_377] : memref<2x2048x128xf32, #tpu.memory_space<vmem_shared>> -> memref<1x2048x128xf32, #tpu.memory_space<vmem_shared>>
        %dma_start3A_379 = tpu.memref_squeeze %dma_start3A_378 : memref<1x2048x128xf32, #tpu.memory_space<vmem_shared>> -> memref<2048x128xf32, #tpu.memory_space<vmem_shared>>
        %dma_start3A_380 = arith.constant 0 : i32
        %dma_start3A_381 = arith.constant 0 : i32
        %dma_start3A_382 = tpu.memref_slice %dma_start3A_379[%dma_start3A_380, %dma_start3A_381] : memref<2048x128xf32, #tpu.memory_space<vmem_shared>> -> memref<2048x128xf32, #tpu.memory_space<vmem_shared>>
        tpu.enqueue_indirect_dma source(%dma_start3A_382 : memref<2048x128xf32, #tpu.memory_space<vmem_shared>>) target(%dma_start3A_374 : memref<48x128xf32, #tpu.memory_space<vmem>>) offsets(%dma_start3A_375 : memref<48xi32, #tpu.memory_space<vmem>>) semaphore(%arg17 : memref<!tpu.dma_semaphore, #tpu.memory_space<semaphore_mem>>)
        %dma_wait3A_383 = arith.constant 0 : i32
        %dma_wait3A_384 = arith.constant 0 : i32
        %dma_wait3A_385 = tpu.memref_slice %arg9[%dma_wait3A_383, %dma_wait3A_384] : memref<64x128xf32, #tpu.memory_space<vmem>> -> memref<48x128xf32, #tpu.memory_space<vmem>>
        %dma_wait3A_386 = tpu.memref_slice %arg6[%multiple_of3A_371] : memref<15488xi32, #tpu.memory_space<vmem>> -> memref<48xi32, #tpu.memory_space<vmem>>
        %dma_wait3A_387 = arith.constant 0 : i32
        %dma_wait3A_388 = arith.constant 0 : i32
        %dma_wait3A_389 = tpu.memref_slice %arg13[%cond3A_263, %dma_wait3A_387, %dma_wait3A_388] : memref<2x2048x128xf32, #tpu.memory_space<vmem_shared>> -> memref<1x2048x128xf32, #tpu.memory_space<vmem_shared>>
        %dma_wait3A_390 = tpu.memref_squeeze %dma_wait3A_389 : memref<1x2048x128xf32, #tpu.memory_space<vmem_shared>> -> memref<2048x128xf32, #tpu.memory_space<vmem_shared>>
        %dma_wait3A_391 = arith.constant 0 : i32
        %dma_wait3A_392 = arith.constant 0 : i32
        %dma_wait3A_393 = tpu.memref_slice %dma_wait3A_390[%dma_wait3A_391, %dma_wait3A_392] : memref<2048x128xf32, #tpu.memory_space<vmem_shared>> -> memref<2048x128xf32, #tpu.memory_space<vmem_shared>>
        tpu.wait_indirect_dma semaphore(%arg17 : memref<!tpu.dma_semaphore, #tpu.memory_space<semaphore_mem>>) src(%dma_wait3A_393 : memref<2048x128xf32, #tpu.memory_space<vmem_shared>>) dst(%dma_wait3A_385 : memref<48x128xf32, #tpu.memory_space<vmem>>)
        %dma_start3A_394 = arith.constant 0 : i32
        %dma_start3A_395 = arith.constant 0 : i32
        %dma_start3A_396 = tpu.memref_slice %arg9[%dma_start3A_394, %dma_start3A_395] : memref<64x128xf32, #tpu.memory_space<vmem>> -> memref<48x128xf32, #tpu.memory_space<vmem>>
        %dma_start3A_397 = tpu.memref_slice %arg7[%multiple_of3A_371] : memref<15488xi32, #tpu.memory_space<vmem>> -> memref<48xi32, #tpu.memory_space<vmem>>
        %dma_start3A_398 = arith.constant 0 : i32
        %dma_start3A_399 = arith.constant 0 : i32
        %dma_start3A_400 = tpu.memref_slice %arg11[%dma_start3A_398, %dma_start3A_399] : memref<2048x128xf32, #tpu.memory_space<vmem_shared>> -> memref<2048x128xf32, #tpu.memory_space<vmem_shared>>
        tpu.enqueue_indirect_dma source(%dma_start3A_396 : memref<48x128xf32, #tpu.memory_space<vmem>>) target(%dma_start3A_400 : memref<2048x128xf32, #tpu.memory_space<vmem_shared>>) offsets(%dma_start3A_397 : memref<48xi32, #tpu.memory_space<vmem>>) semaphore(%arg18 : memref<!tpu.dma_semaphore, #tpu.memory_space<semaphore_mem>>) {add = true}
        %dma_wait3A_401 = arith.constant 0 : i32
        %dma_wait3A_402 = arith.constant 0 : i32
        %dma_wait3A_403 = tpu.memref_slice %arg9[%dma_wait3A_401, %dma_wait3A_402] : memref<64x128xf32, #tpu.memory_space<vmem>> -> memref<48x128xf32, #tpu.memory_space<vmem>>
        %dma_wait3A_404 = arith.constant 0 : i32
        %dma_wait3A_405 = arith.constant 0 : i32
        %dma_wait3A_406 = tpu.memref_slice %arg2[%dma_wait3A_404, %dma_wait3A_405] : memref<100001x128xf32, #tpu.memory_space<hbm>> -> memref<48x128xf32, #tpu.memory_space<hbm>>
        %dma_wait3A_407 = arith.constant 0 : i32
        %dma_wait3A_408 = arith.constant 0 : i32
        %dma_wait3A_409 = tpu.memref_slice %arg9[%dma_wait3A_407, %dma_wait3A_408] : memref<64x128xf32, #tpu.memory_space<vmem>> -> memref<48x128xf32, #tpu.memory_space<vmem>>
        %dma_wait3A_410 = arith.constant 0 : i32
        %dma_wait3A_411 = arith.constant 0 : i32
        %dma_wait3A_412 = tpu.memref_slice %arg2[%dma_wait3A_410, %dma_wait3A_411] : memref<100001x128xf32, #tpu.memory_space<hbm>> -> memref<48x128xf32, #tpu.memory_space<hbm>>
        tpu.wait_dma2 semaphore(%arg18 : memref<!tpu.dma_semaphore, #tpu.memory_space<semaphore_mem>>) src(%dma_wait3A_412 : memref<48x128xf32, #tpu.memory_space<hbm>>) dst(%dma_wait3A_409 : memref<48x128xf32, #tpu.memory_space<vmem>>)
      } else {
      }
      %eq3A_266 = arith.constant 56 : i32
      %eq3A_267 = arith.cmpi eq, %sub3A_206, %eq3A_266 : i32
      %convert_element_type3A_268 = arith.extui %eq3A_267 : i1 to i32
      %cond3A_269 = arith.constant 0 : i32
      %cond3A_270 = arith.constant 0 : i32
      %cond3A_271 = arith.cmpi ne, %convert_element_type3A_268, %cond3A_270 : i32
      scf.if %cond3A_271 {
        %shift_left3A_368 = arith.constant 6 : i32
        %shift_left3A_369 = arith.shli %shift_right_arithmetic3A_202, %shift_left3A_368 : i32
        %add3A_370 = arith.addi %get3A_195, %shift_left3A_369 : i32
        %multiple_of3A_371 = tpu.assume_multiple %add3A_370, 8 : i32
        %dma_start3A_372 = arith.constant 0 : i32
        %dma_start3A_373 = arith.constant 0 : i32
        %dma_start3A_374 = tpu.memref_slice %arg9[%dma_start3A_372, %dma_start3A_373] : memref<64x128xf32, #tpu.memory_space<vmem>> -> memref<56x128xf32, #tpu.memory_space<vmem>>
        %dma_start3A_375 = tpu.memref_slice %arg6[%multiple_of3A_371] : memref<15488xi32, #tpu.memory_space<vmem>> -> memref<56xi32, #tpu.memory_space<vmem>>
        %dma_start3A_376 = arith.constant 0 : i32
        %dma_start3A_377 = arith.constant 0 : i32
        %dma_start3A_378 = tpu.memref_slice %arg13[%cond3A_269, %dma_start3A_376, %dma_start3A_377] : memref<2x2048x128xf32, #tpu.memory_space<vmem_shared>> -> memref<1x2048x128xf32, #tpu.memory_space<vmem_shared>>
        %dma_start3A_379 = tpu.memref_squeeze %dma_start3A_378 : memref<1x2048x128xf32, #tpu.memory_space<vmem_shared>> -> memref<2048x128xf32, #tpu.memory_space<vmem_shared>>
        %dma_start3A_380 = arith.constant 0 : i32
        %dma_start3A_381 = arith.constant 0 : i32
        %dma_start3A_382 = tpu.memref_slice %dma_start3A_379[%dma_start3A_380, %dma_start3A_381] : memref<2048x128xf32, #tpu.memory_space<vmem_shared>> -> memref<2048x128xf32, #tpu.memory_space<vmem_shared>>
        tpu.enqueue_indirect_dma source(%dma_start3A_382 : memref<2048x128xf32, #tpu.memory_space<vmem_shared>>) target(%dma_start3A_374 : memref<56x128xf32, #tpu.memory_space<vmem>>) offsets(%dma_start3A_375 : memref<56xi32, #tpu.memory_space<vmem>>) semaphore(%arg17 : memref<!tpu.dma_semaphore, #tpu.memory_space<semaphore_mem>>)
        %dma_wait3A_383 = arith.constant 0 : i32
        %dma_wait3A_384 = arith.constant 0 : i32
        %dma_wait3A_385 = tpu.memref_slice %arg9[%dma_wait3A_383, %dma_wait3A_384] : memref<64x128xf32, #tpu.memory_space<vmem>> -> memref<56x128xf32, #tpu.memory_space<vmem>>
        %dma_wait3A_386 = tpu.memref_slice %arg6[%multiple_of3A_371] : memref<15488xi32, #tpu.memory_space<vmem>> -> memref<56xi32, #tpu.memory_space<vmem>>
        %dma_wait3A_387 = arith.constant 0 : i32
        %dma_wait3A_388 = arith.constant 0 : i32
        %dma_wait3A_389 = tpu.memref_slice %arg13[%cond3A_269, %dma_wait3A_387, %dma_wait3A_388] : memref<2x2048x128xf32, #tpu.memory_space<vmem_shared>> -> memref<1x2048x128xf32, #tpu.memory_space<vmem_shared>>
        %dma_wait3A_390 = tpu.memref_squeeze %dma_wait3A_389 : memref<1x2048x128xf32, #tpu.memory_space<vmem_shared>> -> memref<2048x128xf32, #tpu.memory_space<vmem_shared>>
        %dma_wait3A_391 = arith.constant 0 : i32
        %dma_wait3A_392 = arith.constant 0 : i32
        %dma_wait3A_393 = tpu.memref_slice %dma_wait3A_390[%dma_wait3A_391, %dma_wait3A_392] : memref<2048x128xf32, #tpu.memory_space<vmem_shared>> -> memref<2048x128xf32, #tpu.memory_space<vmem_shared>>
        tpu.wait_indirect_dma semaphore(%arg17 : memref<!tpu.dma_semaphore, #tpu.memory_space<semaphore_mem>>) src(%dma_wait3A_393 : memref<2048x128xf32, #tpu.memory_space<vmem_shared>>) dst(%dma_wait3A_385 : memref<56x128xf32, #tpu.memory_space<vmem>>)
        %dma_start3A_394 = arith.constant 0 : i32
        %dma_start3A_395 = arith.constant 0 : i32
        %dma_start3A_396 = tpu.memref_slice %arg9[%dma_start3A_394, %dma_start3A_395] : memref<64x128xf32, #tpu.memory_space<vmem>> -> memref<56x128xf32, #tpu.memory_space<vmem>>
        %dma_start3A_397 = tpu.memref_slice %arg7[%multiple_of3A_371] : memref<15488xi32, #tpu.memory_space<vmem>> -> memref<56xi32, #tpu.memory_space<vmem>>
        %dma_start3A_398 = arith.constant 0 : i32
        %dma_start3A_399 = arith.constant 0 : i32
        %dma_start3A_400 = tpu.memref_slice %arg11[%dma_start3A_398, %dma_start3A_399] : memref<2048x128xf32, #tpu.memory_space<vmem_shared>> -> memref<2048x128xf32, #tpu.memory_space<vmem_shared>>
        tpu.enqueue_indirect_dma source(%dma_start3A_396 : memref<56x128xf32, #tpu.memory_space<vmem>>) target(%dma_start3A_400 : memref<2048x128xf32, #tpu.memory_space<vmem_shared>>) offsets(%dma_start3A_397 : memref<56xi32, #tpu.memory_space<vmem>>) semaphore(%arg18 : memref<!tpu.dma_semaphore, #tpu.memory_space<semaphore_mem>>) {add = true}
        %dma_wait3A_401 = arith.constant 0 : i32
        %dma_wait3A_402 = arith.constant 0 : i32
        %dma_wait3A_403 = tpu.memref_slice %arg9[%dma_wait3A_401, %dma_wait3A_402] : memref<64x128xf32, #tpu.memory_space<vmem>> -> memref<56x128xf32, #tpu.memory_space<vmem>>
        %dma_wait3A_404 = arith.constant 0 : i32
        %dma_wait3A_405 = arith.constant 0 : i32
        %dma_wait3A_406 = tpu.memref_slice %arg2[%dma_wait3A_404, %dma_wait3A_405] : memref<100001x128xf32, #tpu.memory_space<hbm>> -> memref<56x128xf32, #tpu.memory_space<hbm>>
        %dma_wait3A_407 = arith.constant 0 : i32
        %dma_wait3A_408 = arith.constant 0 : i32
        %dma_wait3A_409 = tpu.memref_slice %arg9[%dma_wait3A_407, %dma_wait3A_408] : memref<64x128xf32, #tpu.memory_space<vmem>> -> memref<56x128xf32, #tpu.memory_space<vmem>>
        %dma_wait3A_410 = arith.constant 0 : i32
        %dma_wait3A_411 = arith.constant 0 : i32
        %dma_wait3A_412 = tpu.memref_slice %arg2[%dma_wait3A_410, %dma_wait3A_411] : memref<100001x128xf32, #tpu.memory_space<hbm>> -> memref<56x128xf32, #tpu.memory_space<hbm>>
        tpu.wait_dma2 semaphore(%arg18 : memref<!tpu.dma_semaphore, #tpu.memory_space<semaphore_mem>>) src(%dma_wait3A_412 : memref<56x128xf32, #tpu.memory_space<hbm>>) dst(%dma_wait3A_409 : memref<56x128xf32, #tpu.memory_space<vmem>>)
      } else {
      }
      %dma_wait3A_272 = arith.constant 1 : i32
      %dma_wait3A_273 = arith.constant 0 : i32
      %dma_wait3A_274 = tpu.memref_slice %arg13[%dma_wait3A_272, %multiple_of3A, %dma_wait3A_273] : memref<2x2048x128xf32, #tpu.memory_space<vmem_shared>> -> memref<1x128x128xf32, #tpu.memory_space<vmem_shared>>
      %dma_wait3A_275 = tpu.memref_squeeze %dma_wait3A_274 : memref<1x128x128xf32, #tpu.memory_space<vmem_shared>> -> memref<128x128xf32, #tpu.memory_space<vmem_shared>>
      %dma_wait3A_276 = arith.constant 0 : i32
      %dma_wait3A_277 = arith.constant 0 : i32
      %dma_wait3A_278 = tpu.memref_slice %arg2[%dma_wait3A_276, %dma_wait3A_277] : memref<100001x128xf32, #tpu.memory_space<hbm>> -> memref<128x128xf32, #tpu.memory_space<hbm>>
      tpu.wait_dma2 semaphore(%arg16 : memref<!tpu.dma_semaphore, #tpu.memory_space<semaphore_mem>>) src(%dma_wait3A_278 : memref<128x128xf32, #tpu.memory_space<hbm>>) dst(%dma_wait3A_275 : memref<128x128xf32, #tpu.memory_space<vmem_shared>>)
      %barrier3A_279 = arith.constant 0 : index
      tpu.barrier barrier_id(%barrier3A_279)
      %add3A_280 = arith.constant 2 : i32
      %add3A_281 = arith.addi %mul3A_169, %add3A_280 : i32
      %lt3A_282 = arith.constant 49 : i32
      %lt3A_283 = arith.cmpi slt, %add3A_281, %lt3A_282 : i32
      %convert_element_type3A_284 = arith.extui %lt3A_283 : i1 to i32
      %cond3A_285 = arith.constant 0 : i32
      %cond3A_286 = arith.cmpi ne, %convert_element_type3A_284, %cond3A_285 : i32
      scf.if %cond3A_286 {
        %add3A_368 = arith.constant 2 : i32
        %add3A_369 = arith.addi %mul3A_169, %add3A_368 : i32
        %eq3A_370 = arith.constant 48 : i32
        %eq3A_371 = arith.cmpi eq, %add3A_369, %eq3A_370 : i32
        %add3A_372 = arith.constant 2 : i32
        %add3A_373 = arith.addi %mul3A_169, %add3A_372 : i32
        %mul3A_374 = arith.constant 2048 : i32
        %mul3A_375 = arith.muli %add3A_373, %mul3A_374 : i32
        %jit3A_376 = arith.constant 97952 : i32
        %select_n3A_377 = arith.select %eq3A_371, %jit3A_376, %mul3A_375 : i32
        %add3A_378 = arith.addi %select_n3A_377, %multiple_of3A : i32
        %multiple_of3A_379 = tpu.assume_multiple %add3A_378, 8 : i32
        %dma_start3A_380 = arith.constant 0 : i32
        %dma_start3A_381 = arith.constant 0 : i32
        %dma_start3A_382 = tpu.memref_slice %arg13[%dma_start3A_380, %multiple_of3A, %dma_start3A_381] : memref<2x2048x128xf32, #tpu.memory_space<vmem_shared>> -> memref<1x128x128xf32, #tpu.memory_space<vmem_shared>>
        %dma_start3A_383 = tpu.memref_squeeze %dma_start3A_382 : memref<1x128x128xf32, #tpu.memory_space<vmem_shared>> -> memref<128x128xf32, #tpu.memory_space<vmem_shared>>
        %dma_start3A_384 = arith.constant 0 : i32
        %dma_start3A_385 = tpu.memref_slice %arg2[%multiple_of3A_379, %dma_start3A_384] : memref<100001x128xf32, #tpu.memory_space<hbm>> -> memref<128x128xf32, #tpu.memory_space<hbm>>
        tpu.enqueue_dma source(%dma_start3A_385 : memref<128x128xf32, #tpu.memory_space<hbm>>) target(%dma_start3A_383 : memref<128x128xf32, #tpu.memory_space<vmem_shared>>) target_semaphore(%arg15 : memref<!tpu.dma_semaphore, #tpu.memory_space<semaphore_mem>>)
      } else {
      }
      %add3A_287 = arith.constant 1 : i32
      %add3A_288 = arith.addi %mul3A_169, %add3A_287 : i32
      %get3A_289 = arith.index_cast %add3A_288 : i32 to index
      %get3A_290 = memref.load %arg14[%get3A_289] : memref<56xi32, #tpu.memory_space<smem>>
      %add3A_291 = arith.constant 1 : i32
      %add3A_292 = arith.addi %add3A_288, %add3A_291 : i32
      %get3A_293 = arith.index_cast %add3A_292 : i32 to index
      %get3A_294 = memref.load %arg14[%get3A_293] : memref<56xi32, #tpu.memory_space<smem>>
      %sub3A_295 = arith.subi %get3A_294, %get3A_290 : i32
      %shift_right_arithmetic3A_296 = arith.constant 6 : i32
      %shift_right_arithmetic3A_297 = arith.shrsi %sub3A_295, %shift_right_arithmetic3A_296 : i32
      %sub3A_298 = arith.subi %get3A_294, %get3A_290 : i32
      %shift_left3A_299 = arith.constant 6 : i32
      %shift_left3A_300 = arith.shli %shift_right_arithmetic3A_297, %shift_left3A_299 : i32
      %sub3A_301 = arith.subi %sub3A_298, %shift_left3A_300 : i32
      %shift_right_arithmetic3A_302 = arith.constant 1 : i32
      %shift_right_arithmetic3A_303 = arith.shrsi %shift_right_arithmetic3A_297, %shift_right_arithmetic3A_302 : i32
      %while3A_304 = arith.constant 1 : i32
      %while3A_305 = arith.constant 0 : i32
      %while3A_306 = arith.constant 0 : i32
      %while3A_307 = arith.subi %shift_right_arithmetic3A_303, %while3A_305 : i32
      %while3A_308 = arith.addi %while3A_305, %while3A_307 : i32
      %while3A_309 = arith.constant 1 : i32
      %while3A_310 = arith.divsi %while3A_307, %while3A_309 : i32
      %while3A_311 = arith.muli %while3A_310, %while3A_309 : i32
      %while3A_312 = arith.addi %while3A_305, %while3A_311 : i32
      %while3A_313 = arith.constant 1 : i32
      %while3A_314 = scf.for %while3A_368 = %while3A_305 to %while3A_312 step %while3A_313 iter_args(%while3A_369 = %while3A_306) -> (i32)  : i32 {
        %mul3A_370 = arith.constant 2 : i32
        %mul3A_371 = arith.muli %while3A_368, %mul3A_370 : i32
        %mul3A_372 = arith.constant 64 : i32
        %mul3A_373 = arith.muli %mul3A_371, %mul3A_372 : i32
        %add3A_374 = arith.addi %get3A_290, %mul3A_373 : i32
        %multiple_of3A_375 = tpu.assume_multiple %add3A_374, 64 : i32
        %mul3A_376 = arith.constant 2 : i32
        %mul3A_377 = arith.muli %while3A_368, %mul3A_376 : i32
        %mul3A_378 = arith.constant 64 : i32
        %mul3A_379 = arith.muli %mul3A_377, %mul3A_378 : i32
        %add3A_380 = arith.addi %get3A_290, %mul3A_379 : i32
        %add3A_381 = arith.constant 64 : i32
        %add3A_382 = arith.addi %add3A_380, %add3A_381 : i32
        %multiple_of3A_383 = tpu.assume_multiple %add3A_382, 64 : i32
        %dma_start3A_384 = tpu.memref_slice %arg6[%multiple_of3A_375] : memref<15488xi32, #tpu.memory_space<vmem>> -> memref<64xi32, #tpu.memory_space<vmem>>
        %dma_start3A_385 = arith.constant 0 : i32
        %dma_start3A_386 = arith.constant 0 : i32
        %dma_start3A_387 = tpu.memref_slice %arg13[%while3A_304, %dma_start3A_385, %dma_start3A_386] : memref<2x2048x128xf32, #tpu.memory_space<vmem_shared>> -> memref<1x2048x128xf32, #tpu.memory_space<vmem_shared>>
        %dma_start3A_388 = tpu.memref_squeeze %dma_start3A_387 : memref<1x2048x128xf32, #tpu.memory_space<vmem_shared>> -> memref<2048x128xf32, #tpu.memory_space<vmem_shared>>
        %dma_start3A_389 = arith.constant 0 : i32
        %dma_start3A_390 = arith.constant 0 : i32
        %dma_start3A_391 = tpu.memref_slice %dma_start3A_388[%dma_start3A_389, %dma_start3A_390] : memref<2048x128xf32, #tpu.memory_space<vmem_shared>> -> memref<2048x128xf32, #tpu.memory_space<vmem_shared>>
        tpu.enqueue_indirect_dma source(%dma_start3A_391 : memref<2048x128xf32, #tpu.memory_space<vmem_shared>>) target(%arg9 : memref<64x128xf32, #tpu.memory_space<vmem>>) offsets(%dma_start3A_384 : memref<64xi32, #tpu.memory_space<vmem>>) semaphore(%arg17 : memref<!tpu.dma_semaphore, #tpu.memory_space<semaphore_mem>>)
        %dma_start3A_392 = tpu.memref_slice %arg6[%multiple_of3A_383] : memref<15488xi32, #tpu.memory_space<vmem>> -> memref<64xi32, #tpu.memory_space<vmem>>
        %dma_start3A_393 = arith.constant 0 : i32
        %dma_start3A_394 = arith.constant 0 : i32
        %dma_start3A_395 = tpu.memref_slice %arg13[%while3A_304, %dma_start3A_393, %dma_start3A_394] : memref<2x2048x128xf32, #tpu.memory_space<vmem_shared>> -> memref<1x2048x128xf32, #tpu.memory_space<vmem_shared>>
        %dma_start3A_396 = tpu.memref_squeeze %dma_start3A_395 : memref<1x2048x128xf32, #tpu.memory_space<vmem_shared>> -> memref<2048x128xf32, #tpu.memory_space<vmem_shared>>
        %dma_start3A_397 = arith.constant 0 : i32
        %dma_start3A_398 = arith.constant 0 : i32
        %dma_start3A_399 = tpu.memref_slice %dma_start3A_396[%dma_start3A_397, %dma_start3A_398] : memref<2048x128xf32, #tpu.memory_space<vmem_shared>> -> memref<2048x128xf32, #tpu.memory_space<vmem_shared>>
        tpu.enqueue_indirect_dma source(%dma_start3A_399 : memref<2048x128xf32, #tpu.memory_space<vmem_shared>>) target(%arg10 : memref<64x128xf32, #tpu.memory_space<vmem>>) offsets(%dma_start3A_392 : memref<64xi32, #tpu.memory_space<vmem>>) semaphore(%arg17 : memref<!tpu.dma_semaphore, #tpu.memory_space<semaphore_mem>>)
        %dma_wait3A_400 = tpu.memref_slice %arg6[%multiple_of3A_375] : memref<15488xi32, #tpu.memory_space<vmem>> -> memref<64xi32, #tpu.memory_space<vmem>>
        %dma_wait3A_401 = arith.constant 0 : i32
        %dma_wait3A_402 = arith.constant 0 : i32
        %dma_wait3A_403 = tpu.memref_slice %arg13[%while3A_304, %dma_wait3A_401, %dma_wait3A_402] : memref<2x2048x128xf32, #tpu.memory_space<vmem_shared>> -> memref<1x2048x128xf32, #tpu.memory_space<vmem_shared>>
        %dma_wait3A_404 = tpu.memref_squeeze %dma_wait3A_403 : memref<1x2048x128xf32, #tpu.memory_space<vmem_shared>> -> memref<2048x128xf32, #tpu.memory_space<vmem_shared>>
        %dma_wait3A_405 = arith.constant 0 : i32
        %dma_wait3A_406 = arith.constant 0 : i32
        %dma_wait3A_407 = tpu.memref_slice %dma_wait3A_404[%dma_wait3A_405, %dma_wait3A_406] : memref<2048x128xf32, #tpu.memory_space<vmem_shared>> -> memref<2048x128xf32, #tpu.memory_space<vmem_shared>>
        tpu.wait_indirect_dma semaphore(%arg17 : memref<!tpu.dma_semaphore, #tpu.memory_space<semaphore_mem>>) src(%dma_wait3A_407 : memref<2048x128xf32, #tpu.memory_space<vmem_shared>>) dst(%arg9 : memref<64x128xf32, #tpu.memory_space<vmem>>)
        %dma_start3A_408 = tpu.memref_slice %arg7[%multiple_of3A_375] : memref<15488xi32, #tpu.memory_space<vmem>> -> memref<64xi32, #tpu.memory_space<vmem>>
        %dma_start3A_409 = arith.constant 0 : i32
        %dma_start3A_410 = arith.constant 0 : i32
        %dma_start3A_411 = tpu.memref_slice %arg11[%dma_start3A_409, %dma_start3A_410] : memref<2048x128xf32, #tpu.memory_space<vmem_shared>> -> memref<2048x128xf32, #tpu.memory_space<vmem_shared>>
        tpu.enqueue_indirect_dma source(%arg9 : memref<64x128xf32, #tpu.memory_space<vmem>>) target(%dma_start3A_411 : memref<2048x128xf32, #tpu.memory_space<vmem_shared>>) offsets(%dma_start3A_408 : memref<64xi32, #tpu.memory_space<vmem>>) semaphore(%arg18 : memref<!tpu.dma_semaphore, #tpu.memory_space<semaphore_mem>>) {add = true}
        %dma_wait3A_412 = tpu.memref_slice %arg6[%multiple_of3A_383] : memref<15488xi32, #tpu.memory_space<vmem>> -> memref<64xi32, #tpu.memory_space<vmem>>
        %dma_wait3A_413 = arith.constant 0 : i32
        %dma_wait3A_414 = arith.constant 0 : i32
        %dma_wait3A_415 = tpu.memref_slice %arg13[%while3A_304, %dma_wait3A_413, %dma_wait3A_414] : memref<2x2048x128xf32, #tpu.memory_space<vmem_shared>> -> memref<1x2048x128xf32, #tpu.memory_space<vmem_shared>>
        %dma_wait3A_416 = tpu.memref_squeeze %dma_wait3A_415 : memref<1x2048x128xf32, #tpu.memory_space<vmem_shared>> -> memref<2048x128xf32, #tpu.memory_space<vmem_shared>>
        %dma_wait3A_417 = arith.constant 0 : i32
        %dma_wait3A_418 = arith.constant 0 : i32
        %dma_wait3A_419 = tpu.memref_slice %dma_wait3A_416[%dma_wait3A_417, %dma_wait3A_418] : memref<2048x128xf32, #tpu.memory_space<vmem_shared>> -> memref<2048x128xf32, #tpu.memory_space<vmem_shared>>
        tpu.wait_indirect_dma semaphore(%arg17 : memref<!tpu.dma_semaphore, #tpu.memory_space<semaphore_mem>>) src(%dma_wait3A_419 : memref<2048x128xf32, #tpu.memory_space<vmem_shared>>) dst(%arg10 : memref<64x128xf32, #tpu.memory_space<vmem>>)
        %dma_start3A_420 = tpu.memref_slice %arg7[%multiple_of3A_383] : memref<15488xi32, #tpu.memory_space<vmem>> -> memref<64xi32, #tpu.memory_space<vmem>>
        %dma_start3A_421 = arith.constant 0 : i32
        %dma_start3A_422 = arith.constant 0 : i32
        %dma_start3A_423 = tpu.memref_slice %arg11[%dma_start3A_421, %dma_start3A_422] : memref<2048x128xf32, #tpu.memory_space<vmem_shared>> -> memref<2048x128xf32, #tpu.memory_space<vmem_shared>>
        tpu.enqueue_indirect_dma source(%arg10 : memref<64x128xf32, #tpu.memory_space<vmem>>) target(%dma_start3A_423 : memref<2048x128xf32, #tpu.memory_space<vmem_shared>>) offsets(%dma_start3A_420 : memref<64xi32, #tpu.memory_space<vmem>>) semaphore(%arg18 : memref<!tpu.dma_semaphore, #tpu.memory_space<semaphore_mem>>) {add = true}
        %dma_wait3A_424 = arith.constant 0 : i32
        %dma_wait3A_425 = arith.constant 0 : i32
        %dma_wait3A_426 = tpu.memref_slice %arg2[%dma_wait3A_424, %dma_wait3A_425] : memref<100001x128xf32, #tpu.memory_space<hbm>> -> memref<64x128xf32, #tpu.memory_space<hbm>>
        %dma_wait3A_427 = arith.constant 0 : i32
        %dma_wait3A_428 = arith.constant 0 : i32
        %dma_wait3A_429 = tpu.memref_slice %arg2[%dma_wait3A_427, %dma_wait3A_428] : memref<100001x128xf32, #tpu.memory_space<hbm>> -> memref<64x128xf32, #tpu.memory_space<hbm>>
        tpu.wait_dma2 semaphore(%arg18 : memref<!tpu.dma_semaphore, #tpu.memory_space<semaphore_mem>>) src(%dma_wait3A_429 : memref<64x128xf32, #tpu.memory_space<hbm>>) dst(%arg9 : memref<64x128xf32, #tpu.memory_space<vmem>>)
        %dma_wait3A_430 = arith.constant 0 : i32
        %dma_wait3A_431 = arith.constant 0 : i32
        %dma_wait3A_432 = tpu.memref_slice %arg2[%dma_wait3A_430, %dma_wait3A_431] : memref<100001x128xf32, #tpu.memory_space<hbm>> -> memref<64x128xf32, #tpu.memory_space<hbm>>
        %dma_wait3A_433 = arith.constant 0 : i32
        %dma_wait3A_434 = arith.constant 0 : i32
        %dma_wait3A_435 = tpu.memref_slice %arg2[%dma_wait3A_433, %dma_wait3A_434] : memref<100001x128xf32, #tpu.memory_space<hbm>> -> memref<64x128xf32, #tpu.memory_space<hbm>>
        tpu.wait_dma2 semaphore(%arg18 : memref<!tpu.dma_semaphore, #tpu.memory_space<semaphore_mem>>) src(%dma_wait3A_435 : memref<64x128xf32, #tpu.memory_space<hbm>>) dst(%arg10 : memref<64x128xf32, #tpu.memory_space<vmem>>)
        %while3A_436 = arith.constant 0 : i32
        scf.yield %while3A_436 : i32
      }
      %while3A_315 = arith.constant 1 : i32
      %while3A_316 = scf.for %while3A_368 = %while3A_312 to %while3A_308 step %while3A_315 iter_args(%while3A_369 = %while3A_314) -> (i32)  : i32 {
        %mul3A_370 = arith.constant 2 : i32
        %mul3A_371 = arith.muli %while3A_368, %mul3A_370 : i32
        %mul3A_372 = arith.constant 64 : i32
        %mul3A_373 = arith.muli %mul3A_371, %mul3A_372 : i32
        %add3A_374 = arith.addi %get3A_290, %mul3A_373 : i32
        %multiple_of3A_375 = tpu.assume_multiple %add3A_374, 64 : i32
        %mul3A_376 = arith.constant 2 : i32
        %mul3A_377 = arith.muli %while3A_368, %mul3A_376 : i32
        %mul3A_378 = arith.constant 64 : i32
        %mul3A_379 = arith.muli %mul3A_377, %mul3A_378 : i32
        %add3A_380 = arith.addi %get3A_290, %mul3A_379 : i32
        %add3A_381 = arith.constant 64 : i32
        %add3A_382 = arith.addi %add3A_380, %add3A_381 : i32
        %multiple_of3A_383 = tpu.assume_multiple %add3A_382, 64 : i32
        %dma_start3A_384 = tpu.memref_slice %arg6[%multiple_of3A_375] : memref<15488xi32, #tpu.memory_space<vmem>> -> memref<64xi32, #tpu.memory_space<vmem>>
        %dma_start3A_385 = arith.constant 0 : i32
        %dma_start3A_386 = arith.constant 0 : i32
        %dma_start3A_387 = tpu.memref_slice %arg13[%while3A_304, %dma_start3A_385, %dma_start3A_386] : memref<2x2048x128xf32, #tpu.memory_space<vmem_shared>> -> memref<1x2048x128xf32, #tpu.memory_space<vmem_shared>>
        %dma_start3A_388 = tpu.memref_squeeze %dma_start3A_387 : memref<1x2048x128xf32, #tpu.memory_space<vmem_shared>> -> memref<2048x128xf32, #tpu.memory_space<vmem_shared>>
        %dma_start3A_389 = arith.constant 0 : i32
        %dma_start3A_390 = arith.constant 0 : i32
        %dma_start3A_391 = tpu.memref_slice %dma_start3A_388[%dma_start3A_389, %dma_start3A_390] : memref<2048x128xf32, #tpu.memory_space<vmem_shared>> -> memref<2048x128xf32, #tpu.memory_space<vmem_shared>>
        tpu.enqueue_indirect_dma source(%dma_start3A_391 : memref<2048x128xf32, #tpu.memory_space<vmem_shared>>) target(%arg9 : memref<64x128xf32, #tpu.memory_space<vmem>>) offsets(%dma_start3A_384 : memref<64xi32, #tpu.memory_space<vmem>>) semaphore(%arg17 : memref<!tpu.dma_semaphore, #tpu.memory_space<semaphore_mem>>)
        %dma_start3A_392 = tpu.memref_slice %arg6[%multiple_of3A_383] : memref<15488xi32, #tpu.memory_space<vmem>> -> memref<64xi32, #tpu.memory_space<vmem>>
        %dma_start3A_393 = arith.constant 0 : i32
        %dma_start3A_394 = arith.constant 0 : i32
        %dma_start3A_395 = tpu.memref_slice %arg13[%while3A_304, %dma_start3A_393, %dma_start3A_394] : memref<2x2048x128xf32, #tpu.memory_space<vmem_shared>> -> memref<1x2048x128xf32, #tpu.memory_space<vmem_shared>>
        %dma_start3A_396 = tpu.memref_squeeze %dma_start3A_395 : memref<1x2048x128xf32, #tpu.memory_space<vmem_shared>> -> memref<2048x128xf32, #tpu.memory_space<vmem_shared>>
        %dma_start3A_397 = arith.constant 0 : i32
        %dma_start3A_398 = arith.constant 0 : i32
        %dma_start3A_399 = tpu.memref_slice %dma_start3A_396[%dma_start3A_397, %dma_start3A_398] : memref<2048x128xf32, #tpu.memory_space<vmem_shared>> -> memref<2048x128xf32, #tpu.memory_space<vmem_shared>>
        tpu.enqueue_indirect_dma source(%dma_start3A_399 : memref<2048x128xf32, #tpu.memory_space<vmem_shared>>) target(%arg10 : memref<64x128xf32, #tpu.memory_space<vmem>>) offsets(%dma_start3A_392 : memref<64xi32, #tpu.memory_space<vmem>>) semaphore(%arg17 : memref<!tpu.dma_semaphore, #tpu.memory_space<semaphore_mem>>)
        %dma_wait3A_400 = tpu.memref_slice %arg6[%multiple_of3A_375] : memref<15488xi32, #tpu.memory_space<vmem>> -> memref<64xi32, #tpu.memory_space<vmem>>
        %dma_wait3A_401 = arith.constant 0 : i32
        %dma_wait3A_402 = arith.constant 0 : i32
        %dma_wait3A_403 = tpu.memref_slice %arg13[%while3A_304, %dma_wait3A_401, %dma_wait3A_402] : memref<2x2048x128xf32, #tpu.memory_space<vmem_shared>> -> memref<1x2048x128xf32, #tpu.memory_space<vmem_shared>>
        %dma_wait3A_404 = tpu.memref_squeeze %dma_wait3A_403 : memref<1x2048x128xf32, #tpu.memory_space<vmem_shared>> -> memref<2048x128xf32, #tpu.memory_space<vmem_shared>>
        %dma_wait3A_405 = arith.constant 0 : i32
        %dma_wait3A_406 = arith.constant 0 : i32
        %dma_wait3A_407 = tpu.memref_slice %dma_wait3A_404[%dma_wait3A_405, %dma_wait3A_406] : memref<2048x128xf32, #tpu.memory_space<vmem_shared>> -> memref<2048x128xf32, #tpu.memory_space<vmem_shared>>
        tpu.wait_indirect_dma semaphore(%arg17 : memref<!tpu.dma_semaphore, #tpu.memory_space<semaphore_mem>>) src(%dma_wait3A_407 : memref<2048x128xf32, #tpu.memory_space<vmem_shared>>) dst(%arg9 : memref<64x128xf32, #tpu.memory_space<vmem>>)
        %dma_start3A_408 = tpu.memref_slice %arg7[%multiple_of3A_375] : memref<15488xi32, #tpu.memory_space<vmem>> -> memref<64xi32, #tpu.memory_space<vmem>>
        %dma_start3A_409 = arith.constant 0 : i32
        %dma_start3A_410 = arith.constant 0 : i32
        %dma_start3A_411 = tpu.memref_slice %arg11[%dma_start3A_409, %dma_start3A_410] : memref<2048x128xf32, #tpu.memory_space<vmem_shared>> -> memref<2048x128xf32, #tpu.memory_space<vmem_shared>>
        tpu.enqueue_indirect_dma source(%arg9 : memref<64x128xf32, #tpu.memory_space<vmem>>) target(%dma_start3A_411 : memref<2048x128xf32, #tpu.memory_space<vmem_shared>>) offsets(%dma_start3A_408 : memref<64xi32, #tpu.memory_space<vmem>>) semaphore(%arg18 : memref<!tpu.dma_semaphore, #tpu.memory_space<semaphore_mem>>) {add = true}
        %dma_wait3A_412 = tpu.memref_slice %arg6[%multiple_of3A_383] : memref<15488xi32, #tpu.memory_space<vmem>> -> memref<64xi32, #tpu.memory_space<vmem>>
        %dma_wait3A_413 = arith.constant 0 : i32
        %dma_wait3A_414 = arith.constant 0 : i32
        %dma_wait3A_415 = tpu.memref_slice %arg13[%while3A_304, %dma_wait3A_413, %dma_wait3A_414] : memref<2x2048x128xf32, #tpu.memory_space<vmem_shared>> -> memref<1x2048x128xf32, #tpu.memory_space<vmem_shared>>
        %dma_wait3A_416 = tpu.memref_squeeze %dma_wait3A_415 : memref<1x2048x128xf32, #tpu.memory_space<vmem_shared>> -> memref<2048x128xf32, #tpu.memory_space<vmem_shared>>
        %dma_wait3A_417 = arith.constant 0 : i32
        %dma_wait3A_418 = arith.constant 0 : i32
        %dma_wait3A_419 = tpu.memref_slice %dma_wait3A_416[%dma_wait3A_417, %dma_wait3A_418] : memref<2048x128xf32, #tpu.memory_space<vmem_shared>> -> memref<2048x128xf32, #tpu.memory_space<vmem_shared>>
        tpu.wait_indirect_dma semaphore(%arg17 : memref<!tpu.dma_semaphore, #tpu.memory_space<semaphore_mem>>) src(%dma_wait3A_419 : memref<2048x128xf32, #tpu.memory_space<vmem_shared>>) dst(%arg10 : memref<64x128xf32, #tpu.memory_space<vmem>>)
        %dma_start3A_420 = tpu.memref_slice %arg7[%multiple_of3A_383] : memref<15488xi32, #tpu.memory_space<vmem>> -> memref<64xi32, #tpu.memory_space<vmem>>
        %dma_start3A_421 = arith.constant 0 : i32
        %dma_start3A_422 = arith.constant 0 : i32
        %dma_start3A_423 = tpu.memref_slice %arg11[%dma_start3A_421, %dma_start3A_422] : memref<2048x128xf32, #tpu.memory_space<vmem_shared>> -> memref<2048x128xf32, #tpu.memory_space<vmem_shared>>
        tpu.enqueue_indirect_dma source(%arg10 : memref<64x128xf32, #tpu.memory_space<vmem>>) target(%dma_start3A_423 : memref<2048x128xf32, #tpu.memory_space<vmem_shared>>) offsets(%dma_start3A_420 : memref<64xi32, #tpu.memory_space<vmem>>) semaphore(%arg18 : memref<!tpu.dma_semaphore, #tpu.memory_space<semaphore_mem>>) {add = true}
        %dma_wait3A_424 = arith.constant 0 : i32
        %dma_wait3A_425 = arith.constant 0 : i32
        %dma_wait3A_426 = tpu.memref_slice %arg2[%dma_wait3A_424, %dma_wait3A_425] : memref<100001x128xf32, #tpu.memory_space<hbm>> -> memref<64x128xf32, #tpu.memory_space<hbm>>
        %dma_wait3A_427 = arith.constant 0 : i32
        %dma_wait3A_428 = arith.constant 0 : i32
        %dma_wait3A_429 = tpu.memref_slice %arg2[%dma_wait3A_427, %dma_wait3A_428] : memref<100001x128xf32, #tpu.memory_space<hbm>> -> memref<64x128xf32, #tpu.memory_space<hbm>>
        tpu.wait_dma2 semaphore(%arg18 : memref<!tpu.dma_semaphore, #tpu.memory_space<semaphore_mem>>) src(%dma_wait3A_429 : memref<64x128xf32, #tpu.memory_space<hbm>>) dst(%arg9 : memref<64x128xf32, #tpu.memory_space<vmem>>)
        %dma_wait3A_430 = arith.constant 0 : i32
        %dma_wait3A_431 = arith.constant 0 : i32
        %dma_wait3A_432 = tpu.memref_slice %arg2[%dma_wait3A_430, %dma_wait3A_431] : memref<100001x128xf32, #tpu.memory_space<hbm>> -> memref<64x128xf32, #tpu.memory_space<hbm>>
        %dma_wait3A_433 = arith.constant 0 : i32
        %dma_wait3A_434 = arith.constant 0 : i32
        %dma_wait3A_435 = tpu.memref_slice %arg2[%dma_wait3A_433, %dma_wait3A_434] : memref<100001x128xf32, #tpu.memory_space<hbm>> -> memref<64x128xf32, #tpu.memory_space<hbm>>
        tpu.wait_dma2 semaphore(%arg18 : memref<!tpu.dma_semaphore, #tpu.memory_space<semaphore_mem>>) src(%dma_wait3A_435 : memref<64x128xf32, #tpu.memory_space<hbm>>) dst(%arg10 : memref<64x128xf32, #tpu.memory_space<vmem>>)
        %while3A_436 = arith.constant 0 : i32
        scf.yield %while3A_436 : i32
      }
      %and3A_317 = arith.constant 1 : i32
      %and3A_318 = arith.andi %shift_right_arithmetic3A_297, %and3A_317 : i32
      %eq3A_319 = arith.constant 1 : i32
      %eq3A_320 = arith.cmpi eq, %and3A_318, %eq3A_319 : i32
      %convert_element_type3A_321 = arith.extui %eq3A_320 : i1 to i32
      %cond3A_322 = arith.constant 1 : i32
      %cond3A_323 = arith.constant 0 : i32
      %cond3A_324 = arith.cmpi ne, %convert_element_type3A_321, %cond3A_323 : i32
      scf.if %cond3A_324 {
        %sub3A_368 = arith.constant 1 : i32
        %sub3A_369 = arith.subi %shift_right_arithmetic3A_297, %sub3A_368 : i32
        %mul3A_370 = arith.constant 64 : i32
        %mul3A_371 = arith.muli %sub3A_369, %mul3A_370 : i32
        %add3A_372 = arith.addi %get3A_290, %mul3A_371 : i32
        %multiple_of3A_373 = tpu.assume_multiple %add3A_372, 64 : i32
        %dma_start3A_374 = tpu.memref_slice %arg6[%multiple_of3A_373] : memref<15488xi32, #tpu.memory_space<vmem>> -> memref<64xi32, #tpu.memory_space<vmem>>
        %dma_start3A_375 = arith.constant 0 : i32
        %dma_start3A_376 = arith.constant 0 : i32
        %dma_start3A_377 = tpu.memref_slice %arg13[%cond3A_322, %dma_start3A_375, %dma_start3A_376] : memref<2x2048x128xf32, #tpu.memory_space<vmem_shared>> -> memref<1x2048x128xf32, #tpu.memory_space<vmem_shared>>
        %dma_start3A_378 = tpu.memref_squeeze %dma_start3A_377 : memref<1x2048x128xf32, #tpu.memory_space<vmem_shared>> -> memref<2048x128xf32, #tpu.memory_space<vmem_shared>>
        %dma_start3A_379 = arith.constant 0 : i32
        %dma_start3A_380 = arith.constant 0 : i32
        %dma_start3A_381 = tpu.memref_slice %dma_start3A_378[%dma_start3A_379, %dma_start3A_380] : memref<2048x128xf32, #tpu.memory_space<vmem_shared>> -> memref<2048x128xf32, #tpu.memory_space<vmem_shared>>
        tpu.enqueue_indirect_dma source(%dma_start3A_381 : memref<2048x128xf32, #tpu.memory_space<vmem_shared>>) target(%arg9 : memref<64x128xf32, #tpu.memory_space<vmem>>) offsets(%dma_start3A_374 : memref<64xi32, #tpu.memory_space<vmem>>) semaphore(%arg17 : memref<!tpu.dma_semaphore, #tpu.memory_space<semaphore_mem>>)
        %dma_wait3A_382 = tpu.memref_slice %arg6[%multiple_of3A_373] : memref<15488xi32, #tpu.memory_space<vmem>> -> memref<64xi32, #tpu.memory_space<vmem>>
        %dma_wait3A_383 = arith.constant 0 : i32
        %dma_wait3A_384 = arith.constant 0 : i32
        %dma_wait3A_385 = tpu.memref_slice %arg13[%cond3A_322, %dma_wait3A_383, %dma_wait3A_384] : memref<2x2048x128xf32, #tpu.memory_space<vmem_shared>> -> memref<1x2048x128xf32, #tpu.memory_space<vmem_shared>>
        %dma_wait3A_386 = tpu.memref_squeeze %dma_wait3A_385 : memref<1x2048x128xf32, #tpu.memory_space<vmem_shared>> -> memref<2048x128xf32, #tpu.memory_space<vmem_shared>>
        %dma_wait3A_387 = arith.constant 0 : i32
        %dma_wait3A_388 = arith.constant 0 : i32
        %dma_wait3A_389 = tpu.memref_slice %dma_wait3A_386[%dma_wait3A_387, %dma_wait3A_388] : memref<2048x128xf32, #tpu.memory_space<vmem_shared>> -> memref<2048x128xf32, #tpu.memory_space<vmem_shared>>
        tpu.wait_indirect_dma semaphore(%arg17 : memref<!tpu.dma_semaphore, #tpu.memory_space<semaphore_mem>>) src(%dma_wait3A_389 : memref<2048x128xf32, #tpu.memory_space<vmem_shared>>) dst(%arg9 : memref<64x128xf32, #tpu.memory_space<vmem>>)
        %dma_start3A_390 = tpu.memref_slice %arg7[%multiple_of3A_373] : memref<15488xi32, #tpu.memory_space<vmem>> -> memref<64xi32, #tpu.memory_space<vmem>>
        %dma_start3A_391 = arith.constant 0 : i32
        %dma_start3A_392 = arith.constant 0 : i32
        %dma_start3A_393 = tpu.memref_slice %arg11[%dma_start3A_391, %dma_start3A_392] : memref<2048x128xf32, #tpu.memory_space<vmem_shared>> -> memref<2048x128xf32, #tpu.memory_space<vmem_shared>>
        tpu.enqueue_indirect_dma source(%arg9 : memref<64x128xf32, #tpu.memory_space<vmem>>) target(%dma_start3A_393 : memref<2048x128xf32, #tpu.memory_space<vmem_shared>>) offsets(%dma_start3A_390 : memref<64xi32, #tpu.memory_space<vmem>>) semaphore(%arg18 : memref<!tpu.dma_semaphore, #tpu.memory_space<semaphore_mem>>) {add = true}
        %dma_wait3A_394 = arith.constant 0 : i32
        %dma_wait3A_395 = arith.constant 0 : i32
        %dma_wait3A_396 = tpu.memref_slice %arg2[%dma_wait3A_394, %dma_wait3A_395] : memref<100001x128xf32, #tpu.memory_space<hbm>> -> memref<64x128xf32, #tpu.memory_space<hbm>>
        %dma_wait3A_397 = arith.constant 0 : i32
        %dma_wait3A_398 = arith.constant 0 : i32
        %dma_wait3A_399 = tpu.memref_slice %arg2[%dma_wait3A_397, %dma_wait3A_398] : memref<100001x128xf32, #tpu.memory_space<hbm>> -> memref<64x128xf32, #tpu.memory_space<hbm>>
        tpu.wait_dma2 semaphore(%arg18 : memref<!tpu.dma_semaphore, #tpu.memory_space<semaphore_mem>>) src(%dma_wait3A_399 : memref<64x128xf32, #tpu.memory_space<hbm>>) dst(%arg9 : memref<64x128xf32, #tpu.memory_space<vmem>>)
      } else {
      }
      %eq3A_325 = arith.constant 8 : i32
      %eq3A_326 = arith.cmpi eq, %sub3A_301, %eq3A_325 : i32
      %convert_element_type3A_327 = arith.extui %eq3A_326 : i1 to i32
      %cond3A_328 = arith.constant 1 : i32
      %cond3A_329 = arith.constant 0 : i32
      %cond3A_330 = arith.cmpi ne, %convert_element_type3A_327, %cond3A_329 : i32
      scf.if %cond3A_330 {
        %shift_left3A_368 = arith.constant 6 : i32
        %shift_left3A_369 = arith.shli %shift_right_arithmetic3A_297, %shift_left3A_368 : i32
        %add3A_370 = arith.addi %get3A_290, %shift_left3A_369 : i32
        %multiple_of3A_371 = tpu.assume_multiple %add3A_370, 8 : i32
        %dma_start3A_372 = arith.constant 0 : i32
        %dma_start3A_373 = arith.constant 0 : i32
        %dma_start3A_374 = tpu.memref_slice %arg9[%dma_start3A_372, %dma_start3A_373] : memref<64x128xf32, #tpu.memory_space<vmem>> -> memref<8x128xf32, #tpu.memory_space<vmem>>
        %dma_start3A_375 = tpu.memref_slice %arg6[%multiple_of3A_371] : memref<15488xi32, #tpu.memory_space<vmem>> -> memref<8xi32, #tpu.memory_space<vmem>>
        %dma_start3A_376 = arith.constant 0 : i32
        %dma_start3A_377 = arith.constant 0 : i32
        %dma_start3A_378 = tpu.memref_slice %arg13[%cond3A_328, %dma_start3A_376, %dma_start3A_377] : memref<2x2048x128xf32, #tpu.memory_space<vmem_shared>> -> memref<1x2048x128xf32, #tpu.memory_space<vmem_shared>>
        %dma_start3A_379 = tpu.memref_squeeze %dma_start3A_378 : memref<1x2048x128xf32, #tpu.memory_space<vmem_shared>> -> memref<2048x128xf32, #tpu.memory_space<vmem_shared>>
        %dma_start3A_380 = arith.constant 0 : i32
        %dma_start3A_381 = arith.constant 0 : i32
        %dma_start3A_382 = tpu.memref_slice %dma_start3A_379[%dma_start3A_380, %dma_start3A_381] : memref<2048x128xf32, #tpu.memory_space<vmem_shared>> -> memref<2048x128xf32, #tpu.memory_space<vmem_shared>>
        tpu.enqueue_indirect_dma source(%dma_start3A_382 : memref<2048x128xf32, #tpu.memory_space<vmem_shared>>) target(%dma_start3A_374 : memref<8x128xf32, #tpu.memory_space<vmem>>) offsets(%dma_start3A_375 : memref<8xi32, #tpu.memory_space<vmem>>) semaphore(%arg17 : memref<!tpu.dma_semaphore, #tpu.memory_space<semaphore_mem>>)
        %dma_wait3A_383 = arith.constant 0 : i32
        %dma_wait3A_384 = arith.constant 0 : i32
        %dma_wait3A_385 = tpu.memref_slice %arg9[%dma_wait3A_383, %dma_wait3A_384] : memref<64x128xf32, #tpu.memory_space<vmem>> -> memref<8x128xf32, #tpu.memory_space<vmem>>
        %dma_wait3A_386 = tpu.memref_slice %arg6[%multiple_of3A_371] : memref<15488xi32, #tpu.memory_space<vmem>> -> memref<8xi32, #tpu.memory_space<vmem>>
        %dma_wait3A_387 = arith.constant 0 : i32
        %dma_wait3A_388 = arith.constant 0 : i32
        %dma_wait3A_389 = tpu.memref_slice %arg13[%cond3A_328, %dma_wait3A_387, %dma_wait3A_388] : memref<2x2048x128xf32, #tpu.memory_space<vmem_shared>> -> memref<1x2048x128xf32, #tpu.memory_space<vmem_shared>>
        %dma_wait3A_390 = tpu.memref_squeeze %dma_wait3A_389 : memref<1x2048x128xf32, #tpu.memory_space<vmem_shared>> -> memref<2048x128xf32, #tpu.memory_space<vmem_shared>>
        %dma_wait3A_391 = arith.constant 0 : i32
        %dma_wait3A_392 = arith.constant 0 : i32
        %dma_wait3A_393 = tpu.memref_slice %dma_wait3A_390[%dma_wait3A_391, %dma_wait3A_392] : memref<2048x128xf32, #tpu.memory_space<vmem_shared>> -> memref<2048x128xf32, #tpu.memory_space<vmem_shared>>
        tpu.wait_indirect_dma semaphore(%arg17 : memref<!tpu.dma_semaphore, #tpu.memory_space<semaphore_mem>>) src(%dma_wait3A_393 : memref<2048x128xf32, #tpu.memory_space<vmem_shared>>) dst(%dma_wait3A_385 : memref<8x128xf32, #tpu.memory_space<vmem>>)
        %dma_start3A_394 = arith.constant 0 : i32
        %dma_start3A_395 = arith.constant 0 : i32
        %dma_start3A_396 = tpu.memref_slice %arg9[%dma_start3A_394, %dma_start3A_395] : memref<64x128xf32, #tpu.memory_space<vmem>> -> memref<8x128xf32, #tpu.memory_space<vmem>>
        %dma_start3A_397 = tpu.memref_slice %arg7[%multiple_of3A_371] : memref<15488xi32, #tpu.memory_space<vmem>> -> memref<8xi32, #tpu.memory_space<vmem>>
        %dma_start3A_398 = arith.constant 0 : i32
        %dma_start3A_399 = arith.constant 0 : i32
        %dma_start3A_400 = tpu.memref_slice %arg11[%dma_start3A_398, %dma_start3A_399] : memref<2048x128xf32, #tpu.memory_space<vmem_shared>> -> memref<2048x128xf32, #tpu.memory_space<vmem_shared>>
        tpu.enqueue_indirect_dma source(%dma_start3A_396 : memref<8x128xf32, #tpu.memory_space<vmem>>) target(%dma_start3A_400 : memref<2048x128xf32, #tpu.memory_space<vmem_shared>>) offsets(%dma_start3A_397 : memref<8xi32, #tpu.memory_space<vmem>>) semaphore(%arg18 : memref<!tpu.dma_semaphore, #tpu.memory_space<semaphore_mem>>) {add = true}
        %dma_wait3A_401 = arith.constant 0 : i32
        %dma_wait3A_402 = arith.constant 0 : i32
        %dma_wait3A_403 = tpu.memref_slice %arg9[%dma_wait3A_401, %dma_wait3A_402] : memref<64x128xf32, #tpu.memory_space<vmem>> -> memref<8x128xf32, #tpu.memory_space<vmem>>
        %dma_wait3A_404 = arith.constant 0 : i32
        %dma_wait3A_405 = arith.constant 0 : i32
        %dma_wait3A_406 = tpu.memref_slice %arg2[%dma_wait3A_404, %dma_wait3A_405] : memref<100001x128xf32, #tpu.memory_space<hbm>> -> memref<8x128xf32, #tpu.memory_space<hbm>>
        %dma_wait3A_407 = arith.constant 0 : i32
        %dma_wait3A_408 = arith.constant 0 : i32
        %dma_wait3A_409 = tpu.memref_slice %arg9[%dma_wait3A_407, %dma_wait3A_408] : memref<64x128xf32, #tpu.memory_space<vmem>> -> memref<8x128xf32, #tpu.memory_space<vmem>>
        %dma_wait3A_410 = arith.constant 0 : i32
        %dma_wait3A_411 = arith.constant 0 : i32
        %dma_wait3A_412 = tpu.memref_slice %arg2[%dma_wait3A_410, %dma_wait3A_411] : memref<100001x128xf32, #tpu.memory_space<hbm>> -> memref<8x128xf32, #tpu.memory_space<hbm>>
        tpu.wait_dma2 semaphore(%arg18 : memref<!tpu.dma_semaphore, #tpu.memory_space<semaphore_mem>>) src(%dma_wait3A_412 : memref<8x128xf32, #tpu.memory_space<hbm>>) dst(%dma_wait3A_409 : memref<8x128xf32, #tpu.memory_space<vmem>>)
      } else {
      }
      %eq3A_331 = arith.constant 16 : i32
      %eq3A_332 = arith.cmpi eq, %sub3A_301, %eq3A_331 : i32
      %convert_element_type3A_333 = arith.extui %eq3A_332 : i1 to i32
      %cond3A_334 = arith.constant 1 : i32
      %cond3A_335 = arith.constant 0 : i32
      %cond3A_336 = arith.cmpi ne, %convert_element_type3A_333, %cond3A_335 : i32
      scf.if %cond3A_336 {
        %shift_left3A_368 = arith.constant 6 : i32
        %shift_left3A_369 = arith.shli %shift_right_arithmetic3A_297, %shift_left3A_368 : i32
        %add3A_370 = arith.addi %get3A_290, %shift_left3A_369 : i32
        %multiple_of3A_371 = tpu.assume_multiple %add3A_370, 8 : i32
        %dma_start3A_372 = arith.constant 0 : i32
        %dma_start3A_373 = arith.constant 0 : i32
        %dma_start3A_374 = tpu.memref_slice %arg9[%dma_start3A_372, %dma_start3A_373] : memref<64x128xf32, #tpu.memory_space<vmem>> -> memref<16x128xf32, #tpu.memory_space<vmem>>
        %dma_start3A_375 = tpu.memref_slice %arg6[%multiple_of3A_371] : memref<15488xi32, #tpu.memory_space<vmem>> -> memref<16xi32, #tpu.memory_space<vmem>>
        %dma_start3A_376 = arith.constant 0 : i32
        %dma_start3A_377 = arith.constant 0 : i32
        %dma_start3A_378 = tpu.memref_slice %arg13[%cond3A_334, %dma_start3A_376, %dma_start3A_377] : memref<2x2048x128xf32, #tpu.memory_space<vmem_shared>> -> memref<1x2048x128xf32, #tpu.memory_space<vmem_shared>>
        %dma_start3A_379 = tpu.memref_squeeze %dma_start3A_378 : memref<1x2048x128xf32, #tpu.memory_space<vmem_shared>> -> memref<2048x128xf32, #tpu.memory_space<vmem_shared>>
        %dma_start3A_380 = arith.constant 0 : i32
        %dma_start3A_381 = arith.constant 0 : i32
        %dma_start3A_382 = tpu.memref_slice %dma_start3A_379[%dma_start3A_380, %dma_start3A_381] : memref<2048x128xf32, #tpu.memory_space<vmem_shared>> -> memref<2048x128xf32, #tpu.memory_space<vmem_shared>>
        tpu.enqueue_indirect_dma source(%dma_start3A_382 : memref<2048x128xf32, #tpu.memory_space<vmem_shared>>) target(%dma_start3A_374 : memref<16x128xf32, #tpu.memory_space<vmem>>) offsets(%dma_start3A_375 : memref<16xi32, #tpu.memory_space<vmem>>) semaphore(%arg17 : memref<!tpu.dma_semaphore, #tpu.memory_space<semaphore_mem>>)
        %dma_wait3A_383 = arith.constant 0 : i32
        %dma_wait3A_384 = arith.constant 0 : i32
        %dma_wait3A_385 = tpu.memref_slice %arg9[%dma_wait3A_383, %dma_wait3A_384] : memref<64x128xf32, #tpu.memory_space<vmem>> -> memref<16x128xf32, #tpu.memory_space<vmem>>
        %dma_wait3A_386 = tpu.memref_slice %arg6[%multiple_of3A_371] : memref<15488xi32, #tpu.memory_space<vmem>> -> memref<16xi32, #tpu.memory_space<vmem>>
        %dma_wait3A_387 = arith.constant 0 : i32
        %dma_wait3A_388 = arith.constant 0 : i32
        %dma_wait3A_389 = tpu.memref_slice %arg13[%cond3A_334, %dma_wait3A_387, %dma_wait3A_388] : memref<2x2048x128xf32, #tpu.memory_space<vmem_shared>> -> memref<1x2048x128xf32, #tpu.memory_space<vmem_shared>>
        %dma_wait3A_390 = tpu.memref_squeeze %dma_wait3A_389 : memref<1x2048x128xf32, #tpu.memory_space<vmem_shared>> -> memref<2048x128xf32, #tpu.memory_space<vmem_shared>>
        %dma_wait3A_391 = arith.constant 0 : i32
        %dma_wait3A_392 = arith.constant 0 : i32
        %dma_wait3A_393 = tpu.memref_slice %dma_wait3A_390[%dma_wait3A_391, %dma_wait3A_392] : memref<2048x128xf32, #tpu.memory_space<vmem_shared>> -> memref<2048x128xf32, #tpu.memory_space<vmem_shared>>
        tpu.wait_indirect_dma semaphore(%arg17 : memref<!tpu.dma_semaphore, #tpu.memory_space<semaphore_mem>>) src(%dma_wait3A_393 : memref<2048x128xf32, #tpu.memory_space<vmem_shared>>) dst(%dma_wait3A_385 : memref<16x128xf32, #tpu.memory_space<vmem>>)
        %dma_start3A_394 = arith.constant 0 : i32
        %dma_start3A_395 = arith.constant 0 : i32
        %dma_start3A_396 = tpu.memref_slice %arg9[%dma_start3A_394, %dma_start3A_395] : memref<64x128xf32, #tpu.memory_space<vmem>> -> memref<16x128xf32, #tpu.memory_space<vmem>>
        %dma_start3A_397 = tpu.memref_slice %arg7[%multiple_of3A_371] : memref<15488xi32, #tpu.memory_space<vmem>> -> memref<16xi32, #tpu.memory_space<vmem>>
        %dma_start3A_398 = arith.constant 0 : i32
        %dma_start3A_399 = arith.constant 0 : i32
        %dma_start3A_400 = tpu.memref_slice %arg11[%dma_start3A_398, %dma_start3A_399] : memref<2048x128xf32, #tpu.memory_space<vmem_shared>> -> memref<2048x128xf32, #tpu.memory_space<vmem_shared>>
        tpu.enqueue_indirect_dma source(%dma_start3A_396 : memref<16x128xf32, #tpu.memory_space<vmem>>) target(%dma_start3A_400 : memref<2048x128xf32, #tpu.memory_space<vmem_shared>>) offsets(%dma_start3A_397 : memref<16xi32, #tpu.memory_space<vmem>>) semaphore(%arg18 : memref<!tpu.dma_semaphore, #tpu.memory_space<semaphore_mem>>) {add = true}
        %dma_wait3A_401 = arith.constant 0 : i32
        %dma_wait3A_402 = arith.constant 0 : i32
        %dma_wait3A_403 = tpu.memref_slice %arg9[%dma_wait3A_401, %dma_wait3A_402] : memref<64x128xf32, #tpu.memory_space<vmem>> -> memref<16x128xf32, #tpu.memory_space<vmem>>
        %dma_wait3A_404 = arith.constant 0 : i32
        %dma_wait3A_405 = arith.constant 0 : i32
        %dma_wait3A_406 = tpu.memref_slice %arg2[%dma_wait3A_404, %dma_wait3A_405] : memref<100001x128xf32, #tpu.memory_space<hbm>> -> memref<16x128xf32, #tpu.memory_space<hbm>>
        %dma_wait3A_407 = arith.constant 0 : i32
        %dma_wait3A_408 = arith.constant 0 : i32
        %dma_wait3A_409 = tpu.memref_slice %arg9[%dma_wait3A_407, %dma_wait3A_408] : memref<64x128xf32, #tpu.memory_space<vmem>> -> memref<16x128xf32, #tpu.memory_space<vmem>>
        %dma_wait3A_410 = arith.constant 0 : i32
        %dma_wait3A_411 = arith.constant 0 : i32
        %dma_wait3A_412 = tpu.memref_slice %arg2[%dma_wait3A_410, %dma_wait3A_411] : memref<100001x128xf32, #tpu.memory_space<hbm>> -> memref<16x128xf32, #tpu.memory_space<hbm>>
        tpu.wait_dma2 semaphore(%arg18 : memref<!tpu.dma_semaphore, #tpu.memory_space<semaphore_mem>>) src(%dma_wait3A_412 : memref<16x128xf32, #tpu.memory_space<hbm>>) dst(%dma_wait3A_409 : memref<16x128xf32, #tpu.memory_space<vmem>>)
      } else {
      }
      %eq3A_337 = arith.constant 24 : i32
      %eq3A_338 = arith.cmpi eq, %sub3A_301, %eq3A_337 : i32
      %convert_element_type3A_339 = arith.extui %eq3A_338 : i1 to i32
      %cond3A_340 = arith.constant 1 : i32
      %cond3A_341 = arith.constant 0 : i32
      %cond3A_342 = arith.cmpi ne, %convert_element_type3A_339, %cond3A_341 : i32
      scf.if %cond3A_342 {
        %shift_left3A_368 = arith.constant 6 : i32
        %shift_left3A_369 = arith.shli %shift_right_arithmetic3A_297, %shift_left3A_368 : i32
        %add3A_370 = arith.addi %get3A_290, %shift_left3A_369 : i32
        %multiple_of3A_371 = tpu.assume_multiple %add3A_370, 8 : i32
        %dma_start3A_372 = arith.constant 0 : i32
        %dma_start3A_373 = arith.constant 0 : i32
        %dma_start3A_374 = tpu.memref_slice %arg9[%dma_start3A_372, %dma_start3A_373] : memref<64x128xf32, #tpu.memory_space<vmem>> -> memref<24x128xf32, #tpu.memory_space<vmem>>
        %dma_start3A_375 = tpu.memref_slice %arg6[%multiple_of3A_371] : memref<15488xi32, #tpu.memory_space<vmem>> -> memref<24xi32, #tpu.memory_space<vmem>>
        %dma_start3A_376 = arith.constant 0 : i32
        %dma_start3A_377 = arith.constant 0 : i32
        %dma_start3A_378 = tpu.memref_slice %arg13[%cond3A_340, %dma_start3A_376, %dma_start3A_377] : memref<2x2048x128xf32, #tpu.memory_space<vmem_shared>> -> memref<1x2048x128xf32, #tpu.memory_space<vmem_shared>>
        %dma_start3A_379 = tpu.memref_squeeze %dma_start3A_378 : memref<1x2048x128xf32, #tpu.memory_space<vmem_shared>> -> memref<2048x128xf32, #tpu.memory_space<vmem_shared>>
        %dma_start3A_380 = arith.constant 0 : i32
        %dma_start3A_381 = arith.constant 0 : i32
        %dma_start3A_382 = tpu.memref_slice %dma_start3A_379[%dma_start3A_380, %dma_start3A_381] : memref<2048x128xf32, #tpu.memory_space<vmem_shared>> -> memref<2048x128xf32, #tpu.memory_space<vmem_shared>>
        tpu.enqueue_indirect_dma source(%dma_start3A_382 : memref<2048x128xf32, #tpu.memory_space<vmem_shared>>) target(%dma_start3A_374 : memref<24x128xf32, #tpu.memory_space<vmem>>) offsets(%dma_start3A_375 : memref<24xi32, #tpu.memory_space<vmem>>) semaphore(%arg17 : memref<!tpu.dma_semaphore, #tpu.memory_space<semaphore_mem>>)
        %dma_wait3A_383 = arith.constant 0 : i32
        %dma_wait3A_384 = arith.constant 0 : i32
        %dma_wait3A_385 = tpu.memref_slice %arg9[%dma_wait3A_383, %dma_wait3A_384] : memref<64x128xf32, #tpu.memory_space<vmem>> -> memref<24x128xf32, #tpu.memory_space<vmem>>
        %dma_wait3A_386 = tpu.memref_slice %arg6[%multiple_of3A_371] : memref<15488xi32, #tpu.memory_space<vmem>> -> memref<24xi32, #tpu.memory_space<vmem>>
        %dma_wait3A_387 = arith.constant 0 : i32
        %dma_wait3A_388 = arith.constant 0 : i32
        %dma_wait3A_389 = tpu.memref_slice %arg13[%cond3A_340, %dma_wait3A_387, %dma_wait3A_388] : memref<2x2048x128xf32, #tpu.memory_space<vmem_shared>> -> memref<1x2048x128xf32, #tpu.memory_space<vmem_shared>>
        %dma_wait3A_390 = tpu.memref_squeeze %dma_wait3A_389 : memref<1x2048x128xf32, #tpu.memory_space<vmem_shared>> -> memref<2048x128xf32, #tpu.memory_space<vmem_shared>>
        %dma_wait3A_391 = arith.constant 0 : i32
        %dma_wait3A_392 = arith.constant 0 : i32
        %dma_wait3A_393 = tpu.memref_slice %dma_wait3A_390[%dma_wait3A_391, %dma_wait3A_392] : memref<2048x128xf32, #tpu.memory_space<vmem_shared>> -> memref<2048x128xf32, #tpu.memory_space<vmem_shared>>
        tpu.wait_indirect_dma semaphore(%arg17 : memref<!tpu.dma_semaphore, #tpu.memory_space<semaphore_mem>>) src(%dma_wait3A_393 : memref<2048x128xf32, #tpu.memory_space<vmem_shared>>) dst(%dma_wait3A_385 : memref<24x128xf32, #tpu.memory_space<vmem>>)
        %dma_start3A_394 = arith.constant 0 : i32
        %dma_start3A_395 = arith.constant 0 : i32
        %dma_start3A_396 = tpu.memref_slice %arg9[%dma_start3A_394, %dma_start3A_395] : memref<64x128xf32, #tpu.memory_space<vmem>> -> memref<24x128xf32, #tpu.memory_space<vmem>>
        %dma_start3A_397 = tpu.memref_slice %arg7[%multiple_of3A_371] : memref<15488xi32, #tpu.memory_space<vmem>> -> memref<24xi32, #tpu.memory_space<vmem>>
        %dma_start3A_398 = arith.constant 0 : i32
        %dma_start3A_399 = arith.constant 0 : i32
        %dma_start3A_400 = tpu.memref_slice %arg11[%dma_start3A_398, %dma_start3A_399] : memref<2048x128xf32, #tpu.memory_space<vmem_shared>> -> memref<2048x128xf32, #tpu.memory_space<vmem_shared>>
        tpu.enqueue_indirect_dma source(%dma_start3A_396 : memref<24x128xf32, #tpu.memory_space<vmem>>) target(%dma_start3A_400 : memref<2048x128xf32, #tpu.memory_space<vmem_shared>>) offsets(%dma_start3A_397 : memref<24xi32, #tpu.memory_space<vmem>>) semaphore(%arg18 : memref<!tpu.dma_semaphore, #tpu.memory_space<semaphore_mem>>) {add = true}
        %dma_wait3A_401 = arith.constant 0 : i32
        %dma_wait3A_402 = arith.constant 0 : i32
        %dma_wait3A_403 = tpu.memref_slice %arg9[%dma_wait3A_401, %dma_wait3A_402] : memref<64x128xf32, #tpu.memory_space<vmem>> -> memref<24x128xf32, #tpu.memory_space<vmem>>
        %dma_wait3A_404 = arith.constant 0 : i32
        %dma_wait3A_405 = arith.constant 0 : i32
        %dma_wait3A_406 = tpu.memref_slice %arg2[%dma_wait3A_404, %dma_wait3A_405] : memref<100001x128xf32, #tpu.memory_space<hbm>> -> memref<24x128xf32, #tpu.memory_space<hbm>>
        %dma_wait3A_407 = arith.constant 0 : i32
        %dma_wait3A_408 = arith.constant 0 : i32
        %dma_wait3A_409 = tpu.memref_slice %arg9[%dma_wait3A_407, %dma_wait3A_408] : memref<64x128xf32, #tpu.memory_space<vmem>> -> memref<24x128xf32, #tpu.memory_space<vmem>>
        %dma_wait3A_410 = arith.constant 0 : i32
        %dma_wait3A_411 = arith.constant 0 : i32
        %dma_wait3A_412 = tpu.memref_slice %arg2[%dma_wait3A_410, %dma_wait3A_411] : memref<100001x128xf32, #tpu.memory_space<hbm>> -> memref<24x128xf32, #tpu.memory_space<hbm>>
        tpu.wait_dma2 semaphore(%arg18 : memref<!tpu.dma_semaphore, #tpu.memory_space<semaphore_mem>>) src(%dma_wait3A_412 : memref<24x128xf32, #tpu.memory_space<hbm>>) dst(%dma_wait3A_409 : memref<24x128xf32, #tpu.memory_space<vmem>>)
      } else {
      }
      %eq3A_343 = arith.constant 32 : i32
      %eq3A_344 = arith.cmpi eq, %sub3A_301, %eq3A_343 : i32
      %convert_element_type3A_345 = arith.extui %eq3A_344 : i1 to i32
      %cond3A_346 = arith.constant 1 : i32
      %cond3A_347 = arith.constant 0 : i32
      %cond3A_348 = arith.cmpi ne, %convert_element_type3A_345, %cond3A_347 : i32
      scf.if %cond3A_348 {
        %shift_left3A_368 = arith.constant 6 : i32
        %shift_left3A_369 = arith.shli %shift_right_arithmetic3A_297, %shift_left3A_368 : i32
        %add3A_370 = arith.addi %get3A_290, %shift_left3A_369 : i32
        %multiple_of3A_371 = tpu.assume_multiple %add3A_370, 8 : i32
        %dma_start3A_372 = arith.constant 0 : i32
        %dma_start3A_373 = arith.constant 0 : i32
        %dma_start3A_374 = tpu.memref_slice %arg9[%dma_start3A_372, %dma_start3A_373] : memref<64x128xf32, #tpu.memory_space<vmem>> -> memref<32x128xf32, #tpu.memory_space<vmem>>
        %dma_start3A_375 = tpu.memref_slice %arg6[%multiple_of3A_371] : memref<15488xi32, #tpu.memory_space<vmem>> -> memref<32xi32, #tpu.memory_space<vmem>>
        %dma_start3A_376 = arith.constant 0 : i32
        %dma_start3A_377 = arith.constant 0 : i32
        %dma_start3A_378 = tpu.memref_slice %arg13[%cond3A_346, %dma_start3A_376, %dma_start3A_377] : memref<2x2048x128xf32, #tpu.memory_space<vmem_shared>> -> memref<1x2048x128xf32, #tpu.memory_space<vmem_shared>>
        %dma_start3A_379 = tpu.memref_squeeze %dma_start3A_378 : memref<1x2048x128xf32, #tpu.memory_space<vmem_shared>> -> memref<2048x128xf32, #tpu.memory_space<vmem_shared>>
        %dma_start3A_380 = arith.constant 0 : i32
        %dma_start3A_381 = arith.constant 0 : i32
        %dma_start3A_382 = tpu.memref_slice %dma_start3A_379[%dma_start3A_380, %dma_start3A_381] : memref<2048x128xf32, #tpu.memory_space<vmem_shared>> -> memref<2048x128xf32, #tpu.memory_space<vmem_shared>>
        tpu.enqueue_indirect_dma source(%dma_start3A_382 : memref<2048x128xf32, #tpu.memory_space<vmem_shared>>) target(%dma_start3A_374 : memref<32x128xf32, #tpu.memory_space<vmem>>) offsets(%dma_start3A_375 : memref<32xi32, #tpu.memory_space<vmem>>) semaphore(%arg17 : memref<!tpu.dma_semaphore, #tpu.memory_space<semaphore_mem>>)
        %dma_wait3A_383 = arith.constant 0 : i32
        %dma_wait3A_384 = arith.constant 0 : i32
        %dma_wait3A_385 = tpu.memref_slice %arg9[%dma_wait3A_383, %dma_wait3A_384] : memref<64x128xf32, #tpu.memory_space<vmem>> -> memref<32x128xf32, #tpu.memory_space<vmem>>
        %dma_wait3A_386 = tpu.memref_slice %arg6[%multiple_of3A_371] : memref<15488xi32, #tpu.memory_space<vmem>> -> memref<32xi32, #tpu.memory_space<vmem>>
        %dma_wait3A_387 = arith.constant 0 : i32
        %dma_wait3A_388 = arith.constant 0 : i32
        %dma_wait3A_389 = tpu.memref_slice %arg13[%cond3A_346, %dma_wait3A_387, %dma_wait3A_388] : memref<2x2048x128xf32, #tpu.memory_space<vmem_shared>> -> memref<1x2048x128xf32, #tpu.memory_space<vmem_shared>>
        %dma_wait3A_390 = tpu.memref_squeeze %dma_wait3A_389 : memref<1x2048x128xf32, #tpu.memory_space<vmem_shared>> -> memref<2048x128xf32, #tpu.memory_space<vmem_shared>>
        %dma_wait3A_391 = arith.constant 0 : i32
        %dma_wait3A_392 = arith.constant 0 : i32
        %dma_wait3A_393 = tpu.memref_slice %dma_wait3A_390[%dma_wait3A_391, %dma_wait3A_392] : memref<2048x128xf32, #tpu.memory_space<vmem_shared>> -> memref<2048x128xf32, #tpu.memory_space<vmem_shared>>
        tpu.wait_indirect_dma semaphore(%arg17 : memref<!tpu.dma_semaphore, #tpu.memory_space<semaphore_mem>>) src(%dma_wait3A_393 : memref<2048x128xf32, #tpu.memory_space<vmem_shared>>) dst(%dma_wait3A_385 : memref<32x128xf32, #tpu.memory_space<vmem>>)
        %dma_start3A_394 = arith.constant 0 : i32
        %dma_start3A_395 = arith.constant 0 : i32
        %dma_start3A_396 = tpu.memref_slice %arg9[%dma_start3A_394, %dma_start3A_395] : memref<64x128xf32, #tpu.memory_space<vmem>> -> memref<32x128xf32, #tpu.memory_space<vmem>>
        %dma_start3A_397 = tpu.memref_slice %arg7[%multiple_of3A_371] : memref<15488xi32, #tpu.memory_space<vmem>> -> memref<32xi32, #tpu.memory_space<vmem>>
        %dma_start3A_398 = arith.constant 0 : i32
        %dma_start3A_399 = arith.constant 0 : i32
        %dma_start3A_400 = tpu.memref_slice %arg11[%dma_start3A_398, %dma_start3A_399] : memref<2048x128xf32, #tpu.memory_space<vmem_shared>> -> memref<2048x128xf32, #tpu.memory_space<vmem_shared>>
        tpu.enqueue_indirect_dma source(%dma_start3A_396 : memref<32x128xf32, #tpu.memory_space<vmem>>) target(%dma_start3A_400 : memref<2048x128xf32, #tpu.memory_space<vmem_shared>>) offsets(%dma_start3A_397 : memref<32xi32, #tpu.memory_space<vmem>>) semaphore(%arg18 : memref<!tpu.dma_semaphore, #tpu.memory_space<semaphore_mem>>) {add = true}
        %dma_wait3A_401 = arith.constant 0 : i32
        %dma_wait3A_402 = arith.constant 0 : i32
        %dma_wait3A_403 = tpu.memref_slice %arg9[%dma_wait3A_401, %dma_wait3A_402] : memref<64x128xf32, #tpu.memory_space<vmem>> -> memref<32x128xf32, #tpu.memory_space<vmem>>
        %dma_wait3A_404 = arith.constant 0 : i32
        %dma_wait3A_405 = arith.constant 0 : i32
        %dma_wait3A_406 = tpu.memref_slice %arg2[%dma_wait3A_404, %dma_wait3A_405] : memref<100001x128xf32, #tpu.memory_space<hbm>> -> memref<32x128xf32, #tpu.memory_space<hbm>>
        %dma_wait3A_407 = arith.constant 0 : i32
        %dma_wait3A_408 = arith.constant 0 : i32
        %dma_wait3A_409 = tpu.memref_slice %arg9[%dma_wait3A_407, %dma_wait3A_408] : memref<64x128xf32, #tpu.memory_space<vmem>> -> memref<32x128xf32, #tpu.memory_space<vmem>>
        %dma_wait3A_410 = arith.constant 0 : i32
        %dma_wait3A_411 = arith.constant 0 : i32
        %dma_wait3A_412 = tpu.memref_slice %arg2[%dma_wait3A_410, %dma_wait3A_411] : memref<100001x128xf32, #tpu.memory_space<hbm>> -> memref<32x128xf32, #tpu.memory_space<hbm>>
        tpu.wait_dma2 semaphore(%arg18 : memref<!tpu.dma_semaphore, #tpu.memory_space<semaphore_mem>>) src(%dma_wait3A_412 : memref<32x128xf32, #tpu.memory_space<hbm>>) dst(%dma_wait3A_409 : memref<32x128xf32, #tpu.memory_space<vmem>>)
      } else {
      }
      %eq3A_349 = arith.constant 40 : i32
      %eq3A_350 = arith.cmpi eq, %sub3A_301, %eq3A_349 : i32
      %convert_element_type3A_351 = arith.extui %eq3A_350 : i1 to i32
      %cond3A_352 = arith.constant 1 : i32
      %cond3A_353 = arith.constant 0 : i32
      %cond3A_354 = arith.cmpi ne, %convert_element_type3A_351, %cond3A_353 : i32
      scf.if %cond3A_354 {
        %shift_left3A_368 = arith.constant 6 : i32
        %shift_left3A_369 = arith.shli %shift_right_arithmetic3A_297, %shift_left3A_368 : i32
        %add3A_370 = arith.addi %get3A_290, %shift_left3A_369 : i32
        %multiple_of3A_371 = tpu.assume_multiple %add3A_370, 8 : i32
        %dma_start3A_372 = arith.constant 0 : i32
        %dma_start3A_373 = arith.constant 0 : i32
        %dma_start3A_374 = tpu.memref_slice %arg9[%dma_start3A_372, %dma_start3A_373] : memref<64x128xf32, #tpu.memory_space<vmem>> -> memref<40x128xf32, #tpu.memory_space<vmem>>
        %dma_start3A_375 = tpu.memref_slice %arg6[%multiple_of3A_371] : memref<15488xi32, #tpu.memory_space<vmem>> -> memref<40xi32, #tpu.memory_space<vmem>>
        %dma_start3A_376 = arith.constant 0 : i32
        %dma_start3A_377 = arith.constant 0 : i32
        %dma_start3A_378 = tpu.memref_slice %arg13[%cond3A_352, %dma_start3A_376, %dma_start3A_377] : memref<2x2048x128xf32, #tpu.memory_space<vmem_shared>> -> memref<1x2048x128xf32, #tpu.memory_space<vmem_shared>>
        %dma_start3A_379 = tpu.memref_squeeze %dma_start3A_378 : memref<1x2048x128xf32, #tpu.memory_space<vmem_shared>> -> memref<2048x128xf32, #tpu.memory_space<vmem_shared>>
        %dma_start3A_380 = arith.constant 0 : i32
        %dma_start3A_381 = arith.constant 0 : i32
        %dma_start3A_382 = tpu.memref_slice %dma_start3A_379[%dma_start3A_380, %dma_start3A_381] : memref<2048x128xf32, #tpu.memory_space<vmem_shared>> -> memref<2048x128xf32, #tpu.memory_space<vmem_shared>>
        tpu.enqueue_indirect_dma source(%dma_start3A_382 : memref<2048x128xf32, #tpu.memory_space<vmem_shared>>) target(%dma_start3A_374 : memref<40x128xf32, #tpu.memory_space<vmem>>) offsets(%dma_start3A_375 : memref<40xi32, #tpu.memory_space<vmem>>) semaphore(%arg17 : memref<!tpu.dma_semaphore, #tpu.memory_space<semaphore_mem>>)
        %dma_wait3A_383 = arith.constant 0 : i32
        %dma_wait3A_384 = arith.constant 0 : i32
        %dma_wait3A_385 = tpu.memref_slice %arg9[%dma_wait3A_383, %dma_wait3A_384] : memref<64x128xf32, #tpu.memory_space<vmem>> -> memref<40x128xf32, #tpu.memory_space<vmem>>
        %dma_wait3A_386 = tpu.memref_slice %arg6[%multiple_of3A_371] : memref<15488xi32, #tpu.memory_space<vmem>> -> memref<40xi32, #tpu.memory_space<vmem>>
        %dma_wait3A_387 = arith.constant 0 : i32
        %dma_wait3A_388 = arith.constant 0 : i32
        %dma_wait3A_389 = tpu.memref_slice %arg13[%cond3A_352, %dma_wait3A_387, %dma_wait3A_388] : memref<2x2048x128xf32, #tpu.memory_space<vmem_shared>> -> memref<1x2048x128xf32, #tpu.memory_space<vmem_shared>>
        %dma_wait3A_390 = tpu.memref_squeeze %dma_wait3A_389 : memref<1x2048x128xf32, #tpu.memory_space<vmem_shared>> -> memref<2048x128xf32, #tpu.memory_space<vmem_shared>>
        %dma_wait3A_391 = arith.constant 0 : i32
        %dma_wait3A_392 = arith.constant 0 : i32
        %dma_wait3A_393 = tpu.memref_slice %dma_wait3A_390[%dma_wait3A_391, %dma_wait3A_392] : memref<2048x128xf32, #tpu.memory_space<vmem_shared>> -> memref<2048x128xf32, #tpu.memory_space<vmem_shared>>
        tpu.wait_indirect_dma semaphore(%arg17 : memref<!tpu.dma_semaphore, #tpu.memory_space<semaphore_mem>>) src(%dma_wait3A_393 : memref<2048x128xf32, #tpu.memory_space<vmem_shared>>) dst(%dma_wait3A_385 : memref<40x128xf32, #tpu.memory_space<vmem>>)
        %dma_start3A_394 = arith.constant 0 : i32
        %dma_start3A_395 = arith.constant 0 : i32
        %dma_start3A_396 = tpu.memref_slice %arg9[%dma_start3A_394, %dma_start3A_395] : memref<64x128xf32, #tpu.memory_space<vmem>> -> memref<40x128xf32, #tpu.memory_space<vmem>>
        %dma_start3A_397 = tpu.memref_slice %arg7[%multiple_of3A_371] : memref<15488xi32, #tpu.memory_space<vmem>> -> memref<40xi32, #tpu.memory_space<vmem>>
        %dma_start3A_398 = arith.constant 0 : i32
        %dma_start3A_399 = arith.constant 0 : i32
        %dma_start3A_400 = tpu.memref_slice %arg11[%dma_start3A_398, %dma_start3A_399] : memref<2048x128xf32, #tpu.memory_space<vmem_shared>> -> memref<2048x128xf32, #tpu.memory_space<vmem_shared>>
        tpu.enqueue_indirect_dma source(%dma_start3A_396 : memref<40x128xf32, #tpu.memory_space<vmem>>) target(%dma_start3A_400 : memref<2048x128xf32, #tpu.memory_space<vmem_shared>>) offsets(%dma_start3A_397 : memref<40xi32, #tpu.memory_space<vmem>>) semaphore(%arg18 : memref<!tpu.dma_semaphore, #tpu.memory_space<semaphore_mem>>) {add = true}
        %dma_wait3A_401 = arith.constant 0 : i32
        %dma_wait3A_402 = arith.constant 0 : i32
        %dma_wait3A_403 = tpu.memref_slice %arg9[%dma_wait3A_401, %dma_wait3A_402] : memref<64x128xf32, #tpu.memory_space<vmem>> -> memref<40x128xf32, #tpu.memory_space<vmem>>
        %dma_wait3A_404 = arith.constant 0 : i32
        %dma_wait3A_405 = arith.constant 0 : i32
        %dma_wait3A_406 = tpu.memref_slice %arg2[%dma_wait3A_404, %dma_wait3A_405] : memref<100001x128xf32, #tpu.memory_space<hbm>> -> memref<40x128xf32, #tpu.memory_space<hbm>>
        %dma_wait3A_407 = arith.constant 0 : i32
        %dma_wait3A_408 = arith.constant 0 : i32
        %dma_wait3A_409 = tpu.memref_slice %arg9[%dma_wait3A_407, %dma_wait3A_408] : memref<64x128xf32, #tpu.memory_space<vmem>> -> memref<40x128xf32, #tpu.memory_space<vmem>>
        %dma_wait3A_410 = arith.constant 0 : i32
        %dma_wait3A_411 = arith.constant 0 : i32
        %dma_wait3A_412 = tpu.memref_slice %arg2[%dma_wait3A_410, %dma_wait3A_411] : memref<100001x128xf32, #tpu.memory_space<hbm>> -> memref<40x128xf32, #tpu.memory_space<hbm>>
        tpu.wait_dma2 semaphore(%arg18 : memref<!tpu.dma_semaphore, #tpu.memory_space<semaphore_mem>>) src(%dma_wait3A_412 : memref<40x128xf32, #tpu.memory_space<hbm>>) dst(%dma_wait3A_409 : memref<40x128xf32, #tpu.memory_space<vmem>>)
      } else {
      }
      %eq3A_355 = arith.constant 48 : i32
      %eq3A_356 = arith.cmpi eq, %sub3A_301, %eq3A_355 : i32
      %convert_element_type3A_357 = arith.extui %eq3A_356 : i1 to i32
      %cond3A_358 = arith.constant 1 : i32
      %cond3A_359 = arith.constant 0 : i32
      %cond3A_360 = arith.cmpi ne, %convert_element_type3A_357, %cond3A_359 : i32
      scf.if %cond3A_360 {
        %shift_left3A_368 = arith.constant 6 : i32
        %shift_left3A_369 = arith.shli %shift_right_arithmetic3A_297, %shift_left3A_368 : i32
        %add3A_370 = arith.addi %get3A_290, %shift_left3A_369 : i32
        %multiple_of3A_371 = tpu.assume_multiple %add3A_370, 8 : i32
        %dma_start3A_372 = arith.constant 0 : i32
        %dma_start3A_373 = arith.constant 0 : i32
        %dma_start3A_374 = tpu.memref_slice %arg9[%dma_start3A_372, %dma_start3A_373] : memref<64x128xf32, #tpu.memory_space<vmem>> -> memref<48x128xf32, #tpu.memory_space<vmem>>
        %dma_start3A_375 = tpu.memref_slice %arg6[%multiple_of3A_371] : memref<15488xi32, #tpu.memory_space<vmem>> -> memref<48xi32, #tpu.memory_space<vmem>>
        %dma_start3A_376 = arith.constant 0 : i32
        %dma_start3A_377 = arith.constant 0 : i32
        %dma_start3A_378 = tpu.memref_slice %arg13[%cond3A_358, %dma_start3A_376, %dma_start3A_377] : memref<2x2048x128xf32, #tpu.memory_space<vmem_shared>> -> memref<1x2048x128xf32, #tpu.memory_space<vmem_shared>>
        %dma_start3A_379 = tpu.memref_squeeze %dma_start3A_378 : memref<1x2048x128xf32, #tpu.memory_space<vmem_shared>> -> memref<2048x128xf32, #tpu.memory_space<vmem_shared>>
        %dma_start3A_380 = arith.constant 0 : i32
        %dma_start3A_381 = arith.constant 0 : i32
        %dma_start3A_382 = tpu.memref_slice %dma_start3A_379[%dma_start3A_380, %dma_start3A_381] : memref<2048x128xf32, #tpu.memory_space<vmem_shared>> -> memref<2048x128xf32, #tpu.memory_space<vmem_shared>>
        tpu.enqueue_indirect_dma source(%dma_start3A_382 : memref<2048x128xf32, #tpu.memory_space<vmem_shared>>) target(%dma_start3A_374 : memref<48x128xf32, #tpu.memory_space<vmem>>) offsets(%dma_start3A_375 : memref<48xi32, #tpu.memory_space<vmem>>) semaphore(%arg17 : memref<!tpu.dma_semaphore, #tpu.memory_space<semaphore_mem>>)
        %dma_wait3A_383 = arith.constant 0 : i32
        %dma_wait3A_384 = arith.constant 0 : i32
        %dma_wait3A_385 = tpu.memref_slice %arg9[%dma_wait3A_383, %dma_wait3A_384] : memref<64x128xf32, #tpu.memory_space<vmem>> -> memref<48x128xf32, #tpu.memory_space<vmem>>
        %dma_wait3A_386 = tpu.memref_slice %arg6[%multiple_of3A_371] : memref<15488xi32, #tpu.memory_space<vmem>> -> memref<48xi32, #tpu.memory_space<vmem>>
        %dma_wait3A_387 = arith.constant 0 : i32
        %dma_wait3A_388 = arith.constant 0 : i32
        %dma_wait3A_389 = tpu.memref_slice %arg13[%cond3A_358, %dma_wait3A_387, %dma_wait3A_388] : memref<2x2048x128xf32, #tpu.memory_space<vmem_shared>> -> memref<1x2048x128xf32, #tpu.memory_space<vmem_shared>>
        %dma_wait3A_390 = tpu.memref_squeeze %dma_wait3A_389 : memref<1x2048x128xf32, #tpu.memory_space<vmem_shared>> -> memref<2048x128xf32, #tpu.memory_space<vmem_shared>>
        %dma_wait3A_391 = arith.constant 0 : i32
        %dma_wait3A_392 = arith.constant 0 : i32
        %dma_wait3A_393 = tpu.memref_slice %dma_wait3A_390[%dma_wait3A_391, %dma_wait3A_392] : memref<2048x128xf32, #tpu.memory_space<vmem_shared>> -> memref<2048x128xf32, #tpu.memory_space<vmem_shared>>
        tpu.wait_indirect_dma semaphore(%arg17 : memref<!tpu.dma_semaphore, #tpu.memory_space<semaphore_mem>>) src(%dma_wait3A_393 : memref<2048x128xf32, #tpu.memory_space<vmem_shared>>) dst(%dma_wait3A_385 : memref<48x128xf32, #tpu.memory_space<vmem>>)
        %dma_start3A_394 = arith.constant 0 : i32
        %dma_start3A_395 = arith.constant 0 : i32
        %dma_start3A_396 = tpu.memref_slice %arg9[%dma_start3A_394, %dma_start3A_395] : memref<64x128xf32, #tpu.memory_space<vmem>> -> memref<48x128xf32, #tpu.memory_space<vmem>>
        %dma_start3A_397 = tpu.memref_slice %arg7[%multiple_of3A_371] : memref<15488xi32, #tpu.memory_space<vmem>> -> memref<48xi32, #tpu.memory_space<vmem>>
        %dma_start3A_398 = arith.constant 0 : i32
        %dma_start3A_399 = arith.constant 0 : i32
        %dma_start3A_400 = tpu.memref_slice %arg11[%dma_start3A_398, %dma_start3A_399] : memref<2048x128xf32, #tpu.memory_space<vmem_shared>> -> memref<2048x128xf32, #tpu.memory_space<vmem_shared>>
        tpu.enqueue_indirect_dma source(%dma_start3A_396 : memref<48x128xf32, #tpu.memory_space<vmem>>) target(%dma_start3A_400 : memref<2048x128xf32, #tpu.memory_space<vmem_shared>>) offsets(%dma_start3A_397 : memref<48xi32, #tpu.memory_space<vmem>>) semaphore(%arg18 : memref<!tpu.dma_semaphore, #tpu.memory_space<semaphore_mem>>) {add = true}
        %dma_wait3A_401 = arith.constant 0 : i32
        %dma_wait3A_402 = arith.constant 0 : i32
        %dma_wait3A_403 = tpu.memref_slice %arg9[%dma_wait3A_401, %dma_wait3A_402] : memref<64x128xf32, #tpu.memory_space<vmem>> -> memref<48x128xf32, #tpu.memory_space<vmem>>
        %dma_wait3A_404 = arith.constant 0 : i32
        %dma_wait3A_405 = arith.constant 0 : i32
        %dma_wait3A_406 = tpu.memref_slice %arg2[%dma_wait3A_404, %dma_wait3A_405] : memref<100001x128xf32, #tpu.memory_space<hbm>> -> memref<48x128xf32, #tpu.memory_space<hbm>>
        %dma_wait3A_407 = arith.constant 0 : i32
        %dma_wait3A_408 = arith.constant 0 : i32
        %dma_wait3A_409 = tpu.memref_slice %arg9[%dma_wait3A_407, %dma_wait3A_408] : memref<64x128xf32, #tpu.memory_space<vmem>> -> memref<48x128xf32, #tpu.memory_space<vmem>>
        %dma_wait3A_410 = arith.constant 0 : i32
        %dma_wait3A_411 = arith.constant 0 : i32
        %dma_wait3A_412 = tpu.memref_slice %arg2[%dma_wait3A_410, %dma_wait3A_411] : memref<100001x128xf32, #tpu.memory_space<hbm>> -> memref<48x128xf32, #tpu.memory_space<hbm>>
        tpu.wait_dma2 semaphore(%arg18 : memref<!tpu.dma_semaphore, #tpu.memory_space<semaphore_mem>>) src(%dma_wait3A_412 : memref<48x128xf32, #tpu.memory_space<hbm>>) dst(%dma_wait3A_409 : memref<48x128xf32, #tpu.memory_space<vmem>>)
      } else {
      }
      %eq3A_361 = arith.constant 56 : i32
      %eq3A_362 = arith.cmpi eq, %sub3A_301, %eq3A_361 : i32
      %convert_element_type3A_363 = arith.extui %eq3A_362 : i1 to i32
      %cond3A_364 = arith.constant 1 : i32
      %cond3A_365 = arith.constant 0 : i32
      %cond3A_366 = arith.cmpi ne, %convert_element_type3A_363, %cond3A_365 : i32
      scf.if %cond3A_366 {
        %shift_left3A_368 = arith.constant 6 : i32
        %shift_left3A_369 = arith.shli %shift_right_arithmetic3A_297, %shift_left3A_368 : i32
        %add3A_370 = arith.addi %get3A_290, %shift_left3A_369 : i32
        %multiple_of3A_371 = tpu.assume_multiple %add3A_370, 8 : i32
        %dma_start3A_372 = arith.constant 0 : i32
        %dma_start3A_373 = arith.constant 0 : i32
        %dma_start3A_374 = tpu.memref_slice %arg9[%dma_start3A_372, %dma_start3A_373] : memref<64x128xf32, #tpu.memory_space<vmem>> -> memref<56x128xf32, #tpu.memory_space<vmem>>
        %dma_start3A_375 = tpu.memref_slice %arg6[%multiple_of3A_371] : memref<15488xi32, #tpu.memory_space<vmem>> -> memref<56xi32, #tpu.memory_space<vmem>>
        %dma_start3A_376 = arith.constant 0 : i32
        %dma_start3A_377 = arith.constant 0 : i32
        %dma_start3A_378 = tpu.memref_slice %arg13[%cond3A_364, %dma_start3A_376, %dma_start3A_377] : memref<2x2048x128xf32, #tpu.memory_space<vmem_shared>> -> memref<1x2048x128xf32, #tpu.memory_space<vmem_shared>>
        %dma_start3A_379 = tpu.memref_squeeze %dma_start3A_378 : memref<1x2048x128xf32, #tpu.memory_space<vmem_shared>> -> memref<2048x128xf32, #tpu.memory_space<vmem_shared>>
        %dma_start3A_380 = arith.constant 0 : i32
        %dma_start3A_381 = arith.constant 0 : i32
        %dma_start3A_382 = tpu.memref_slice %dma_start3A_379[%dma_start3A_380, %dma_start3A_381] : memref<2048x128xf32, #tpu.memory_space<vmem_shared>> -> memref<2048x128xf32, #tpu.memory_space<vmem_shared>>
        tpu.enqueue_indirect_dma source(%dma_start3A_382 : memref<2048x128xf32, #tpu.memory_space<vmem_shared>>) target(%dma_start3A_374 : memref<56x128xf32, #tpu.memory_space<vmem>>) offsets(%dma_start3A_375 : memref<56xi32, #tpu.memory_space<vmem>>) semaphore(%arg17 : memref<!tpu.dma_semaphore, #tpu.memory_space<semaphore_mem>>)
        %dma_wait3A_383 = arith.constant 0 : i32
        %dma_wait3A_384 = arith.constant 0 : i32
        %dma_wait3A_385 = tpu.memref_slice %arg9[%dma_wait3A_383, %dma_wait3A_384] : memref<64x128xf32, #tpu.memory_space<vmem>> -> memref<56x128xf32, #tpu.memory_space<vmem>>
        %dma_wait3A_386 = tpu.memref_slice %arg6[%multiple_of3A_371] : memref<15488xi32, #tpu.memory_space<vmem>> -> memref<56xi32, #tpu.memory_space<vmem>>
        %dma_wait3A_387 = arith.constant 0 : i32
        %dma_wait3A_388 = arith.constant 0 : i32
        %dma_wait3A_389 = tpu.memref_slice %arg13[%cond3A_364, %dma_wait3A_387, %dma_wait3A_388] : memref<2x2048x128xf32, #tpu.memory_space<vmem_shared>> -> memref<1x2048x128xf32, #tpu.memory_space<vmem_shared>>
        %dma_wait3A_390 = tpu.memref_squeeze %dma_wait3A_389 : memref<1x2048x128xf32, #tpu.memory_space<vmem_shared>> -> memref<2048x128xf32, #tpu.memory_space<vmem_shared>>
        %dma_wait3A_391 = arith.constant 0 : i32
        %dma_wait3A_392 = arith.constant 0 : i32
        %dma_wait3A_393 = tpu.memref_slice %dma_wait3A_390[%dma_wait3A_391, %dma_wait3A_392] : memref<2048x128xf32, #tpu.memory_space<vmem_shared>> -> memref<2048x128xf32, #tpu.memory_space<vmem_shared>>
        tpu.wait_indirect_dma semaphore(%arg17 : memref<!tpu.dma_semaphore, #tpu.memory_space<semaphore_mem>>) src(%dma_wait3A_393 : memref<2048x128xf32, #tpu.memory_space<vmem_shared>>) dst(%dma_wait3A_385 : memref<56x128xf32, #tpu.memory_space<vmem>>)
        %dma_start3A_394 = arith.constant 0 : i32
        %dma_start3A_395 = arith.constant 0 : i32
        %dma_start3A_396 = tpu.memref_slice %arg9[%dma_start3A_394, %dma_start3A_395] : memref<64x128xf32, #tpu.memory_space<vmem>> -> memref<56x128xf32, #tpu.memory_space<vmem>>
        %dma_start3A_397 = tpu.memref_slice %arg7[%multiple_of3A_371] : memref<15488xi32, #tpu.memory_space<vmem>> -> memref<56xi32, #tpu.memory_space<vmem>>
        %dma_start3A_398 = arith.constant 0 : i32
        %dma_start3A_399 = arith.constant 0 : i32
        %dma_start3A_400 = tpu.memref_slice %arg11[%dma_start3A_398, %dma_start3A_399] : memref<2048x128xf32, #tpu.memory_space<vmem_shared>> -> memref<2048x128xf32, #tpu.memory_space<vmem_shared>>
        tpu.enqueue_indirect_dma source(%dma_start3A_396 : memref<56x128xf32, #tpu.memory_space<vmem>>) target(%dma_start3A_400 : memref<2048x128xf32, #tpu.memory_space<vmem_shared>>) offsets(%dma_start3A_397 : memref<56xi32, #tpu.memory_space<vmem>>) semaphore(%arg18 : memref<!tpu.dma_semaphore, #tpu.memory_space<semaphore_mem>>) {add = true}
        %dma_wait3A_401 = arith.constant 0 : i32
        %dma_wait3A_402 = arith.constant 0 : i32
        %dma_wait3A_403 = tpu.memref_slice %arg9[%dma_wait3A_401, %dma_wait3A_402] : memref<64x128xf32, #tpu.memory_space<vmem>> -> memref<56x128xf32, #tpu.memory_space<vmem>>
        %dma_wait3A_404 = arith.constant 0 : i32
        %dma_wait3A_405 = arith.constant 0 : i32
        %dma_wait3A_406 = tpu.memref_slice %arg2[%dma_wait3A_404, %dma_wait3A_405] : memref<100001x128xf32, #tpu.memory_space<hbm>> -> memref<56x128xf32, #tpu.memory_space<hbm>>
        %dma_wait3A_407 = arith.constant 0 : i32
        %dma_wait3A_408 = arith.constant 0 : i32
        %dma_wait3A_409 = tpu.memref_slice %arg9[%dma_wait3A_407, %dma_wait3A_408] : memref<64x128xf32, #tpu.memory_space<vmem>> -> memref<56x128xf32, #tpu.memory_space<vmem>>
        %dma_wait3A_410 = arith.constant 0 : i32
        %dma_wait3A_411 = arith.constant 0 : i32
        %dma_wait3A_412 = tpu.memref_slice %arg2[%dma_wait3A_410, %dma_wait3A_411] : memref<100001x128xf32, #tpu.memory_space<hbm>> -> memref<56x128xf32, #tpu.memory_space<hbm>>
        tpu.wait_dma2 semaphore(%arg18 : memref<!tpu.dma_semaphore, #tpu.memory_space<semaphore_mem>>) src(%dma_wait3A_412 : memref<56x128xf32, #tpu.memory_space<hbm>>) dst(%dma_wait3A_409 : memref<56x128xf32, #tpu.memory_space<vmem>>)
      } else {
      }
      %scan3A_367 = arith.constant 0 : i32
      scf.yield %scan3A_367 : i32
    }
    %scan3A_81 = arith.constant 24 : i32
    %dma_wait3A = arith.constant 0 : i32
    %dma_wait3A_82 = arith.constant 0 : i32
    %dma_wait3A_83 = tpu.memref_slice %arg13[%dma_wait3A, %multiple_of3A, %dma_wait3A_82] : memref<2x2048x128xf32, #tpu.memory_space<vmem_shared>> -> memref<1x128x128xf32, #tpu.memory_space<vmem_shared>>
    %dma_wait3A_84 = tpu.memref_squeeze %dma_wait3A_83 : memref<1x128x128xf32, #tpu.memory_space<vmem_shared>> -> memref<128x128xf32, #tpu.memory_space<vmem_shared>>
    %dma_wait3A_85 = arith.constant 0 : i32
    %dma_wait3A_86 = arith.constant 0 : i32
    %dma_wait3A_87 = tpu.memref_slice %arg2[%dma_wait3A_85, %dma_wait3A_86] : memref<100001x128xf32, #tpu.memory_space<hbm>> -> memref<128x128xf32, #tpu.memory_space<hbm>>
    tpu.wait_dma2 semaphore(%arg15 : memref<!tpu.dma_semaphore, #tpu.memory_space<semaphore_mem>>) src(%dma_wait3A_87 : memref<128x128xf32, #tpu.memory_space<hbm>>) dst(%dma_wait3A_84 : memref<128x128xf32, #tpu.memory_space<vmem_shared>>)
    %barrier3A = arith.constant 0 : index
    tpu.barrier barrier_id(%barrier3A)
    %get3A = arith.constant 48 : i32
    %get3A_88 = arith.index_cast %get3A : i32 to index
    %get3A_89 = memref.load %arg14[%get3A_88] : memref<56xi32, #tpu.memory_space<smem>>
    %get3A_90 = arith.constant 49 : i32
    %get3A_91 = arith.index_cast %get3A_90 : i32 to index
    %get3A_92 = memref.load %arg14[%get3A_91] : memref<56xi32, #tpu.memory_space<smem>>
    %sub3A = arith.subi %get3A_92, %get3A_89 : i32
    %shift_right_arithmetic3A = arith.constant 6 : i32
    %shift_right_arithmetic3A_93 = arith.shrsi %sub3A, %shift_right_arithmetic3A : i32
    %sub3A_94 = arith.subi %get3A_92, %get3A_89 : i32
    %shift_left3A = arith.constant 6 : i32
    %shift_left3A_95 = arith.shli %shift_right_arithmetic3A_93, %shift_left3A : i32
    %sub3A_96 = arith.subi %sub3A_94, %shift_left3A_95 : i32
    %shift_right_arithmetic3A_97 = arith.constant 1 : i32
    %shift_right_arithmetic3A_98 = arith.shrsi %shift_right_arithmetic3A_93, %shift_right_arithmetic3A_97 : i32
    %while3A = arith.constant 0 : i32
    %while3A_99 = arith.constant 0 : i32
    %while3A_100 = arith.constant 0 : i32
    %while3A_101 = arith.subi %shift_right_arithmetic3A_98, %while3A_99 : i32
    %while3A_102 = arith.addi %while3A_99, %while3A_101 : i32
    %while3A_103 = arith.constant 1 : i32
    %while3A_104 = arith.divsi %while3A_101, %while3A_103 : i32
    %while3A_105 = arith.muli %while3A_104, %while3A_103 : i32
    %while3A_106 = arith.addi %while3A_99, %while3A_105 : i32
    %while3A_107 = arith.constant 1 : i32
    %while3A_108 = scf.for %while3A_166 = %while3A_99 to %while3A_106 step %while3A_107 iter_args(%while3A_167 = %while3A_100) -> (i32)  : i32 {
      %mul3A_168 = arith.constant 2 : i32
      %mul3A_169 = arith.muli %while3A_166, %mul3A_168 : i32
      %mul3A_170 = arith.constant 64 : i32
      %mul3A_171 = arith.muli %mul3A_169, %mul3A_170 : i32
      %add3A_172 = arith.addi %get3A_89, %mul3A_171 : i32
      %multiple_of3A_173 = tpu.assume_multiple %add3A_172, 64 : i32
      %mul3A_174 = arith.constant 2 : i32
      %mul3A_175 = arith.muli %while3A_166, %mul3A_174 : i32
      %mul3A_176 = arith.constant 64 : i32
      %mul3A_177 = arith.muli %mul3A_175, %mul3A_176 : i32
      %add3A_178 = arith.addi %get3A_89, %mul3A_177 : i32
      %add3A_179 = arith.constant 64 : i32
      %add3A_180 = arith.addi %add3A_178, %add3A_179 : i32
      %multiple_of3A_181 = tpu.assume_multiple %add3A_180, 64 : i32
      %dma_start3A_182 = tpu.memref_slice %arg6[%multiple_of3A_173] : memref<15488xi32, #tpu.memory_space<vmem>> -> memref<64xi32, #tpu.memory_space<vmem>>
      %dma_start3A_183 = arith.constant 0 : i32
      %dma_start3A_184 = arith.constant 0 : i32
      %dma_start3A_185 = tpu.memref_slice %arg13[%while3A, %dma_start3A_183, %dma_start3A_184] : memref<2x2048x128xf32, #tpu.memory_space<vmem_shared>> -> memref<1x2048x128xf32, #tpu.memory_space<vmem_shared>>
      %dma_start3A_186 = tpu.memref_squeeze %dma_start3A_185 : memref<1x2048x128xf32, #tpu.memory_space<vmem_shared>> -> memref<2048x128xf32, #tpu.memory_space<vmem_shared>>
      %dma_start3A_187 = arith.constant 0 : i32
      %dma_start3A_188 = arith.constant 0 : i32
      %dma_start3A_189 = tpu.memref_slice %dma_start3A_186[%dma_start3A_187, %dma_start3A_188] : memref<2048x128xf32, #tpu.memory_space<vmem_shared>> -> memref<2048x128xf32, #tpu.memory_space<vmem_shared>>
      tpu.enqueue_indirect_dma source(%dma_start3A_189 : memref<2048x128xf32, #tpu.memory_space<vmem_shared>>) target(%arg9 : memref<64x128xf32, #tpu.memory_space<vmem>>) offsets(%dma_start3A_182 : memref<64xi32, #tpu.memory_space<vmem>>) semaphore(%arg17 : memref<!tpu.dma_semaphore, #tpu.memory_space<semaphore_mem>>)
      %dma_start3A_190 = tpu.memref_slice %arg6[%multiple_of3A_181] : memref<15488xi32, #tpu.memory_space<vmem>> -> memref<64xi32, #tpu.memory_space<vmem>>
      %dma_start3A_191 = arith.constant 0 : i32
      %dma_start3A_192 = arith.constant 0 : i32
      %dma_start3A_193 = tpu.memref_slice %arg13[%while3A, %dma_start3A_191, %dma_start3A_192] : memref<2x2048x128xf32, #tpu.memory_space<vmem_shared>> -> memref<1x2048x128xf32, #tpu.memory_space<vmem_shared>>
      %dma_start3A_194 = tpu.memref_squeeze %dma_start3A_193 : memref<1x2048x128xf32, #tpu.memory_space<vmem_shared>> -> memref<2048x128xf32, #tpu.memory_space<vmem_shared>>
      %dma_start3A_195 = arith.constant 0 : i32
      %dma_start3A_196 = arith.constant 0 : i32
      %dma_start3A_197 = tpu.memref_slice %dma_start3A_194[%dma_start3A_195, %dma_start3A_196] : memref<2048x128xf32, #tpu.memory_space<vmem_shared>> -> memref<2048x128xf32, #tpu.memory_space<vmem_shared>>
      tpu.enqueue_indirect_dma source(%dma_start3A_197 : memref<2048x128xf32, #tpu.memory_space<vmem_shared>>) target(%arg10 : memref<64x128xf32, #tpu.memory_space<vmem>>) offsets(%dma_start3A_190 : memref<64xi32, #tpu.memory_space<vmem>>) semaphore(%arg17 : memref<!tpu.dma_semaphore, #tpu.memory_space<semaphore_mem>>)
      %dma_wait3A_198 = tpu.memref_slice %arg6[%multiple_of3A_173] : memref<15488xi32, #tpu.memory_space<vmem>> -> memref<64xi32, #tpu.memory_space<vmem>>
      %dma_wait3A_199 = arith.constant 0 : i32
      %dma_wait3A_200 = arith.constant 0 : i32
      %dma_wait3A_201 = tpu.memref_slice %arg13[%while3A, %dma_wait3A_199, %dma_wait3A_200] : memref<2x2048x128xf32, #tpu.memory_space<vmem_shared>> -> memref<1x2048x128xf32, #tpu.memory_space<vmem_shared>>
      %dma_wait3A_202 = tpu.memref_squeeze %dma_wait3A_201 : memref<1x2048x128xf32, #tpu.memory_space<vmem_shared>> -> memref<2048x128xf32, #tpu.memory_space<vmem_shared>>
      %dma_wait3A_203 = arith.constant 0 : i32
      %dma_wait3A_204 = arith.constant 0 : i32
      %dma_wait3A_205 = tpu.memref_slice %dma_wait3A_202[%dma_wait3A_203, %dma_wait3A_204] : memref<2048x128xf32, #tpu.memory_space<vmem_shared>> -> memref<2048x128xf32, #tpu.memory_space<vmem_shared>>
      tpu.wait_indirect_dma semaphore(%arg17 : memref<!tpu.dma_semaphore, #tpu.memory_space<semaphore_mem>>) src(%dma_wait3A_205 : memref<2048x128xf32, #tpu.memory_space<vmem_shared>>) dst(%arg9 : memref<64x128xf32, #tpu.memory_space<vmem>>)
      %dma_start3A_206 = tpu.memref_slice %arg7[%multiple_of3A_173] : memref<15488xi32, #tpu.memory_space<vmem>> -> memref<64xi32, #tpu.memory_space<vmem>>
      %dma_start3A_207 = arith.constant 0 : i32
      %dma_start3A_208 = arith.constant 0 : i32
      %dma_start3A_209 = tpu.memref_slice %arg11[%dma_start3A_207, %dma_start3A_208] : memref<2048x128xf32, #tpu.memory_space<vmem_shared>> -> memref<2048x128xf32, #tpu.memory_space<vmem_shared>>
      tpu.enqueue_indirect_dma source(%arg9 : memref<64x128xf32, #tpu.memory_space<vmem>>) target(%dma_start3A_209 : memref<2048x128xf32, #tpu.memory_space<vmem_shared>>) offsets(%dma_start3A_206 : memref<64xi32, #tpu.memory_space<vmem>>) semaphore(%arg18 : memref<!tpu.dma_semaphore, #tpu.memory_space<semaphore_mem>>) {add = true}
      %dma_wait3A_210 = tpu.memref_slice %arg6[%multiple_of3A_181] : memref<15488xi32, #tpu.memory_space<vmem>> -> memref<64xi32, #tpu.memory_space<vmem>>
      %dma_wait3A_211 = arith.constant 0 : i32
      %dma_wait3A_212 = arith.constant 0 : i32
      %dma_wait3A_213 = tpu.memref_slice %arg13[%while3A, %dma_wait3A_211, %dma_wait3A_212] : memref<2x2048x128xf32, #tpu.memory_space<vmem_shared>> -> memref<1x2048x128xf32, #tpu.memory_space<vmem_shared>>
      %dma_wait3A_214 = tpu.memref_squeeze %dma_wait3A_213 : memref<1x2048x128xf32, #tpu.memory_space<vmem_shared>> -> memref<2048x128xf32, #tpu.memory_space<vmem_shared>>
      %dma_wait3A_215 = arith.constant 0 : i32
      %dma_wait3A_216 = arith.constant 0 : i32
      %dma_wait3A_217 = tpu.memref_slice %dma_wait3A_214[%dma_wait3A_215, %dma_wait3A_216] : memref<2048x128xf32, #tpu.memory_space<vmem_shared>> -> memref<2048x128xf32, #tpu.memory_space<vmem_shared>>
      tpu.wait_indirect_dma semaphore(%arg17 : memref<!tpu.dma_semaphore, #tpu.memory_space<semaphore_mem>>) src(%dma_wait3A_217 : memref<2048x128xf32, #tpu.memory_space<vmem_shared>>) dst(%arg10 : memref<64x128xf32, #tpu.memory_space<vmem>>)
      %dma_start3A_218 = tpu.memref_slice %arg7[%multiple_of3A_181] : memref<15488xi32, #tpu.memory_space<vmem>> -> memref<64xi32, #tpu.memory_space<vmem>>
      %dma_start3A_219 = arith.constant 0 : i32
      %dma_start3A_220 = arith.constant 0 : i32
      %dma_start3A_221 = tpu.memref_slice %arg11[%dma_start3A_219, %dma_start3A_220] : memref<2048x128xf32, #tpu.memory_space<vmem_shared>> -> memref<2048x128xf32, #tpu.memory_space<vmem_shared>>
      tpu.enqueue_indirect_dma source(%arg10 : memref<64x128xf32, #tpu.memory_space<vmem>>) target(%dma_start3A_221 : memref<2048x128xf32, #tpu.memory_space<vmem_shared>>) offsets(%dma_start3A_218 : memref<64xi32, #tpu.memory_space<vmem>>) semaphore(%arg18 : memref<!tpu.dma_semaphore, #tpu.memory_space<semaphore_mem>>) {add = true}
      %dma_wait3A_222 = arith.constant 0 : i32
      %dma_wait3A_223 = arith.constant 0 : i32
      %dma_wait3A_224 = tpu.memref_slice %arg2[%dma_wait3A_222, %dma_wait3A_223] : memref<100001x128xf32, #tpu.memory_space<hbm>> -> memref<64x128xf32, #tpu.memory_space<hbm>>
      %dma_wait3A_225 = arith.constant 0 : i32
      %dma_wait3A_226 = arith.constant 0 : i32
      %dma_wait3A_227 = tpu.memref_slice %arg2[%dma_wait3A_225, %dma_wait3A_226] : memref<100001x128xf32, #tpu.memory_space<hbm>> -> memref<64x128xf32, #tpu.memory_space<hbm>>
      tpu.wait_dma2 semaphore(%arg18 : memref<!tpu.dma_semaphore, #tpu.memory_space<semaphore_mem>>) src(%dma_wait3A_227 : memref<64x128xf32, #tpu.memory_space<hbm>>) dst(%arg9 : memref<64x128xf32, #tpu.memory_space<vmem>>)
      %dma_wait3A_228 = arith.constant 0 : i32
      %dma_wait3A_229 = arith.constant 0 : i32
      %dma_wait3A_230 = tpu.memref_slice %arg2[%dma_wait3A_228, %dma_wait3A_229] : memref<100001x128xf32, #tpu.memory_space<hbm>> -> memref<64x128xf32, #tpu.memory_space<hbm>>
      %dma_wait3A_231 = arith.constant 0 : i32
      %dma_wait3A_232 = arith.constant 0 : i32
      %dma_wait3A_233 = tpu.memref_slice %arg2[%dma_wait3A_231, %dma_wait3A_232] : memref<100001x128xf32, #tpu.memory_space<hbm>> -> memref<64x128xf32, #tpu.memory_space<hbm>>
      tpu.wait_dma2 semaphore(%arg18 : memref<!tpu.dma_semaphore, #tpu.memory_space<semaphore_mem>>) src(%dma_wait3A_233 : memref<64x128xf32, #tpu.memory_space<hbm>>) dst(%arg10 : memref<64x128xf32, #tpu.memory_space<vmem>>)
      %while3A_234 = arith.constant 0 : i32
      scf.yield %while3A_234 : i32
    }
    %while3A_109 = arith.constant 1 : i32
    %while3A_110 = scf.for %while3A_166 = %while3A_106 to %while3A_102 step %while3A_109 iter_args(%while3A_167 = %while3A_108) -> (i32)  : i32 {
      %mul3A_168 = arith.constant 2 : i32
      %mul3A_169 = arith.muli %while3A_166, %mul3A_168 : i32
      %mul3A_170 = arith.constant 64 : i32
      %mul3A_171 = arith.muli %mul3A_169, %mul3A_170 : i32
      %add3A_172 = arith.addi %get3A_89, %mul3A_171 : i32
      %multiple_of3A_173 = tpu.assume_multiple %add3A_172, 64 : i32
      %mul3A_174 = arith.constant 2 : i32
      %mul3A_175 = arith.muli %while3A_166, %mul3A_174 : i32
      %mul3A_176 = arith.constant 64 : i32
      %mul3A_177 = arith.muli %mul3A_175, %mul3A_176 : i32
      %add3A_178 = arith.addi %get3A_89, %mul3A_177 : i32
      %add3A_179 = arith.constant 64 : i32
      %add3A_180 = arith.addi %add3A_178, %add3A_179 : i32
      %multiple_of3A_181 = tpu.assume_multiple %add3A_180, 64 : i32
      %dma_start3A_182 = tpu.memref_slice %arg6[%multiple_of3A_173] : memref<15488xi32, #tpu.memory_space<vmem>> -> memref<64xi32, #tpu.memory_space<vmem>>
      %dma_start3A_183 = arith.constant 0 : i32
      %dma_start3A_184 = arith.constant 0 : i32
      %dma_start3A_185 = tpu.memref_slice %arg13[%while3A, %dma_start3A_183, %dma_start3A_184] : memref<2x2048x128xf32, #tpu.memory_space<vmem_shared>> -> memref<1x2048x128xf32, #tpu.memory_space<vmem_shared>>
      %dma_start3A_186 = tpu.memref_squeeze %dma_start3A_185 : memref<1x2048x128xf32, #tpu.memory_space<vmem_shared>> -> memref<2048x128xf32, #tpu.memory_space<vmem_shared>>
      %dma_start3A_187 = arith.constant 0 : i32
      %dma_start3A_188 = arith.constant 0 : i32
      %dma_start3A_189 = tpu.memref_slice %dma_start3A_186[%dma_start3A_187, %dma_start3A_188] : memref<2048x128xf32, #tpu.memory_space<vmem_shared>> -> memref<2048x128xf32, #tpu.memory_space<vmem_shared>>
      tpu.enqueue_indirect_dma source(%dma_start3A_189 : memref<2048x128xf32, #tpu.memory_space<vmem_shared>>) target(%arg9 : memref<64x128xf32, #tpu.memory_space<vmem>>) offsets(%dma_start3A_182 : memref<64xi32, #tpu.memory_space<vmem>>) semaphore(%arg17 : memref<!tpu.dma_semaphore, #tpu.memory_space<semaphore_mem>>)
      %dma_start3A_190 = tpu.memref_slice %arg6[%multiple_of3A_181] : memref<15488xi32, #tpu.memory_space<vmem>> -> memref<64xi32, #tpu.memory_space<vmem>>
      %dma_start3A_191 = arith.constant 0 : i32
      %dma_start3A_192 = arith.constant 0 : i32
      %dma_start3A_193 = tpu.memref_slice %arg13[%while3A, %dma_start3A_191, %dma_start3A_192] : memref<2x2048x128xf32, #tpu.memory_space<vmem_shared>> -> memref<1x2048x128xf32, #tpu.memory_space<vmem_shared>>
      %dma_start3A_194 = tpu.memref_squeeze %dma_start3A_193 : memref<1x2048x128xf32, #tpu.memory_space<vmem_shared>> -> memref<2048x128xf32, #tpu.memory_space<vmem_shared>>
      %dma_start3A_195 = arith.constant 0 : i32
      %dma_start3A_196 = arith.constant 0 : i32
      %dma_start3A_197 = tpu.memref_slice %dma_start3A_194[%dma_start3A_195, %dma_start3A_196] : memref<2048x128xf32, #tpu.memory_space<vmem_shared>> -> memref<2048x128xf32, #tpu.memory_space<vmem_shared>>
      tpu.enqueue_indirect_dma source(%dma_start3A_197 : memref<2048x128xf32, #tpu.memory_space<vmem_shared>>) target(%arg10 : memref<64x128xf32, #tpu.memory_space<vmem>>) offsets(%dma_start3A_190 : memref<64xi32, #tpu.memory_space<vmem>>) semaphore(%arg17 : memref<!tpu.dma_semaphore, #tpu.memory_space<semaphore_mem>>)
      %dma_wait3A_198 = tpu.memref_slice %arg6[%multiple_of3A_173] : memref<15488xi32, #tpu.memory_space<vmem>> -> memref<64xi32, #tpu.memory_space<vmem>>
      %dma_wait3A_199 = arith.constant 0 : i32
      %dma_wait3A_200 = arith.constant 0 : i32
      %dma_wait3A_201 = tpu.memref_slice %arg13[%while3A, %dma_wait3A_199, %dma_wait3A_200] : memref<2x2048x128xf32, #tpu.memory_space<vmem_shared>> -> memref<1x2048x128xf32, #tpu.memory_space<vmem_shared>>
      %dma_wait3A_202 = tpu.memref_squeeze %dma_wait3A_201 : memref<1x2048x128xf32, #tpu.memory_space<vmem_shared>> -> memref<2048x128xf32, #tpu.memory_space<vmem_shared>>
      %dma_wait3A_203 = arith.constant 0 : i32
      %dma_wait3A_204 = arith.constant 0 : i32
      %dma_wait3A_205 = tpu.memref_slice %dma_wait3A_202[%dma_wait3A_203, %dma_wait3A_204] : memref<2048x128xf32, #tpu.memory_space<vmem_shared>> -> memref<2048x128xf32, #tpu.memory_space<vmem_shared>>
      tpu.wait_indirect_dma semaphore(%arg17 : memref<!tpu.dma_semaphore, #tpu.memory_space<semaphore_mem>>) src(%dma_wait3A_205 : memref<2048x128xf32, #tpu.memory_space<vmem_shared>>) dst(%arg9 : memref<64x128xf32, #tpu.memory_space<vmem>>)
      %dma_start3A_206 = tpu.memref_slice %arg7[%multiple_of3A_173] : memref<15488xi32, #tpu.memory_space<vmem>> -> memref<64xi32, #tpu.memory_space<vmem>>
      %dma_start3A_207 = arith.constant 0 : i32
      %dma_start3A_208 = arith.constant 0 : i32
      %dma_start3A_209 = tpu.memref_slice %arg11[%dma_start3A_207, %dma_start3A_208] : memref<2048x128xf32, #tpu.memory_space<vmem_shared>> -> memref<2048x128xf32, #tpu.memory_space<vmem_shared>>
      tpu.enqueue_indirect_dma source(%arg9 : memref<64x128xf32, #tpu.memory_space<vmem>>) target(%dma_start3A_209 : memref<2048x128xf32, #tpu.memory_space<vmem_shared>>) offsets(%dma_start3A_206 : memref<64xi32, #tpu.memory_space<vmem>>) semaphore(%arg18 : memref<!tpu.dma_semaphore, #tpu.memory_space<semaphore_mem>>) {add = true}
      %dma_wait3A_210 = tpu.memref_slice %arg6[%multiple_of3A_181] : memref<15488xi32, #tpu.memory_space<vmem>> -> memref<64xi32, #tpu.memory_space<vmem>>
      %dma_wait3A_211 = arith.constant 0 : i32
      %dma_wait3A_212 = arith.constant 0 : i32
      %dma_wait3A_213 = tpu.memref_slice %arg13[%while3A, %dma_wait3A_211, %dma_wait3A_212] : memref<2x2048x128xf32, #tpu.memory_space<vmem_shared>> -> memref<1x2048x128xf32, #tpu.memory_space<vmem_shared>>
      %dma_wait3A_214 = tpu.memref_squeeze %dma_wait3A_213 : memref<1x2048x128xf32, #tpu.memory_space<vmem_shared>> -> memref<2048x128xf32, #tpu.memory_space<vmem_shared>>
      %dma_wait3A_215 = arith.constant 0 : i32
      %dma_wait3A_216 = arith.constant 0 : i32
      %dma_wait3A_217 = tpu.memref_slice %dma_wait3A_214[%dma_wait3A_215, %dma_wait3A_216] : memref<2048x128xf32, #tpu.memory_space<vmem_shared>> -> memref<2048x128xf32, #tpu.memory_space<vmem_shared>>
      tpu.wait_indirect_dma semaphore(%arg17 : memref<!tpu.dma_semaphore, #tpu.memory_space<semaphore_mem>>) src(%dma_wait3A_217 : memref<2048x128xf32, #tpu.memory_space<vmem_shared>>) dst(%arg10 : memref<64x128xf32, #tpu.memory_space<vmem>>)
      %dma_start3A_218 = tpu.memref_slice %arg7[%multiple_of3A_181] : memref<15488xi32, #tpu.memory_space<vmem>> -> memref<64xi32, #tpu.memory_space<vmem>>
      %dma_start3A_219 = arith.constant 0 : i32
      %dma_start3A_220 = arith.constant 0 : i32
      %dma_start3A_221 = tpu.memref_slice %arg11[%dma_start3A_219, %dma_start3A_220] : memref<2048x128xf32, #tpu.memory_space<vmem_shared>> -> memref<2048x128xf32, #tpu.memory_space<vmem_shared>>
      tpu.enqueue_indirect_dma source(%arg10 : memref<64x128xf32, #tpu.memory_space<vmem>>) target(%dma_start3A_221 : memref<2048x128xf32, #tpu.memory_space<vmem_shared>>) offsets(%dma_start3A_218 : memref<64xi32, #tpu.memory_space<vmem>>) semaphore(%arg18 : memref<!tpu.dma_semaphore, #tpu.memory_space<semaphore_mem>>) {add = true}
      %dma_wait3A_222 = arith.constant 0 : i32
      %dma_wait3A_223 = arith.constant 0 : i32
      %dma_wait3A_224 = tpu.memref_slice %arg2[%dma_wait3A_222, %dma_wait3A_223] : memref<100001x128xf32, #tpu.memory_space<hbm>> -> memref<64x128xf32, #tpu.memory_space<hbm>>
      %dma_wait3A_225 = arith.constant 0 : i32
      %dma_wait3A_226 = arith.constant 0 : i32
      %dma_wait3A_227 = tpu.memref_slice %arg2[%dma_wait3A_225, %dma_wait3A_226] : memref<100001x128xf32, #tpu.memory_space<hbm>> -> memref<64x128xf32, #tpu.memory_space<hbm>>
      tpu.wait_dma2 semaphore(%arg18 : memref<!tpu.dma_semaphore, #tpu.memory_space<semaphore_mem>>) src(%dma_wait3A_227 : memref<64x128xf32, #tpu.memory_space<hbm>>) dst(%arg9 : memref<64x128xf32, #tpu.memory_space<vmem>>)
      %dma_wait3A_228 = arith.constant 0 : i32
      %dma_wait3A_229 = arith.constant 0 : i32
      %dma_wait3A_230 = tpu.memref_slice %arg2[%dma_wait3A_228, %dma_wait3A_229] : memref<100001x128xf32, #tpu.memory_space<hbm>> -> memref<64x128xf32, #tpu.memory_space<hbm>>
      %dma_wait3A_231 = arith.constant 0 : i32
      %dma_wait3A_232 = arith.constant 0 : i32
      %dma_wait3A_233 = tpu.memref_slice %arg2[%dma_wait3A_231, %dma_wait3A_232] : memref<100001x128xf32, #tpu.memory_space<hbm>> -> memref<64x128xf32, #tpu.memory_space<hbm>>
      tpu.wait_dma2 semaphore(%arg18 : memref<!tpu.dma_semaphore, #tpu.memory_space<semaphore_mem>>) src(%dma_wait3A_233 : memref<64x128xf32, #tpu.memory_space<hbm>>) dst(%arg10 : memref<64x128xf32, #tpu.memory_space<vmem>>)
      %while3A_234 = arith.constant 0 : i32
      scf.yield %while3A_234 : i32
    }
    %and3A = arith.constant 1 : i32
    %and3A_111 = arith.andi %shift_right_arithmetic3A_93, %and3A : i32
    %eq3A = arith.constant 1 : i32
    %eq3A_112 = arith.cmpi eq, %and3A_111, %eq3A : i32
    %convert_element_type3A = arith.extui %eq3A_112 : i1 to i32
    %cond3A = arith.constant 0 : i32
    %cond3A_113 = arith.constant 0 : i32
    %cond3A_114 = arith.cmpi ne, %convert_element_type3A, %cond3A_113 : i32
    scf.if %cond3A_114 {
      %sub3A_166 = arith.constant 1 : i32
      %sub3A_167 = arith.subi %shift_right_arithmetic3A_93, %sub3A_166 : i32
      %mul3A_168 = arith.constant 64 : i32
      %mul3A_169 = arith.muli %sub3A_167, %mul3A_168 : i32
      %add3A_170 = arith.addi %get3A_89, %mul3A_169 : i32
      %multiple_of3A_171 = tpu.assume_multiple %add3A_170, 64 : i32
      %dma_start3A_172 = tpu.memref_slice %arg6[%multiple_of3A_171] : memref<15488xi32, #tpu.memory_space<vmem>> -> memref<64xi32, #tpu.memory_space<vmem>>
      %dma_start3A_173 = arith.constant 0 : i32
      %dma_start3A_174 = arith.constant 0 : i32
      %dma_start3A_175 = tpu.memref_slice %arg13[%cond3A, %dma_start3A_173, %dma_start3A_174] : memref<2x2048x128xf32, #tpu.memory_space<vmem_shared>> -> memref<1x2048x128xf32, #tpu.memory_space<vmem_shared>>
      %dma_start3A_176 = tpu.memref_squeeze %dma_start3A_175 : memref<1x2048x128xf32, #tpu.memory_space<vmem_shared>> -> memref<2048x128xf32, #tpu.memory_space<vmem_shared>>
      %dma_start3A_177 = arith.constant 0 : i32
      %dma_start3A_178 = arith.constant 0 : i32
      %dma_start3A_179 = tpu.memref_slice %dma_start3A_176[%dma_start3A_177, %dma_start3A_178] : memref<2048x128xf32, #tpu.memory_space<vmem_shared>> -> memref<2048x128xf32, #tpu.memory_space<vmem_shared>>
      tpu.enqueue_indirect_dma source(%dma_start3A_179 : memref<2048x128xf32, #tpu.memory_space<vmem_shared>>) target(%arg9 : memref<64x128xf32, #tpu.memory_space<vmem>>) offsets(%dma_start3A_172 : memref<64xi32, #tpu.memory_space<vmem>>) semaphore(%arg17 : memref<!tpu.dma_semaphore, #tpu.memory_space<semaphore_mem>>)
      %dma_wait3A_180 = tpu.memref_slice %arg6[%multiple_of3A_171] : memref<15488xi32, #tpu.memory_space<vmem>> -> memref<64xi32, #tpu.memory_space<vmem>>
      %dma_wait3A_181 = arith.constant 0 : i32
      %dma_wait3A_182 = arith.constant 0 : i32
      %dma_wait3A_183 = tpu.memref_slice %arg13[%cond3A, %dma_wait3A_181, %dma_wait3A_182] : memref<2x2048x128xf32, #tpu.memory_space<vmem_shared>> -> memref<1x2048x128xf32, #tpu.memory_space<vmem_shared>>
      %dma_wait3A_184 = tpu.memref_squeeze %dma_wait3A_183 : memref<1x2048x128xf32, #tpu.memory_space<vmem_shared>> -> memref<2048x128xf32, #tpu.memory_space<vmem_shared>>
      %dma_wait3A_185 = arith.constant 0 : i32
      %dma_wait3A_186 = arith.constant 0 : i32
      %dma_wait3A_187 = tpu.memref_slice %dma_wait3A_184[%dma_wait3A_185, %dma_wait3A_186] : memref<2048x128xf32, #tpu.memory_space<vmem_shared>> -> memref<2048x128xf32, #tpu.memory_space<vmem_shared>>
      tpu.wait_indirect_dma semaphore(%arg17 : memref<!tpu.dma_semaphore, #tpu.memory_space<semaphore_mem>>) src(%dma_wait3A_187 : memref<2048x128xf32, #tpu.memory_space<vmem_shared>>) dst(%arg9 : memref<64x128xf32, #tpu.memory_space<vmem>>)
      %dma_start3A_188 = tpu.memref_slice %arg7[%multiple_of3A_171] : memref<15488xi32, #tpu.memory_space<vmem>> -> memref<64xi32, #tpu.memory_space<vmem>>
      %dma_start3A_189 = arith.constant 0 : i32
      %dma_start3A_190 = arith.constant 0 : i32
      %dma_start3A_191 = tpu.memref_slice %arg11[%dma_start3A_189, %dma_start3A_190] : memref<2048x128xf32, #tpu.memory_space<vmem_shared>> -> memref<2048x128xf32, #tpu.memory_space<vmem_shared>>
      tpu.enqueue_indirect_dma source(%arg9 : memref<64x128xf32, #tpu.memory_space<vmem>>) target(%dma_start3A_191 : memref<2048x128xf32, #tpu.memory_space<vmem_shared>>) offsets(%dma_start3A_188 : memref<64xi32, #tpu.memory_space<vmem>>) semaphore(%arg18 : memref<!tpu.dma_semaphore, #tpu.memory_space<semaphore_mem>>) {add = true}
      %dma_wait3A_192 = arith.constant 0 : i32
      %dma_wait3A_193 = arith.constant 0 : i32
      %dma_wait3A_194 = tpu.memref_slice %arg2[%dma_wait3A_192, %dma_wait3A_193] : memref<100001x128xf32, #tpu.memory_space<hbm>> -> memref<64x128xf32, #tpu.memory_space<hbm>>
      %dma_wait3A_195 = arith.constant 0 : i32
      %dma_wait3A_196 = arith.constant 0 : i32
      %dma_wait3A_197 = tpu.memref_slice %arg2[%dma_wait3A_195, %dma_wait3A_196] : memref<100001x128xf32, #tpu.memory_space<hbm>> -> memref<64x128xf32, #tpu.memory_space<hbm>>
      tpu.wait_dma2 semaphore(%arg18 : memref<!tpu.dma_semaphore, #tpu.memory_space<semaphore_mem>>) src(%dma_wait3A_197 : memref<64x128xf32, #tpu.memory_space<hbm>>) dst(%arg9 : memref<64x128xf32, #tpu.memory_space<vmem>>)
    } else {
    }
    %eq3A_115 = arith.constant 8 : i32
    %eq3A_116 = arith.cmpi eq, %sub3A_96, %eq3A_115 : i32
    %convert_element_type3A_117 = arith.extui %eq3A_116 : i1 to i32
    %cond3A_118 = arith.constant 0 : i32
    %cond3A_119 = arith.constant 0 : i32
    %cond3A_120 = arith.cmpi ne, %convert_element_type3A_117, %cond3A_119 : i32
    scf.if %cond3A_120 {
      %shift_left3A_166 = arith.constant 6 : i32
      %shift_left3A_167 = arith.shli %shift_right_arithmetic3A_93, %shift_left3A_166 : i32
      %add3A_168 = arith.addi %get3A_89, %shift_left3A_167 : i32
      %multiple_of3A_169 = tpu.assume_multiple %add3A_168, 8 : i32
      %dma_start3A_170 = arith.constant 0 : i32
      %dma_start3A_171 = arith.constant 0 : i32
      %dma_start3A_172 = tpu.memref_slice %arg9[%dma_start3A_170, %dma_start3A_171] : memref<64x128xf32, #tpu.memory_space<vmem>> -> memref<8x128xf32, #tpu.memory_space<vmem>>
      %dma_start3A_173 = tpu.memref_slice %arg6[%multiple_of3A_169] : memref<15488xi32, #tpu.memory_space<vmem>> -> memref<8xi32, #tpu.memory_space<vmem>>
      %dma_start3A_174 = arith.constant 0 : i32
      %dma_start3A_175 = arith.constant 0 : i32
      %dma_start3A_176 = tpu.memref_slice %arg13[%cond3A_118, %dma_start3A_174, %dma_start3A_175] : memref<2x2048x128xf32, #tpu.memory_space<vmem_shared>> -> memref<1x2048x128xf32, #tpu.memory_space<vmem_shared>>
      %dma_start3A_177 = tpu.memref_squeeze %dma_start3A_176 : memref<1x2048x128xf32, #tpu.memory_space<vmem_shared>> -> memref<2048x128xf32, #tpu.memory_space<vmem_shared>>
      %dma_start3A_178 = arith.constant 0 : i32
      %dma_start3A_179 = arith.constant 0 : i32
      %dma_start3A_180 = tpu.memref_slice %dma_start3A_177[%dma_start3A_178, %dma_start3A_179] : memref<2048x128xf32, #tpu.memory_space<vmem_shared>> -> memref<2048x128xf32, #tpu.memory_space<vmem_shared>>
      tpu.enqueue_indirect_dma source(%dma_start3A_180 : memref<2048x128xf32, #tpu.memory_space<vmem_shared>>) target(%dma_start3A_172 : memref<8x128xf32, #tpu.memory_space<vmem>>) offsets(%dma_start3A_173 : memref<8xi32, #tpu.memory_space<vmem>>) semaphore(%arg17 : memref<!tpu.dma_semaphore, #tpu.memory_space<semaphore_mem>>)
      %dma_wait3A_181 = arith.constant 0 : i32
      %dma_wait3A_182 = arith.constant 0 : i32
      %dma_wait3A_183 = tpu.memref_slice %arg9[%dma_wait3A_181, %dma_wait3A_182] : memref<64x128xf32, #tpu.memory_space<vmem>> -> memref<8x128xf32, #tpu.memory_space<vmem>>
      %dma_wait3A_184 = tpu.memref_slice %arg6[%multiple_of3A_169] : memref<15488xi32, #tpu.memory_space<vmem>> -> memref<8xi32, #tpu.memory_space<vmem>>
      %dma_wait3A_185 = arith.constant 0 : i32
      %dma_wait3A_186 = arith.constant 0 : i32
      %dma_wait3A_187 = tpu.memref_slice %arg13[%cond3A_118, %dma_wait3A_185, %dma_wait3A_186] : memref<2x2048x128xf32, #tpu.memory_space<vmem_shared>> -> memref<1x2048x128xf32, #tpu.memory_space<vmem_shared>>
      %dma_wait3A_188 = tpu.memref_squeeze %dma_wait3A_187 : memref<1x2048x128xf32, #tpu.memory_space<vmem_shared>> -> memref<2048x128xf32, #tpu.memory_space<vmem_shared>>
      %dma_wait3A_189 = arith.constant 0 : i32
      %dma_wait3A_190 = arith.constant 0 : i32
      %dma_wait3A_191 = tpu.memref_slice %dma_wait3A_188[%dma_wait3A_189, %dma_wait3A_190] : memref<2048x128xf32, #tpu.memory_space<vmem_shared>> -> memref<2048x128xf32, #tpu.memory_space<vmem_shared>>
      tpu.wait_indirect_dma semaphore(%arg17 : memref<!tpu.dma_semaphore, #tpu.memory_space<semaphore_mem>>) src(%dma_wait3A_191 : memref<2048x128xf32, #tpu.memory_space<vmem_shared>>) dst(%dma_wait3A_183 : memref<8x128xf32, #tpu.memory_space<vmem>>)
      %dma_start3A_192 = arith.constant 0 : i32
      %dma_start3A_193 = arith.constant 0 : i32
      %dma_start3A_194 = tpu.memref_slice %arg9[%dma_start3A_192, %dma_start3A_193] : memref<64x128xf32, #tpu.memory_space<vmem>> -> memref<8x128xf32, #tpu.memory_space<vmem>>
      %dma_start3A_195 = tpu.memref_slice %arg7[%multiple_of3A_169] : memref<15488xi32, #tpu.memory_space<vmem>> -> memref<8xi32, #tpu.memory_space<vmem>>
      %dma_start3A_196 = arith.constant 0 : i32
      %dma_start3A_197 = arith.constant 0 : i32
      %dma_start3A_198 = tpu.memref_slice %arg11[%dma_start3A_196, %dma_start3A_197] : memref<2048x128xf32, #tpu.memory_space<vmem_shared>> -> memref<2048x128xf32, #tpu.memory_space<vmem_shared>>
      tpu.enqueue_indirect_dma source(%dma_start3A_194 : memref<8x128xf32, #tpu.memory_space<vmem>>) target(%dma_start3A_198 : memref<2048x128xf32, #tpu.memory_space<vmem_shared>>) offsets(%dma_start3A_195 : memref<8xi32, #tpu.memory_space<vmem>>) semaphore(%arg18 : memref<!tpu.dma_semaphore, #tpu.memory_space<semaphore_mem>>) {add = true}
      %dma_wait3A_199 = arith.constant 0 : i32
      %dma_wait3A_200 = arith.constant 0 : i32
      %dma_wait3A_201 = tpu.memref_slice %arg9[%dma_wait3A_199, %dma_wait3A_200] : memref<64x128xf32, #tpu.memory_space<vmem>> -> memref<8x128xf32, #tpu.memory_space<vmem>>
      %dma_wait3A_202 = arith.constant 0 : i32
      %dma_wait3A_203 = arith.constant 0 : i32
      %dma_wait3A_204 = tpu.memref_slice %arg2[%dma_wait3A_202, %dma_wait3A_203] : memref<100001x128xf32, #tpu.memory_space<hbm>> -> memref<8x128xf32, #tpu.memory_space<hbm>>
      %dma_wait3A_205 = arith.constant 0 : i32
      %dma_wait3A_206 = arith.constant 0 : i32
      %dma_wait3A_207 = tpu.memref_slice %arg9[%dma_wait3A_205, %dma_wait3A_206] : memref<64x128xf32, #tpu.memory_space<vmem>> -> memref<8x128xf32, #tpu.memory_space<vmem>>
      %dma_wait3A_208 = arith.constant 0 : i32
      %dma_wait3A_209 = arith.constant 0 : i32
      %dma_wait3A_210 = tpu.memref_slice %arg2[%dma_wait3A_208, %dma_wait3A_209] : memref<100001x128xf32, #tpu.memory_space<hbm>> -> memref<8x128xf32, #tpu.memory_space<hbm>>
      tpu.wait_dma2 semaphore(%arg18 : memref<!tpu.dma_semaphore, #tpu.memory_space<semaphore_mem>>) src(%dma_wait3A_210 : memref<8x128xf32, #tpu.memory_space<hbm>>) dst(%dma_wait3A_207 : memref<8x128xf32, #tpu.memory_space<vmem>>)
    } else {
    }
    %eq3A_121 = arith.constant 16 : i32
    %eq3A_122 = arith.cmpi eq, %sub3A_96, %eq3A_121 : i32
    %convert_element_type3A_123 = arith.extui %eq3A_122 : i1 to i32
    %cond3A_124 = arith.constant 0 : i32
    %cond3A_125 = arith.constant 0 : i32
    %cond3A_126 = arith.cmpi ne, %convert_element_type3A_123, %cond3A_125 : i32
    scf.if %cond3A_126 {
      %shift_left3A_166 = arith.constant 6 : i32
      %shift_left3A_167 = arith.shli %shift_right_arithmetic3A_93, %shift_left3A_166 : i32
      %add3A_168 = arith.addi %get3A_89, %shift_left3A_167 : i32
      %multiple_of3A_169 = tpu.assume_multiple %add3A_168, 8 : i32
      %dma_start3A_170 = arith.constant 0 : i32
      %dma_start3A_171 = arith.constant 0 : i32
      %dma_start3A_172 = tpu.memref_slice %arg9[%dma_start3A_170, %dma_start3A_171] : memref<64x128xf32, #tpu.memory_space<vmem>> -> memref<16x128xf32, #tpu.memory_space<vmem>>
      %dma_start3A_173 = tpu.memref_slice %arg6[%multiple_of3A_169] : memref<15488xi32, #tpu.memory_space<vmem>> -> memref<16xi32, #tpu.memory_space<vmem>>
      %dma_start3A_174 = arith.constant 0 : i32
      %dma_start3A_175 = arith.constant 0 : i32
      %dma_start3A_176 = tpu.memref_slice %arg13[%cond3A_124, %dma_start3A_174, %dma_start3A_175] : memref<2x2048x128xf32, #tpu.memory_space<vmem_shared>> -> memref<1x2048x128xf32, #tpu.memory_space<vmem_shared>>
      %dma_start3A_177 = tpu.memref_squeeze %dma_start3A_176 : memref<1x2048x128xf32, #tpu.memory_space<vmem_shared>> -> memref<2048x128xf32, #tpu.memory_space<vmem_shared>>
      %dma_start3A_178 = arith.constant 0 : i32
      %dma_start3A_179 = arith.constant 0 : i32
      %dma_start3A_180 = tpu.memref_slice %dma_start3A_177[%dma_start3A_178, %dma_start3A_179] : memref<2048x128xf32, #tpu.memory_space<vmem_shared>> -> memref<2048x128xf32, #tpu.memory_space<vmem_shared>>
      tpu.enqueue_indirect_dma source(%dma_start3A_180 : memref<2048x128xf32, #tpu.memory_space<vmem_shared>>) target(%dma_start3A_172 : memref<16x128xf32, #tpu.memory_space<vmem>>) offsets(%dma_start3A_173 : memref<16xi32, #tpu.memory_space<vmem>>) semaphore(%arg17 : memref<!tpu.dma_semaphore, #tpu.memory_space<semaphore_mem>>)
      %dma_wait3A_181 = arith.constant 0 : i32
      %dma_wait3A_182 = arith.constant 0 : i32
      %dma_wait3A_183 = tpu.memref_slice %arg9[%dma_wait3A_181, %dma_wait3A_182] : memref<64x128xf32, #tpu.memory_space<vmem>> -> memref<16x128xf32, #tpu.memory_space<vmem>>
      %dma_wait3A_184 = tpu.memref_slice %arg6[%multiple_of3A_169] : memref<15488xi32, #tpu.memory_space<vmem>> -> memref<16xi32, #tpu.memory_space<vmem>>
      %dma_wait3A_185 = arith.constant 0 : i32
      %dma_wait3A_186 = arith.constant 0 : i32
      %dma_wait3A_187 = tpu.memref_slice %arg13[%cond3A_124, %dma_wait3A_185, %dma_wait3A_186] : memref<2x2048x128xf32, #tpu.memory_space<vmem_shared>> -> memref<1x2048x128xf32, #tpu.memory_space<vmem_shared>>
      %dma_wait3A_188 = tpu.memref_squeeze %dma_wait3A_187 : memref<1x2048x128xf32, #tpu.memory_space<vmem_shared>> -> memref<2048x128xf32, #tpu.memory_space<vmem_shared>>
      %dma_wait3A_189 = arith.constant 0 : i32
      %dma_wait3A_190 = arith.constant 0 : i32
      %dma_wait3A_191 = tpu.memref_slice %dma_wait3A_188[%dma_wait3A_189, %dma_wait3A_190] : memref<2048x128xf32, #tpu.memory_space<vmem_shared>> -> memref<2048x128xf32, #tpu.memory_space<vmem_shared>>
      tpu.wait_indirect_dma semaphore(%arg17 : memref<!tpu.dma_semaphore, #tpu.memory_space<semaphore_mem>>) src(%dma_wait3A_191 : memref<2048x128xf32, #tpu.memory_space<vmem_shared>>) dst(%dma_wait3A_183 : memref<16x128xf32, #tpu.memory_space<vmem>>)
      %dma_start3A_192 = arith.constant 0 : i32
      %dma_start3A_193 = arith.constant 0 : i32
      %dma_start3A_194 = tpu.memref_slice %arg9[%dma_start3A_192, %dma_start3A_193] : memref<64x128xf32, #tpu.memory_space<vmem>> -> memref<16x128xf32, #tpu.memory_space<vmem>>
      %dma_start3A_195 = tpu.memref_slice %arg7[%multiple_of3A_169] : memref<15488xi32, #tpu.memory_space<vmem>> -> memref<16xi32, #tpu.memory_space<vmem>>
      %dma_start3A_196 = arith.constant 0 : i32
      %dma_start3A_197 = arith.constant 0 : i32
      %dma_start3A_198 = tpu.memref_slice %arg11[%dma_start3A_196, %dma_start3A_197] : memref<2048x128xf32, #tpu.memory_space<vmem_shared>> -> memref<2048x128xf32, #tpu.memory_space<vmem_shared>>
      tpu.enqueue_indirect_dma source(%dma_start3A_194 : memref<16x128xf32, #tpu.memory_space<vmem>>) target(%dma_start3A_198 : memref<2048x128xf32, #tpu.memory_space<vmem_shared>>) offsets(%dma_start3A_195 : memref<16xi32, #tpu.memory_space<vmem>>) semaphore(%arg18 : memref<!tpu.dma_semaphore, #tpu.memory_space<semaphore_mem>>) {add = true}
      %dma_wait3A_199 = arith.constant 0 : i32
      %dma_wait3A_200 = arith.constant 0 : i32
      %dma_wait3A_201 = tpu.memref_slice %arg9[%dma_wait3A_199, %dma_wait3A_200] : memref<64x128xf32, #tpu.memory_space<vmem>> -> memref<16x128xf32, #tpu.memory_space<vmem>>
      %dma_wait3A_202 = arith.constant 0 : i32
      %dma_wait3A_203 = arith.constant 0 : i32
      %dma_wait3A_204 = tpu.memref_slice %arg2[%dma_wait3A_202, %dma_wait3A_203] : memref<100001x128xf32, #tpu.memory_space<hbm>> -> memref<16x128xf32, #tpu.memory_space<hbm>>
      %dma_wait3A_205 = arith.constant 0 : i32
      %dma_wait3A_206 = arith.constant 0 : i32
      %dma_wait3A_207 = tpu.memref_slice %arg9[%dma_wait3A_205, %dma_wait3A_206] : memref<64x128xf32, #tpu.memory_space<vmem>> -> memref<16x128xf32, #tpu.memory_space<vmem>>
      %dma_wait3A_208 = arith.constant 0 : i32
      %dma_wait3A_209 = arith.constant 0 : i32
      %dma_wait3A_210 = tpu.memref_slice %arg2[%dma_wait3A_208, %dma_wait3A_209] : memref<100001x128xf32, #tpu.memory_space<hbm>> -> memref<16x128xf32, #tpu.memory_space<hbm>>
      tpu.wait_dma2 semaphore(%arg18 : memref<!tpu.dma_semaphore, #tpu.memory_space<semaphore_mem>>) src(%dma_wait3A_210 : memref<16x128xf32, #tpu.memory_space<hbm>>) dst(%dma_wait3A_207 : memref<16x128xf32, #tpu.memory_space<vmem>>)
    } else {
    }
    %eq3A_127 = arith.constant 24 : i32
    %eq3A_128 = arith.cmpi eq, %sub3A_96, %eq3A_127 : i32
    %convert_element_type3A_129 = arith.extui %eq3A_128 : i1 to i32
    %cond3A_130 = arith.constant 0 : i32
    %cond3A_131 = arith.constant 0 : i32
    %cond3A_132 = arith.cmpi ne, %convert_element_type3A_129, %cond3A_131 : i32
    scf.if %cond3A_132 {
      %shift_left3A_166 = arith.constant 6 : i32
      %shift_left3A_167 = arith.shli %shift_right_arithmetic3A_93, %shift_left3A_166 : i32
      %add3A_168 = arith.addi %get3A_89, %shift_left3A_167 : i32
      %multiple_of3A_169 = tpu.assume_multiple %add3A_168, 8 : i32
      %dma_start3A_170 = arith.constant 0 : i32
      %dma_start3A_171 = arith.constant 0 : i32
      %dma_start3A_172 = tpu.memref_slice %arg9[%dma_start3A_170, %dma_start3A_171] : memref<64x128xf32, #tpu.memory_space<vmem>> -> memref<24x128xf32, #tpu.memory_space<vmem>>
      %dma_start3A_173 = tpu.memref_slice %arg6[%multiple_of3A_169] : memref<15488xi32, #tpu.memory_space<vmem>> -> memref<24xi32, #tpu.memory_space<vmem>>
      %dma_start3A_174 = arith.constant 0 : i32
      %dma_start3A_175 = arith.constant 0 : i32
      %dma_start3A_176 = tpu.memref_slice %arg13[%cond3A_130, %dma_start3A_174, %dma_start3A_175] : memref<2x2048x128xf32, #tpu.memory_space<vmem_shared>> -> memref<1x2048x128xf32, #tpu.memory_space<vmem_shared>>
      %dma_start3A_177 = tpu.memref_squeeze %dma_start3A_176 : memref<1x2048x128xf32, #tpu.memory_space<vmem_shared>> -> memref<2048x128xf32, #tpu.memory_space<vmem_shared>>
      %dma_start3A_178 = arith.constant 0 : i32
      %dma_start3A_179 = arith.constant 0 : i32
      %dma_start3A_180 = tpu.memref_slice %dma_start3A_177[%dma_start3A_178, %dma_start3A_179] : memref<2048x128xf32, #tpu.memory_space<vmem_shared>> -> memref<2048x128xf32, #tpu.memory_space<vmem_shared>>
      tpu.enqueue_indirect_dma source(%dma_start3A_180 : memref<2048x128xf32, #tpu.memory_space<vmem_shared>>) target(%dma_start3A_172 : memref<24x128xf32, #tpu.memory_space<vmem>>) offsets(%dma_start3A_173 : memref<24xi32, #tpu.memory_space<vmem>>) semaphore(%arg17 : memref<!tpu.dma_semaphore, #tpu.memory_space<semaphore_mem>>)
      %dma_wait3A_181 = arith.constant 0 : i32
      %dma_wait3A_182 = arith.constant 0 : i32
      %dma_wait3A_183 = tpu.memref_slice %arg9[%dma_wait3A_181, %dma_wait3A_182] : memref<64x128xf32, #tpu.memory_space<vmem>> -> memref<24x128xf32, #tpu.memory_space<vmem>>
      %dma_wait3A_184 = tpu.memref_slice %arg6[%multiple_of3A_169] : memref<15488xi32, #tpu.memory_space<vmem>> -> memref<24xi32, #tpu.memory_space<vmem>>
      %dma_wait3A_185 = arith.constant 0 : i32
      %dma_wait3A_186 = arith.constant 0 : i32
      %dma_wait3A_187 = tpu.memref_slice %arg13[%cond3A_130, %dma_wait3A_185, %dma_wait3A_186] : memref<2x2048x128xf32, #tpu.memory_space<vmem_shared>> -> memref<1x2048x128xf32, #tpu.memory_space<vmem_shared>>
      %dma_wait3A_188 = tpu.memref_squeeze %dma_wait3A_187 : memref<1x2048x128xf32, #tpu.memory_space<vmem_shared>> -> memref<2048x128xf32, #tpu.memory_space<vmem_shared>>
      %dma_wait3A_189 = arith.constant 0 : i32
      %dma_wait3A_190 = arith.constant 0 : i32
      %dma_wait3A_191 = tpu.memref_slice %dma_wait3A_188[%dma_wait3A_189, %dma_wait3A_190] : memref<2048x128xf32, #tpu.memory_space<vmem_shared>> -> memref<2048x128xf32, #tpu.memory_space<vmem_shared>>
      tpu.wait_indirect_dma semaphore(%arg17 : memref<!tpu.dma_semaphore, #tpu.memory_space<semaphore_mem>>) src(%dma_wait3A_191 : memref<2048x128xf32, #tpu.memory_space<vmem_shared>>) dst(%dma_wait3A_183 : memref<24x128xf32, #tpu.memory_space<vmem>>)
      %dma_start3A_192 = arith.constant 0 : i32
      %dma_start3A_193 = arith.constant 0 : i32
      %dma_start3A_194 = tpu.memref_slice %arg9[%dma_start3A_192, %dma_start3A_193] : memref<64x128xf32, #tpu.memory_space<vmem>> -> memref<24x128xf32, #tpu.memory_space<vmem>>
      %dma_start3A_195 = tpu.memref_slice %arg7[%multiple_of3A_169] : memref<15488xi32, #tpu.memory_space<vmem>> -> memref<24xi32, #tpu.memory_space<vmem>>
      %dma_start3A_196 = arith.constant 0 : i32
      %dma_start3A_197 = arith.constant 0 : i32
      %dma_start3A_198 = tpu.memref_slice %arg11[%dma_start3A_196, %dma_start3A_197] : memref<2048x128xf32, #tpu.memory_space<vmem_shared>> -> memref<2048x128xf32, #tpu.memory_space<vmem_shared>>
      tpu.enqueue_indirect_dma source(%dma_start3A_194 : memref<24x128xf32, #tpu.memory_space<vmem>>) target(%dma_start3A_198 : memref<2048x128xf32, #tpu.memory_space<vmem_shared>>) offsets(%dma_start3A_195 : memref<24xi32, #tpu.memory_space<vmem>>) semaphore(%arg18 : memref<!tpu.dma_semaphore, #tpu.memory_space<semaphore_mem>>) {add = true}
      %dma_wait3A_199 = arith.constant 0 : i32
      %dma_wait3A_200 = arith.constant 0 : i32
      %dma_wait3A_201 = tpu.memref_slice %arg9[%dma_wait3A_199, %dma_wait3A_200] : memref<64x128xf32, #tpu.memory_space<vmem>> -> memref<24x128xf32, #tpu.memory_space<vmem>>
      %dma_wait3A_202 = arith.constant 0 : i32
      %dma_wait3A_203 = arith.constant 0 : i32
      %dma_wait3A_204 = tpu.memref_slice %arg2[%dma_wait3A_202, %dma_wait3A_203] : memref<100001x128xf32, #tpu.memory_space<hbm>> -> memref<24x128xf32, #tpu.memory_space<hbm>>
      %dma_wait3A_205 = arith.constant 0 : i32
      %dma_wait3A_206 = arith.constant 0 : i32
      %dma_wait3A_207 = tpu.memref_slice %arg9[%dma_wait3A_205, %dma_wait3A_206] : memref<64x128xf32, #tpu.memory_space<vmem>> -> memref<24x128xf32, #tpu.memory_space<vmem>>
      %dma_wait3A_208 = arith.constant 0 : i32
      %dma_wait3A_209 = arith.constant 0 : i32
      %dma_wait3A_210 = tpu.memref_slice %arg2[%dma_wait3A_208, %dma_wait3A_209] : memref<100001x128xf32, #tpu.memory_space<hbm>> -> memref<24x128xf32, #tpu.memory_space<hbm>>
      tpu.wait_dma2 semaphore(%arg18 : memref<!tpu.dma_semaphore, #tpu.memory_space<semaphore_mem>>) src(%dma_wait3A_210 : memref<24x128xf32, #tpu.memory_space<hbm>>) dst(%dma_wait3A_207 : memref<24x128xf32, #tpu.memory_space<vmem>>)
    } else {
    }
    %eq3A_133 = arith.constant 32 : i32
    %eq3A_134 = arith.cmpi eq, %sub3A_96, %eq3A_133 : i32
    %convert_element_type3A_135 = arith.extui %eq3A_134 : i1 to i32
    %cond3A_136 = arith.constant 0 : i32
    %cond3A_137 = arith.constant 0 : i32
    %cond3A_138 = arith.cmpi ne, %convert_element_type3A_135, %cond3A_137 : i32
    scf.if %cond3A_138 {
      %shift_left3A_166 = arith.constant 6 : i32
      %shift_left3A_167 = arith.shli %shift_right_arithmetic3A_93, %shift_left3A_166 : i32
      %add3A_168 = arith.addi %get3A_89, %shift_left3A_167 : i32
      %multiple_of3A_169 = tpu.assume_multiple %add3A_168, 8 : i32
      %dma_start3A_170 = arith.constant 0 : i32
      %dma_start3A_171 = arith.constant 0 : i32
      %dma_start3A_172 = tpu.memref_slice %arg9[%dma_start3A_170, %dma_start3A_171] : memref<64x128xf32, #tpu.memory_space<vmem>> -> memref<32x128xf32, #tpu.memory_space<vmem>>
      %dma_start3A_173 = tpu.memref_slice %arg6[%multiple_of3A_169] : memref<15488xi32, #tpu.memory_space<vmem>> -> memref<32xi32, #tpu.memory_space<vmem>>
      %dma_start3A_174 = arith.constant 0 : i32
      %dma_start3A_175 = arith.constant 0 : i32
      %dma_start3A_176 = tpu.memref_slice %arg13[%cond3A_136, %dma_start3A_174, %dma_start3A_175] : memref<2x2048x128xf32, #tpu.memory_space<vmem_shared>> -> memref<1x2048x128xf32, #tpu.memory_space<vmem_shared>>
      %dma_start3A_177 = tpu.memref_squeeze %dma_start3A_176 : memref<1x2048x128xf32, #tpu.memory_space<vmem_shared>> -> memref<2048x128xf32, #tpu.memory_space<vmem_shared>>
      %dma_start3A_178 = arith.constant 0 : i32
      %dma_start3A_179 = arith.constant 0 : i32
      %dma_start3A_180 = tpu.memref_slice %dma_start3A_177[%dma_start3A_178, %dma_start3A_179] : memref<2048x128xf32, #tpu.memory_space<vmem_shared>> -> memref<2048x128xf32, #tpu.memory_space<vmem_shared>>
      tpu.enqueue_indirect_dma source(%dma_start3A_180 : memref<2048x128xf32, #tpu.memory_space<vmem_shared>>) target(%dma_start3A_172 : memref<32x128xf32, #tpu.memory_space<vmem>>) offsets(%dma_start3A_173 : memref<32xi32, #tpu.memory_space<vmem>>) semaphore(%arg17 : memref<!tpu.dma_semaphore, #tpu.memory_space<semaphore_mem>>)
      %dma_wait3A_181 = arith.constant 0 : i32
      %dma_wait3A_182 = arith.constant 0 : i32
      %dma_wait3A_183 = tpu.memref_slice %arg9[%dma_wait3A_181, %dma_wait3A_182] : memref<64x128xf32, #tpu.memory_space<vmem>> -> memref<32x128xf32, #tpu.memory_space<vmem>>
      %dma_wait3A_184 = tpu.memref_slice %arg6[%multiple_of3A_169] : memref<15488xi32, #tpu.memory_space<vmem>> -> memref<32xi32, #tpu.memory_space<vmem>>
      %dma_wait3A_185 = arith.constant 0 : i32
      %dma_wait3A_186 = arith.constant 0 : i32
      %dma_wait3A_187 = tpu.memref_slice %arg13[%cond3A_136, %dma_wait3A_185, %dma_wait3A_186] : memref<2x2048x128xf32, #tpu.memory_space<vmem_shared>> -> memref<1x2048x128xf32, #tpu.memory_space<vmem_shared>>
      %dma_wait3A_188 = tpu.memref_squeeze %dma_wait3A_187 : memref<1x2048x128xf32, #tpu.memory_space<vmem_shared>> -> memref<2048x128xf32, #tpu.memory_space<vmem_shared>>
      %dma_wait3A_189 = arith.constant 0 : i32
      %dma_wait3A_190 = arith.constant 0 : i32
      %dma_wait3A_191 = tpu.memref_slice %dma_wait3A_188[%dma_wait3A_189, %dma_wait3A_190] : memref<2048x128xf32, #tpu.memory_space<vmem_shared>> -> memref<2048x128xf32, #tpu.memory_space<vmem_shared>>
      tpu.wait_indirect_dma semaphore(%arg17 : memref<!tpu.dma_semaphore, #tpu.memory_space<semaphore_mem>>) src(%dma_wait3A_191 : memref<2048x128xf32, #tpu.memory_space<vmem_shared>>) dst(%dma_wait3A_183 : memref<32x128xf32, #tpu.memory_space<vmem>>)
      %dma_start3A_192 = arith.constant 0 : i32
      %dma_start3A_193 = arith.constant 0 : i32
      %dma_start3A_194 = tpu.memref_slice %arg9[%dma_start3A_192, %dma_start3A_193] : memref<64x128xf32, #tpu.memory_space<vmem>> -> memref<32x128xf32, #tpu.memory_space<vmem>>
      %dma_start3A_195 = tpu.memref_slice %arg7[%multiple_of3A_169] : memref<15488xi32, #tpu.memory_space<vmem>> -> memref<32xi32, #tpu.memory_space<vmem>>
      %dma_start3A_196 = arith.constant 0 : i32
      %dma_start3A_197 = arith.constant 0 : i32
      %dma_start3A_198 = tpu.memref_slice %arg11[%dma_start3A_196, %dma_start3A_197] : memref<2048x128xf32, #tpu.memory_space<vmem_shared>> -> memref<2048x128xf32, #tpu.memory_space<vmem_shared>>
      tpu.enqueue_indirect_dma source(%dma_start3A_194 : memref<32x128xf32, #tpu.memory_space<vmem>>) target(%dma_start3A_198 : memref<2048x128xf32, #tpu.memory_space<vmem_shared>>) offsets(%dma_start3A_195 : memref<32xi32, #tpu.memory_space<vmem>>) semaphore(%arg18 : memref<!tpu.dma_semaphore, #tpu.memory_space<semaphore_mem>>) {add = true}
      %dma_wait3A_199 = arith.constant 0 : i32
      %dma_wait3A_200 = arith.constant 0 : i32
      %dma_wait3A_201 = tpu.memref_slice %arg9[%dma_wait3A_199, %dma_wait3A_200] : memref<64x128xf32, #tpu.memory_space<vmem>> -> memref<32x128xf32, #tpu.memory_space<vmem>>
      %dma_wait3A_202 = arith.constant 0 : i32
      %dma_wait3A_203 = arith.constant 0 : i32
      %dma_wait3A_204 = tpu.memref_slice %arg2[%dma_wait3A_202, %dma_wait3A_203] : memref<100001x128xf32, #tpu.memory_space<hbm>> -> memref<32x128xf32, #tpu.memory_space<hbm>>
      %dma_wait3A_205 = arith.constant 0 : i32
      %dma_wait3A_206 = arith.constant 0 : i32
      %dma_wait3A_207 = tpu.memref_slice %arg9[%dma_wait3A_205, %dma_wait3A_206] : memref<64x128xf32, #tpu.memory_space<vmem>> -> memref<32x128xf32, #tpu.memory_space<vmem>>
      %dma_wait3A_208 = arith.constant 0 : i32
      %dma_wait3A_209 = arith.constant 0 : i32
      %dma_wait3A_210 = tpu.memref_slice %arg2[%dma_wait3A_208, %dma_wait3A_209] : memref<100001x128xf32, #tpu.memory_space<hbm>> -> memref<32x128xf32, #tpu.memory_space<hbm>>
      tpu.wait_dma2 semaphore(%arg18 : memref<!tpu.dma_semaphore, #tpu.memory_space<semaphore_mem>>) src(%dma_wait3A_210 : memref<32x128xf32, #tpu.memory_space<hbm>>) dst(%dma_wait3A_207 : memref<32x128xf32, #tpu.memory_space<vmem>>)
    } else {
    }
    %eq3A_139 = arith.constant 40 : i32
    %eq3A_140 = arith.cmpi eq, %sub3A_96, %eq3A_139 : i32
    %convert_element_type3A_141 = arith.extui %eq3A_140 : i1 to i32
    %cond3A_142 = arith.constant 0 : i32
    %cond3A_143 = arith.constant 0 : i32
    %cond3A_144 = arith.cmpi ne, %convert_element_type3A_141, %cond3A_143 : i32
    scf.if %cond3A_144 {
      %shift_left3A_166 = arith.constant 6 : i32
      %shift_left3A_167 = arith.shli %shift_right_arithmetic3A_93, %shift_left3A_166 : i32
      %add3A_168 = arith.addi %get3A_89, %shift_left3A_167 : i32
      %multiple_of3A_169 = tpu.assume_multiple %add3A_168, 8 : i32
      %dma_start3A_170 = arith.constant 0 : i32
      %dma_start3A_171 = arith.constant 0 : i32
      %dma_start3A_172 = tpu.memref_slice %arg9[%dma_start3A_170, %dma_start3A_171] : memref<64x128xf32, #tpu.memory_space<vmem>> -> memref<40x128xf32, #tpu.memory_space<vmem>>
      %dma_start3A_173 = tpu.memref_slice %arg6[%multiple_of3A_169] : memref<15488xi32, #tpu.memory_space<vmem>> -> memref<40xi32, #tpu.memory_space<vmem>>
      %dma_start3A_174 = arith.constant 0 : i32
      %dma_start3A_175 = arith.constant 0 : i32
      %dma_start3A_176 = tpu.memref_slice %arg13[%cond3A_142, %dma_start3A_174, %dma_start3A_175] : memref<2x2048x128xf32, #tpu.memory_space<vmem_shared>> -> memref<1x2048x128xf32, #tpu.memory_space<vmem_shared>>
      %dma_start3A_177 = tpu.memref_squeeze %dma_start3A_176 : memref<1x2048x128xf32, #tpu.memory_space<vmem_shared>> -> memref<2048x128xf32, #tpu.memory_space<vmem_shared>>
      %dma_start3A_178 = arith.constant 0 : i32
      %dma_start3A_179 = arith.constant 0 : i32
      %dma_start3A_180 = tpu.memref_slice %dma_start3A_177[%dma_start3A_178, %dma_start3A_179] : memref<2048x128xf32, #tpu.memory_space<vmem_shared>> -> memref<2048x128xf32, #tpu.memory_space<vmem_shared>>
      tpu.enqueue_indirect_dma source(%dma_start3A_180 : memref<2048x128xf32, #tpu.memory_space<vmem_shared>>) target(%dma_start3A_172 : memref<40x128xf32, #tpu.memory_space<vmem>>) offsets(%dma_start3A_173 : memref<40xi32, #tpu.memory_space<vmem>>) semaphore(%arg17 : memref<!tpu.dma_semaphore, #tpu.memory_space<semaphore_mem>>)
      %dma_wait3A_181 = arith.constant 0 : i32
      %dma_wait3A_182 = arith.constant 0 : i32
      %dma_wait3A_183 = tpu.memref_slice %arg9[%dma_wait3A_181, %dma_wait3A_182] : memref<64x128xf32, #tpu.memory_space<vmem>> -> memref<40x128xf32, #tpu.memory_space<vmem>>
      %dma_wait3A_184 = tpu.memref_slice %arg6[%multiple_of3A_169] : memref<15488xi32, #tpu.memory_space<vmem>> -> memref<40xi32, #tpu.memory_space<vmem>>
      %dma_wait3A_185 = arith.constant 0 : i32
      %dma_wait3A_186 = arith.constant 0 : i32
      %dma_wait3A_187 = tpu.memref_slice %arg13[%cond3A_142, %dma_wait3A_185, %dma_wait3A_186] : memref<2x2048x128xf32, #tpu.memory_space<vmem_shared>> -> memref<1x2048x128xf32, #tpu.memory_space<vmem_shared>>
      %dma_wait3A_188 = tpu.memref_squeeze %dma_wait3A_187 : memref<1x2048x128xf32, #tpu.memory_space<vmem_shared>> -> memref<2048x128xf32, #tpu.memory_space<vmem_shared>>
      %dma_wait3A_189 = arith.constant 0 : i32
      %dma_wait3A_190 = arith.constant 0 : i32
      %dma_wait3A_191 = tpu.memref_slice %dma_wait3A_188[%dma_wait3A_189, %dma_wait3A_190] : memref<2048x128xf32, #tpu.memory_space<vmem_shared>> -> memref<2048x128xf32, #tpu.memory_space<vmem_shared>>
      tpu.wait_indirect_dma semaphore(%arg17 : memref<!tpu.dma_semaphore, #tpu.memory_space<semaphore_mem>>) src(%dma_wait3A_191 : memref<2048x128xf32, #tpu.memory_space<vmem_shared>>) dst(%dma_wait3A_183 : memref<40x128xf32, #tpu.memory_space<vmem>>)
      %dma_start3A_192 = arith.constant 0 : i32
      %dma_start3A_193 = arith.constant 0 : i32
      %dma_start3A_194 = tpu.memref_slice %arg9[%dma_start3A_192, %dma_start3A_193] : memref<64x128xf32, #tpu.memory_space<vmem>> -> memref<40x128xf32, #tpu.memory_space<vmem>>
      %dma_start3A_195 = tpu.memref_slice %arg7[%multiple_of3A_169] : memref<15488xi32, #tpu.memory_space<vmem>> -> memref<40xi32, #tpu.memory_space<vmem>>
      %dma_start3A_196 = arith.constant 0 : i32
      %dma_start3A_197 = arith.constant 0 : i32
      %dma_start3A_198 = tpu.memref_slice %arg11[%dma_start3A_196, %dma_start3A_197] : memref<2048x128xf32, #tpu.memory_space<vmem_shared>> -> memref<2048x128xf32, #tpu.memory_space<vmem_shared>>
      tpu.enqueue_indirect_dma source(%dma_start3A_194 : memref<40x128xf32, #tpu.memory_space<vmem>>) target(%dma_start3A_198 : memref<2048x128xf32, #tpu.memory_space<vmem_shared>>) offsets(%dma_start3A_195 : memref<40xi32, #tpu.memory_space<vmem>>) semaphore(%arg18 : memref<!tpu.dma_semaphore, #tpu.memory_space<semaphore_mem>>) {add = true}
      %dma_wait3A_199 = arith.constant 0 : i32
      %dma_wait3A_200 = arith.constant 0 : i32
      %dma_wait3A_201 = tpu.memref_slice %arg9[%dma_wait3A_199, %dma_wait3A_200] : memref<64x128xf32, #tpu.memory_space<vmem>> -> memref<40x128xf32, #tpu.memory_space<vmem>>
      %dma_wait3A_202 = arith.constant 0 : i32
      %dma_wait3A_203 = arith.constant 0 : i32
      %dma_wait3A_204 = tpu.memref_slice %arg2[%dma_wait3A_202, %dma_wait3A_203] : memref<100001x128xf32, #tpu.memory_space<hbm>> -> memref<40x128xf32, #tpu.memory_space<hbm>>
      %dma_wait3A_205 = arith.constant 0 : i32
      %dma_wait3A_206 = arith.constant 0 : i32
      %dma_wait3A_207 = tpu.memref_slice %arg9[%dma_wait3A_205, %dma_wait3A_206] : memref<64x128xf32, #tpu.memory_space<vmem>> -> memref<40x128xf32, #tpu.memory_space<vmem>>
      %dma_wait3A_208 = arith.constant 0 : i32
      %dma_wait3A_209 = arith.constant 0 : i32
      %dma_wait3A_210 = tpu.memref_slice %arg2[%dma_wait3A_208, %dma_wait3A_209] : memref<100001x128xf32, #tpu.memory_space<hbm>> -> memref<40x128xf32, #tpu.memory_space<hbm>>
      tpu.wait_dma2 semaphore(%arg18 : memref<!tpu.dma_semaphore, #tpu.memory_space<semaphore_mem>>) src(%dma_wait3A_210 : memref<40x128xf32, #tpu.memory_space<hbm>>) dst(%dma_wait3A_207 : memref<40x128xf32, #tpu.memory_space<vmem>>)
    } else {
    }
    %eq3A_145 = arith.constant 48 : i32
    %eq3A_146 = arith.cmpi eq, %sub3A_96, %eq3A_145 : i32
    %convert_element_type3A_147 = arith.extui %eq3A_146 : i1 to i32
    %cond3A_148 = arith.constant 0 : i32
    %cond3A_149 = arith.constant 0 : i32
    %cond3A_150 = arith.cmpi ne, %convert_element_type3A_147, %cond3A_149 : i32
    scf.if %cond3A_150 {
      %shift_left3A_166 = arith.constant 6 : i32
      %shift_left3A_167 = arith.shli %shift_right_arithmetic3A_93, %shift_left3A_166 : i32
      %add3A_168 = arith.addi %get3A_89, %shift_left3A_167 : i32
      %multiple_of3A_169 = tpu.assume_multiple %add3A_168, 8 : i32
      %dma_start3A_170 = arith.constant 0 : i32
      %dma_start3A_171 = arith.constant 0 : i32
      %dma_start3A_172 = tpu.memref_slice %arg9[%dma_start3A_170, %dma_start3A_171] : memref<64x128xf32, #tpu.memory_space<vmem>> -> memref<48x128xf32, #tpu.memory_space<vmem>>
      %dma_start3A_173 = tpu.memref_slice %arg6[%multiple_of3A_169] : memref<15488xi32, #tpu.memory_space<vmem>> -> memref<48xi32, #tpu.memory_space<vmem>>
      %dma_start3A_174 = arith.constant 0 : i32
      %dma_start3A_175 = arith.constant 0 : i32
      %dma_start3A_176 = tpu.memref_slice %arg13[%cond3A_148, %dma_start3A_174, %dma_start3A_175] : memref<2x2048x128xf32, #tpu.memory_space<vmem_shared>> -> memref<1x2048x128xf32, #tpu.memory_space<vmem_shared>>
      %dma_start3A_177 = tpu.memref_squeeze %dma_start3A_176 : memref<1x2048x128xf32, #tpu.memory_space<vmem_shared>> -> memref<2048x128xf32, #tpu.memory_space<vmem_shared>>
      %dma_start3A_178 = arith.constant 0 : i32
      %dma_start3A_179 = arith.constant 0 : i32
      %dma_start3A_180 = tpu.memref_slice %dma_start3A_177[%dma_start3A_178, %dma_start3A_179] : memref<2048x128xf32, #tpu.memory_space<vmem_shared>> -> memref<2048x128xf32, #tpu.memory_space<vmem_shared>>
      tpu.enqueue_indirect_dma source(%dma_start3A_180 : memref<2048x128xf32, #tpu.memory_space<vmem_shared>>) target(%dma_start3A_172 : memref<48x128xf32, #tpu.memory_space<vmem>>) offsets(%dma_start3A_173 : memref<48xi32, #tpu.memory_space<vmem>>) semaphore(%arg17 : memref<!tpu.dma_semaphore, #tpu.memory_space<semaphore_mem>>)
      %dma_wait3A_181 = arith.constant 0 : i32
      %dma_wait3A_182 = arith.constant 0 : i32
      %dma_wait3A_183 = tpu.memref_slice %arg9[%dma_wait3A_181, %dma_wait3A_182] : memref<64x128xf32, #tpu.memory_space<vmem>> -> memref<48x128xf32, #tpu.memory_space<vmem>>
      %dma_wait3A_184 = tpu.memref_slice %arg6[%multiple_of3A_169] : memref<15488xi32, #tpu.memory_space<vmem>> -> memref<48xi32, #tpu.memory_space<vmem>>
      %dma_wait3A_185 = arith.constant 0 : i32
      %dma_wait3A_186 = arith.constant 0 : i32
      %dma_wait3A_187 = tpu.memref_slice %arg13[%cond3A_148, %dma_wait3A_185, %dma_wait3A_186] : memref<2x2048x128xf32, #tpu.memory_space<vmem_shared>> -> memref<1x2048x128xf32, #tpu.memory_space<vmem_shared>>
      %dma_wait3A_188 = tpu.memref_squeeze %dma_wait3A_187 : memref<1x2048x128xf32, #tpu.memory_space<vmem_shared>> -> memref<2048x128xf32, #tpu.memory_space<vmem_shared>>
      %dma_wait3A_189 = arith.constant 0 : i32
      %dma_wait3A_190 = arith.constant 0 : i32
      %dma_wait3A_191 = tpu.memref_slice %dma_wait3A_188[%dma_wait3A_189, %dma_wait3A_190] : memref<2048x128xf32, #tpu.memory_space<vmem_shared>> -> memref<2048x128xf32, #tpu.memory_space<vmem_shared>>
      tpu.wait_indirect_dma semaphore(%arg17 : memref<!tpu.dma_semaphore, #tpu.memory_space<semaphore_mem>>) src(%dma_wait3A_191 : memref<2048x128xf32, #tpu.memory_space<vmem_shared>>) dst(%dma_wait3A_183 : memref<48x128xf32, #tpu.memory_space<vmem>>)
      %dma_start3A_192 = arith.constant 0 : i32
      %dma_start3A_193 = arith.constant 0 : i32
      %dma_start3A_194 = tpu.memref_slice %arg9[%dma_start3A_192, %dma_start3A_193] : memref<64x128xf32, #tpu.memory_space<vmem>> -> memref<48x128xf32, #tpu.memory_space<vmem>>
      %dma_start3A_195 = tpu.memref_slice %arg7[%multiple_of3A_169] : memref<15488xi32, #tpu.memory_space<vmem>> -> memref<48xi32, #tpu.memory_space<vmem>>
      %dma_start3A_196 = arith.constant 0 : i32
      %dma_start3A_197 = arith.constant 0 : i32
      %dma_start3A_198 = tpu.memref_slice %arg11[%dma_start3A_196, %dma_start3A_197] : memref<2048x128xf32, #tpu.memory_space<vmem_shared>> -> memref<2048x128xf32, #tpu.memory_space<vmem_shared>>
      tpu.enqueue_indirect_dma source(%dma_start3A_194 : memref<48x128xf32, #tpu.memory_space<vmem>>) target(%dma_start3A_198 : memref<2048x128xf32, #tpu.memory_space<vmem_shared>>) offsets(%dma_start3A_195 : memref<48xi32, #tpu.memory_space<vmem>>) semaphore(%arg18 : memref<!tpu.dma_semaphore, #tpu.memory_space<semaphore_mem>>) {add = true}
      %dma_wait3A_199 = arith.constant 0 : i32
      %dma_wait3A_200 = arith.constant 0 : i32
      %dma_wait3A_201 = tpu.memref_slice %arg9[%dma_wait3A_199, %dma_wait3A_200] : memref<64x128xf32, #tpu.memory_space<vmem>> -> memref<48x128xf32, #tpu.memory_space<vmem>>
      %dma_wait3A_202 = arith.constant 0 : i32
      %dma_wait3A_203 = arith.constant 0 : i32
      %dma_wait3A_204 = tpu.memref_slice %arg2[%dma_wait3A_202, %dma_wait3A_203] : memref<100001x128xf32, #tpu.memory_space<hbm>> -> memref<48x128xf32, #tpu.memory_space<hbm>>
      %dma_wait3A_205 = arith.constant 0 : i32
      %dma_wait3A_206 = arith.constant 0 : i32
      %dma_wait3A_207 = tpu.memref_slice %arg9[%dma_wait3A_205, %dma_wait3A_206] : memref<64x128xf32, #tpu.memory_space<vmem>> -> memref<48x128xf32, #tpu.memory_space<vmem>>
      %dma_wait3A_208 = arith.constant 0 : i32
      %dma_wait3A_209 = arith.constant 0 : i32
      %dma_wait3A_210 = tpu.memref_slice %arg2[%dma_wait3A_208, %dma_wait3A_209] : memref<100001x128xf32, #tpu.memory_space<hbm>> -> memref<48x128xf32, #tpu.memory_space<hbm>>
      tpu.wait_dma2 semaphore(%arg18 : memref<!tpu.dma_semaphore, #tpu.memory_space<semaphore_mem>>) src(%dma_wait3A_210 : memref<48x128xf32, #tpu.memory_space<hbm>>) dst(%dma_wait3A_207 : memref<48x128xf32, #tpu.memory_space<vmem>>)
    } else {
    }
    %eq3A_151 = arith.constant 56 : i32
    %eq3A_152 = arith.cmpi eq, %sub3A_96, %eq3A_151 : i32
    %convert_element_type3A_153 = arith.extui %eq3A_152 : i1 to i32
    %cond3A_154 = arith.constant 0 : i32
    %cond3A_155 = arith.constant 0 : i32
    %cond3A_156 = arith.cmpi ne, %convert_element_type3A_153, %cond3A_155 : i32
    scf.if %cond3A_156 {
      %shift_left3A_166 = arith.constant 6 : i32
      %shift_left3A_167 = arith.shli %shift_right_arithmetic3A_93, %shift_left3A_166 : i32
      %add3A_168 = arith.addi %get3A_89, %shift_left3A_167 : i32
      %multiple_of3A_169 = tpu.assume_multiple %add3A_168, 8 : i32
      %dma_start3A_170 = arith.constant 0 : i32
      %dma_start3A_171 = arith.constant 0 : i32
      %dma_start3A_172 = tpu.memref_slice %arg9[%dma_start3A_170, %dma_start3A_171] : memref<64x128xf32, #tpu.memory_space<vmem>> -> memref<56x128xf32, #tpu.memory_space<vmem>>
      %dma_start3A_173 = tpu.memref_slice %arg6[%multiple_of3A_169] : memref<15488xi32, #tpu.memory_space<vmem>> -> memref<56xi32, #tpu.memory_space<vmem>>
      %dma_start3A_174 = arith.constant 0 : i32
      %dma_start3A_175 = arith.constant 0 : i32
      %dma_start3A_176 = tpu.memref_slice %arg13[%cond3A_154, %dma_start3A_174, %dma_start3A_175] : memref<2x2048x128xf32, #tpu.memory_space<vmem_shared>> -> memref<1x2048x128xf32, #tpu.memory_space<vmem_shared>>
      %dma_start3A_177 = tpu.memref_squeeze %dma_start3A_176 : memref<1x2048x128xf32, #tpu.memory_space<vmem_shared>> -> memref<2048x128xf32, #tpu.memory_space<vmem_shared>>
      %dma_start3A_178 = arith.constant 0 : i32
      %dma_start3A_179 = arith.constant 0 : i32
      %dma_start3A_180 = tpu.memref_slice %dma_start3A_177[%dma_start3A_178, %dma_start3A_179] : memref<2048x128xf32, #tpu.memory_space<vmem_shared>> -> memref<2048x128xf32, #tpu.memory_space<vmem_shared>>
      tpu.enqueue_indirect_dma source(%dma_start3A_180 : memref<2048x128xf32, #tpu.memory_space<vmem_shared>>) target(%dma_start3A_172 : memref<56x128xf32, #tpu.memory_space<vmem>>) offsets(%dma_start3A_173 : memref<56xi32, #tpu.memory_space<vmem>>) semaphore(%arg17 : memref<!tpu.dma_semaphore, #tpu.memory_space<semaphore_mem>>)
      %dma_wait3A_181 = arith.constant 0 : i32
      %dma_wait3A_182 = arith.constant 0 : i32
      %dma_wait3A_183 = tpu.memref_slice %arg9[%dma_wait3A_181, %dma_wait3A_182] : memref<64x128xf32, #tpu.memory_space<vmem>> -> memref<56x128xf32, #tpu.memory_space<vmem>>
      %dma_wait3A_184 = tpu.memref_slice %arg6[%multiple_of3A_169] : memref<15488xi32, #tpu.memory_space<vmem>> -> memref<56xi32, #tpu.memory_space<vmem>>
      %dma_wait3A_185 = arith.constant 0 : i32
      %dma_wait3A_186 = arith.constant 0 : i32
      %dma_wait3A_187 = tpu.memref_slice %arg13[%cond3A_154, %dma_wait3A_185, %dma_wait3A_186] : memref<2x2048x128xf32, #tpu.memory_space<vmem_shared>> -> memref<1x2048x128xf32, #tpu.memory_space<vmem_shared>>
      %dma_wait3A_188 = tpu.memref_squeeze %dma_wait3A_187 : memref<1x2048x128xf32, #tpu.memory_space<vmem_shared>> -> memref<2048x128xf32, #tpu.memory_space<vmem_shared>>
      %dma_wait3A_189 = arith.constant 0 : i32
      %dma_wait3A_190 = arith.constant 0 : i32
      %dma_wait3A_191 = tpu.memref_slice %dma_wait3A_188[%dma_wait3A_189, %dma_wait3A_190] : memref<2048x128xf32, #tpu.memory_space<vmem_shared>> -> memref<2048x128xf32, #tpu.memory_space<vmem_shared>>
      tpu.wait_indirect_dma semaphore(%arg17 : memref<!tpu.dma_semaphore, #tpu.memory_space<semaphore_mem>>) src(%dma_wait3A_191 : memref<2048x128xf32, #tpu.memory_space<vmem_shared>>) dst(%dma_wait3A_183 : memref<56x128xf32, #tpu.memory_space<vmem>>)
      %dma_start3A_192 = arith.constant 0 : i32
      %dma_start3A_193 = arith.constant 0 : i32
      %dma_start3A_194 = tpu.memref_slice %arg9[%dma_start3A_192, %dma_start3A_193] : memref<64x128xf32, #tpu.memory_space<vmem>> -> memref<56x128xf32, #tpu.memory_space<vmem>>
      %dma_start3A_195 = tpu.memref_slice %arg7[%multiple_of3A_169] : memref<15488xi32, #tpu.memory_space<vmem>> -> memref<56xi32, #tpu.memory_space<vmem>>
      %dma_start3A_196 = arith.constant 0 : i32
      %dma_start3A_197 = arith.constant 0 : i32
      %dma_start3A_198 = tpu.memref_slice %arg11[%dma_start3A_196, %dma_start3A_197] : memref<2048x128xf32, #tpu.memory_space<vmem_shared>> -> memref<2048x128xf32, #tpu.memory_space<vmem_shared>>
      tpu.enqueue_indirect_dma source(%dma_start3A_194 : memref<56x128xf32, #tpu.memory_space<vmem>>) target(%dma_start3A_198 : memref<2048x128xf32, #tpu.memory_space<vmem_shared>>) offsets(%dma_start3A_195 : memref<56xi32, #tpu.memory_space<vmem>>) semaphore(%arg18 : memref<!tpu.dma_semaphore, #tpu.memory_space<semaphore_mem>>) {add = true}
      %dma_wait3A_199 = arith.constant 0 : i32
      %dma_wait3A_200 = arith.constant 0 : i32
      %dma_wait3A_201 = tpu.memref_slice %arg9[%dma_wait3A_199, %dma_wait3A_200] : memref<64x128xf32, #tpu.memory_space<vmem>> -> memref<56x128xf32, #tpu.memory_space<vmem>>
      %dma_wait3A_202 = arith.constant 0 : i32
      %dma_wait3A_203 = arith.constant 0 : i32
      %dma_wait3A_204 = tpu.memref_slice %arg2[%dma_wait3A_202, %dma_wait3A_203] : memref<100001x128xf32, #tpu.memory_space<hbm>> -> memref<56x128xf32, #tpu.memory_space<hbm>>
      %dma_wait3A_205 = arith.constant 0 : i32
      %dma_wait3A_206 = arith.constant 0 : i32
      %dma_wait3A_207 = tpu.memref_slice %arg9[%dma_wait3A_205, %dma_wait3A_206] : memref<64x128xf32, #tpu.memory_space<vmem>> -> memref<56x128xf32, #tpu.memory_space<vmem>>
      %dma_wait3A_208 = arith.constant 0 : i32
      %dma_wait3A_209 = arith.constant 0 : i32
      %dma_wait3A_210 = tpu.memref_slice %arg2[%dma_wait3A_208, %dma_wait3A_209] : memref<100001x128xf32, #tpu.memory_space<hbm>> -> memref<56x128xf32, #tpu.memory_space<hbm>>
      tpu.wait_dma2 semaphore(%arg18 : memref<!tpu.dma_semaphore, #tpu.memory_space<semaphore_mem>>) src(%dma_wait3A_210 : memref<56x128xf32, #tpu.memory_space<hbm>>) dst(%dma_wait3A_207 : memref<56x128xf32, #tpu.memory_space<vmem>>)
    } else {
    }
    "tpu.region"() ({
      %run_scoped3A = tpu.sem_alloc : memref<!tpu.dma_semaphore, #tpu.memory_space<semaphore_mem>>
      %dma_start3A_166 = arith.constant 0 : i32
      %dma_start3A_167 = tpu.memref_slice %arg11[%multiple_of3A_41, %dma_start3A_166] : memref<2048x128xf32, #tpu.memory_space<vmem_shared>> -> memref<64x128xf32, #tpu.memory_space<vmem_shared>>
      %dma_start3A_168 = arith.constant 0 : i32
      %dma_start3A_169 = tpu.memref_slice %arg11[%multiple_of3A_41, %dma_start3A_168] : memref<2048x128xf32, #tpu.memory_space<vmem_shared>> -> memref<64x128xf32, #tpu.memory_space<vmem_shared>>
      tpu.enqueue_dma source(%dma_start3A_169 : memref<64x128xf32, #tpu.memory_space<vmem_shared>>) target(%arg9 : memref<64x128xf32, #tpu.memory_space<vmem>>) target_semaphore(%run_scoped3A : memref<!tpu.dma_semaphore, #tpu.memory_space<semaphore_mem>>)
      %dma_wait3A_170 = arith.constant 0 : i32
      %dma_wait3A_171 = tpu.memref_slice %arg11[%multiple_of3A_41, %dma_wait3A_170] : memref<2048x128xf32, #tpu.memory_space<vmem_shared>> -> memref<64x128xf32, #tpu.memory_space<vmem_shared>>
      %dma_wait3A_172 = arith.constant 0 : i32
      %dma_wait3A_173 = tpu.memref_slice %arg11[%multiple_of3A_41, %dma_wait3A_172] : memref<2048x128xf32, #tpu.memory_space<vmem_shared>> -> memref<64x128xf32, #tpu.memory_space<vmem_shared>>
      tpu.wait_dma2 semaphore(%run_scoped3A : memref<!tpu.dma_semaphore, #tpu.memory_space<semaphore_mem>>) src(%dma_wait3A_173 : memref<64x128xf32, #tpu.memory_space<vmem_shared>>) dst(%arg9 : memref<64x128xf32, #tpu.memory_space<vmem>>)
      tpu.yield
    }) : () -> ()
    %add3A_157 = arith.constant 64 : i32
    %add3A_158 = arith.addi %multiple_of3A_41, %add3A_157 : i32
    "tpu.region"() ({
      %run_scoped3A = tpu.sem_alloc : memref<!tpu.dma_semaphore, #tpu.memory_space<semaphore_mem>>
      %dma_start3A_166 = arith.constant 0 : i32
      %dma_start3A_167 = tpu.memref_slice %arg11[%add3A_158, %dma_start3A_166] : memref<2048x128xf32, #tpu.memory_space<vmem_shared>> -> memref<64x128xf32, #tpu.memory_space<vmem_shared>>
      %dma_start3A_168 = arith.constant 0 : i32
      %dma_start3A_169 = tpu.memref_slice %arg11[%add3A_158, %dma_start3A_168] : memref<2048x128xf32, #tpu.memory_space<vmem_shared>> -> memref<64x128xf32, #tpu.memory_space<vmem_shared>>
      tpu.enqueue_dma source(%dma_start3A_169 : memref<64x128xf32, #tpu.memory_space<vmem_shared>>) target(%arg10 : memref<64x128xf32, #tpu.memory_space<vmem>>) target_semaphore(%run_scoped3A : memref<!tpu.dma_semaphore, #tpu.memory_space<semaphore_mem>>)
      %dma_wait3A_170 = arith.constant 0 : i32
      %dma_wait3A_171 = tpu.memref_slice %arg11[%add3A_158, %dma_wait3A_170] : memref<2048x128xf32, #tpu.memory_space<vmem_shared>> -> memref<64x128xf32, #tpu.memory_space<vmem_shared>>
      %dma_wait3A_172 = arith.constant 0 : i32
      %dma_wait3A_173 = tpu.memref_slice %arg11[%add3A_158, %dma_wait3A_172] : memref<2048x128xf32, #tpu.memory_space<vmem_shared>> -> memref<64x128xf32, #tpu.memory_space<vmem_shared>>
      tpu.wait_dma2 semaphore(%run_scoped3A : memref<!tpu.dma_semaphore, #tpu.memory_space<semaphore_mem>>) src(%dma_wait3A_173 : memref<64x128xf32, #tpu.memory_space<vmem_shared>>) dst(%arg10 : memref<64x128xf32, #tpu.memory_space<vmem>>)
      tpu.yield
    }) : () -> ()
    %scan3A_159 = arith.constant 0 : i32
    %scan3A_160 = arith.constant 0 : i32
    %scan3A_161 = arith.constant 16 : i32
    %scan3A_162 = arith.addi %scan3A_160, %scan3A_161 : i32
    %scan3A_163 = arith.constant 1 : i32
    %scan3A_164 = scf.for %scan3A_166 = %scan3A_160 to %scan3A_162 step %scan3A_163 iter_args(%scan3A_167 = %scan3A_159) -> (i32)  : i32 {
      %add3A_168 = arith.constant 0 : i32
      %add3A_169 = arith.addi %scan3A_166, %add3A_168 : i32
      %mul3A_170 = arith.constant 4 : i32
      %mul3A_171 = arith.muli %scan3A_166, %mul3A_170 : i32
      %get3A_172 = arith.index_cast %mul3A_171 : i32 to index
      %get3A_173 = arith.constant 0 : index
      %get3A_174 = tpu.vector_load %arg9[%get3A_172, %get3A_173] {strides = array<i32>} : memref<64x128xf32, #tpu.memory_space<vmem>>, vector<16xf32>,
      %mul3A_175 = arith.constant 3.906250e-03 : f32
      %mul3A_176 = vector.broadcast %mul3A_175 : f32 to vector<16xf32>
      %mul3A_177 = arith.mulf %get3A_174, %mul3A_176 : vector<16xf32>
      %swap3A_178 = arith.index_cast %add3A_169 : i32 to index
      %swap3A_179 = arith.constant 0 : index
      %swap3A_180 = tpu.vector_load %arg12[%swap3A_178, %swap3A_179] {strides = array<i32>} : memref<32x384xf32, #tpu.memory_space<vmem>>, vector<16xf32>,
      tpu.vector_store %arg12[%swap3A_178, %swap3A_179], %mul3A_177 {strides = array<i32>} : memref<32x384xf32, #tpu.memory_space<vmem>>, vector<16xf32>,
      %mul3A_181 = arith.constant 4 : i32
      %mul3A_182 = arith.muli %scan3A_166, %mul3A_181 : i32
      %add3A_183 = arith.constant 1 : i32
      %add3A_184 = arith.addi %mul3A_182, %add3A_183 : i32
      %get3A_185 = arith.index_cast %add3A_184 : i32 to index
      %get3A_186 = arith.constant 0 : index
      %get3A_187 = tpu.vector_load %arg9[%get3A_185, %get3A_186] {strides = array<i32>} : memref<64x128xf32, #tpu.memory_space<vmem>>, vector<16xf32>,
      %mul3A_188 = arith.constant 6.250000e-02 : f32
      %mul3A_189 = vector.broadcast %mul3A_188 : f32 to vector<16xf32>
      %mul3A_190 = arith.mulf %get3A_187, %mul3A_189 : vector<16xf32>
      %swap3A_191 = arith.index_cast %add3A_169 : i32 to index
      %swap3A_192 = arith.constant 128 : index
      %swap3A_193 = tpu.vector_load %arg12[%swap3A_191, %swap3A_192] {strides = array<i32>} : memref<32x384xf32, #tpu.memory_space<vmem>>, vector<16xf32>,
      tpu.vector_store %arg12[%swap3A_191, %swap3A_192], %mul3A_190 {strides = array<i32>} : memref<32x384xf32, #tpu.memory_space<vmem>>, vector<16xf32>,
      %mul3A_194 = arith.constant 4 : i32
      %mul3A_195 = arith.muli %scan3A_166, %mul3A_194 : i32
      %add3A_196 = arith.constant 2 : i32
      %add3A_197 = arith.addi %mul3A_195, %add3A_196 : i32
      %get3A_198 = arith.index_cast %add3A_197 : i32 to index
      %get3A_199 = arith.constant 0 : index
      %get3A_200 = tpu.vector_load %arg9[%get3A_198, %get3A_199] {strides = array<i32>} : memref<64x128xf32, #tpu.memory_space<vmem>>, vector<16xf32>,
      %swap3A_201 = arith.index_cast %add3A_169 : i32 to index
      %swap3A_202 = arith.constant 256 : index
      %swap3A_203 = tpu.vector_load %arg12[%swap3A_201, %swap3A_202] {strides = array<i32>} : memref<32x384xf32, #tpu.memory_space<vmem>>, vector<16xf32>,
      tpu.vector_store %arg12[%swap3A_201, %swap3A_202], %get3A_200 {strides = array<i32>} : memref<32x384xf32, #tpu.memory_space<vmem>>, vector<16xf32>,
      %mul3A_204 = arith.constant 4 : i32
      %mul3A_205 = arith.muli %scan3A_166, %mul3A_204 : i32
      %get3A_206 = arith.index_cast %mul3A_205 : i32 to index
      %get3A_207 = arith.constant 16 : index
      %get3A_208 = tpu.vector_load %arg9[%get3A_206, %get3A_207] {strides = array<i32>} : memref<64x128xf32, #tpu.memory_space<vmem>>, vector<16xf32>,
      %mul3A_209 = arith.constant 3.906250e-03 : f32
      %mul3A_210 = vector.broadcast %mul3A_209 : f32 to vector<16xf32>
      %mul3A_211 = arith.mulf %get3A_208, %mul3A_210 : vector<16xf32>
      %swap3A_212 = arith.index_cast %add3A_169 : i32 to index
      %swap3A_213 = arith.constant 16 : index
      %swap3A_214 = tpu.vector_load %arg12[%swap3A_212, %swap3A_213] {strides = array<i32>} : memref<32x384xf32, #tpu.memory_space<vmem>>, vector<16xf32>,
      tpu.vector_store %arg12[%swap3A_212, %swap3A_213], %mul3A_211 {strides = array<i32>} : memref<32x384xf32, #tpu.memory_space<vmem>>, vector<16xf32>,
      %mul3A_215 = arith.constant 4 : i32
      %mul3A_216 = arith.muli %scan3A_166, %mul3A_215 : i32
      %add3A_217 = arith.constant 1 : i32
      %add3A_218 = arith.addi %mul3A_216, %add3A_217 : i32
      %get3A_219 = arith.index_cast %add3A_218 : i32 to index
      %get3A_220 = arith.constant 16 : index
      %get3A_221 = tpu.vector_load %arg9[%get3A_219, %get3A_220] {strides = array<i32>} : memref<64x128xf32, #tpu.memory_space<vmem>>, vector<16xf32>,
      %mul3A_222 = arith.constant 6.250000e-02 : f32
      %mul3A_223 = vector.broadcast %mul3A_222 : f32 to vector<16xf32>
      %mul3A_224 = arith.mulf %get3A_221, %mul3A_223 : vector<16xf32>
      %swap3A_225 = arith.index_cast %add3A_169 : i32 to index
      %swap3A_226 = arith.constant 144 : index
      %swap3A_227 = tpu.vector_load %arg12[%swap3A_225, %swap3A_226] {strides = array<i32>} : memref<32x384xf32, #tpu.memory_space<vmem>>, vector<16xf32>,
      tpu.vector_store %arg12[%swap3A_225, %swap3A_226], %mul3A_224 {strides = array<i32>} : memref<32x384xf32, #tpu.memory_space<vmem>>, vector<16xf32>,
      %mul3A_228 = arith.constant 4 : i32
      %mul3A_229 = arith.muli %scan3A_166, %mul3A_228 : i32
      %add3A_230 = arith.constant 2 : i32
      %add3A_231 = arith.addi %mul3A_229, %add3A_230 : i32
      %get3A_232 = arith.index_cast %add3A_231 : i32 to index
      %get3A_233 = arith.constant 16 : index
      %get3A_234 = tpu.vector_load %arg9[%get3A_232, %get3A_233] {strides = array<i32>} : memref<64x128xf32, #tpu.memory_space<vmem>>, vector<16xf32>,
      %swap3A_235 = arith.index_cast %add3A_169 : i32 to index
      %swap3A_236 = arith.constant 272 : index
      %swap3A_237 = tpu.vector_load %arg12[%swap3A_235, %swap3A_236] {strides = array<i32>} : memref<32x384xf32, #tpu.memory_space<vmem>>, vector<16xf32>,
      tpu.vector_store %arg12[%swap3A_235, %swap3A_236], %get3A_234 {strides = array<i32>} : memref<32x384xf32, #tpu.memory_space<vmem>>, vector<16xf32>,
      %mul3A_238 = arith.constant 4 : i32
      %mul3A_239 = arith.muli %scan3A_166, %mul3A_238 : i32
      %get3A_240 = arith.index_cast %mul3A_239 : i32 to index
      %get3A_241 = arith.constant 32 : index
      %get3A_242 = tpu.vector_load %arg9[%get3A_240, %get3A_241] {strides = array<i32>} : memref<64x128xf32, #tpu.memory_space<vmem>>, vector<16xf32>,
      %mul3A_243 = arith.constant 3.906250e-03 : f32
      %mul3A_244 = vector.broadcast %mul3A_243 : f32 to vector<16xf32>
      %mul3A_245 = arith.mulf %get3A_242, %mul3A_244 : vector<16xf32>
      %swap3A_246 = arith.index_cast %add3A_169 : i32 to index
      %swap3A_247 = arith.constant 32 : index
      %swap3A_248 = tpu.vector_load %arg12[%swap3A_246, %swap3A_247] {strides = array<i32>} : memref<32x384xf32, #tpu.memory_space<vmem>>, vector<16xf32>,
      tpu.vector_store %arg12[%swap3A_246, %swap3A_247], %mul3A_245 {strides = array<i32>} : memref<32x384xf32, #tpu.memory_space<vmem>>, vector<16xf32>,
      %mul3A_249 = arith.constant 4 : i32
      %mul3A_250 = arith.muli %scan3A_166, %mul3A_249 : i32
      %add3A_251 = arith.constant 1 : i32
      %add3A_252 = arith.addi %mul3A_250, %add3A_251 : i32
      %get3A_253 = arith.index_cast %add3A_252 : i32 to index
      %get3A_254 = arith.constant 32 : index
      %get3A_255 = tpu.vector_load %arg9[%get3A_253, %get3A_254] {strides = array<i32>} : memref<64x128xf32, #tpu.memory_space<vmem>>, vector<16xf32>,
      %mul3A_256 = arith.constant 6.250000e-02 : f32
      %mul3A_257 = vector.broadcast %mul3A_256 : f32 to vector<16xf32>
      %mul3A_258 = arith.mulf %get3A_255, %mul3A_257 : vector<16xf32>
      %swap3A_259 = arith.index_cast %add3A_169 : i32 to index
      %swap3A_260 = arith.constant 160 : index
      %swap3A_261 = tpu.vector_load %arg12[%swap3A_259, %swap3A_260] {strides = array<i32>} : memref<32x384xf32, #tpu.memory_space<vmem>>, vector<16xf32>,
      tpu.vector_store %arg12[%swap3A_259, %swap3A_260], %mul3A_258 {strides = array<i32>} : memref<32x384xf32, #tpu.memory_space<vmem>>, vector<16xf32>,
      %mul3A_262 = arith.constant 4 : i32
      %mul3A_263 = arith.muli %scan3A_166, %mul3A_262 : i32
      %add3A_264 = arith.constant 2 : i32
      %add3A_265 = arith.addi %mul3A_263, %add3A_264 : i32
      %get3A_266 = arith.index_cast %add3A_265 : i32 to index
      %get3A_267 = arith.constant 32 : index
      %get3A_268 = tpu.vector_load %arg9[%get3A_266, %get3A_267] {strides = array<i32>} : memref<64x128xf32, #tpu.memory_space<vmem>>, vector<16xf32>,
      %swap3A_269 = arith.index_cast %add3A_169 : i32 to index
      %swap3A_270 = arith.constant 288 : index
      %swap3A_271 = tpu.vector_load %arg12[%swap3A_269, %swap3A_270] {strides = array<i32>} : memref<32x384xf32, #tpu.memory_space<vmem>>, vector<16xf32>,
      tpu.vector_store %arg12[%swap3A_269, %swap3A_270], %get3A_268 {strides = array<i32>} : memref<32x384xf32, #tpu.memory_space<vmem>>, vector<16xf32>,
      %mul3A_272 = arith.constant 4 : i32
      %mul3A_273 = arith.muli %scan3A_166, %mul3A_272 : i32
      %get3A_274 = arith.index_cast %mul3A_273 : i32 to index
      %get3A_275 = arith.constant 48 : index
      %get3A_276 = tpu.vector_load %arg9[%get3A_274, %get3A_275] {strides = array<i32>} : memref<64x128xf32, #tpu.memory_space<vmem>>, vector<16xf32>,
      %mul3A_277 = arith.constant 3.906250e-03 : f32
      %mul3A_278 = vector.broadcast %mul3A_277 : f32 to vector<16xf32>
      %mul3A_279 = arith.mulf %get3A_276, %mul3A_278 : vector<16xf32>
      %swap3A_280 = arith.index_cast %add3A_169 : i32 to index
      %swap3A_281 = arith.constant 48 : index
      %swap3A_282 = tpu.vector_load %arg12[%swap3A_280, %swap3A_281] {strides = array<i32>} : memref<32x384xf32, #tpu.memory_space<vmem>>, vector<16xf32>,
      tpu.vector_store %arg12[%swap3A_280, %swap3A_281], %mul3A_279 {strides = array<i32>} : memref<32x384xf32, #tpu.memory_space<vmem>>, vector<16xf32>,
      %mul3A_283 = arith.constant 4 : i32
      %mul3A_284 = arith.muli %scan3A_166, %mul3A_283 : i32
      %add3A_285 = arith.constant 1 : i32
      %add3A_286 = arith.addi %mul3A_284, %add3A_285 : i32
      %get3A_287 = arith.index_cast %add3A_286 : i32 to index
      %get3A_288 = arith.constant 48 : index
      %get3A_289 = tpu.vector_load %arg9[%get3A_287, %get3A_288] {strides = array<i32>} : memref<64x128xf32, #tpu.memory_space<vmem>>, vector<16xf32>,
      %mul3A_290 = arith.constant 6.250000e-02 : f32
      %mul3A_291 = vector.broadcast %mul3A_290 : f32 to vector<16xf32>
      %mul3A_292 = arith.mulf %get3A_289, %mul3A_291 : vector<16xf32>
      %swap3A_293 = arith.index_cast %add3A_169 : i32 to index
      %swap3A_294 = arith.constant 176 : index
      %swap3A_295 = tpu.vector_load %arg12[%swap3A_293, %swap3A_294] {strides = array<i32>} : memref<32x384xf32, #tpu.memory_space<vmem>>, vector<16xf32>,
      tpu.vector_store %arg12[%swap3A_293, %swap3A_294], %mul3A_292 {strides = array<i32>} : memref<32x384xf32, #tpu.memory_space<vmem>>, vector<16xf32>,
      %mul3A_296 = arith.constant 4 : i32
      %mul3A_297 = arith.muli %scan3A_166, %mul3A_296 : i32
      %add3A_298 = arith.constant 2 : i32
      %add3A_299 = arith.addi %mul3A_297, %add3A_298 : i32
      %get3A_300 = arith.index_cast %add3A_299 : i32 to index
      %get3A_301 = arith.constant 48 : index
      %get3A_302 = tpu.vector_load %arg9[%get3A_300, %get3A_301] {strides = array<i32>} : memref<64x128xf32, #tpu.memory_space<vmem>>, vector<16xf32>,
      %swap3A_303 = arith.index_cast %add3A_169 : i32 to index
      %swap3A_304 = arith.constant 304 : index
      %swap3A_305 = tpu.vector_load %arg12[%swap3A_303, %swap3A_304] {strides = array<i32>} : memref<32x384xf32, #tpu.memory_space<vmem>>, vector<16xf32>,
      tpu.vector_store %arg12[%swap3A_303, %swap3A_304], %get3A_302 {strides = array<i32>} : memref<32x384xf32, #tpu.memory_space<vmem>>, vector<16xf32>,
      %mul3A_306 = arith.constant 4 : i32
      %mul3A_307 = arith.muli %scan3A_166, %mul3A_306 : i32
      %get3A_308 = arith.index_cast %mul3A_307 : i32 to index
      %get3A_309 = arith.constant 64 : index
      %get3A_310 = tpu.vector_load %arg9[%get3A_308, %get3A_309] {strides = array<i32>} : memref<64x128xf32, #tpu.memory_space<vmem>>, vector<16xf32>,
      %mul3A_311 = arith.constant 3.906250e-03 : f32
      %mul3A_312 = vector.broadcast %mul3A_311 : f32 to vector<16xf32>
      %mul3A_313 = arith.mulf %get3A_310, %mul3A_312 : vector<16xf32>
      %swap3A_314 = arith.index_cast %add3A_169 : i32 to index
      %swap3A_315 = arith.constant 64 : index
      %swap3A_316 = tpu.vector_load %arg12[%swap3A_314, %swap3A_315] {strides = array<i32>} : memref<32x384xf32, #tpu.memory_space<vmem>>, vector<16xf32>,
      tpu.vector_store %arg12[%swap3A_314, %swap3A_315], %mul3A_313 {strides = array<i32>} : memref<32x384xf32, #tpu.memory_space<vmem>>, vector<16xf32>,
      %mul3A_317 = arith.constant 4 : i32
      %mul3A_318 = arith.muli %scan3A_166, %mul3A_317 : i32
      %add3A_319 = arith.constant 1 : i32
      %add3A_320 = arith.addi %mul3A_318, %add3A_319 : i32
      %get3A_321 = arith.index_cast %add3A_320 : i32 to index
      %get3A_322 = arith.constant 64 : index
      %get3A_323 = tpu.vector_load %arg9[%get3A_321, %get3A_322] {strides = array<i32>} : memref<64x128xf32, #tpu.memory_space<vmem>>, vector<16xf32>,
      %mul3A_324 = arith.constant 6.250000e-02 : f32
      %mul3A_325 = vector.broadcast %mul3A_324 : f32 to vector<16xf32>
      %mul3A_326 = arith.mulf %get3A_323, %mul3A_325 : vector<16xf32>
      %swap3A_327 = arith.index_cast %add3A_169 : i32 to index
      %swap3A_328 = arith.constant 192 : index
      %swap3A_329 = tpu.vector_load %arg12[%swap3A_327, %swap3A_328] {strides = array<i32>} : memref<32x384xf32, #tpu.memory_space<vmem>>, vector<16xf32>,
      tpu.vector_store %arg12[%swap3A_327, %swap3A_328], %mul3A_326 {strides = array<i32>} : memref<32x384xf32, #tpu.memory_space<vmem>>, vector<16xf32>,
      %mul3A_330 = arith.constant 4 : i32
      %mul3A_331 = arith.muli %scan3A_166, %mul3A_330 : i32
      %add3A_332 = arith.constant 2 : i32
      %add3A_333 = arith.addi %mul3A_331, %add3A_332 : i32
      %get3A_334 = arith.index_cast %add3A_333 : i32 to index
      %get3A_335 = arith.constant 64 : index
      %get3A_336 = tpu.vector_load %arg9[%get3A_334, %get3A_335] {strides = array<i32>} : memref<64x128xf32, #tpu.memory_space<vmem>>, vector<16xf32>,
      %swap3A_337 = arith.index_cast %add3A_169 : i32 to index
      %swap3A_338 = arith.constant 320 : index
      %swap3A_339 = tpu.vector_load %arg12[%swap3A_337, %swap3A_338] {strides = array<i32>} : memref<32x384xf32, #tpu.memory_space<vmem>>, vector<16xf32>,
      tpu.vector_store %arg12[%swap3A_337, %swap3A_338], %get3A_336 {strides = array<i32>} : memref<32x384xf32, #tpu.memory_space<vmem>>, vector<16xf32>,
      %mul3A_340 = arith.constant 4 : i32
      %mul3A_341 = arith.muli %scan3A_166, %mul3A_340 : i32
      %get3A_342 = arith.index_cast %mul3A_341 : i32 to index
      %get3A_343 = arith.constant 80 : index
      %get3A_344 = tpu.vector_load %arg9[%get3A_342, %get3A_343] {strides = array<i32>} : memref<64x128xf32, #tpu.memory_space<vmem>>, vector<16xf32>,
      %mul3A_345 = arith.constant 3.906250e-03 : f32
      %mul3A_346 = vector.broadcast %mul3A_345 : f32 to vector<16xf32>
      %mul3A_347 = arith.mulf %get3A_344, %mul3A_346 : vector<16xf32>
      %swap3A_348 = arith.index_cast %add3A_169 : i32 to index
      %swap3A_349 = arith.constant 80 : index
      %swap3A_350 = tpu.vector_load %arg12[%swap3A_348, %swap3A_349] {strides = array<i32>} : memref<32x384xf32, #tpu.memory_space<vmem>>, vector<16xf32>,
      tpu.vector_store %arg12[%swap3A_348, %swap3A_349], %mul3A_347 {strides = array<i32>} : memref<32x384xf32, #tpu.memory_space<vmem>>, vector<16xf32>,
      %mul3A_351 = arith.constant 4 : i32
      %mul3A_352 = arith.muli %scan3A_166, %mul3A_351 : i32
      %add3A_353 = arith.constant 1 : i32
      %add3A_354 = arith.addi %mul3A_352, %add3A_353 : i32
      %get3A_355 = arith.index_cast %add3A_354 : i32 to index
      %get3A_356 = arith.constant 80 : index
      %get3A_357 = tpu.vector_load %arg9[%get3A_355, %get3A_356] {strides = array<i32>} : memref<64x128xf32, #tpu.memory_space<vmem>>, vector<16xf32>,
      %mul3A_358 = arith.constant 6.250000e-02 : f32
      %mul3A_359 = vector.broadcast %mul3A_358 : f32 to vector<16xf32>
      %mul3A_360 = arith.mulf %get3A_357, %mul3A_359 : vector<16xf32>
      %swap3A_361 = arith.index_cast %add3A_169 : i32 to index
      %swap3A_362 = arith.constant 208 : index
      %swap3A_363 = tpu.vector_load %arg12[%swap3A_361, %swap3A_362] {strides = array<i32>} : memref<32x384xf32, #tpu.memory_space<vmem>>, vector<16xf32>,
      tpu.vector_store %arg12[%swap3A_361, %swap3A_362], %mul3A_360 {strides = array<i32>} : memref<32x384xf32, #tpu.memory_space<vmem>>, vector<16xf32>,
      %mul3A_364 = arith.constant 4 : i32
      %mul3A_365 = arith.muli %scan3A_166, %mul3A_364 : i32
      %add3A_366 = arith.constant 2 : i32
      %add3A_367 = arith.addi %mul3A_365, %add3A_366 : i32
      %get3A_368 = arith.index_cast %add3A_367 : i32 to index
      %get3A_369 = arith.constant 80 : index
      %get3A_370 = tpu.vector_load %arg9[%get3A_368, %get3A_369] {strides = array<i32>} : memref<64x128xf32, #tpu.memory_space<vmem>>, vector<16xf32>,
      %swap3A_371 = arith.index_cast %add3A_169 : i32 to index
      %swap3A_372 = arith.constant 336 : index
      %swap3A_373 = tpu.vector_load %arg12[%swap3A_371, %swap3A_372] {strides = array<i32>} : memref<32x384xf32, #tpu.memory_space<vmem>>, vector<16xf32>,
      tpu.vector_store %arg12[%swap3A_371, %swap3A_372], %get3A_370 {strides = array<i32>} : memref<32x384xf32, #tpu.memory_space<vmem>>, vector<16xf32>,
      %mul3A_374 = arith.constant 4 : i32
      %mul3A_375 = arith.muli %scan3A_166, %mul3A_374 : i32
      %get3A_376 = arith.index_cast %mul3A_375 : i32 to index
      %get3A_377 = arith.constant 96 : index
      %get3A_378 = tpu.vector_load %arg9[%get3A_376, %get3A_377] {strides = array<i32>} : memref<64x128xf32, #tpu.memory_space<vmem>>, vector<16xf32>,
      %mul3A_379 = arith.constant 3.906250e-03 : f32
      %mul3A_380 = vector.broadcast %mul3A_379 : f32 to vector<16xf32>
      %mul3A_381 = arith.mulf %get3A_378, %mul3A_380 : vector<16xf32>
      %swap3A_382 = arith.index_cast %add3A_169 : i32 to index
      %swap3A_383 = arith.constant 96 : index
      %swap3A_384 = tpu.vector_load %arg12[%swap3A_382, %swap3A_383] {strides = array<i32>} : memref<32x384xf32, #tpu.memory_space<vmem>>, vector<16xf32>,
      tpu.vector_store %arg12[%swap3A_382, %swap3A_383], %mul3A_381 {strides = array<i32>} : memref<32x384xf32, #tpu.memory_space<vmem>>, vector<16xf32>,
      %mul3A_385 = arith.constant 4 : i32
      %mul3A_386 = arith.muli %scan3A_166, %mul3A_385 : i32
      %add3A_387 = arith.constant 1 : i32
      %add3A_388 = arith.addi %mul3A_386, %add3A_387 : i32
      %get3A_389 = arith.index_cast %add3A_388 : i32 to index
      %get3A_390 = arith.constant 96 : index
      %get3A_391 = tpu.vector_load %arg9[%get3A_389, %get3A_390] {strides = array<i32>} : memref<64x128xf32, #tpu.memory_space<vmem>>, vector<16xf32>,
      %mul3A_392 = arith.constant 6.250000e-02 : f32
      %mul3A_393 = vector.broadcast %mul3A_392 : f32 to vector<16xf32>
      %mul3A_394 = arith.mulf %get3A_391, %mul3A_393 : vector<16xf32>
      %swap3A_395 = arith.index_cast %add3A_169 : i32 to index
      %swap3A_396 = arith.constant 224 : index
      %swap3A_397 = tpu.vector_load %arg12[%swap3A_395, %swap3A_396] {strides = array<i32>} : memref<32x384xf32, #tpu.memory_space<vmem>>, vector<16xf32>,
      tpu.vector_store %arg12[%swap3A_395, %swap3A_396], %mul3A_394 {strides = array<i32>} : memref<32x384xf32, #tpu.memory_space<vmem>>, vector<16xf32>,
      %mul3A_398 = arith.constant 4 : i32
      %mul3A_399 = arith.muli %scan3A_166, %mul3A_398 : i32
      %add3A_400 = arith.constant 2 : i32
      %add3A_401 = arith.addi %mul3A_399, %add3A_400 : i32
      %get3A_402 = arith.index_cast %add3A_401 : i32 to index
      %get3A_403 = arith.constant 96 : index
      %get3A_404 = tpu.vector_load %arg9[%get3A_402, %get3A_403] {strides = array<i32>} : memref<64x128xf32, #tpu.memory_space<vmem>>, vector<16xf32>,
      %swap3A_405 = arith.index_cast %add3A_169 : i32 to index
      %swap3A_406 = arith.constant 352 : index
      %swap3A_407 = tpu.vector_load %arg12[%swap3A_405, %swap3A_406] {strides = array<i32>} : memref<32x384xf32, #tpu.memory_space<vmem>>, vector<16xf32>,
      tpu.vector_store %arg12[%swap3A_405, %swap3A_406], %get3A_404 {strides = array<i32>} : memref<32x384xf32, #tpu.memory_space<vmem>>, vector<16xf32>,
      %mul3A_408 = arith.constant 4 : i32
      %mul3A_409 = arith.muli %scan3A_166, %mul3A_408 : i32
      %get3A_410 = arith.index_cast %mul3A_409 : i32 to index
      %get3A_411 = arith.constant 112 : index
      %get3A_412 = tpu.vector_load %arg9[%get3A_410, %get3A_411] {strides = array<i32>} : memref<64x128xf32, #tpu.memory_space<vmem>>, vector<16xf32>,
      %mul3A_413 = arith.constant 3.906250e-03 : f32
      %mul3A_414 = vector.broadcast %mul3A_413 : f32 to vector<16xf32>
      %mul3A_415 = arith.mulf %get3A_412, %mul3A_414 : vector<16xf32>
      %swap3A_416 = arith.index_cast %add3A_169 : i32 to index
      %swap3A_417 = arith.constant 112 : index
      %swap3A_418 = tpu.vector_load %arg12[%swap3A_416, %swap3A_417] {strides = array<i32>} : memref<32x384xf32, #tpu.memory_space<vmem>>, vector<16xf32>,
      tpu.vector_store %arg12[%swap3A_416, %swap3A_417], %mul3A_415 {strides = array<i32>} : memref<32x384xf32, #tpu.memory_space<vmem>>, vector<16xf32>,
      %mul3A_419 = arith.constant 4 : i32
      %mul3A_420 = arith.muli %scan3A_166, %mul3A_419 : i32
      %add3A_421 = arith.constant 1 : i32
      %add3A_422 = arith.addi %mul3A_420, %add3A_421 : i32
      %get3A_423 = arith.index_cast %add3A_422 : i32 to index
      %get3A_424 = arith.constant 112 : index
      %get3A_425 = tpu.vector_load %arg9[%get3A_423, %get3A_424] {strides = array<i32>} : memref<64x128xf32, #tpu.memory_space<vmem>>, vector<16xf32>,
      %mul3A_426 = arith.constant 6.250000e-02 : f32
      %mul3A_427 = vector.broadcast %mul3A_426 : f32 to vector<16xf32>
      %mul3A_428 = arith.mulf %get3A_425, %mul3A_427 : vector<16xf32>
      %swap3A_429 = arith.index_cast %add3A_169 : i32 to index
      %swap3A_430 = arith.constant 240 : index
      %swap3A_431 = tpu.vector_load %arg12[%swap3A_429, %swap3A_430] {strides = array<i32>} : memref<32x384xf32, #tpu.memory_space<vmem>>, vector<16xf32>,
      tpu.vector_store %arg12[%swap3A_429, %swap3A_430], %mul3A_428 {strides = array<i32>} : memref<32x384xf32, #tpu.memory_space<vmem>>, vector<16xf32>,
      %mul3A_432 = arith.constant 4 : i32
      %mul3A_433 = arith.muli %scan3A_166, %mul3A_432 : i32
      %add3A_434 = arith.constant 2 : i32
      %add3A_435 = arith.addi %mul3A_433, %add3A_434 : i32
      %get3A_436 = arith.index_cast %add3A_435 : i32 to index
      %get3A_437 = arith.constant 112 : index
      %get3A_438 = tpu.vector_load %arg9[%get3A_436, %get3A_437] {strides = array<i32>} : memref<64x128xf32, #tpu.memory_space<vmem>>, vector<16xf32>,
      %swap3A_439 = arith.index_cast %add3A_169 : i32 to index
      %swap3A_440 = arith.constant 368 : index
      %swap3A_441 = tpu.vector_load %arg12[%swap3A_439, %swap3A_440] {strides = array<i32>} : memref<32x384xf32, #tpu.memory_space<vmem>>, vector<16xf32>,
      tpu.vector_store %arg12[%swap3A_439, %swap3A_440], %get3A_438 {strides = array<i32>} : memref<32x384xf32, #tpu.memory_space<vmem>>, vector<16xf32>,
      %add3A_442 = arith.constant 16 : i32
      %add3A_443 = arith.addi %scan3A_166, %add3A_442 : i32
      %mul3A_444 = arith.constant 4 : i32
      %mul3A_445 = arith.muli %scan3A_166, %mul3A_444 : i32
      %get3A_446 = arith.index_cast %mul3A_445 : i32 to index
      %get3A_447 = arith.constant 0 : index
      %get3A_448 = tpu.vector_load %arg10[%get3A_446, %get3A_447] {strides = array<i32>} : memref<64x128xf32, #tpu.memory_space<vmem>>, vector<16xf32>,
      %mul3A_449 = arith.constant 3.906250e-03 : f32
      %mul3A_450 = vector.broadcast %mul3A_449 : f32 to vector<16xf32>
      %mul3A_451 = arith.mulf %get3A_448, %mul3A_450 : vector<16xf32>
      %swap3A_452 = arith.index_cast %add3A_443 : i32 to index
      %swap3A_453 = arith.constant 0 : index
      %swap3A_454 = tpu.vector_load %arg12[%swap3A_452, %swap3A_453] {strides = array<i32>} : memref<32x384xf32, #tpu.memory_space<vmem>>, vector<16xf32>,
      tpu.vector_store %arg12[%swap3A_452, %swap3A_453], %mul3A_451 {strides = array<i32>} : memref<32x384xf32, #tpu.memory_space<vmem>>, vector<16xf32>,
      %mul3A_455 = arith.constant 4 : i32
      %mul3A_456 = arith.muli %scan3A_166, %mul3A_455 : i32
      %add3A_457 = arith.constant 1 : i32
      %add3A_458 = arith.addi %mul3A_456, %add3A_457 : i32
      %get3A_459 = arith.index_cast %add3A_458 : i32 to index
      %get3A_460 = arith.constant 0 : index
      %get3A_461 = tpu.vector_load %arg10[%get3A_459, %get3A_460] {strides = array<i32>} : memref<64x128xf32, #tpu.memory_space<vmem>>, vector<16xf32>,
      %mul3A_462 = arith.constant 6.250000e-02 : f32
      %mul3A_463 = vector.broadcast %mul3A_462 : f32 to vector<16xf32>
      %mul3A_464 = arith.mulf %get3A_461, %mul3A_463 : vector<16xf32>
      %swap3A_465 = arith.index_cast %add3A_443 : i32 to index
      %swap3A_466 = arith.constant 128 : index
      %swap3A_467 = tpu.vector_load %arg12[%swap3A_465, %swap3A_466] {strides = array<i32>} : memref<32x384xf32, #tpu.memory_space<vmem>>, vector<16xf32>,
      tpu.vector_store %arg12[%swap3A_465, %swap3A_466], %mul3A_464 {strides = array<i32>} : memref<32x384xf32, #tpu.memory_space<vmem>>, vector<16xf32>,
      %mul3A_468 = arith.constant 4 : i32
      %mul3A_469 = arith.muli %scan3A_166, %mul3A_468 : i32
      %add3A_470 = arith.constant 2 : i32
      %add3A_471 = arith.addi %mul3A_469, %add3A_470 : i32
      %get3A_472 = arith.index_cast %add3A_471 : i32 to index
      %get3A_473 = arith.constant 0 : index
      %get3A_474 = tpu.vector_load %arg10[%get3A_472, %get3A_473] {strides = array<i32>} : memref<64x128xf32, #tpu.memory_space<vmem>>, vector<16xf32>,
      %swap3A_475 = arith.index_cast %add3A_443 : i32 to index
      %swap3A_476 = arith.constant 256 : index
      %swap3A_477 = tpu.vector_load %arg12[%swap3A_475, %swap3A_476] {strides = array<i32>} : memref<32x384xf32, #tpu.memory_space<vmem>>, vector<16xf32>,
      tpu.vector_store %arg12[%swap3A_475, %swap3A_476], %get3A_474 {strides = array<i32>} : memref<32x384xf32, #tpu.memory_space<vmem>>, vector<16xf32>,
      %mul3A_478 = arith.constant 4 : i32
      %mul3A_479 = arith.muli %scan3A_166, %mul3A_478 : i32
      %get3A_480 = arith.index_cast %mul3A_479 : i32 to index
      %get3A_481 = arith.constant 16 : index
      %get3A_482 = tpu.vector_load %arg10[%get3A_480, %get3A_481] {strides = array<i32>} : memref<64x128xf32, #tpu.memory_space<vmem>>, vector<16xf32>,
      %mul3A_483 = arith.constant 3.906250e-03 : f32
      %mul3A_484 = vector.broadcast %mul3A_483 : f32 to vector<16xf32>
      %mul3A_485 = arith.mulf %get3A_482, %mul3A_484 : vector<16xf32>
      %swap3A_486 = arith.index_cast %add3A_443 : i32 to index
      %swap3A_487 = arith.constant 16 : index
      %swap3A_488 = tpu.vector_load %arg12[%swap3A_486, %swap3A_487] {strides = array<i32>} : memref<32x384xf32, #tpu.memory_space<vmem>>, vector<16xf32>,
      tpu.vector_store %arg12[%swap3A_486, %swap3A_487], %mul3A_485 {strides = array<i32>} : memref<32x384xf32, #tpu.memory_space<vmem>>, vector<16xf32>,
      %mul3A_489 = arith.constant 4 : i32
      %mul3A_490 = arith.muli %scan3A_166, %mul3A_489 : i32
      %add3A_491 = arith.constant 1 : i32
      %add3A_492 = arith.addi %mul3A_490, %add3A_491 : i32
      %get3A_493 = arith.index_cast %add3A_492 : i32 to index
      %get3A_494 = arith.constant 16 : index
      %get3A_495 = tpu.vector_load %arg10[%get3A_493, %get3A_494] {strides = array<i32>} : memref<64x128xf32, #tpu.memory_space<vmem>>, vector<16xf32>,
      %mul3A_496 = arith.constant 6.250000e-02 : f32
      %mul3A_497 = vector.broadcast %mul3A_496 : f32 to vector<16xf32>
      %mul3A_498 = arith.mulf %get3A_495, %mul3A_497 : vector<16xf32>
      %swap3A_499 = arith.index_cast %add3A_443 : i32 to index
      %swap3A_500 = arith.constant 144 : index
      %swap3A_501 = tpu.vector_load %arg12[%swap3A_499, %swap3A_500] {strides = array<i32>} : memref<32x384xf32, #tpu.memory_space<vmem>>, vector<16xf32>,
      tpu.vector_store %arg12[%swap3A_499, %swap3A_500], %mul3A_498 {strides = array<i32>} : memref<32x384xf32, #tpu.memory_space<vmem>>, vector<16xf32>,
      %mul3A_502 = arith.constant 4 : i32
      %mul3A_503 = arith.muli %scan3A_166, %mul3A_502 : i32
      %add3A_504 = arith.constant 2 : i32
      %add3A_505 = arith.addi %mul3A_503, %add3A_504 : i32
      %get3A_506 = arith.index_cast %add3A_505 : i32 to index
      %get3A_507 = arith.constant 16 : index
      %get3A_508 = tpu.vector_load %arg10[%get3A_506, %get3A_507] {strides = array<i32>} : memref<64x128xf32, #tpu.memory_space<vmem>>, vector<16xf32>,
      %swap3A_509 = arith.index_cast %add3A_443 : i32 to index
      %swap3A_510 = arith.constant 272 : index
      %swap3A_511 = tpu.vector_load %arg12[%swap3A_509, %swap3A_510] {strides = array<i32>} : memref<32x384xf32, #tpu.memory_space<vmem>>, vector<16xf32>,
      tpu.vector_store %arg12[%swap3A_509, %swap3A_510], %get3A_508 {strides = array<i32>} : memref<32x384xf32, #tpu.memory_space<vmem>>, vector<16xf32>,
      %mul3A_512 = arith.constant 4 : i32
      %mul3A_513 = arith.muli %scan3A_166, %mul3A_512 : i32
      %get3A_514 = arith.index_cast %mul3A_513 : i32 to index
      %get3A_515 = arith.constant 32 : index
      %get3A_516 = tpu.vector_load %arg10[%get3A_514, %get3A_515] {strides = array<i32>} : memref<64x128xf32, #tpu.memory_space<vmem>>, vector<16xf32>,
      %mul3A_517 = arith.constant 3.906250e-03 : f32
      %mul3A_518 = vector.broadcast %mul3A_517 : f32 to vector<16xf32>
      %mul3A_519 = arith.mulf %get3A_516, %mul3A_518 : vector<16xf32>
      %swap3A_520 = arith.index_cast %add3A_443 : i32 to index
      %swap3A_521 = arith.constant 32 : index
      %swap3A_522 = tpu.vector_load %arg12[%swap3A_520, %swap3A_521] {strides = array<i32>} : memref<32x384xf32, #tpu.memory_space<vmem>>, vector<16xf32>,
      tpu.vector_store %arg12[%swap3A_520, %swap3A_521], %mul3A_519 {strides = array<i32>} : memref<32x384xf32, #tpu.memory_space<vmem>>, vector<16xf32>,
      %mul3A_523 = arith.constant 4 : i32
      %mul3A_524 = arith.muli %scan3A_166, %mul3A_523 : i32
      %add3A_525 = arith.constant 1 : i32
      %add3A_526 = arith.addi %mul3A_524, %add3A_525 : i32
      %get3A_527 = arith.index_cast %add3A_526 : i32 to index
      %get3A_528 = arith.constant 32 : index
      %get3A_529 = tpu.vector_load %arg10[%get3A_527, %get3A_528] {strides = array<i32>} : memref<64x128xf32, #tpu.memory_space<vmem>>, vector<16xf32>,
      %mul3A_530 = arith.constant 6.250000e-02 : f32
      %mul3A_531 = vector.broadcast %mul3A_530 : f32 to vector<16xf32>
      %mul3A_532 = arith.mulf %get3A_529, %mul3A_531 : vector<16xf32>
      %swap3A_533 = arith.index_cast %add3A_443 : i32 to index
      %swap3A_534 = arith.constant 160 : index
      %swap3A_535 = tpu.vector_load %arg12[%swap3A_533, %swap3A_534] {strides = array<i32>} : memref<32x384xf32, #tpu.memory_space<vmem>>, vector<16xf32>,
      tpu.vector_store %arg12[%swap3A_533, %swap3A_534], %mul3A_532 {strides = array<i32>} : memref<32x384xf32, #tpu.memory_space<vmem>>, vector<16xf32>,
      %mul3A_536 = arith.constant 4 : i32
      %mul3A_537 = arith.muli %scan3A_166, %mul3A_536 : i32
      %add3A_538 = arith.constant 2 : i32
      %add3A_539 = arith.addi %mul3A_537, %add3A_538 : i32
      %get3A_540 = arith.index_cast %add3A_539 : i32 to index
      %get3A_541 = arith.constant 32 : index
      %get3A_542 = tpu.vector_load %arg10[%get3A_540, %get3A_541] {strides = array<i32>} : memref<64x128xf32, #tpu.memory_space<vmem>>, vector<16xf32>,
      %swap3A_543 = arith.index_cast %add3A_443 : i32 to index
      %swap3A_544 = arith.constant 288 : index
      %swap3A_545 = tpu.vector_load %arg12[%swap3A_543, %swap3A_544] {strides = array<i32>} : memref<32x384xf32, #tpu.memory_space<vmem>>, vector<16xf32>,
      tpu.vector_store %arg12[%swap3A_543, %swap3A_544], %get3A_542 {strides = array<i32>} : memref<32x384xf32, #tpu.memory_space<vmem>>, vector<16xf32>,
      %mul3A_546 = arith.constant 4 : i32
      %mul3A_547 = arith.muli %scan3A_166, %mul3A_546 : i32
      %get3A_548 = arith.index_cast %mul3A_547 : i32 to index
      %get3A_549 = arith.constant 48 : index
      %get3A_550 = tpu.vector_load %arg10[%get3A_548, %get3A_549] {strides = array<i32>} : memref<64x128xf32, #tpu.memory_space<vmem>>, vector<16xf32>,
      %mul3A_551 = arith.constant 3.906250e-03 : f32
      %mul3A_552 = vector.broadcast %mul3A_551 : f32 to vector<16xf32>
      %mul3A_553 = arith.mulf %get3A_550, %mul3A_552 : vector<16xf32>
      %swap3A_554 = arith.index_cast %add3A_443 : i32 to index
      %swap3A_555 = arith.constant 48 : index
      %swap3A_556 = tpu.vector_load %arg12[%swap3A_554, %swap3A_555] {strides = array<i32>} : memref<32x384xf32, #tpu.memory_space<vmem>>, vector<16xf32>,
      tpu.vector_store %arg12[%swap3A_554, %swap3A_555], %mul3A_553 {strides = array<i32>} : memref<32x384xf32, #tpu.memory_space<vmem>>, vector<16xf32>,
      %mul3A_557 = arith.constant 4 : i32
      %mul3A_558 = arith.muli %scan3A_166, %mul3A_557 : i32
      %add3A_559 = arith.constant 1 : i32
      %add3A_560 = arith.addi %mul3A_558, %add3A_559 : i32
      %get3A_561 = arith.index_cast %add3A_560 : i32 to index
      %get3A_562 = arith.constant 48 : index
      %get3A_563 = tpu.vector_load %arg10[%get3A_561, %get3A_562] {strides = array<i32>} : memref<64x128xf32, #tpu.memory_space<vmem>>, vector<16xf32>,
      %mul3A_564 = arith.constant 6.250000e-02 : f32
      %mul3A_565 = vector.broadcast %mul3A_564 : f32 to vector<16xf32>
      %mul3A_566 = arith.mulf %get3A_563, %mul3A_565 : vector<16xf32>
      %swap3A_567 = arith.index_cast %add3A_443 : i32 to index
      %swap3A_568 = arith.constant 176 : index
      %swap3A_569 = tpu.vector_load %arg12[%swap3A_567, %swap3A_568] {strides = array<i32>} : memref<32x384xf32, #tpu.memory_space<vmem>>, vector<16xf32>,
      tpu.vector_store %arg12[%swap3A_567, %swap3A_568], %mul3A_566 {strides = array<i32>} : memref<32x384xf32, #tpu.memory_space<vmem>>, vector<16xf32>,
      %mul3A_570 = arith.constant 4 : i32
      %mul3A_571 = arith.muli %scan3A_166, %mul3A_570 : i32
      %add3A_572 = arith.constant 2 : i32
      %add3A_573 = arith.addi %mul3A_571, %add3A_572 : i32
      %get3A_574 = arith.index_cast %add3A_573 : i32 to index
      %get3A_575 = arith.constant 48 : index
      %get3A_576 = tpu.vector_load %arg10[%get3A_574, %get3A_575] {strides = array<i32>} : memref<64x128xf32, #tpu.memory_space<vmem>>, vector<16xf32>,
      %swap3A_577 = arith.index_cast %add3A_443 : i32 to index
      %swap3A_578 = arith.constant 304 : index
      %swap3A_579 = tpu.vector_load %arg12[%swap3A_577, %swap3A_578] {strides = array<i32>} : memref<32x384xf32, #tpu.memory_space<vmem>>, vector<16xf32>,
      tpu.vector_store %arg12[%swap3A_577, %swap3A_578], %get3A_576 {strides = array<i32>} : memref<32x384xf32, #tpu.memory_space<vmem>>, vector<16xf32>,
      %mul3A_580 = arith.constant 4 : i32
      %mul3A_581 = arith.muli %scan3A_166, %mul3A_580 : i32
      %get3A_582 = arith.index_cast %mul3A_581 : i32 to index
      %get3A_583 = arith.constant 64 : index
      %get3A_584 = tpu.vector_load %arg10[%get3A_582, %get3A_583] {strides = array<i32>} : memref<64x128xf32, #tpu.memory_space<vmem>>, vector<16xf32>,
      %mul3A_585 = arith.constant 3.906250e-03 : f32
      %mul3A_586 = vector.broadcast %mul3A_585 : f32 to vector<16xf32>
      %mul3A_587 = arith.mulf %get3A_584, %mul3A_586 : vector<16xf32>
      %swap3A_588 = arith.index_cast %add3A_443 : i32 to index
      %swap3A_589 = arith.constant 64 : index
      %swap3A_590 = tpu.vector_load %arg12[%swap3A_588, %swap3A_589] {strides = array<i32>} : memref<32x384xf32, #tpu.memory_space<vmem>>, vector<16xf32>,
      tpu.vector_store %arg12[%swap3A_588, %swap3A_589], %mul3A_587 {strides = array<i32>} : memref<32x384xf32, #tpu.memory_space<vmem>>, vector<16xf32>,
      %mul3A_591 = arith.constant 4 : i32
      %mul3A_592 = arith.muli %scan3A_166, %mul3A_591 : i32
      %add3A_593 = arith.constant 1 : i32
      %add3A_594 = arith.addi %mul3A_592, %add3A_593 : i32
      %get3A_595 = arith.index_cast %add3A_594 : i32 to index
      %get3A_596 = arith.constant 64 : index
      %get3A_597 = tpu.vector_load %arg10[%get3A_595, %get3A_596] {strides = array<i32>} : memref<64x128xf32, #tpu.memory_space<vmem>>, vector<16xf32>,
      %mul3A_598 = arith.constant 6.250000e-02 : f32
      %mul3A_599 = vector.broadcast %mul3A_598 : f32 to vector<16xf32>
      %mul3A_600 = arith.mulf %get3A_597, %mul3A_599 : vector<16xf32>
      %swap3A_601 = arith.index_cast %add3A_443 : i32 to index
      %swap3A_602 = arith.constant 192 : index
      %swap3A_603 = tpu.vector_load %arg12[%swap3A_601, %swap3A_602] {strides = array<i32>} : memref<32x384xf32, #tpu.memory_space<vmem>>, vector<16xf32>,
      tpu.vector_store %arg12[%swap3A_601, %swap3A_602], %mul3A_600 {strides = array<i32>} : memref<32x384xf32, #tpu.memory_space<vmem>>, vector<16xf32>,
      %mul3A_604 = arith.constant 4 : i32
      %mul3A_605 = arith.muli %scan3A_166, %mul3A_604 : i32
      %add3A_606 = arith.constant 2 : i32
      %add3A_607 = arith.addi %mul3A_605, %add3A_606 : i32
      %get3A_608 = arith.index_cast %add3A_607 : i32 to index
      %get3A_609 = arith.constant 64 : index
      %get3A_610 = tpu.vector_load %arg10[%get3A_608, %get3A_609] {strides = array<i32>} : memref<64x128xf32, #tpu.memory_space<vmem>>, vector<16xf32>,
      %swap3A_611 = arith.index_cast %add3A_443 : i32 to index
      %swap3A_612 = arith.constant 320 : index
      %swap3A_613 = tpu.vector_load %arg12[%swap3A_611, %swap3A_612] {strides = array<i32>} : memref<32x384xf32, #tpu.memory_space<vmem>>, vector<16xf32>,
      tpu.vector_store %arg12[%swap3A_611, %swap3A_612], %get3A_610 {strides = array<i32>} : memref<32x384xf32, #tpu.memory_space<vmem>>, vector<16xf32>,
      %mul3A_614 = arith.constant 4 : i32
      %mul3A_615 = arith.muli %scan3A_166, %mul3A_614 : i32
      %get3A_616 = arith.index_cast %mul3A_615 : i32 to index
      %get3A_617 = arith.constant 80 : index
      %get3A_618 = tpu.vector_load %arg10[%get3A_616, %get3A_617] {strides = array<i32>} : memref<64x128xf32, #tpu.memory_space<vmem>>, vector<16xf32>,
      %mul3A_619 = arith.constant 3.906250e-03 : f32
      %mul3A_620 = vector.broadcast %mul3A_619 : f32 to vector<16xf32>
      %mul3A_621 = arith.mulf %get3A_618, %mul3A_620 : vector<16xf32>
      %swap3A_622 = arith.index_cast %add3A_443 : i32 to index
      %swap3A_623 = arith.constant 80 : index
      %swap3A_624 = tpu.vector_load %arg12[%swap3A_622, %swap3A_623] {strides = array<i32>} : memref<32x384xf32, #tpu.memory_space<vmem>>, vector<16xf32>,
      tpu.vector_store %arg12[%swap3A_622, %swap3A_623], %mul3A_621 {strides = array<i32>} : memref<32x384xf32, #tpu.memory_space<vmem>>, vector<16xf32>,
      %mul3A_625 = arith.constant 4 : i32
      %mul3A_626 = arith.muli %scan3A_166, %mul3A_625 : i32
      %add3A_627 = arith.constant 1 : i32
      %add3A_628 = arith.addi %mul3A_626, %add3A_627 : i32
      %get3A_629 = arith.index_cast %add3A_628 : i32 to index
      %get3A_630 = arith.constant 80 : index
      %get3A_631 = tpu.vector_load %arg10[%get3A_629, %get3A_630] {strides = array<i32>} : memref<64x128xf32, #tpu.memory_space<vmem>>, vector<16xf32>,
      %mul3A_632 = arith.constant 6.250000e-02 : f32
      %mul3A_633 = vector.broadcast %mul3A_632 : f32 to vector<16xf32>
      %mul3A_634 = arith.mulf %get3A_631, %mul3A_633 : vector<16xf32>
      %swap3A_635 = arith.index_cast %add3A_443 : i32 to index
      %swap3A_636 = arith.constant 208 : index
      %swap3A_637 = tpu.vector_load %arg12[%swap3A_635, %swap3A_636] {strides = array<i32>} : memref<32x384xf32, #tpu.memory_space<vmem>>, vector<16xf32>,
      tpu.vector_store %arg12[%swap3A_635, %swap3A_636], %mul3A_634 {strides = array<i32>} : memref<32x384xf32, #tpu.memory_space<vmem>>, vector<16xf32>,
      %mul3A_638 = arith.constant 4 : i32
      %mul3A_639 = arith.muli %scan3A_166, %mul3A_638 : i32
      %add3A_640 = arith.constant 2 : i32
      %add3A_641 = arith.addi %mul3A_639, %add3A_640 : i32
      %get3A_642 = arith.index_cast %add3A_641 : i32 to index
      %get3A_643 = arith.constant 80 : index
      %get3A_644 = tpu.vector_load %arg10[%get3A_642, %get3A_643] {strides = array<i32>} : memref<64x128xf32, #tpu.memory_space<vmem>>, vector<16xf32>,
      %swap3A_645 = arith.index_cast %add3A_443 : i32 to index
      %swap3A_646 = arith.constant 336 : index
      %swap3A_647 = tpu.vector_load %arg12[%swap3A_645, %swap3A_646] {strides = array<i32>} : memref<32x384xf32, #tpu.memory_space<vmem>>, vector<16xf32>,
      tpu.vector_store %arg12[%swap3A_645, %swap3A_646], %get3A_644 {strides = array<i32>} : memref<32x384xf32, #tpu.memory_space<vmem>>, vector<16xf32>,
      %mul3A_648 = arith.constant 4 : i32
      %mul3A_649 = arith.muli %scan3A_166, %mul3A_648 : i32
      %get3A_650 = arith.index_cast %mul3A_649 : i32 to index
      %get3A_651 = arith.constant 96 : index
      %get3A_652 = tpu.vector_load %arg10[%get3A_650, %get3A_651] {strides = array<i32>} : memref<64x128xf32, #tpu.memory_space<vmem>>, vector<16xf32>,
      %mul3A_653 = arith.constant 3.906250e-03 : f32
      %mul3A_654 = vector.broadcast %mul3A_653 : f32 to vector<16xf32>
      %mul3A_655 = arith.mulf %get3A_652, %mul3A_654 : vector<16xf32>
      %swap3A_656 = arith.index_cast %add3A_443 : i32 to index
      %swap3A_657 = arith.constant 96 : index
      %swap3A_658 = tpu.vector_load %arg12[%swap3A_656, %swap3A_657] {strides = array<i32>} : memref<32x384xf32, #tpu.memory_space<vmem>>, vector<16xf32>,
      tpu.vector_store %arg12[%swap3A_656, %swap3A_657], %mul3A_655 {strides = array<i32>} : memref<32x384xf32, #tpu.memory_space<vmem>>, vector<16xf32>,
      %mul3A_659 = arith.constant 4 : i32
      %mul3A_660 = arith.muli %scan3A_166, %mul3A_659 : i32
      %add3A_661 = arith.constant 1 : i32
      %add3A_662 = arith.addi %mul3A_660, %add3A_661 : i32
      %get3A_663 = arith.index_cast %add3A_662 : i32 to index
      %get3A_664 = arith.constant 96 : index
      %get3A_665 = tpu.vector_load %arg10[%get3A_663, %get3A_664] {strides = array<i32>} : memref<64x128xf32, #tpu.memory_space<vmem>>, vector<16xf32>,
      %mul3A_666 = arith.constant 6.250000e-02 : f32
      %mul3A_667 = vector.broadcast %mul3A_666 : f32 to vector<16xf32>
      %mul3A_668 = arith.mulf %get3A_665, %mul3A_667 : vector<16xf32>
      %swap3A_669 = arith.index_cast %add3A_443 : i32 to index
      %swap3A_670 = arith.constant 224 : index
      %swap3A_671 = tpu.vector_load %arg12[%swap3A_669, %swap3A_670] {strides = array<i32>} : memref<32x384xf32, #tpu.memory_space<vmem>>, vector<16xf32>,
      tpu.vector_store %arg12[%swap3A_669, %swap3A_670], %mul3A_668 {strides = array<i32>} : memref<32x384xf32, #tpu.memory_space<vmem>>, vector<16xf32>,
      %mul3A_672 = arith.constant 4 : i32
      %mul3A_673 = arith.muli %scan3A_166, %mul3A_672 : i32
      %add3A_674 = arith.constant 2 : i32
      %add3A_675 = arith.addi %mul3A_673, %add3A_674 : i32
      %get3A_676 = arith.index_cast %add3A_675 : i32 to index
      %get3A_677 = arith.constant 96 : index
      %get3A_678 = tpu.vector_load %arg10[%get3A_676, %get3A_677] {strides = array<i32>} : memref<64x128xf32, #tpu.memory_space<vmem>>, vector<16xf32>,
      %swap3A_679 = arith.index_cast %add3A_443 : i32 to index
      %swap3A_680 = arith.constant 352 : index
      %swap3A_681 = tpu.vector_load %arg12[%swap3A_679, %swap3A_680] {strides = array<i32>} : memref<32x384xf32, #tpu.memory_space<vmem>>, vector<16xf32>,
      tpu.vector_store %arg12[%swap3A_679, %swap3A_680], %get3A_678 {strides = array<i32>} : memref<32x384xf32, #tpu.memory_space<vmem>>, vector<16xf32>,
      %mul3A_682 = arith.constant 4 : i32
      %mul3A_683 = arith.muli %scan3A_166, %mul3A_682 : i32
      %get3A_684 = arith.index_cast %mul3A_683 : i32 to index
      %get3A_685 = arith.constant 112 : index
      %get3A_686 = tpu.vector_load %arg10[%get3A_684, %get3A_685] {strides = array<i32>} : memref<64x128xf32, #tpu.memory_space<vmem>>, vector<16xf32>,
      %mul3A_687 = arith.constant 3.906250e-03 : f32
      %mul3A_688 = vector.broadcast %mul3A_687 : f32 to vector<16xf32>
      %mul3A_689 = arith.mulf %get3A_686, %mul3A_688 : vector<16xf32>
      %swap3A_690 = arith.index_cast %add3A_443 : i32 to index
      %swap3A_691 = arith.constant 112 : index
      %swap3A_692 = tpu.vector_load %arg12[%swap3A_690, %swap3A_691] {strides = array<i32>} : memref<32x384xf32, #tpu.memory_space<vmem>>, vector<16xf32>,
      tpu.vector_store %arg12[%swap3A_690, %swap3A_691], %mul3A_689 {strides = array<i32>} : memref<32x384xf32, #tpu.memory_space<vmem>>, vector<16xf32>,
      %mul3A_693 = arith.constant 4 : i32
      %mul3A_694 = arith.muli %scan3A_166, %mul3A_693 : i32
      %add3A_695 = arith.constant 1 : i32
      %add3A_696 = arith.addi %mul3A_694, %add3A_695 : i32
      %get3A_697 = arith.index_cast %add3A_696 : i32 to index
      %get3A_698 = arith.constant 112 : index
      %get3A_699 = tpu.vector_load %arg10[%get3A_697, %get3A_698] {strides = array<i32>} : memref<64x128xf32, #tpu.memory_space<vmem>>, vector<16xf32>,
      %mul3A_700 = arith.constant 6.250000e-02 : f32
      %mul3A_701 = vector.broadcast %mul3A_700 : f32 to vector<16xf32>
      %mul3A_702 = arith.mulf %get3A_699, %mul3A_701 : vector<16xf32>
      %swap3A_703 = arith.index_cast %add3A_443 : i32 to index
      %swap3A_704 = arith.constant 240 : index
      %swap3A_705 = tpu.vector_load %arg12[%swap3A_703, %swap3A_704] {strides = array<i32>} : memref<32x384xf32, #tpu.memory_space<vmem>>, vector<16xf32>,
      tpu.vector_store %arg12[%swap3A_703, %swap3A_704], %mul3A_702 {strides = array<i32>} : memref<32x384xf32, #tpu.memory_space<vmem>>, vector<16xf32>,
      %mul3A_706 = arith.constant 4 : i32
      %mul3A_707 = arith.muli %scan3A_166, %mul3A_706 : i32
      %add3A_708 = arith.constant 2 : i32
      %add3A_709 = arith.addi %mul3A_707, %add3A_708 : i32
      %get3A_710 = arith.index_cast %add3A_709 : i32 to index
      %get3A_711 = arith.constant 112 : index
      %get3A_712 = tpu.vector_load %arg10[%get3A_710, %get3A_711] {strides = array<i32>} : memref<64x128xf32, #tpu.memory_space<vmem>>, vector<16xf32>,
      %swap3A_713 = arith.index_cast %add3A_443 : i32 to index
      %swap3A_714 = arith.constant 368 : index
      %swap3A_715 = tpu.vector_load %arg12[%swap3A_713, %swap3A_714] {strides = array<i32>} : memref<32x384xf32, #tpu.memory_space<vmem>>, vector<16xf32>,
      tpu.vector_store %arg12[%swap3A_713, %swap3A_714], %get3A_712 {strides = array<i32>} : memref<32x384xf32, #tpu.memory_space<vmem>>, vector<16xf32>,
      %scan3A_716 = arith.constant 0 : i32
      scf.yield %scan3A_716 : i32
    }
    %scan3A_165 = arith.constant 16 : i32
    "tpu.region"() ({
      %run_scoped3A = tpu.sem_alloc : memref<!tpu.dma_semaphore, #tpu.memory_space<semaphore_mem>>
      %dma_start3A_166 = arith.constant 0 : i32
      %dma_start3A_167 = tpu.memref_slice %arg4[%mul3A_2, %dma_start3A_166] : memref<1024x384xf32, #tpu.memory_space<hbm>> -> memref<32x384xf32, #tpu.memory_space<hbm>>
      %dma_start3A_168 = arith.constant 0 : i32
      %dma_start3A_169 = tpu.memref_slice %arg4[%mul3A_2, %dma_start3A_168] : memref<1024x384xf32, #tpu.memory_space<hbm>> -> memref<32x384xf32, #tpu.memory_space<hbm>>
      tpu.enqueue_dma source(%arg12 : memref<32x384xf32, #tpu.memory_space<vmem>>) target(%dma_start3A_169 : memref<32x384xf32, #tpu.memory_space<hbm>>) target_semaphore(%run_scoped3A : memref<!tpu.dma_semaphore, #tpu.memory_space<semaphore_mem>>)
      %dma_wait3A_170 = arith.constant 0 : i32
      %dma_wait3A_171 = tpu.memref_slice %arg4[%mul3A_2, %dma_wait3A_170] : memref<1024x384xf32, #tpu.memory_space<hbm>> -> memref<32x384xf32, #tpu.memory_space<hbm>>
      %dma_wait3A_172 = arith.constant 0 : i32
      %dma_wait3A_173 = tpu.memref_slice %arg4[%mul3A_2, %dma_wait3A_172] : memref<1024x384xf32, #tpu.memory_space<hbm>> -> memref<32x384xf32, #tpu.memory_space<hbm>>
      tpu.wait_dma2 semaphore(%run_scoped3A : memref<!tpu.dma_semaphore, #tpu.memory_space<semaphore_mem>>) src(%arg12 : memref<32x384xf32, #tpu.memory_space<vmem>>) dst(%dma_wait3A_173 : memref<32x384xf32, #tpu.memory_space<hbm>>)
      tpu.yield
    }) : () -> ()
    return
  }
}

module attributes {stable_mosaic.version = 14 : i64} {
  func.func @body(%arg0: memref<1024x384xf32, #tpu.memory_space<vmem>>, %arg1: memref<256x128xf32, #tpu.memory_space<vmem>>, %arg2: memref<256x128xf32, #tpu.memory_space<vmem>>, %arg3: memref<1x128xf32, #tpu.memory_space<vmem>>, %arg4: memref<1024x128xf32, #tpu.memory_space<vmem>>) attributes {dimension_semantics = [], scalar_prefetch = 0 : i64, scratch_operands = 0 : i64, tpu.core_type = #tpu.core_type<tc>} {
    %get3A = arith.constant 0 : index
    %get3A_0 = arith.constant 0 : index
    %get3A_1 = vector.load %arg0[%get3A, %get3A_0] : memref<1024x384xf32, #tpu.memory_space<vmem>>, vector<1024x128xf32>
    %get3A_2 = arith.constant 0 : index
    %get3A_3 = arith.constant 128 : index
    %get3A_4 = vector.load %arg0[%get3A_2, %get3A_3] : memref<1024x384xf32, #tpu.memory_space<vmem>>, vector<1024x128xf32>
    %get3A_5 = arith.constant 0 : index
    %get3A_6 = arith.constant 256 : index
    %get3A_7 = vector.load %arg0[%get3A_5, %get3A_6] : memref<1024x384xf32, #tpu.memory_space<vmem>>, vector<1024x128xf32>
    %get3A_8 = arith.constant 0 : index
    %get3A_9 = arith.constant 0 : index
    %get3A_10 = vector.load %arg1[%get3A_8, %get3A_9] : memref<256x128xf32, #tpu.memory_space<vmem>>, vector<128x128xf32>
    %dot_general3A = arith.constant dense<0.000000e+00> : vector<1024x128xf32>
    %dot_general3A_11 = tpu.matmul %get3A_4, %get3A_10, %dot_general3A {dimension_numbers = #tpu.dot_dimension_numbers<[1], [0], [0], [1], [0, 0, 1, 1], [], []>, transpose_lhs_hint = false} : vector<1024x128xf32>, vector<128x128xf32>, vector<1024x128xf32> -> vector<1024x128xf32>
    %get3A_12 = arith.constant 128 : index
    %get3A_13 = arith.constant 0 : index
    %get3A_14 = vector.load %arg1[%get3A_12, %get3A_13] : memref<256x128xf32, #tpu.memory_space<vmem>>, vector<128x128xf32>
    %dot_general3A_15 = arith.constant dense<0.000000e+00> : vector<1024x128xf32>
    %dot_general3A_16 = tpu.matmul %get3A_1, %get3A_14, %dot_general3A_15 {dimension_numbers = #tpu.dot_dimension_numbers<[1], [0], [0], [1], [0, 0, 1, 1], [], []>, transpose_lhs_hint = false} : vector<1024x128xf32>, vector<128x128xf32>, vector<1024x128xf32> -> vector<1024x128xf32>
    %add3A = arith.addf %dot_general3A_11, %dot_general3A_16 : vector<1024x128xf32>
    %get3A_17 = arith.constant 0 : index
    %get3A_18 = arith.constant 0 : index
    %get3A_19 = vector.load %arg2[%get3A_17, %get3A_18] : memref<256x128xf32, #tpu.memory_space<vmem>>, vector<128x128xf32>
    %dot_general3A_20 = arith.constant dense<0.000000e+00> : vector<1024x128xf32>
    %dot_general3A_21 = tpu.matmul %get3A_7, %get3A_19, %dot_general3A_20 {dimension_numbers = #tpu.dot_dimension_numbers<[1], [0], [0], [1], [0, 0, 1, 1], [], []>, transpose_lhs_hint = false} : vector<1024x128xf32>, vector<128x128xf32>, vector<1024x128xf32> -> vector<1024x128xf32>
    %get3A_22 = arith.constant 128 : index
    %get3A_23 = arith.constant 0 : index
    %get3A_24 = vector.load %arg2[%get3A_22, %get3A_23] : memref<256x128xf32, #tpu.memory_space<vmem>>, vector<128x128xf32>
    %dot_general3A_25 = arith.constant dense<0.000000e+00> : vector<1024x128xf32>
    %dot_general3A_26 = tpu.matmul %add3A, %get3A_24, %dot_general3A_25 {dimension_numbers = #tpu.dot_dimension_numbers<[1], [0], [0], [1], [0, 0, 1, 1], [], []>, transpose_lhs_hint = false} : vector<1024x128xf32>, vector<128x128xf32>, vector<1024x128xf32> -> vector<1024x128xf32>
    %add3A_27 = arith.addf %dot_general3A_21, %dot_general3A_26 : vector<1024x128xf32>
    %get3A_28 = arith.constant 0 : index
    %get3A_29 = arith.constant 0 : index
    %get3A_30 = vector.load %arg3[%get3A_28, %get3A_29] : memref<1x128xf32, #tpu.memory_space<vmem>>, vector<1x128xf32>
    %add3A_31 = vector.broadcast %get3A_30 : vector<1x128xf32> to vector<1024x128xf32>
    %add3A_32 = arith.addf %add3A_27, %add3A_31 : vector<1024x128xf32>
    %logistic3A = arith.negf %add3A_32 : vector<1024x128xf32>
    %logistic3A_33 = math.exp %logistic3A : vector<1024x128xf32>
    %logistic3A_34 = arith.constant 1.000000e+00 : f32
    %logistic3A_35 = vector.broadcast %logistic3A_34 : f32 to vector<1024x128xf32>
    %logistic3A_36 = arith.addf %logistic3A_35, %logistic3A_33 : vector<1024x128xf32>
    %logistic3A_37 = arith.divf %logistic3A_35, %logistic3A_36 : vector<1024x128xf32>
    %swap3A = arith.constant 0 : index
    %swap3A_38 = arith.constant 0 : index
    %swap3A_39 = vector.load %arg4[%swap3A, %swap3A_38] : memref<1024x128xf32, #tpu.memory_space<vmem>>, vector<1024x128xf32>
    tpu.vector_store %arg4[%swap3A, %swap3A_38], %logistic3A_37 {strides = array<i32>} : memref<1024x128xf32, #tpu.memory_space<vmem>>, vector<1024x128xf32>,
    return
  }
}

</mosaic_0001>

<sc_bundles>
// kernel: kernel.4.cloned.1.call-start
scs
__scs_entry_jumppad:
0x0: {  	(pc) =	sbr.rel $0x88, $3  }
0x1: {  	(tag) =	ssettag $0x0;
	lr =	simm.s32 $0x1  }
0x2: {  	[smem:$0x3F9A] =	sst lr;
	_ =	strace $0xD0000000  }
0x3: {  	_ = 	snop  }
0x4: {  	_ = 	snop  }
0x5: {  	_ = 	snop  }
0x6: {  	_ = 	snop  }
0x7: {  	_ = 	snop  }
__scs_overlays_trampoline_lowered:
0x8: {  	[smem:$0x3FA9] =	sst s0  }
0x9: {  	[smem:$0x3FAA] =	sst s1  }
0xa: {  	[smem:$0x3FAB] =	sst s2  }
0xb: {  	[smem:$0x3FAC] =	sst s3  }
0xc: {  	[smem:$0x3FAD] =	sst s4  }
0xd: {  	[smem:$0x3FAE] =	sst s5  }
0xe: {  	[smem:$0x3FAF] =	sst s6  }
0xf: {  	[smem:$0x3FB0] =	sst s7  }
0x10: {  	[smem:$0x3FB1] =	sst s8  }
0x11: {  	[smem:$0x3FB2] =	sst s9;
	s0 =	simm.s32 @!p0 $0x0  }
0x12: {  	s1 =	sld [smem:$0x3F98];
	s0 =	simm.s32 @p0 $0x1  }
0x13: {  	[smem:$0x3FB3] =	sst s0;
	s0 =	simm.s32 @!p1 $0x0  }
0x14: {  	s2 =	sld [smem:$0x3F97];
	s0 =	simm.s32 @p1 $0x1  }
0x15: {  	[smem:$0x3FB4] =	sst s0;
	s0 =	simm.s32 @!p2 $0x0  }
0x16: {  	s3 =	sld [smem:$0x3FDB];
	s0 =	simm.s32 @p2 $0x1  }
0x17: {  	s4 =	simm.s32 $0x1BF5;
	[smem:$0x3FB6] =	sst s0  }
0x18: {  	s0 =	sld [smem:$0x3F99];
	_ =	swait.ge [sflag:s4], $0x0  }
0x19: {  	s7 =	sld [smem:$0x3F9A]  }
0x1a: {  	s8 =	sadd.s32 $0xFFFFE003, lr  }
0x1b: {  	s9 =	sadd.s32 $0xFFFFFEF7, lr;
	s5 =	simm.s32 $0xFFFFFFFF;
	p2 =	slt.u32 s8, $0xFFFFF086  }
0x1c: {  	p1 =	slt.u32 s9, $0xF7A;
	s5 =	simm.s32 @!p2 $0x0  }
0x1d: {  	s5 =	simm.s32 @p1 $0x1;
	p0 =	seq.s32 s7, s2  }
0x1e: {  	s7 =	smul.u32 @!p0 $0xF7A, s2;
	p2 =	seq.s32 @!p0 s5, $0x0  }
0x1f: {  	s9 =	smul.u32 $0xF7A, s1;
	s8 =	simm.s32 @!p0 $0x1BF5;
	p2 =	por !p2, p0  }
0x20: {  	[sflag:s8] =	ssyncset.s32 @!p0 $0xFFFFF086;
	s6 =	sadd.s32 @!p0 s3, s7;
	s7 =	simm.s32 @!p0 $0x108  }
0x21: {  	s3 =	sadd.s32 s3, s9;
	s6 =	sadd.s32 @!p0 $0x88, s6;
	s7 =	simm.s32 @p2 $0x1082  }
0x22: {  	[simem:s7], [sflag:s8] =	dma.local @!p0 [hbm:s6], $0xF7A  }
0x23: {  	s9 =	sor.u32 $0xD0000000, s2;
	s6 =	simm.s32 $0x108;
	_ =	swait.ge @!p0 [sflag:s8], $0x0  }
0x24: {  	s3 =	sadd.s32 $0x88, s3;
	s6 =	simm.s32 @!p1 $0x1082;
	[sflag:s4] =	ssyncset.s32 $0xFFFFF086  }
0x25: {  	[simem:s6], [sflag:s4] =	dma.local [hbm:s3], $0xF7A  }
0x26: {  	[smem:$0x3F9A] =	sst s1;
	(tag) =	ssettag s2;
	_ =	strace s9  }
0x27: {  	s1 =	sld [smem:$0x3FAA]  }
0x28: {  	s2 =	sld [smem:$0x3FAB]  }
0x29: {  	s4 =	sld [smem:$0x3FAD]  }
0x2a: {  	p0 =	seq.s32 s5, $0x0;
	s5 =	sld [smem:$0x3FAE]  }
0x2b: {  	s6 =	sld [smem:$0x3FAF]  }
0x2c: {  	s7 =	sld [smem:$0x3FB0]  }
0x2d: {  	s3 =	simm.s32 $0x108;
	s8 =	sld [smem:$0x3FB1]  }
0x2e: {  	s3 =	simm.s32 @!p0 $0x1082;
	s9 =	sld [smem:$0x3FB2]  }
0x2f: {  	lr =	sadd.s32 s0, s3;
	s0 =	sld [smem:$0x3FA9]  }
0x30: {  	s3 =	sld [smem:$0x3FAC]  }
0x31: {  	[smem:$0x3FB5] =	sst s10  }
0x32: {  	s10 =	sld [smem:$0x3FB3];
	_ =	sdelay $0x3  }
0x33: {  	p0 =	seq.s32 s10, $0x1;
	s10 =	sld [smem:$0x3FB5];
	_ =	sdelay $0x3  }
0x34: {  	[smem:$0x3FB5] =	sst s10  }
0x35: {  	s10 =	sld [smem:$0x3FB4];
	_ =	sdelay $0x3  }
0x36: {  	p1 =	seq.s32 s10, $0x1;
	s10 =	sld [smem:$0x3FB5];
	_ =	sdelay $0x3  }
0x37: {  	[smem:$0x3FB5] =	sst s10  }
0x38: {  	s10 =	sld [smem:$0x3FB6]  }
0x39: {  	_ = 	snop;
	(pc) =	sbr.ind lr, $3  }
0x3a: {  	_ = 	snop  }
0x3b: {  	_ = 	snop  }
0x3c: {  	p2 =	seq.s32 s10, $0x1;
	s10 =	sld [smem:$0x3FB5]  }
0x3d: {  	_ =	shalt  }
0x3e: {  	_ =	shalt  }
0x3f: {  	_ =	shalt  }
0x40: {  	_ =	shalt  }
0x41: {  	_ =	shalt  }
0x42: {  	_ =	shalt  }
0x43: {  	_ =	shalt  }
0x44: {  	_ =	shalt  }
0x45: {  	_ =	shalt  }
0x46: {  	_ =	shalt  }
0x47: {  	_ =	shalt  }
0x48: {  	_ =	shalt  }
0x49: {  	_ =	shalt  }
0x4a: {  	_ =	shalt  }
0x4b: {  	_ =	shalt  }
0x4c: {  	_ =	shalt  }
0x4d: {  	_ =	shalt  }
0x4e: {  	_ =	shalt  }
0x4f: {  	_ =	shalt  }
0x50: {  	_ =	shalt  }
0x51: {  	_ =	shalt  }
0x52: {  	_ =	shalt  }
0x53: {  	_ =	shalt  }
0x54: {  	_ =	shalt  }
0x55: {  	_ =	shalt  }
0x56: {  	_ =	shalt  }
0x57: {  	_ =	shalt  }
0x58: {  	_ =	shalt  }
0x59: {  	_ =	shalt  }
0x5a: {  	_ =	shalt  }
0x5b: {  	_ =	shalt  }
0x5c: {  	_ =	shalt  }
0x5d: {  	_ =	shalt  }
0x5e: {  	_ =	shalt  }
0x5f: {  	_ =	shalt  }
0x60: {  	_ =	shalt  }
0x61: {  	_ =	shalt  }
0x62: {  	_ =	shalt  }
0x63: {  	_ =	shalt  }
0x64: {  	_ =	shalt  }
0x65: {  	_ =	shalt  }
0x66: {  	_ =	shalt  }
0x67: {  	_ =	shalt  }
0x68: {  	_ =	shalt  }
0x69: {  	_ =	shalt  }
0x6a: {  	_ =	shalt  }
0x6b: {  	_ =	shalt  }
0x6c: {  	_ =	shalt  }
0x6d: {  	_ =	shalt  }
0x6e: {  	_ =	shalt  }
0x6f: {  	_ =	shalt  }
0x70: {  	_ =	shalt  }
0x71: {  	_ =	shalt  }
0x72: {  	_ =	shalt  }
0x73: {  	_ =	shalt  }
0x74: {  	_ =	shalt  }
0x75: {  	_ =	shalt  }
0x76: {  	_ =	shalt  }
0x77: {  	_ =	shalt  }
0x78: {  	_ =	shalt  }
0x79: {  	_ =	shalt  }
0x7a: {  	_ =	shalt  }
0x7b: {  	_ =	shalt  }
0x7c: {  	_ =	shalt  }
0x7d: {  	_ =	shalt  }
0x7e: {  	_ =	shalt  }
0x7f: {  	_ =	shalt  }
0x80: {  	_ =	shalt  }
0x81: {  	_ =	shalt  }
0x82: {  	_ =	shalt  }
0x83: {  	_ =	shalt  }
0x84: {  	_ =	shalt  }
0x85: {  	_ =	shalt  }
0x86: {  	_ =	shalt  }
0x87: {  	_ =	shalt  }
.Lfunc_end0:
.L_simem_size_0:
called_computation_lowered:
.L_overlay_start_0:
0x88: {  	s2 =	sld [smem:$0x3FD9]  }
0x89: {  	s3 =	sld [smem:$0x3FFE];
	_ =	sdelay $0x1  }
0x8a: {  	s1 =	srdreg.scid  }
0x8b: {  	s0 =	sand.u32 $0x1, s1  }
0x8c: {  	s17 =	sshll.u32 s0, $0xA;
	s2 =	sadd.s32 s3, s2  }
0x8d: {  	s2 =	sadd.s32 s2, s17  }
0x8e: {  	[smem:$0x3FC1] =	sst s2  }
0x8f: {  	_ = 	snop  }
0x90: {  	s2 =	sld [smem:$0x3FC6];
	(tm) =	ssettm $0x1  }
0x91: {  	s18 =	sld [smem:$0x3FFB];
	_ =	sdelay $0x3  }
0x92: {  	_ =	strace s18  }
0x93: {  	s3 =	sld [smem:$0x3FFC];
	_ =	sdelay $0x3  }
0x94: {  	_ =	strace s3  }
0x95: {  	s3 =	sld [smem:$0x3FFD];
	_ =	sdelay $0x3  }
0x96: {  	_ =	strace s3  }
0x97: {  	_ =	strace $0x8FFFFFFF  }
0x98: {  	s19 =	sld [smem:$0x3FDB];
	_ =	sdelay $0x1  }
0x99: {  	s4 =	simm.s32 $_scs_section_size  }
0x9a: {  	s5 =	simm.s32 $_size__tile_overlayer_lowered;
	s6 =	simm.s32 $_tile_overlayer_lowered  }
0x9b: {  	s22 =	simm.s32 $0x1BFF;
	s21 =	sshll.u32 s6, $0x1;
	s3 =	sadd.s32 s4, s19  }
0x9c: {  	s7 =	simm.s32 $0x0;
	s20 =	sshll.u32 s5, $0x1;
	s5 =	sadd.s32 s21, s3  }
0x9d: {  	[timem:s7], [sflag:s22] =	dma.local [hbm:s5], s20  }
0x9e: {  	_ =	swait.ge [sflag:s22], s20  }
0x9f: {  	s4 =	ssub.s32 $0x0, s20;
	[sflag:s22] =	ssyncset.done $0x0  }
0xa0: {  	[sflag:s22] =	ssyncadd.s32 s4;
	_ =	sdelay $0x1  }
0xa1: {  	s23 =	simm.s32 $0x1B8B  }
0xa2: {  	_ =	swait.ge [sflag:s23], $0x1  }
0xa3: {  	[sflag:s23] =	ssyncset.done $0x0  }
0xa4: {  	s25 =	simm.s32 $0x1B8E;
	s24 =	sld [smem:$0x3FFE];
	[sflag:s23] =	ssyncadd.s32 $0xFFFFFFFF  }
0xa5: {  	s26 =	simm.s32 $execute0_lowered;
	[smem:$0x3FD2] =	sst s25  }
0xa6: {  	s5 =	sshll.u32 s26, $0x1;
	_ =	strace $0x80000046;
	[dreg:$0x1] =	wrdreg $0xFFFFFFFF  }
0xa7: {  	s28 =	simm.s32 $_size_execute0_lowered;
	s3 =	sadd.s32 s3, s5;
	[dreg:$0x0] =	wrdreg $0x0  }
0xa8: {  	s5 =	sshll.u32 s28, $0x1;
	[dreg:$0x2] =	wrdreg s3  }
0xa9: {  	[dreg:$0x3] =	wrdreg s5  }
0xaa: {  	[dreg:$0x4] =	wrdreg $0xC0  }
0xab: {  	_ =	task [dreg:s7], $0x5FFFF  }
0xac: {  	[dreg:$0x1] =	wrdreg $0xFFFFFFFF  }
0xad: {  	[dreg:$0x0] =	wrdreg $0x60  }
0xae: {  	[dreg:$0x2] =	wrdreg s2  }
0xaf: {  	[dreg:$0x3] =	wrdreg s24  }
0xb0: {  	[dreg:$0x4] =	wrdreg $0xEC800  }
0xb1: {  	[dreg:$0x5] =	wrdreg $0x15C800  }
0xb2: {  	[dreg:$0x6] =	wrdreg $0x9  }
0xb3: {  	_ =	task.clear_ibuf [dreg:s7], $0x7FFFF;
	_ =	strace $0x90000046  }
0xb4: {  	s29 =	simm.s32 $0x9;
	_ =	strace $0x80000048  }
0xb5: {  	_ =	swait.ge [sflag:s29], $0x1  }
0xb6: {  	[sflag:s29] =	ssyncadd.s32 $0xFFFFFFFF  }
0xb7: {  	_ =	strace $0x90000048  }
0xb8: {  	_ =	sfence  }
0xb9: {  	s30 =	sld [smem:$0x0];
	_ =	sdelay $0x2  }
0xba: {  	s31 =	sshll.u32 s1, $0xD;
	s1 =	sshrl.u32 s1, $0x2  }
0xbb: {  	s3 =	sand.u32 $0x4000, s31;
	s1 =	sadd.s32 s1, s30  }
0xbc: {  	s0 =	sor.u32 s3, s0;
	s1 =	sshll.u32 s1, $0x11  }
0xbd: {  	s0 =	sor.u32 s1, s0  }
0xbe: {  	s0 =	sadd.s32 $0x8F2B, s0  }
0xbf: {  	[sflag:s0] =	ssyncadd.remote.s32 $0x1  }
0xc0: {  	_ =	sfence.sel $0xFFFF  }
0xc1: {  	[dreg:$0x0] =	wrdreg $0xFFFFFFFF;
	(pc) =	sbr.abs _section_cstart, $3  }
0xc2: {  	[dreg:$0x1] =	wrdreg $0xFFFFFFFF  }
0xc3: {  	_ =	task.clear_ibuf [dreg:s7], $0x2FFFF;
	_ =	strace $0x9FFFFFFF  }
0xc4: {  	(tm) =	ssettm $0x7FFFFFFF  }
0xc5: {  	_ =	shalt  }
tec
execute0_lowered:
.L_overlay_start_1:
0x0: {  	(tag) =	ssettag $0x1  }
0x1: {  	s1 =	rddreg [dreg:$0x0]  }
0x2: {  	s0 =	srdreg.scid;
	s2 =	rddreg [dreg:$0x1]  }
0x3: {  	s7 =	stileid.u32;
	s3 =	rddreg [dreg:$0x2]  }
0x4: {  	s4 =	rddreg [dreg:$0x3];
	s12 =	simm.s32 $0x0;
	s19 =	simm.s32 $0x5  }
0x5: {  	s20 =	simm.s32 $0xAC80;
	s28 =	simm.s32 $0xCC80;
	s29 =	simm.s32 $0x3  }
0x6: {  	s30 =	simm.s32 $0x4;
	s31 =	simm.s32 $0x2;
	s0 =	sand.u32 $0x1, s0  }
0x7: {  	s5 =	sshll.u32 s7, $0x3;
	[smem:$0x7FF] =	sst s12;
	s22 =	sshll.u32 s7, $0xE  }
0x8: {  	s9 =	sshll.u32 s7, $0xB;
	s14 =	sadd.s32 $0x40000, s4;
	s6 =	sshll.u32 s0, $0x2  }
0x9: {  	s0 =	ssub.s32 $0x2, s0;
	_ =	strace $0x80000047;
	s8 =	sadd.s32 s22, s4  }
0xa: {  	s10 =	sadd.s32 s1, s9;
	s11 =	sadd.s32 s22, s3;
	s22 =	simm.s32 $0x3000  }
0xb: {  	s5 =	sor.u32 s6, s5;
	s21 =	sshrl.u32 s0, $0x1;
	s6 =	sshll.u32 s7, $0x7  }
0xc: {  	s7 =	sshll.u32 s7, $0x6;
	[dreg:$0x6] =	wrdreg s11;
	s11 =	sadd.s32 $0x2000, s11  }
0xd: {  	s25 =	sadd.s32 $0x40000, s8;
	[dreg:$0x5] =	wrdreg s10;
	s13 =	sadd.s32 $0x8000, s10  }
0xe: {  	s18 =	sshrl.u32 s8, $0x3;
	s5 =	smul.u32 $0x180, s5;
	s0 =	ssub.s32 s0, s21  }
0xf: {  	s9 =	sor.u32 $0x1C01, s7;
	s24 =	sor.u32 $0x3, s6;
	[dreg:$0x8] =	wrdreg s11  }
0x10: {  	s26 =	sor.u32 $0x1, s6;
	s21 =	simm.s32 $0xA900;
	s25 =	sshrl.u32 s25, $0x3  }
0x11: {  	s0 =	smax.u32 s0, $0x1;
	[dreg:$0xb] =	wrdreg s26;
	s2 =	sadd.s32 s5, s2  }
0x12: {  	v0 =	vmov s24;
	s24 =	simm.s32 $0x1;
	[dreg:$0xa] =	wrdreg s0;
	s23 =	sadd.s32 $0xE00, s2  }
0x13: {  	v1 =	vimm.s32 $0x0;
	v4 =	vimm.s32 $0x3;
	vm0 =	vcmask $0x300;
	s26 =	simm.s32 $0x40;
	s2 =	sadd.s32 $0xCE00, s2;
	[dreg:$0x7] =	wrdreg s23  }
0x14: {  	v2 =	vimm.f32 $0.0e+00;
	v3 =	vlaneseq.u32;
	v4 =	vsel vm0, $0x2, v4;
	s0 =	simm.s32 $0x0;
	[dreg:$0x9] =	wrdreg s2;
	s23 =	simm.s32 $0x6C80  }
.LBB2_1:
0x15: {  	s2 =	rddreg [dreg:$0x5]  }
0x16: {  	[spmem:s18], [sflag:s9] =	dma.local [hbm:s2], $0x800  }
0x17: {  	s2 =	rddreg [dreg:$0x7]  }
0x18: {  	[tilespmem:s12], [sflag:$0x5] =	stream.linear.gather [hbm4b:s2+s12], $0x3000, $0x38;
	[tilespmem:$0x1DC80] =	vst v63  }
0x19: {  	_ =	swait.ge [sflag:s19], $0x3000  }
0x1a: {  	[sflag:s19] =	ssyncset.done $0x0  }
0x1b: {  	[sflag:s19] =	ssyncadd.s32 $0xFFFFD000  }
0x1c: {  	[tilespmem:$0xA900] =	vst v1  }
0x1d: {  	[tilespmem:$0xA910] =	vst v1  }
0x1e: {  	[tilespmem:$0xA920] =	vst v1  }
0x1f: {  	[tilespmem:$0xA930] =	vst v1  }
0x20: {  	[tilespmem:$0xA940] =	vst v1  }
0x21: {  	[tilespmem:$0xA950] =	vst v1  }
0x22: {  	[tilespmem:$0xA960] =	vst v1  }
0x23: {  	[tilespmem:$0xA970] =	vst v1  }
0x24: {  	[tilespmem:$0xA980] =	vst v1  }
0x25: {  	[tilespmem:$0xA990] =	vst v1  }
0x26: {  	[tilespmem:$0xA9A0] =	vst v1  }
0x27: {  	[tilespmem:$0xA9B0] =	vst v1  }
0x28: {  	[tilespmem:$0xA9C0] =	vst v1  }
0x29: {  	[tilespmem:$0xA9D0] =	vst v1  }
0x2a: {  	[tilespmem:$0xA9E0] =	vst v1  }
0x2b: {  	[tilespmem:$0xA9F0] =	vst v1  }
0x2c: {  	[tilespmem:$0xAA00] =	vst v1  }
0x2d: {  	[tilespmem:$0xAA10] =	vst v1  }
0x2e: {  	[tilespmem:$0xAA20] =	vst v1  }
0x2f: {  	[tilespmem:$0xAA30] =	vst v1  }
0x30: {  	[tilespmem:$0xAA40] =	vst v1  }
0x31: {  	[tilespmem:$0xAA50] =	vst v1  }
0x32: {  	[tilespmem:$0xAA60] =	vst v1  }
0x33: {  	[tilespmem:$0xAA70] =	vst v1  }
0x34: {  	[tilespmem:$0xAA80] =	vst v1  }
0x35: {  	[tilespmem:$0xAA90] =	vst v1  }
0x36: {  	[tilespmem:$0xAAA0] =	vst v1  }
0x37: {  	[tilespmem:$0xAAB0] =	vst v1  }
0x38: {  	[tilespmem:$0xAAC0] =	vst v1  }
0x39: {  	[tilespmem:$0xAAD0] =	vst v1  }
0x3a: {  	[tilespmem:$0xAAE0] =	vst v1  }
0x3b: {  	[tilespmem:$0xAAF0] =	vst v1  }
0x3c: {  	[tilespmem:$0xAB00] =	vst v1  }
0x3d: {  	[tilespmem:$0xAB10] =	vst v1  }
0x3e: {  	[tilespmem:$0xAB20] =	vst v1  }
0x3f: {  	[tilespmem:$0xAB30] =	vst v1  }
0x40: {  	[tilespmem:$0xAB40] =	vst v1  }
0x41: {  	[tilespmem:$0xAB50] =	vst v1  }
0x42: {  	[tilespmem:$0xAB60] =	vst v1  }
0x43: {  	[tilespmem:$0xAB70] =	vst v1  }
0x44: {  	[tilespmem:$0xAB80] =	vst v1  }
0x45: {  	[tilespmem:$0xAB90] =	vst v1  }
0x46: {  	[tilespmem:$0xABA0] =	vst v1  }
0x47: {  	[tilespmem:$0xABB0] =	vst v1  }
0x48: {  	[tilespmem:$0xABC0] =	vst v1  }
0x49: {  	[tilespmem:$0xABD0] =	vst v1  }
0x4a: {  	[tilespmem:$0xABE0] =	vst v1  }
0x4b: {  	[tilespmem:$0xABF0] =	vst v1  }
0x4c: {  	s2 =	simm.s32 $0x0;
	[tilespmem:$0xAC00] =	vst v1  }
.LBB2_2:
0x4d: {  	p0 =	sne.s32 s2, $0xF1C0  }
.Ltmp0:
0x4e: {  	_ = 	snop;
	(pc) =	sbr.rel @p0 .LBB2_2-.Ltmp0, $4  }
0x4f: {  	_ = 	snop  }
0x50: {  	s5 =	sshra.s32 s2, $0x2  }
0x51: {  	[tilespmem:s5+$0x3000] =	vst v1  }
0x52: {  	s2 =	sadd.s32 $0x40, s2;
	[tilespmem:s5+$0x6C80] =	vst v0  }
0x53: {  	s2 =	simm.s32 $0x0;
	s5 =	simm.s32 $0x200  }
.LBB2_4:
0x54: {  	p0 =	sne.s32 s5, $0x7E00;
	[tilespmem:s2+$0xACF0] =	vst v2  }
0x55: {  	[tilespmem:s2+$0xAC80] =	vst v2  }
0x56: {  	[tilespmem:s2+$0xAC90] =	vst v2  }
.Ltmp1:
0x57: {  	[tilespmem:s2+$0xACA0] =	vst v2;
	(pc) =	sbr.rel @p0 .LBB2_4-.Ltmp1, $4  }
0x58: {  	[tilespmem:s2+$0xACB0] =	vst v2  }
0x59: {  	[tilespmem:s2+$0xACC0] =	vst v2  }
0x5a: {  	[tilespmem:s2+$0xACD0] =	vst v2  }
0x5b: {  	[tilespmem:s2+$0xACE0] =	vst v2;
	s2 =	sshra.s32 s5, $0x2;
	s5 =	sadd.s32 $0x200, s5  }
0x5c: {  	[tilespmem:s2+$0xACF0] =	vst v2  }
0x5d: {  	[tilespmem:s2+$0xAC80] =	vst v2  }
0x5e: {  	[tilespmem:s2+$0xAC90] =	vst v2  }
0x5f: {  	[tilespmem:s2+$0xACA0] =	vst v2  }
0x60: {  	[tilespmem:s2+$0xACB0] =	vst v2  }
0x61: {  	[tilespmem:s2+$0xACC0] =	vst v2  }
0x62: {  	[tilespmem:s2+$0xACD0] =	vst v2  }
0x63: {  	[tilespmem:s2+$0xACE0] =	vst v2;
	s16 =	rddreg [dreg:$0x6]  }
0x64: {  	[spmem:s16] =	stream.linear.scatter [tilespmem:s20], [sflag:$0x5], $0x2000, $0x38;
	[tilespmem:$0x1DC80] =	vst v63  }
0x65: {  	_ =	swait.ge [sflag:s19], $0x2000  }
0x66: {  	[sflag:s19] =	ssyncset.done $0x0  }
0x67: {  	s17 =	rddreg [dreg:$0x8];
	[sflag:s19] =	ssyncadd.s32 $0xFFFFE000  }
0x68: {  	[spmem:s17] =	stream.linear.scatter [tilespmem:s20], [sflag:$0x5], $0x2000, $0x38;
	[tilespmem:$0x1DC80] =	vst v63  }
0x69: {  	_ =	swait.ge [sflag:s19], $0x2000  }
0x6a: {  	s2 =	simm.s32 $0x0;
	[sflag:s19] =	ssyncset.done $0x0  }
0x6b: {  	s5 =	simm.s32 $0x0;
	s11 =	simm.s32 $0x0;
	[sflag:s19] =	ssyncadd.s32 $0xFFFFE000  }
.LBB2_6:
0x6c: {  	s8 =	sshrl.u32 s11, $0x3  }
0x6d: {  	s8 =	smul.u32 $0x3000, s8;
	_ =	sdelay $0x1  }
0x6e: {  	s15 =	sand.u32 $0x380, s5;
	s8 =	sshra.s32 s8, $0x2  }
0x6f: {  	s16 =	sor.u32 s15, s8  }
0x70: {  	v5 =	vld [tilespmem:s16+$0x0];
	_ =	sdelay $0x4  }
0x71: {  	v5 =	vshra.s32 v5, $0x7  }
0x72: {  	v5 =	vand.u32 $0xFFFFFFF0, v5  }
0x73: {  	v5 =	vor.u32 v3, v5;
	_ =	sdelay $0x3  }
0x74: {  	s15 =	simm.s32 $0xA900  }
0x75: {  	v6 =	vld.idx.msk [tilespmem:v5+s15+$0x0], $0xffff;
	_ =	sdelay $0x4  }
0x76: {  	v6 =	vadd.s32 $0x1, v6  }
0x77: {  	[tilespmem:v5+s15+$0x0] =	vst.idx.msk $0xffff, v6  }
0x78: {  	v5 =	vld [tilespmem:s16+$0x10];
	_ =	sdelay $0x4  }
0x79: {  	v5 =	vshra.s32 v5, $0x7  }
0x7a: {  	v5 =	vand.u32 $0xFFFFFFF0, v5  }
0x7b: {  	v5 =	vor.u32 v3, v5;
	_ =	sdelay $0x4  }
0x7c: {  	v6 =	vld.idx.msk [tilespmem:v5+s15+$0x0], $0xffff;
	_ =	sdelay $0x4  }
0x7d: {  	v6 =	vadd.s32 $0x1, v6  }
0x7e: {  	[tilespmem:v5+s15+$0x0] =	vst.idx.msk $0xffff, v6  }
0x7f: {  	v5 =	vld [tilespmem:s16+$0x20];
	_ =	sdelay $0x4  }
0x80: {  	v5 =	vshra.s32 v5, $0x7  }
0x81: {  	v5 =	vand.u32 $0xFFFFFFF0, v5  }
0x82: {  	v5 =	vor.u32 v3, v5;
	_ =	sdelay $0x4  }
0x83: {  	v6 =	vld.idx.msk [tilespmem:v5+s15+$0x0], $0xffff;
	_ =	sdelay $0x4  }
0x84: {  	v6 =	vadd.s32 $0x1, v6  }
0x85: {  	[tilespmem:v5+s15+$0x0] =	vst.idx.msk $0xffff, v6  }
0x86: {  	v5 =	vld [tilespmem:s16+$0x30];
	_ =	sdelay $0x4  }
0x87: {  	v5 =	vshra.s32 v5, $0x7  }
0x88: {  	v5 =	vand.u32 $0xFFFFFFF0, v5  }
0x89: {  	v5 =	vor.u32 v3, v5;
	_ =	sdelay $0x4  }
0x8a: {  	v6 =	vld.idx.msk [tilespmem:v5+s15+$0x0], $0xffff;
	_ =	sdelay $0x4  }
0x8b: {  	v6 =	vadd.s32 $0x1, v6  }
0x8c: {  	[tilespmem:v5+s15+$0x0] =	vst.idx.msk $0xffff, v6  }
0x8d: {  	v5 =	vld [tilespmem:s16+$0x40];
	_ =	sdelay $0x4  }
0x8e: {  	v5 =	vshra.s32 v5, $0x7  }
0x8f: {  	v5 =	vand.u32 $0xFFFFFFF0, v5  }
0x90: {  	v5 =	vor.u32 v3, v5;
	_ =	sdelay $0x4  }
0x91: {  	v6 =	vld.idx.msk [tilespmem:v5+s15+$0x0], $0xffff;
	_ =	sdelay $0x4  }
0x92: {  	v6 =	vadd.s32 $0x1, v6  }
0x93: {  	[tilespmem:v5+s15+$0x0] =	vst.idx.msk $0xffff, v6  }
0x94: {  	v5 =	vld [tilespmem:s16+$0x50];
	_ =	sdelay $0x4  }
0x95: {  	v5 =	vshra.s32 v5, $0x7  }
0x96: {  	v5 =	vand.u32 $0xFFFFFFF0, v5  }
0x97: {  	v5 =	vor.u32 v3, v5;
	_ =	sdelay $0x4  }
0x98: {  	v6 =	vld.idx.msk [tilespmem:v5+s15+$0x0], $0xffff;
	_ =	sdelay $0x4  }
0x99: {  	v6 =	vadd.s32 $0x1, v6  }
0x9a: {  	[tilespmem:v5+s15+$0x0] =	vst.idx.msk $0xffff, v6  }
0x9b: {  	v5 =	vld [tilespmem:s16+$0x60];
	_ =	sdelay $0x4  }
0x9c: {  	v5 =	vshra.s32 v5, $0x7  }
0x9d: {  	v5 =	vand.u32 $0xFFFFFFF0, v5  }
0x9e: {  	v5 =	vor.u32 v3, v5;
	_ =	sdelay $0x4  }
0x9f: {  	v6 =	vld.idx.msk [tilespmem:v5+s15+$0x0], $0xffff;
	_ =	sdelay $0x4  }
0xa0: {  	v6 =	vadd.s32 $0x1, v6  }
0xa1: {  	[tilespmem:v5+s15+$0x0] =	vst.idx.msk $0xffff, v6  }
0xa2: {  	v5 =	vld [tilespmem:s16+$0x70];
	_ =	sdelay $0x4  }
0xa3: {  	v5 =	vshra.s32 v5, $0x7  }
0xa4: {  	v5 =	vand.u32 $0xFFFFFFF0, v5  }
0xa5: {  	v5 =	vor.u32 v3, v5;
	_ =	sdelay $0x4  }
0xa6: {  	v6 =	vld.idx.msk [tilespmem:v5+s15+$0x0], $0xffff;
	_ =	sdelay $0x4  }
0xa7: {  	v6 =	vadd.s32 $0x1, v6  }
0xa8: {  	[tilespmem:v5+s15+$0x0] =	vst.idx.msk $0xffff, v6  }
0xa9: {  	v5 =	vld [tilespmem:s16+$0x400];
	_ =	sdelay $0x4  }
0xaa: {  	v5 =	vshra.s32 v5, $0x7  }
0xab: {  	v5 =	vand.u32 $0xFFFFFFF0, v5  }
0xac: {  	v5 =	vor.u32 v3, v5;
	_ =	sdelay $0x4  }
0xad: {  	v6 =	vld.idx.msk [tilespmem:v5+s15+$0x0], $0xffff;
	_ =	sdelay $0x4  }
0xae: {  	v6 =	vadd.s32 $0x1, v6  }
0xaf: {  	[tilespmem:v5+s15+$0x0] =	vst.idx.msk $0xffff, v6  }
0xb0: {  	v5 =	vld [tilespmem:s16+$0x410];
	_ =	sdelay $0x4  }
0xb1: {  	v5 =	vshra.s32 v5, $0x7  }
0xb2: {  	v5 =	vand.u32 $0xFFFFFFF0, v5  }
0xb3: {  	v5 =	vor.u32 v3, v5;
	_ =	sdelay $0x4  }
0xb4: {  	v6 =	vld.idx.msk [tilespmem:v5+s15+$0x0], $0xffff;
	_ =	sdelay $0x4  }
0xb5: {  	v6 =	vadd.s32 $0x1, v6  }
0xb6: {  	[tilespmem:v5+s15+$0x0] =	vst.idx.msk $0xffff, v6  }
0xb7: {  	v5 =	vld [tilespmem:s16+$0x420];
	_ =	sdelay $0x4  }
0xb8: {  	v5 =	vshra.s32 v5, $0x7  }
0xb9: {  	v5 =	vand.u32 $0xFFFFFFF0, v5  }
0xba: {  	v5 =	vor.u32 v3, v5;
	_ =	sdelay $0x4  }
0xbb: {  	v6 =	vld.idx.msk [tilespmem:v5+s15+$0x0], $0xffff;
	_ =	sdelay $0x4  }
0xbc: {  	v6 =	vadd.s32 $0x1, v6  }
0xbd: {  	[tilespmem:v5+s15+$0x0] =	vst.idx.msk $0xffff, v6  }
0xbe: {  	v5 =	vld [tilespmem:s16+$0x430];
	_ =	sdelay $0x4  }
0xbf: {  	v5 =	vshra.s32 v5, $0x7  }
0xc0: {  	v5 =	vand.u32 $0xFFFFFFF0, v5  }
0xc1: {  	v5 =	vor.u32 v3, v5;
	_ =	sdelay $0x4  }
0xc2: {  	v6 =	vld.idx.msk [tilespmem:v5+s15+$0x0], $0xffff;
	_ =	sdelay $0x4  }
0xc3: {  	v6 =	vadd.s32 $0x1, v6  }
0xc4: {  	[tilespmem:v5+s15+$0x0] =	vst.idx.msk $0xffff, v6  }
0xc5: {  	v5 =	vld [tilespmem:s16+$0x440];
	_ =	sdelay $0x4  }
0xc6: {  	v5 =	vshra.s32 v5, $0x7  }
0xc7: {  	v5 =	vand.u32 $0xFFFFFFF0, v5  }
0xc8: {  	v5 =	vor.u32 v3, v5;
	_ =	sdelay $0x4  }
0xc9: {  	v6 =	vld.idx.msk [tilespmem:v5+s15+$0x0], $0xffff;
	_ =	sdelay $0x4  }
0xca: {  	v6 =	vadd.s32 $0x1, v6  }
0xcb: {  	[tilespmem:v5+s15+$0x0] =	vst.idx.msk $0xffff, v6  }
0xcc: {  	v5 =	vld [tilespmem:s16+$0x450];
	_ =	sdelay $0x4  }
0xcd: {  	v5 =	vshra.s32 v5, $0x7  }
0xce: {  	v5 =	vand.u32 $0xFFFFFFF0, v5  }
0xcf: {  	v5 =	vor.u32 v3, v5;
	_ =	sdelay $0x4  }
0xd0: {  	v6 =	vld.idx.msk [tilespmem:v5+s15+$0x0], $0xffff;
	_ =	sdelay $0x4  }
0xd1: {  	v6 =	vadd.s32 $0x1, v6  }
0xd2: {  	[tilespmem:v5+s15+$0x0] =	vst.idx.msk $0xffff, v6  }
0xd3: {  	v5 =	vld [tilespmem:s16+$0x460];
	_ =	sdelay $0x4  }
0xd4: {  	v5 =	vshra.s32 v5, $0x7  }
0xd5: {  	v5 =	vand.u32 $0xFFFFFFF0, v5  }
0xd6: {  	v5 =	vor.u32 v3, v5;
	_ =	sdelay $0x4  }
0xd7: {  	v6 =	vld.idx.msk [tilespmem:v5+s15+$0x0], $0xffff;
	_ =	sdelay $0x4  }
0xd8: {  	v6 =	vadd.s32 $0x1, v6  }
0xd9: {  	[tilespmem:v5+s15+$0x0] =	vst.idx.msk $0xffff, v6  }
0xda: {  	v5 =	vld [tilespmem:s16+$0x470];
	_ =	sdelay $0x4  }
0xdb: {  	v5 =	vshra.s32 v5, $0x7  }
0xdc: {  	v5 =	vand.u32 $0xFFFFFFF0, v5  }
0xdd: {  	v5 =	vor.u32 v3, v5;
	_ =	sdelay $0x4  }
0xde: {  	v6 =	vld.idx.msk [tilespmem:v5+s15+$0x0], $0xffff;
	_ =	sdelay $0x4  }
0xdf: {  	v6 =	vadd.s32 $0x1, v6  }
0xe0: {  	[tilespmem:v5+s15+$0x0] =	vst.idx.msk $0xffff, v6  }
0xe1: {  	v5 =	vld [tilespmem:s16+$0x800];
	_ =	sdelay $0x4  }
0xe2: {  	v5 =	vshra.s32 v5, $0x7  }
0xe3: {  	v5 =	vand.u32 $0xFFFFFFF0, v5  }
0xe4: {  	v5 =	vor.u32 v3, v5;
	_ =	sdelay $0x4  }
0xe5: {  	v6 =	vld.idx.msk [tilespmem:v5+s15+$0x0], $0xffff;
	_ =	sdelay $0x4  }
0xe6: {  	v6 =	vadd.s32 $0x1, v6  }
0xe7: {  	[tilespmem:v5+s15+$0x0] =	vst.idx.msk $0xffff, v6  }
0xe8: {  	v5 =	vld [tilespmem:s16+$0x810];
	_ =	sdelay $0x4  }
0xe9: {  	v5 =	vshra.s32 v5, $0x7  }
0xea: {  	v5 =	vand.u32 $0xFFFFFFF0, v5  }
0xeb: {  	v5 =	vor.u32 v3, v5;
	_ =	sdelay $0x4  }
0xec: {  	v6 =	vld.idx.msk [tilespmem:v5+s15+$0x0], $0xffff  }
0xed: {  	p0 =	sne.s32 s11, $0x1F  }
.Ltmp2:
0xee: {  	_ = 	snop;
	(pc) =	sbr.rel @p0 .LBB2_6-.Ltmp2, $3  }
0xef: {  	_ =	sdelay $0x1  }
0xf0: {  	v6 =	vadd.s32 $0x1, v6  }
0xf1: {  	s5 =	sadd.s32 $0x80, s5;
	s11 =	sadd.s32 $0x1, s11;
	[tilespmem:v5+s15+$0x0] =	vst.idx.msk $0x1, v6  }
0xf2: {  	v5 =	vld [tilespmem:s15+$0x0];
	_ =	sdelay $0x4  }
0xf3: {  	(xrf0) =	vadd.scan.msk.s32 $0xffff, v5;
	_ =	sdelay $0x5  }
0xf4: {  	v6, _, _ =	vpop (xrf0)  }
0xf5: {  	(v2sf) =	vpush v6, $0xF;
	_ =	sdelay $0x1  }
0xf6: {  	v5 =	vsub.s32 s2, v5  }
0xf7: {  	v5 =	vadd.s32 v6, v5  }
0xf8: {  	s8 =	simm.s32 $0x0;
	s5 =	simm.s32 $0xA910;
	[tilespmem:s15+$0x0] =	vst v5  }
0xf9: {  	s11 =	simm.s32 $0x4;
	[smem:s8] =	sst s2;
	s8 =	simm.s32 $0x8;
	v5 =	vld [tilespmem:s5+$0x0]  }
.LBB2_8:
0xfa: {  	p0 =	sne.s32 s8, $0xC0;
	_ =	sdelay $0x3  }
0xfb: {  	(xrf0) =	vadd.scan.msk.s32 $0xffff, v5;
	_ =	sdelay $0x4  }
0xfc: {  	s15 =	spop (v2sf)  }
0xfd: {  	v6, _, _ =	vpop (xrf0);
	s2 =	sadd.s32 s2, s15  }
0xfe: {  	(v2sf) =	vpush v6, $0xF;
	s2 =	sadd.s32 $0x7, s2  }
.Ltmp3:
0xff: {  	s11 =	sshra.s32 s11, $0x2;
	s2 =	sand.u32 $0xFFFFFFF8, s2;
	(pc) =	sbr.rel @p0 .LBB2_8-.Ltmp3, $4  }
0x100: {  	v5 =	vsub.s32 s2, v5;
	[smem:s11] =	sst s2;
	s11 =	smov.u32 s8  }
0x101: {  	v5 =	vadd.s32 v6, v5  }
0x102: {  	[tilespmem:s5+$0x0] =	vst v5;
	s5 =	sadd.s32 $0x10, s5  }
0x103: {  	s8 =	sadd.s32 $0x4, s8;
	v5 =	vld [tilespmem:s5+$0x0]  }
0x104: {  	_ =	sdelay $0x3  }
0x105: {  	(xrf0) =	vadd.scan.msk.s32 $0xffff, v5;
	_ =	sdelay $0x5  }
0x106: {  	v6, _, _ =	vpop (xrf0)  }
0x107: {  	(v2sf) =	vpush v6, $0xF;
	_ =	sdelay $0xb  }
0x108: {  	s8 =	spop (v2sf)  }
0x109: {  	s2 =	sadd.s32 s2, s8  }
0x10a: {  	s2 =	sadd.s32 $0x7, s2  }
0x10b: {  	s2 =	sand.u32 $0xFFFFFFF8, s2;
	s16 =	spop (v2sf)  }
0x10c: {  	s8 =	sadd.s32 s2, s16  }
0x10d: {  	s11 =	sshra.s32 s11, $0x2;
	s8 =	sadd.s32 $0x7, s8  }
0x10e: {  	v5 =	vsub.s32 s2, v5;
	[smem:s11] =	sst s2;
	s17 =	sand.u32 $0xFFFFFFF8, s8  }
0x10f: {  	s15 =	simm.s32 $0x0;
	v5 =	vadd.s32 v6, v5;
	[smem:$0x31] =	sst s17  }
0x110: {  	[tilespmem:s5+$0x0] =	vst v5;
	s5 =	simm.s32 $0x0;
	s2 =	simm.s32 $0x0;
	s17 =	rddreg [dreg:$0xb]  }
.LBB2_10:
0x111: {  	s8 =	sshrl.u32 s15, $0x3  }
0x112: {  	s8 =	smul.u32 $0x3000, s8;
	_ =	sdelay $0x1  }
0x113: {  	s11 =	sand.u32 $0x380, s5;
	s8 =	sshra.s32 s8, $0x2  }
0x114: {  	s16 =	sor.u32 s11, s8  }
0x115: {  	v5 =	vld [tilespmem:s16+$0x0];
	_ =	sdelay $0x4  }
0x116: {  	v6 =	vshra.s32 v5, $0xB  }
0x117: {  	v7 =	vshll.u32 v6, $0x4  }
0x118: {  	v7 =	vor.u32 v3, v7;
	_ =	sdelay $0x4  }
0x119: {  	v8 =	vld.idx.msk [tilespmem:v7+s21+$0x0], $0xffff;
	_ =	sdelay $0x4  }
0x11a: {  	vm0 =	veq.s32 v6, $0x30  }
0x11b: {  	v5 =	vand.u32 $0x7FF, v5;
	v6 =	vsel vm0, $0x160, v1  }
0x11c: {  	s12 =	sadd.s32 $0xFFFFFFFF, s17;
	v5 =	vadd.s32 v5, v6  }
0x11d: {  	[tilespmem:v8+s22+$0x0] =	vst.idx.msk $0xffff, v5;
	v5 =	vmov s12  }
0x11e: {  	v6 =	vadd.s32 $0x1, v8;
	[tilespmem:v8+s23+$0x0] =	vst.idx.msk $0xffff, v5  }
0x11f: {  	[tilespmem:v7+s21+$0x0] =	vst.idx.msk $0xffff, v6  }
0x120: {  	v6 =	vld [tilespmem:s16+$0x10];
	_ =	sdelay $0x4  }
0x121: {  	v7 =	vshra.s32 v6, $0xB  }
0x122: {  	v34 =	vshll.u32 v7, $0x4  }
0x123: {  	v8 =	vor.u32 v3, v34;
	_ =	sdelay $0x4  }
0x124: {  	v9 =	vld.idx.msk [tilespmem:v8+s21+$0x0], $0xffff;
	_ =	sdelay $0x4  }
0x125: {  	vm11 =	veq.s32 v7, $0x30  }
0x126: {  	v6 =	vand.u32 $0x7FF, v6;
	v7 =	vsel vm11, $0x160, v1  }
0x127: {  	v6 =	vadd.s32 v6, v7  }
0x128: {  	[tilespmem:v9+s22+$0x0] =	vst.idx.msk $0xffff, v6  }
0x129: {  	v6 =	vadd.s32 $0x1, v9;
	[tilespmem:v9+s23+$0x0] =	vst.idx.msk $0xffff, v5  }
0x12a: {  	[tilespmem:v8+s21+$0x0] =	vst.idx.msk $0xffff, v6  }
0x12b: {  	v6 =	vld [tilespmem:s16+$0x20];
	_ =	sdelay $0x4  }
0x12c: {  	v7 =	vshra.s32 v6, $0xB  }
0x12d: {  	v35 =	vshll.u32 v7, $0x4  }
0x12e: {  	v8 =	vor.u32 v3, v35;
	_ =	sdelay $0x4  }
0x12f: {  	v36 =	vld.idx.msk [tilespmem:v8+s21+$0x0], $0xffff;
	_ =	sdelay $0x4  }
0x130: {  	vm12 =	veq.s32 v7, $0x30  }
0x131: {  	v6 =	vand.u32 $0x7FF, v6;
	v7 =	vsel vm12, $0x160, v1  }
0x132: {  	v6 =	vadd.s32 v6, v7  }
0x133: {  	[tilespmem:v36+s22+$0x0] =	vst.idx.msk $0xffff, v6  }
0x134: {  	v6 =	vadd.s32 $0x1, v36;
	[tilespmem:v36+s23+$0x0] =	vst.idx.msk $0xffff, v5  }
0x135: {  	[tilespmem:v8+s21+$0x0] =	vst.idx.msk $0xffff, v6  }
0x136: {  	v6 =	vld [tilespmem:s16+$0x30];
	_ =	sdelay $0x4  }
0x137: {  	v7 =	vshra.s32 v6, $0xB  }
0x138: {  	v37 =	vshll.u32 v7, $0x4  }
0x139: {  	v8 =	vor.u32 v3, v37;
	_ =	sdelay $0x4  }
0x13a: {  	v38 =	vld.idx.msk [tilespmem:v8+s21+$0x0], $0xffff;
	_ =	sdelay $0x4  }
0x13b: {  	vm13 =	veq.s32 v7, $0x30  }
0x13c: {  	v6 =	vand.u32 $0x7FF, v6;
	v7 =	vsel vm13, $0x160, v1  }
0x13d: {  	v6 =	vadd.s32 v6, v7  }
0x13e: {  	[tilespmem:v38+s22+$0x0] =	vst.idx.msk $0xffff, v6  }
0x13f: {  	v6 =	vadd.s32 $0x1, v38;
	[tilespmem:v38+s23+$0x0] =	vst.idx.msk $0xffff, v5  }
0x140: {  	[tilespmem:v8+s21+$0x0] =	vst.idx.msk $0xffff, v6  }
0x141: {  	v6 =	vld [tilespmem:s16+$0x40];
	_ =	sdelay $0x4  }
0x142: {  	v7 =	vshra.s32 v6, $0xB  }
0x143: {  	v39 =	vshll.u32 v7, $0x4  }
0x144: {  	v8 =	vor.u32 v3, v39;
	_ =	sdelay $0x4  }
0x145: {  	v40 =	vld.idx.msk [tilespmem:v8+s21+$0x0], $0xffff;
	_ =	sdelay $0x4  }
0x146: {  	vm14 =	veq.s32 v7, $0x30  }
0x147: {  	v6 =	vand.u32 $0x7FF, v6;
	v7 =	vsel vm14, $0x160, v1  }
0x148: {  	v6 =	vadd.s32 v6, v7  }
0x149: {  	[tilespmem:v40+s22+$0x0] =	vst.idx.msk $0xffff, v6  }
0x14a: {  	v6 =	vadd.s32 $0x1, v40;
	[tilespmem:v40+s23+$0x0] =	vst.idx.msk $0xffff, v5  }
0x14b: {  	[tilespmem:v8+s21+$0x0] =	vst.idx.msk $0xffff, v6  }
0x14c: {  	v6 =	vld [tilespmem:s16+$0x50];
	_ =	sdelay $0x4  }
0x14d: {  	v7 =	vshra.s32 v6, $0xB  }
0x14e: {  	v41 =	vshll.u32 v7, $0x4  }
0x14f: {  	v8 =	vor.u32 v3, v41;
	_ =	sdelay $0x4  }
0x150: {  	v42 =	vld.idx.msk [tilespmem:v8+s21+$0x0], $0xffff;
	_ =	sdelay $0x4  }
0x151: {  	vm15 =	veq.s32 v7, $0x30  }
0x152: {  	v6 =	vand.u32 $0x7FF, v6;
	v7 =	vsel vm15, $0x160, v1  }
0x153: {  	v6 =	vadd.s32 v6, v7  }
0x154: {  	[tilespmem:v42+s22+$0x0] =	vst.idx.msk $0xffff, v6  }
0x155: {  	v6 =	vadd.s32 $0x1, v42;
	[tilespmem:v42+s23+$0x0] =	vst.idx.msk $0xffff, v5  }
0x156: {  	[tilespmem:v8+s21+$0x0] =	vst.idx.msk $0xffff, v6  }
0x157: {  	v6 =	vld [tilespmem:s16+$0x60];
	_ =	sdelay $0x4  }
0x158: {  	v7 =	vshra.s32 v6, $0xB  }
0x159: {  	v43 =	vshll.u32 v7, $0x4  }
0x15a: {  	v8 =	vor.u32 v3, v43;
	_ =	sdelay $0x4  }
0x15b: {  	v44 =	vld.idx.msk [tilespmem:v8+s21+$0x0], $0xffff;
	_ =	sdelay $0x4  }
0x15c: {  	vm4 =	veq.s32 v7, $0x30  }
0x15d: {  	v6 =	vand.u32 $0x7FF, v6;
	v7 =	vsel vm4, $0x160, v1  }
0x15e: {  	v6 =	vadd.s32 v6, v7  }
0x15f: {  	[tilespmem:v44+s22+$0x0] =	vst.idx.msk $0xffff, v6  }
0x160: {  	v6 =	vadd.s32 $0x1, v44;
	[tilespmem:v44+s23+$0x0] =	vst.idx.msk $0xffff, v5  }
0x161: {  	[tilespmem:v8+s21+$0x0] =	vst.idx.msk $0xffff, v6  }
0x162: {  	v6 =	vld [tilespmem:s16+$0x70];
	_ =	sdelay $0x4  }
0x163: {  	v7 =	vshra.s32 v6, $0xB  }
0x164: {  	v45 =	vshll.u32 v7, $0x4  }
0x165: {  	v8 =	vor.u32 v3, v45;
	_ =	sdelay $0x4  }
0x166: {  	v46 =	vld.idx.msk [tilespmem:v8+s21+$0x0], $0xffff;
	_ =	sdelay $0x4  }
0x167: {  	vm5 =	veq.s32 v7, $0x30  }
0x168: {  	v6 =	vand.u32 $0x7FF, v6;
	v7 =	vsel vm5, $0x160, v1  }
0x169: {  	v6 =	vadd.s32 v6, v7  }
0x16a: {  	[tilespmem:v46+s22+$0x0] =	vst.idx.msk $0xffff, v6  }
0x16b: {  	v6 =	vadd.s32 $0x1, v46;
	[tilespmem:v46+s23+$0x0] =	vst.idx.msk $0xffff, v5  }
0x16c: {  	[tilespmem:v8+s21+$0x0] =	vst.idx.msk $0xffff, v6  }
0x16d: {  	v6 =	vld [tilespmem:s16+$0x400];
	_ =	sdelay $0x4  }
0x16e: {  	v7 =	vshra.s32 v6, $0xB  }
0x16f: {  	v47 =	vshll.u32 v7, $0x4  }
0x170: {  	v8 =	vor.u32 v3, v47;
	_ =	sdelay $0x4  }
0x171: {  	v48 =	vld.idx.msk [tilespmem:v8+s21+$0x0], $0xffff;
	_ =	sdelay $0x4  }
0x172: {  	vm6 =	veq.s32 v7, $0x30  }
0x173: {  	v6 =	vand.u32 $0x7FF, v6;
	v7 =	vsel vm6, $0x160, v1  }
0x174: {  	v6 =	vadd.s32 v6, v7  }
0x175: {  	[tilespmem:v48+s22+$0x0] =	vst.idx.msk $0xffff, v6  }
0x176: {  	v6 =	vadd.s32 $0x1, v48;
	[tilespmem:v48+s23+$0x0] =	vst.idx.msk $0xffff, v5  }
0x177: {  	[tilespmem:v8+s21+$0x0] =	vst.idx.msk $0xffff, v6  }
0x178: {  	v6 =	vld [tilespmem:s16+$0x410];
	_ =	sdelay $0x4  }
0x179: {  	v7 =	vshra.s32 v6, $0xB  }
0x17a: {  	v49 =	vshll.u32 v7, $0x4  }
0x17b: {  	v8 =	vor.u32 v3, v49;
	_ =	sdelay $0x4  }
0x17c: {  	v50 =	vld.idx.msk [tilespmem:v8+s21+$0x0], $0xffff;
	_ =	sdelay $0x4  }
0x17d: {  	vm7 =	veq.s32 v7, $0x30  }
0x17e: {  	v6 =	vand.u32 $0x7FF, v6;
	v7 =	vsel vm7, $0x160, v1  }
0x17f: {  	v6 =	vadd.s32 v6, v7  }
0x180: {  	[tilespmem:v50+s22+$0x0] =	vst.idx.msk $0xffff, v6  }
0x181: {  	v6 =	vadd.s32 $0x1, v50;
	[tilespmem:v50+s23+$0x0] =	vst.idx.msk $0xffff, v5  }
0x182: {  	[tilespmem:v8+s21+$0x0] =	vst.idx.msk $0xffff, v6  }
0x183: {  	v6 =	vld [tilespmem:s16+$0x420];
	_ =	sdelay $0x4  }
0x184: {  	v7 =	vshra.s32 v6, $0xB  }
0x185: {  	v51 =	vshll.u32 v7, $0x4  }
0x186: {  	v8 =	vor.u32 v3, v51;
	_ =	sdelay $0x4  }
0x187: {  	v52 =	vld.idx.msk [tilespmem:v8+s21+$0x0], $0xffff;
	_ =	sdelay $0x4  }
0x188: {  	vm8 =	veq.s32 v7, $0x30  }
0x189: {  	v6 =	vand.u32 $0x7FF, v6;
	v7 =	vsel vm8, $0x160, v1  }
0x18a: {  	v6 =	vadd.s32 v6, v7  }
0x18b: {  	[tilespmem:v52+s22+$0x0] =	vst.idx.msk $0xffff, v6  }
0x18c: {  	v6 =	vadd.s32 $0x1, v52;
	[tilespmem:v52+s23+$0x0] =	vst.idx.msk $0xffff, v5  }
0x18d: {  	[tilespmem:v8+s21+$0x0] =	vst.idx.msk $0xffff, v6  }
0x18e: {  	v6 =	vld [tilespmem:s16+$0x430];
	_ =	sdelay $0x4  }
0x18f: {  	v7 =	vshra.s32 v6, $0xB  }
0x190: {  	v53 =	vshll.u32 v7, $0x4  }
0x191: {  	v8 =	vor.u32 v3, v53;
	_ =	sdelay $0x4  }
0x192: {  	v54 =	vld.idx.msk [tilespmem:v8+s21+$0x0], $0xffff;
	_ =	sdelay $0x4  }
0x193: {  	vm9 =	veq.s32 v7, $0x30  }
0x194: {  	v6 =	vand.u32 $0x7FF, v6;
	v7 =	vsel vm9, $0x160, v1  }
0x195: {  	v6 =	vadd.s32 v6, v7  }
0x196: {  	[tilespmem:v54+s22+$0x0] =	vst.idx.msk $0xffff, v6  }
0x197: {  	v6 =	vadd.s32 $0x1, v54;
	[tilespmem:v54+s23+$0x0] =	vst.idx.msk $0xffff, v5  }
0x198: {  	[tilespmem:v8+s21+$0x0] =	vst.idx.msk $0xffff, v6  }
0x199: {  	v6 =	vld [tilespmem:s16+$0x440];
	_ =	sdelay $0x4  }
0x19a: {  	v7 =	vshra.s32 v6, $0xB  }
0x19b: {  	v55 =	vshll.u32 v7, $0x4  }
0x19c: {  	v8 =	vor.u32 v3, v55;
	_ =	sdelay $0x4  }
0x19d: {  	v56 =	vld.idx.msk [tilespmem:v8+s21+$0x0], $0xffff;
	_ =	sdelay $0x4  }
0x19e: {  	vm10 =	veq.s32 v7, $0x30  }
0x19f: {  	v6 =	vand.u32 $0x7FF, v6;
	v7 =	vsel vm10, $0x160, v1  }
0x1a0: {  	v6 =	vadd.s32 v6, v7  }
0x1a1: {  	[tilespmem:v56+s22+$0x0] =	vst.idx.msk $0xffff, v6  }
0x1a2: {  	v6 =	vadd.s32 $0x1, v56;
	[tilespmem:v56+s23+$0x0] =	vst.idx.msk $0xffff, v5  }
0x1a3: {  	[tilespmem:v8+s21+$0x0] =	vst.idx.msk $0xffff, v6  }
0x1a4: {  	v6 =	vld [tilespmem:s16+$0x450];
	_ =	sdelay $0x4  }
0x1a5: {  	v7 =	vshra.s32 v6, $0xB  }
0x1a6: {  	v57 =	vshll.u32 v7, $0x4  }
0x1a7: {  	v8 =	vor.u32 v3, v57;
	_ =	sdelay $0x4  }
0x1a8: {  	v58 =	vld.idx.msk [tilespmem:v8+s21+$0x0], $0xffff;
	_ =	sdelay $0x4  }
0x1a9: {  	vm11 =	veq.s32 v7, $0x30  }
0x1aa: {  	v6 =	vand.u32 $0x7FF, v6;
	v7 =	vsel vm11, $0x160, v1  }
0x1ab: {  	v6 =	vadd.s32 v6, v7  }
0x1ac: {  	[tilespmem:v58+s22+$0x0] =	vst.idx.msk $0xffff, v6  }
0x1ad: {  	v6 =	vadd.s32 $0x1, v58;
	[tilespmem:v58+s23+$0x0] =	vst.idx.msk $0xffff, v5  }
0x1ae: {  	[tilespmem:v8+s21+$0x0] =	vst.idx.msk $0xffff, v6  }
0x1af: {  	v6 =	vld [tilespmem:s16+$0x460];
	_ =	sdelay $0x4  }
0x1b0: {  	v7 =	vshra.s32 v6, $0xB  }
0x1b1: {  	v59 =	vshll.u32 v7, $0x4  }
0x1b2: {  	v8 =	vor.u32 v3, v59;
	_ =	sdelay $0x4  }
0x1b3: {  	v60 =	vld.idx.msk [tilespmem:v8+s21+$0x0], $0xffff;
	_ =	sdelay $0x4  }
0x1b4: {  	vm12 =	veq.s32 v7, $0x30  }
0x1b5: {  	v6 =	vand.u32 $0x7FF, v6;
	v7 =	vsel vm12, $0x160, v1  }
0x1b6: {  	v6 =	vadd.s32 v6, v7  }
0x1b7: {  	[tilespmem:v60+s22+$0x0] =	vst.idx.msk $0xffff, v6  }
0x1b8: {  	v6 =	vadd.s32 $0x1, v60;
	[tilespmem:v60+s23+$0x0] =	vst.idx.msk $0xffff, v5  }
0x1b9: {  	[tilespmem:v8+s21+$0x0] =	vst.idx.msk $0xffff, v6  }
0x1ba: {  	v6 =	vld [tilespmem:s16+$0x470];
	_ =	sdelay $0x4  }
0x1bb: {  	v7 =	vshra.s32 v6, $0xB  }
0x1bc: {  	v61 =	vshll.u32 v7, $0x4  }
0x1bd: {  	v8 =	vor.u32 v3, v61;
	_ =	sdelay $0x4  }
0x1be: {  	v62 =	vld.idx.msk [tilespmem:v8+s21+$0x0], $0xffff;
	_ =	sdelay $0x4  }
0x1bf: {  	vm13 =	veq.s32 v7, $0x30  }
0x1c0: {  	v6 =	vand.u32 $0x7FF, v6;
	v7 =	vsel vm13, $0x160, v1  }
0x1c1: {  	v6 =	vadd.s32 v6, v7  }
0x1c2: {  	[tilespmem:v62+s22+$0x0] =	vst.idx.msk $0xffff, v6  }
0x1c3: {  	[tilespmem:v62+s23+$0x0] =	vst.idx.msk $0xffff, v5;
	v5 =	vadd.s32 $0x1, v62  }
0x1c4: {  	[tilespmem:v8+s21+$0x0] =	vst.idx.msk $0xffff, v5  }
0x1c5: {  	v5 =	vld [tilespmem:s16+$0x800];
	_ =	sdelay $0x4  }
0x1c6: {  	v6 =	vshra.s32 v5, $0xB  }
0x1c7: {  	v7 =	vshll.u32 v6, $0x4  }
0x1c8: {  	v7 =	vor.u32 v3, v7;
	_ =	sdelay $0x4  }
0x1c9: {  	v8 =	vld.idx.msk [tilespmem:v7+s21+$0x0], $0xffff;
	_ =	sdelay $0x4  }
0x1ca: {  	vm14 =	veq.s32 v6, $0x30  }
0x1cb: {  	v5 =	vand.u32 $0x7FF, v5;
	v6 =	vsel vm14, $0x160, v1  }
0x1cc: {  	v5 =	vadd.s32 v5, v6  }
0x1cd: {  	[tilespmem:v8+s22+$0x0] =	vst.idx.msk $0xffff, v5;
	v5 =	vmov s17  }
0x1ce: {  	[tilespmem:v8+s23+$0x0] =	vst.idx.msk $0xffff, v5;
	v5 =	vadd.s32 $0x1, v8  }
0x1cf: {  	[tilespmem:v7+s21+$0x0] =	vst.idx.msk $0xffff, v5  }
0x1d0: {  	v5 =	vld [tilespmem:s16+$0x810];
	_ =	sdelay $0x4  }
0x1d1: {  	v6 =	vshra.s32 v5, $0xB  }
0x1d2: {  	v7 =	vshll.u32 v6, $0x4  }
0x1d3: {  	v7 =	vor.u32 v3, v7;
	_ =	sdelay $0x4  }
0x1d4: {  	v63 =	vld.idx.msk [tilespmem:v7+s21+$0x0], $0xffff;
	_ =	sdelay $0x4  }
0x1d5: {  	p0 =	sne.s32 s15, $0x1F;
	vm15 =	veq.s32 v6, $0x30  }
.Ltmp4:
0x1d6: {  	v5 =	vand.u32 $0x7FF, v5;
	v6 =	vsel vm15, $0x160, v1;
	(pc) =	sbr.rel @p0 .LBB2_10-.Ltmp4, $4  }
0x1d7: {  	v5 =	vadd.s32 v5, v6  }
0x1d8: {  	v6 =	vor.u32 s12, v4;
	[tilespmem:v63+s22+$0x0] =	vst.idx.msk $0x1, v5  }
0x1d9: {  	v5 =	vadd.s32 $0x1, v63;
	[tilespmem:v63+s23+$0x0] =	vst.idx.msk $0x1, v6  }
0x1da: {  	s5 =	sadd.s32 $0x80, s5;
	s15 =	sadd.s32 $0x1, s15;
	s17 =	sadd.s32 $0x4, s17;
	[tilespmem:v7+s21+$0x0] =	vst.idx.msk $0x1, v5  }
.Ltmp5:
0x1db: {  	_ = 	snop;
	(pc) =	sbr.rel .LBB2_11-.Ltmp5, $1  }
0x1dc: {  	_ =	sdelay $0x3  }
.LBB2_24:
0x1dd: {  	p0 =	sgt.s32 s15, $0x2F  }
0x1de: {  	p2 =	seq.s32 @p0 s15, $0x30  }
0x1df: {  	p1 =	por !p2, !p0  }
0x1e0: {  	s8 =	sadd.s32 @!p1 s11, s5  }
0x1e1: {  	s12 =	simm.s32 @!p1 $0x30;
	s16 =	simm.s32 @!p1 $0xAC80;
	s10 =	sadd.s32 @!p1 $0x3000, s8  }
0x1e2: {  	[tilespmem:s16], [sflag:$0x3] =	stream.indirect.gather @!p1 [spmem:s14], $0x80, s10, s12, $0xb8;
	[tilespmem:$0x1DC80] =	vst v63  }
0x1e3: {  	s10 =	simm.s32 @!p1 $0x3  }
0x1e4: {  	_ =	swait.ge @!p1 [sflag:s10], $0x1800  }
0x1e5: {  	[sflag:s10] =	ssyncset.done @!p1 $0x0  }
0x1e6: {  	p3 =	por p2, !p0;
	s8 =	sadd.s32 @!p1 $0x6C80, s8;
	[sflag:s10] =	ssyncadd.s32 @!p1 $0xFFFFE800  }
0x1e7: {  	[spmem:s3] =	stream.indirect.scatter.add.f32 @!p1 [tilespmem:s16], [sflag:$0x4], $0x80, s8, s12, $0xb8;
	[tilespmem:$0x1DC80] =	vst v63  }
0x1e8: {  	p3 =	seq.s32 @!p3 s15, $0x38;
	s8 =	simm.s32 @!p1 $0x4  }
0x1e9: {  	p2 =	por @p0 !p3, p2;
	_ =	swait.ge @!p1 [sflag:s8], $0x1800  }
0x1ea: {  	p3 =	por p2, !p0;
	[sflag:s8] =	ssyncset.done @!p1 $0x0  }
0x1eb: {  	[sflag:s8] =	ssyncadd.s32 @!p1 $0xFFFFE800;
	s8 =	sadd.s32 @!p3 s11, s5  }
0x1ec: {  	s12 =	simm.s32 @!p3 $0x38;
	s16 =	simm.s32 @!p3 $0xAC80;
	s10 =	sadd.s32 @!p3 $0x3000, s8  }
0x1ed: {  	[tilespmem:s16], [sflag:$0x3] =	stream.indirect.gather @!p3 [spmem:s14], $0x80, s10, s12, $0xb8;
	[tilespmem:$0x1DC80] =	vst v63  }
0x1ee: {  	s10 =	simm.s32 @!p3 $0x3  }
0x1ef: {  	_ =	swait.ge @!p3 [sflag:s10], $0x1C00  }
0x1f0: {  	[sflag:s10] =	ssyncset.done @!p3 $0x0  }
0x1f1: {  	s8 =	sadd.s32 @!p3 $0x6C80, s8;
	[sflag:s10] =	ssyncadd.s32 @!p3 $0xFFFFE400  }
0x1f2: {  	[spmem:s3] =	stream.indirect.scatter.add.f32 @!p3 [tilespmem:s16], [sflag:$0x4], $0x80, s8, s12, $0xb8;
	[tilespmem:$0x1DC80] =	vst v63  }
0x1f3: {  	s8 =	simm.s32 @!p3 $0x4  }
0x1f4: {  	p2 =	seq.s32 @!p0 s15, $0x20;
	_ =	swait.ge @!p3 [sflag:s8], $0x1C00  }
0x1f5: {  	p1 =	por !p2, p0;
	[sflag:s8] =	ssyncset.done @!p3 $0x0  }
0x1f6: {  	[sflag:s8] =	ssyncadd.s32 @!p3 $0xFFFFE400;
	s8 =	sadd.s32 @!p1 s11, s5  }
0x1f7: {  	s12 =	simm.s32 @!p1 $0x20;
	s16 =	simm.s32 @!p1 $0xAC80;
	s10 =	sadd.s32 @!p1 $0x3000, s8  }
0x1f8: {  	[tilespmem:s16], [sflag:$0x3] =	stream.indirect.gather @!p1 [spmem:s14], $0x80, s10, s12, $0xb8;
	[tilespmem:$0x1DC80] =	vst v63  }
0x1f9: {  	s10 =	simm.s32 @!p1 $0x3  }
0x1fa: {  	_ =	swait.ge @!p1 [sflag:s10], $0x1000  }
0x1fb: {  	p3 =	por p2, p0;
	[sflag:s10] =	ssyncset.done @!p1 $0x0  }
0x1fc: {  	s8 =	sadd.s32 @!p1 $0x6C80, s8;
	p3 =	seq.s32 @!p3 s15, $0x28;
	[sflag:s10] =	ssyncadd.s32 @!p1 $0xFFFFF000  }
0x1fd: {  	[spmem:s3] =	stream.indirect.scatter.add.f32 @!p1 [tilespmem:s16], [sflag:$0x4], $0x80, s8, s12, $0xb8;
	[tilespmem:$0x1DC80] =	vst v63  }
0x1fe: {  	p2 =	por @!p0 !p3, p2;
	s8 =	simm.s32 @!p1 $0x4  }
0x1ff: {  	p0 =	por p2, p0;
	_ =	swait.ge @!p1 [sflag:s8], $0x1000  }
0x200: {  	s5 =	sadd.s32 @!p0 s11, s5;
	s11 =	simm.s32 @!p0 $0xAC80;
	[sflag:s8] =	ssyncset.done @!p1 $0x0  }
0x201: {  	s10 =	simm.s32 @!p0 $0x28;
	[sflag:s8] =	ssyncadd.s32 @!p1 $0xFFFFF000;
	s8 =	sadd.s32 @!p0 $0x3000, s5  }
0x202: {  	[tilespmem:s11], [sflag:$0x3] =	stream.indirect.gather @!p0 [spmem:s14], $0x80, s8, s10, $0xb8;
	[tilespmem:$0x1DC80] =	vst v63  }
0x203: {  	s8 =	simm.s32 @!p0 $0x3  }
0x204: {  	_ =	swait.ge @!p0 [sflag:s8], $0x1400  }
0x205: {  	[sflag:s8] =	ssyncset.done @!p0 $0x0  }
0x206: {  	s5 =	sadd.s32 @!p0 $0x6C80, s5;
	[sflag:s8] =	ssyncadd.s32 @!p0 $0xFFFFEC00  }
0x207: {  	[spmem:s3] =	stream.indirect.scatter.add.f32 @!p0 [tilespmem:s11], [sflag:$0x4], $0x80, s5, s10, $0xb8;
	[tilespmem:$0x1DC80] =	vst v63  }
0x208: {  	s5 =	simm.s32 @!p0 $0x4  }
0x209: {  	_ =	swait.ge @!p0 [sflag:s5], $0x1400  }
0x20a: {  	[sflag:s5] =	ssyncset.done @!p0 $0x0  }
0x20b: {  	[sflag:s5] =	ssyncadd.s32 @!p0 $0xFFFFEC00  }
.LBB2_25:
0x20c: {  	s2 =	sadd.s32 $0x1, s2  }
0x20d: {  	p0 =	sne.s32 s2, $0x18  }
.Ltmp6:
0x20e: {  	_ = 	snop;
	(pc) =	sbr.rel @!p0 .LBB2_26-.Ltmp6, $1  }
0x20f: {  	_ =	sdelay $0x3  }
.LBB2_11:
0x210: {  	_ =	swait.ge [sflag:s24], $0x800  }
0x211: {  	[sflag:s24] =	ssyncset.done $0x0  }
0x212: {  	s5 =	sshll.u32 s2, $0x1;
	s8 =	sshll.u32 s2, $0x10;
	[sflag:s24] =	ssyncadd.s32 $0xFFFFF800  }
0x213: {  	s11 =	sor.u32 $0x1C02, s7;
	s8 =	sadd.s32 s8, s13;
	[bflag:$0x0] =	sbarrier.arrive $0xFFFF  }
0x214: {  	[spmem:s25], [sflag:s11] =	dma.local [hbm:s8], $0x800  }
0x215: {  	s17 =	sshllo.u32 s2, $0x1;
	s11 =	sld [smem:s5+$0x0]  }
0x216: {  	s8 =	sld [smem:s17+$0x0];
	_ =	sdelay $0x2  }
0x217: {  	s16 =	ssub.s32 s8, s11  }
0x218: {  	s8 =	sshra.s32 s16, $0x7  }
0x219: {  	p0 =	slt.s32 s8, $0x1  }
.Ltmp7:
0x21a: {  	_ = 	snop;
	(pc) =	sbr.rel @p0 .LBB2_15-.Ltmp7, $1  }
0x21b: {  	_ =	sdelay $0x3  }
0x21c: {  	s15 =	sshll.u32 s11, $0x2  }
0x21d: {  	s17 =	sshra.s32 s15, $0x2  }
0x21e: {  	s15 =	sadd.s32 $0x3000, s17  }
0x21f: {  	[tilespmem:s20], [sflag:$0x3] =	stream.indirect.gather [spmem:s4], $0x80, s15, s26, $0xb8;
	[tilespmem:$0x1DC80] =	vst v63  }
0x220: {  	s12 =	sadd.s32 $0x40, s15  }
0x221: {  	[tilespmem:s28], [sflag:$0x3] =	stream.indirect.gather [spmem:s4], $0x80, s12, s26, $0xb8;
	[tilespmem:$0x1DC80] =	vst v63  }
0x222: {  	_ =	swait.ge [sflag:s29], $0x2000  }
0x223: {  	[sflag:s29] =	ssyncset.done $0x0  }
0x224: {  	s17 =	sadd.s32 $0x6C80, s17;
	[sflag:s29] =	ssyncadd.s32 $0xFFFFE000  }
0x225: {  	[spmem:s3] =	stream.indirect.scatter.add.f32 [tilespmem:s20], [sflag:$0x4], $0x80, s17, s26, $0xb8;
	[tilespmem:$0x1DC80] =	vst v63  }
0x226: {  	_ =	swait.ge [sflag:s29], $0x2000  }
0x227: {  	[sflag:s29] =	ssyncset.done $0x0  }
0x228: {  	p0 =	sne.s32 s8, $0x1;
	s10 =	sadd.s32 $0x40, s17;
	[sflag:s29] =	ssyncadd.s32 $0xFFFFE000  }
0x229: {  	[spmem:s3] =	stream.indirect.scatter.add.f32 [tilespmem:s28], [sflag:$0x4], $0x80, s10, s26, $0xb8;
	[tilespmem:$0x1DC80] =	vst v63  }
.Ltmp8:
0x22a: {  	_ =	swait.ge [sflag:s30], $0x2000;
	(pc) =	sbr.rel @!p0 .LBB2_14-.Ltmp8, $4  }
0x22b: {  	[sflag:s30] =	ssyncset.done $0x0  }
0x22c: {  	[sflag:s30] =	ssyncadd.s32 $0xFFFFE000  }
0x22d: {  	_ =	swait.ge [sflag:s30], $0x2000  }
0x22e: {  	s8 =	sadd.s32 $0xFFFFFFFF, s8;
	[sflag:s30] =	ssyncset.done $0x0  }
.LBB2_13:
0x22f: {  	[sflag:s30] =	ssyncadd.s32 $0xFFFFE000;
	s17 =	sadd.s32 $0x80, s17;
	s15 =	sadd.s32 $0x80, s15  }
0x230: {  	[tilespmem:s20], [sflag:$0x3] =	stream.indirect.gather [spmem:s4], $0x80, s15, s26, $0xb8;
	[tilespmem:$0x1DC80] =	vst v63  }
0x231: {  	p0 =	sne.s32 s8, $0x1;
	s8 =	sadd.s32 $0xFFFFFFFF, s8;
	s12 =	sadd.s32 $0x40, s15  }
0x232: {  	[tilespmem:s28], [sflag:$0x3] =	stream.indirect.gather [spmem:s4], $0x80, s12, s26, $0xb8;
	[tilespmem:$0x1DC80] =	vst v63  }
0x233: {  	_ =	swait.ge [sflag:s29], $0x2000  }
0x234: {  	[sflag:s29] =	ssyncset.done $0x0  }
0x235: {  	[sflag:s29] =	ssyncadd.s32 $0xFFFFE000  }
0x236: {  	[spmem:s3] =	stream.indirect.scatter.add.f32 [tilespmem:s20], [sflag:$0x4], $0x80, s17, s26, $0xb8;
	[tilespmem:$0x1DC80] =	vst v63  }
0x237: {  	_ =	swait.ge [sflag:s29], $0x2000  }
0x238: {  	[sflag:s29] =	ssyncset.done $0x0  }
0x239: {  	s12 =	sadd.s32 $0x40, s17;
	[sflag:s29] =	ssyncadd.s32 $0xFFFFE000  }
0x23a: {  	[spmem:s3] =	stream.indirect.scatter.add.f32 [tilespmem:s28], [sflag:$0x4], $0x80, s12, s26, $0xb8;
	[tilespmem:$0x1DC80] =	vst v63  }
.Ltmp9:
0x23b: {  	_ =	swait.ge [sflag:s30], $0x2000;
	(pc) =	sbr.rel @p0 .LBB2_13-.Ltmp9, $4  }
0x23c: {  	[sflag:s30] =	ssyncset.done $0x0  }
0x23d: {  	[sflag:s30] =	ssyncadd.s32 $0xFFFFE000  }
0x23e: {  	_ =	swait.ge [sflag:s30], $0x2000  }
0x23f: {  	[sflag:s30] =	ssyncset.done $0x0  }
.LBB2_14:
0x240: {  	[sflag:s30] =	ssyncadd.s32 $0xFFFFE000  }
.LBB2_15:
0x241: {  	s8 =	sand.u32 $0x40, s16  }
0x242: {  	s15 =	sand.u32 $0xFFFFFFC0, s16;
	p0 =	seq.s32 s8, $0x0  }
0x243: {  	s8 =	sadd.s32 @!p0 s11, s15  }
0x244: {  	s17 =	simm.s32 @!p0 $0x40;
	s10 =	simm.s32 @!p0 $0xAC80;
	s12 =	sadd.s32 @!p0 $0x2FC0, s8  }
0x245: {  	[tilespmem:s10], [sflag:$0x3] =	stream.indirect.gather @!p0 [spmem:s4], $0x80, s12, s17, $0xb8;
	[tilespmem:$0x1DC80] =	vst v63  }
0x246: {  	s12 =	simm.s32 @!p0 $0x3  }
0x247: {  	_ =	swait.ge @!p0 [sflag:s12], $0x2000  }
0x248: {  	s16 =	sand.u32 $0x3F, s16;
	[sflag:s12] =	ssyncset.done @!p0 $0x0  }
0x249: {  	p1 =	sgt.s32 s16, $0x1F;
	s8 =	sadd.s32 @!p0 $0x6C40, s8;
	[sflag:s12] =	ssyncadd.s32 @!p0 $0xFFFFE000  }
0x24a: {  	[spmem:s3] =	stream.indirect.scatter.add.f32 @!p0 [tilespmem:s10], [sflag:$0x4], $0x80, s8, s17, $0xb8;
	[tilespmem:$0x1DC80] =	vst v63  }
.Ltmp10:
0x24b: {  	_ = 	snop;
	(pc) =	sbr.rel @!p1 .LBB2_16-.Ltmp10, $4  }
0x24c: {  	s8 =	simm.s32 @!p0 $0x4  }
0x24d: {  	_ =	swait.ge @!p0 [sflag:s8], $0x2000  }
0x24e: {  	[sflag:s8] =	ssyncset.done @!p0 $0x0  }
0x24f: {  	[sflag:s8] =	ssyncadd.s32 @!p0 $0xFFFFE000  }
0x250: {  	p0 =	sgt.s32 s16, $0x2F  }
0x251: {  	p2 =	seq.s32 @p0 s16, $0x30  }
0x252: {  	p1 =	por !p2, !p0  }
0x253: {  	s8 =	sadd.s32 @!p1 s11, s15  }
0x254: {  	s12 =	simm.s32 @!p1 $0x30;
	s17 =	simm.s32 @!p1 $0xAC80;
	s10 =	sadd.s32 @!p1 $0x3000, s8  }
0x255: {  	[tilespmem:s17], [sflag:$0x3] =	stream.indirect.gather @!p1 [spmem:s4], $0x80, s10, s12, $0xb8;
	[tilespmem:$0x1DC80] =	vst v63  }
0x256: {  	s10 =	simm.s32 @!p1 $0x3  }
0x257: {  	_ =	swait.ge @!p1 [sflag:s10], $0x1800  }
0x258: {  	[sflag:s10] =	ssyncset.done @!p1 $0x0  }
0x259: {  	p3 =	por p2, !p0;
	s8 =	sadd.s32 @!p1 $0x6C80, s8;
	[sflag:s10] =	ssyncadd.s32 @!p1 $0xFFFFE800  }
0x25a: {  	[spmem:s3] =	stream.indirect.scatter.add.f32 @!p1 [tilespmem:s17], [sflag:$0x4], $0x80, s8, s12, $0xb8;
	[tilespmem:$0x1DC80] =	vst v63  }
0x25b: {  	p3 =	seq.s32 @!p3 s16, $0x38;
	s8 =	simm.s32 @!p1 $0x4  }
0x25c: {  	p2 =	por @p0 !p3, p2;
	_ =	swait.ge @!p1 [sflag:s8], $0x1800  }
0x25d: {  	p3 =	por p2, !p0;
	[sflag:s8] =	ssyncset.done @!p1 $0x0  }
0x25e: {  	[sflag:s8] =	ssyncadd.s32 @!p1 $0xFFFFE800;
	s8 =	sadd.s32 @!p3 s11, s15  }
0x25f: {  	s12 =	simm.s32 @!p3 $0x38;
	s17 =	simm.s32 @!p3 $0xAC80;
	s10 =	sadd.s32 @!p3 $0x3000, s8  }
0x260: {  	[tilespmem:s17], [sflag:$0x3] =	stream.indirect.gather @!p3 [spmem:s4], $0x80, s10, s12, $0xb8;
	[tilespmem:$0x1DC80] =	vst v63  }
0x261: {  	s10 =	simm.s32 @!p3 $0x3  }
0x262: {  	_ =	swait.ge @!p3 [sflag:s10], $0x1C00  }
0x263: {  	[sflag:s10] =	ssyncset.done @!p3 $0x0  }
0x264: {  	s8 =	sadd.s32 @!p3 $0x6C80, s8;
	[sflag:s10] =	ssyncadd.s32 @!p3 $0xFFFFE400  }
0x265: {  	[spmem:s3] =	stream.indirect.scatter.add.f32 @!p3 [tilespmem:s17], [sflag:$0x4], $0x80, s8, s12, $0xb8;
	[tilespmem:$0x1DC80] =	vst v63  }
0x266: {  	s8 =	simm.s32 @!p3 $0x4  }
0x267: {  	p2 =	seq.s32 @!p0 s16, $0x20;
	_ =	swait.ge @!p3 [sflag:s8], $0x1C00  }
0x268: {  	p1 =	por !p2, p0;
	[sflag:s8] =	ssyncset.done @!p3 $0x0  }
0x269: {  	[sflag:s8] =	ssyncadd.s32 @!p3 $0xFFFFE400;
	s8 =	sadd.s32 @!p1 s11, s15  }
0x26a: {  	s12 =	simm.s32 @!p1 $0x20;
	s17 =	simm.s32 @!p1 $0xAC80;
	s10 =	sadd.s32 @!p1 $0x3000, s8  }
0x26b: {  	[tilespmem:s17], [sflag:$0x3] =	stream.indirect.gather @!p1 [spmem:s4], $0x80, s10, s12, $0xb8;
	[tilespmem:$0x1DC80] =	vst v63  }
0x26c: {  	s10 =	simm.s32 @!p1 $0x3  }
0x26d: {  	_ =	swait.ge @!p1 [sflag:s10], $0x1000  }
0x26e: {  	[sflag:s10] =	ssyncset.done @!p1 $0x0  }
0x26f: {  	p3 =	por p2, p0;
	s8 =	sadd.s32 @!p1 $0x6C80, s8;
	[sflag:s10] =	ssyncadd.s32 @!p1 $0xFFFFF000  }
0x270: {  	[spmem:s3] =	stream.indirect.scatter.add.f32 @!p1 [tilespmem:s17], [sflag:$0x4], $0x80, s8, s12, $0xb8;
	[tilespmem:$0x1DC80] =	vst v63  }
0x271: {  	p3 =	seq.s32 @!p3 s16, $0x28;
	s8 =	simm.s32 @!p1 $0x4  }
0x272: {  	p2 =	por @!p0 !p3, p2;
	_ =	swait.ge @!p1 [sflag:s8], $0x1000  }
0x273: {  	p0 =	por p2, p0;
	[sflag:s8] =	ssyncset.done @!p1 $0x0  }
0x274: {  	[sflag:s8] =	ssyncadd.s32 @!p1 $0xFFFFF000;
	s8 =	sadd.s32 @!p0 s11, s15  }
0x275: {  	s12 =	simm.s32 @!p0 $0xAC80;
	s11 =	simm.s32 @!p0 $0x28;
	s10 =	sadd.s32 @!p0 $0x3000, s8  }
0x276: {  	[tilespmem:s12], [sflag:$0x3] =	stream.indirect.gather @!p0 [spmem:s4], $0x80, s10, s11, $0xb8;
	[tilespmem:$0x1DC80] =	vst v63  }
0x277: {  	s10 =	simm.s32 @!p0 $0x3  }
0x278: {  	_ =	swait.ge @!p0 [sflag:s10], $0x1400  }
0x279: {  	[sflag:s10] =	ssyncset.done @!p0 $0x0  }
0x27a: {  	s8 =	sadd.s32 @!p0 $0x6C80, s8;
	[sflag:s10] =	ssyncadd.s32 @!p0 $0xFFFFEC00  }
0x27b: {  	[spmem:s3] =	stream.indirect.scatter.add.f32 @!p0 [tilespmem:s12], [sflag:$0x4], $0x80, s8, s11, $0xb8;
	[tilespmem:$0x1DC80] =	vst v63  }
.Ltmp11:
0x27c: {  	_ = 	snop;
	(pc) =	sbr.rel .LBB2_18-.Ltmp11, $4  }
0x27d: {  	s8 =	simm.s32 @!p0 $0x4  }
0x27e: {  	_ =	swait.ge @!p0 [sflag:s8], $0x1400  }
0x27f: {  	[sflag:s8] =	ssyncset.done @!p0 $0x0  }
0x280: {  	[sflag:s8] =	ssyncadd.s32 @!p0 $0xFFFFEC00  }
.LBB2_16:
0x281: {  	p0 =	seq.s32 s16, $0x8  }
0x282: {  	s8 =	sadd.s32 @p0 s11, s15  }
0x283: {  	s12 =	simm.s32 @p0 $0x8;
	s17 =	simm.s32 @p0 $0xAC80;
	s10 =	sadd.s32 @p0 $0x3000, s8  }
0x284: {  	[tilespmem:s17], [sflag:$0x3] =	stream.indirect.gather @p0 [spmem:s4], $0x80, s10, s12, $0xb8;
	[tilespmem:$0x1DC80] =	vst v63  }
0x285: {  	s10 =	simm.s32 @p0 $0x3  }
0x286: {  	_ =	swait.ge @p0 [sflag:s10], $0x400  }
0x287: {  	[sflag:s10] =	ssyncset.done @p0 $0x0  }
0x288: {  	s8 =	sadd.s32 @p0 $0x6C80, s8;
	[sflag:s10] =	ssyncadd.s32 @p0 $0xFFFFFC00  }
0x289: {  	[spmem:s3] =	stream.indirect.scatter.add.f32 @p0 [tilespmem:s17], [sflag:$0x4], $0x80, s8, s12, $0xb8;
	[tilespmem:$0x1DC80] =	vst v63  }
0x28a: {  	s8 =	simm.s32 @p0 $0x4  }
0x28b: {  	p2 =	seq.s32 @!p0 s16, $0x10;
	_ =	swait.ge @p0 [sflag:s8], $0x400  }
0x28c: {  	p1 =	por !p2, p0;
	[sflag:s8] =	ssyncset.done @p0 $0x0  }
0x28d: {  	[sflag:s8] =	ssyncadd.s32 @p0 $0xFFFFFC00;
	s8 =	sadd.s32 @!p1 s11, s15  }
0x28e: {  	s12 =	simm.s32 @!p1 $0x10;
	s17 =	simm.s32 @!p1 $0xAC80;
	s10 =	sadd.s32 @!p1 $0x3000, s8  }
0x28f: {  	[tilespmem:s17], [sflag:$0x3] =	stream.indirect.gather @!p1 [spmem:s4], $0x80, s10, s12, $0xb8;
	[tilespmem:$0x1DC80] =	vst v63  }
0x290: {  	s10 =	simm.s32 @!p1 $0x3  }
0x291: {  	_ =	swait.ge @!p1 [sflag:s10], $0x800  }
0x292: {  	[sflag:s10] =	ssyncset.done @!p1 $0x0  }
0x293: {  	p3 =	por p2, p0;
	s8 =	sadd.s32 @!p1 $0x6C80, s8;
	[sflag:s10] =	ssyncadd.s32 @!p1 $0xFFFFF800  }
0x294: {  	[spmem:s3] =	stream.indirect.scatter.add.f32 @!p1 [tilespmem:s17], [sflag:$0x4], $0x80, s8, s12, $0xb8;
	[tilespmem:$0x1DC80] =	vst v63  }
0x295: {  	p3 =	seq.s32 @!p3 s16, $0x18;
	s8 =	simm.s32 @!p1 $0x4  }
0x296: {  	p2 =	por @!p0 !p3, p2;
	_ =	swait.ge @!p1 [sflag:s8], $0x800  }
0x297: {  	p0 =	por p2, p0;
	[sflag:s8] =	ssyncset.done @!p1 $0x0  }
0x298: {  	[sflag:s8] =	ssyncadd.s32 @!p1 $0xFFFFF800;
	s8 =	sadd.s32 @!p0 s11, s15  }
0x299: {  	s12 =	simm.s32 @!p0 $0xAC80;
	s11 =	simm.s32 @!p0 $0x18;
	s10 =	sadd.s32 @!p0 $0x3000, s8  }
0x29a: {  	[tilespmem:s12], [sflag:$0x3] =	stream.indirect.gather @!p0 [spmem:s4], $0x80, s10, s11, $0xb8;
	[tilespmem:$0x1DC80] =	vst v63  }
0x29b: {  	s10 =	simm.s32 @!p0 $0x3  }
0x29c: {  	_ =	swait.ge @!p0 [sflag:s10], $0xC00  }
0x29d: {  	[sflag:s10] =	ssyncset.done @!p0 $0x0  }
0x29e: {  	s8 =	sadd.s32 @!p0 $0x6C80, s8;
	[sflag:s10] =	ssyncadd.s32 @!p0 $0xFFFFF400  }
0x29f: {  	[spmem:s3] =	stream.indirect.scatter.add.f32 @!p0 [tilespmem:s12], [sflag:$0x4], $0x80, s8, s11, $0xb8;
	[tilespmem:$0x1DC80] =	vst v63  }
0x2a0: {  	s8 =	simm.s32 @!p0 $0x4  }
0x2a1: {  	_ =	swait.ge @!p0 [sflag:s8], $0xC00  }
0x2a2: {  	[sflag:s8] =	ssyncset.done @!p0 $0x0  }
0x2a3: {  	[sflag:s8] =	ssyncadd.s32 @!p0 $0xFFFFF400  }
.LBB2_18:
0x2a4: {  	s8 =	sadd.s32 $0x2, s5  }
0x2a5: {  	p0 =	seq.s32 s8, $0x30;
	s8 =	sshll.u32 s8, $0xB  }
0x2a6: {  	_ =	swait.ge [sflag:s31], $0x800;
	s8 =	simm.s32 @p0 $0x17EA0  }
0x2a7: {  	[sflag:s31] =	ssyncset.done $0x0;
	s8 =	sadd.s32 s6, s8  }
0x2a8: {  	[sflag:s31] =	ssyncadd.s32 $0xFFFFF800;
	s8 =	sshll.u32 s8, $0x4  }
0x2a9: {  	[bflag:$0x0] =	sbarrier.arrive $0xFFFF;
	s8 =	sadd.s32 s1, s8  }
0x2aa: {  	[spmem:s18], [sflag:s9] =	dma.local [hbm:s8], $0x800  }
0x2ab: {  	s11 =	sld [smem:s5+$0x1]  }
0x2ac: {  	s17 =	sld [smem:s5+$0x2];
	_ =	sdelay $0x2  }
0x2ad: {  	s15 =	ssub.s32 s17, s11  }
0x2ae: {  	s8 =	sshra.s32 s15, $0x7  }
0x2af: {  	p0 =	slt.s32 s8, $0x1  }
.Ltmp12:
0x2b0: {  	_ = 	snop;
	(pc) =	sbr.rel @p0 .LBB2_22-.Ltmp12, $1  }
0x2b1: {  	_ =	sdelay $0x3  }
0x2b2: {  	s5 =	sshll.u32 s11, $0x2  }
0x2b3: {  	s10 =	sshra.s32 s5, $0x2  }
0x2b4: {  	s5 =	sadd.s32 $0x3000, s10  }
0x2b5: {  	[tilespmem:s20], [sflag:$0x3] =	stream.indirect.gather [spmem:s14], $0x80, s5, s26, $0xb8;
	[tilespmem:$0x1DC80] =	vst v63  }
0x2b6: {  	s12 =	sadd.s32 $0x40, s5  }
0x2b7: {  	[tilespmem:s28], [sflag:$0x3] =	stream.indirect.gather [spmem:s14], $0x80, s12, s26, $0xb8;
	[tilespmem:$0x1DC80] =	vst v63  }
0x2b8: {  	_ =	swait.ge [sflag:s29], $0x2000  }
0x2b9: {  	[sflag:s29] =	ssyncset.done $0x0  }
0x2ba: {  	s16 =	sadd.s32 $0x6C80, s10;
	[sflag:s29] =	ssyncadd.s32 $0xFFFFE000  }
0x2bb: {  	[spmem:s3] =	stream.indirect.scatter.add.f32 [tilespmem:s20], [sflag:$0x4], $0x80, s16, s26, $0xb8;
	[tilespmem:$0x1DC80] =	vst v63  }
0x2bc: {  	_ =	swait.ge [sflag:s29], $0x2000  }
0x2bd: {  	[sflag:s29] =	ssyncset.done $0x0  }
0x2be: {  	p0 =	sne.s32 s8, $0x1;
	s10 =	sadd.s32 $0x40, s16;
	[sflag:s29] =	ssyncadd.s32 $0xFFFFE000  }
0x2bf: {  	[spmem:s3] =	stream.indirect.scatter.add.f32 [tilespmem:s28], [sflag:$0x4], $0x80, s10, s26, $0xb8;
	[tilespmem:$0x1DC80] =	vst v63  }
.Ltmp13:
0x2c0: {  	_ =	swait.ge [sflag:s30], $0x2000;
	(pc) =	sbr.rel @!p0 .LBB2_21-.Ltmp13, $4  }
0x2c1: {  	[sflag:s30] =	ssyncset.done $0x0  }
0x2c2: {  	[sflag:s30] =	ssyncadd.s32 $0xFFFFE000  }
0x2c3: {  	_ =	swait.ge [sflag:s30], $0x2000  }
0x2c4: {  	s8 =	sadd.s32 $0xFFFFFFFF, s8;
	[sflag:s30] =	ssyncset.done $0x0  }
.LBB2_20:
0x2c5: {  	[sflag:s30] =	ssyncadd.s32 $0xFFFFE000;
	s16 =	sadd.s32 $0x80, s16;
	s5 =	sadd.s32 $0x80, s5  }
0x2c6: {  	[tilespmem:s20], [sflag:$0x3] =	stream.indirect.gather [spmem:s14], $0x80, s5, s26, $0xb8;
	[tilespmem:$0x1DC80] =	vst v63  }
0x2c7: {  	p0 =	sne.s32 s8, $0x1;
	s8 =	sadd.s32 $0xFFFFFFFF, s8;
	s10 =	sadd.s32 $0x40, s5  }
0x2c8: {  	[tilespmem:s28], [sflag:$0x3] =	stream.indirect.gather [spmem:s14], $0x80, s10, s26, $0xb8;
	[tilespmem:$0x1DC80] =	vst v63  }
0x2c9: {  	_ =	swait.ge [sflag:s29], $0x2000  }
0x2ca: {  	[sflag:s29] =	ssyncset.done $0x0  }
0x2cb: {  	[sflag:s29] =	ssyncadd.s32 $0xFFFFE000  }
0x2cc: {  	[spmem:s3] =	stream.indirect.scatter.add.f32 [tilespmem:s20], [sflag:$0x4], $0x80, s16, s26, $0xb8;
	[tilespmem:$0x1DC80] =	vst v63  }
0x2cd: {  	_ =	swait.ge [sflag:s29], $0x2000  }
0x2ce: {  	[sflag:s29] =	ssyncset.done $0x0  }
0x2cf: {  	s10 =	sadd.s32 $0x40, s16;
	[sflag:s29] =	ssyncadd.s32 $0xFFFFE000  }
0x2d0: {  	[spmem:s3] =	stream.indirect.scatter.add.f32 [tilespmem:s28], [sflag:$0x4], $0x80, s10, s26, $0xb8;
	[tilespmem:$0x1DC80] =	vst v63  }
.Ltmp14:
0x2d1: {  	_ =	swait.ge [sflag:s30], $0x2000;
	(pc) =	sbr.rel @p0 .LBB2_20-.Ltmp14, $4  }
0x2d2: {  	[sflag:s30] =	ssyncset.done $0x0  }
0x2d3: {  	[sflag:s30] =	ssyncadd.s32 $0xFFFFE000  }
0x2d4: {  	_ =	swait.ge [sflag:s30], $0x2000  }
0x2d5: {  	[sflag:s30] =	ssyncset.done $0x0  }
.LBB2_21:
0x2d6: {  	[sflag:s30] =	ssyncadd.s32 $0xFFFFE000  }
.LBB2_22:
0x2d7: {  	s8 =	sand.u32 $0x40, s15  }
0x2d8: {  	s5 =	sand.u32 $0xFFFFFFC0, s15;
	p0 =	seq.s32 s8, $0x0  }
0x2d9: {  	s8 =	sadd.s32 @!p0 s11, s5  }
0x2da: {  	s12 =	simm.s32 @!p0 $0x40;
	s16 =	simm.s32 @!p0 $0xAC80;
	s10 =	sadd.s32 @!p0 $0x2FC0, s8  }
0x2db: {  	[tilespmem:s16], [sflag:$0x3] =	stream.indirect.gather @!p0 [spmem:s14], $0x80, s10, s12, $0xb8;
	[tilespmem:$0x1DC80] =	vst v63  }
0x2dc: {  	s10 =	simm.s32 @!p0 $0x3  }
0x2dd: {  	_ =	swait.ge @!p0 [sflag:s10], $0x2000  }
0x2de: {  	s15 =	sand.u32 $0x3F, s15;
	[sflag:s10] =	ssyncset.done @!p0 $0x0  }
0x2df: {  	p1 =	sgt.s32 s15, $0x1F;
	s8 =	sadd.s32 @!p0 $0x6C40, s8;
	[sflag:s10] =	ssyncadd.s32 @!p0 $0xFFFFE000  }
0x2e0: {  	[spmem:s3] =	stream.indirect.scatter.add.f32 @!p0 [tilespmem:s16], [sflag:$0x4], $0x80, s8, s12, $0xb8;
	[tilespmem:$0x1DC80] =	vst v63  }
.Ltmp15:
0x2e1: {  	_ = 	snop;
	(pc) =	sbr.rel @p1 .LBB2_24-.Ltmp15, $4  }
0x2e2: {  	s8 =	simm.s32 @!p0 $0x4  }
0x2e3: {  	_ =	swait.ge @!p0 [sflag:s8], $0x2000  }
0x2e4: {  	[sflag:s8] =	ssyncset.done @!p0 $0x0  }
0x2e5: {  	[sflag:s8] =	ssyncadd.s32 @!p0 $0xFFFFE000  }
0x2e6: {  	p0 =	seq.s32 s15, $0x8  }
0x2e7: {  	s8 =	sadd.s32 @p0 s11, s5  }
0x2e8: {  	s12 =	simm.s32 @p0 $0x8;
	s16 =	simm.s32 @p0 $0xAC80;
	s10 =	sadd.s32 @p0 $0x3000, s8  }
0x2e9: {  	[tilespmem:s16], [sflag:$0x3] =	stream.indirect.gather @p0 [spmem:s14], $0x80, s10, s12, $0xb8;
	[tilespmem:$0x1DC80] =	vst v63  }
0x2ea: {  	s10 =	simm.s32 @p0 $0x3  }
0x2eb: {  	_ =	swait.ge @p0 [sflag:s10], $0x400  }
0x2ec: {  	[sflag:s10] =	ssyncset.done @p0 $0x0  }
0x2ed: {  	s8 =	sadd.s32 @p0 $0x6C80, s8;
	[sflag:s10] =	ssyncadd.s32 @p0 $0xFFFFFC00  }
0x2ee: {  	[spmem:s3] =	stream.indirect.scatter.add.f32 @p0 [tilespmem:s16], [sflag:$0x4], $0x80, s8, s12, $0xb8;
	[tilespmem:$0x1DC80] =	vst v63  }
0x2ef: {  	s8 =	simm.s32 @p0 $0x4  }
0x2f0: {  	p2 =	seq.s32 @!p0 s15, $0x10;
	_ =	swait.ge @p0 [sflag:s8], $0x400  }
0x2f1: {  	p1 =	por !p2, p0;
	[sflag:s8] =	ssyncset.done @p0 $0x0  }
0x2f2: {  	[sflag:s8] =	ssyncadd.s32 @p0 $0xFFFFFC00;
	s8 =	sadd.s32 @!p1 s11, s5  }
0x2f3: {  	s12 =	simm.s32 @!p1 $0x10;
	s16 =	simm.s32 @!p1 $0xAC80;
	s10 =	sadd.s32 @!p1 $0x3000, s8  }
0x2f4: {  	[tilespmem:s16], [sflag:$0x3] =	stream.indirect.gather @!p1 [spmem:s14], $0x80, s10, s12, $0xb8;
	[tilespmem:$0x1DC80] =	vst v63  }
0x2f5: {  	s10 =	simm.s32 @!p1 $0x3  }
0x2f6: {  	_ =	swait.ge @!p1 [sflag:s10], $0x800  }
0x2f7: {  	p3 =	por p2, p0;
	[sflag:s10] =	ssyncset.done @!p1 $0x0  }
0x2f8: {  	p3 =	seq.s32 @!p3 s15, $0x18;
	s8 =	sadd.s32 @!p1 $0x6C80, s8;
	[sflag:s10] =	ssyncadd.s32 @!p1 $0xFFFFF800  }
0x2f9: {  	[spmem:s3] =	stream.indirect.scatter.add.f32 @!p1 [tilespmem:s16], [sflag:$0x4], $0x80, s8, s12, $0xb8;
	[tilespmem:$0x1DC80] =	vst v63  }
0x2fa: {  	p2 =	por @!p0 !p3, p2;
	s8 =	simm.s32 @!p1 $0x4  }
0x2fb: {  	p0 =	por p2, p0;
	_ =	swait.ge @!p1 [sflag:s8], $0x800  }
0x2fc: {  	s5 =	sadd.s32 @!p0 s11, s5;
	s11 =	simm.s32 @!p0 $0xAC80;
	[sflag:s8] =	ssyncset.done @!p1 $0x0  }
0x2fd: {  	s10 =	simm.s32 @!p0 $0x18;
	[sflag:s8] =	ssyncadd.s32 @!p1 $0xFFFFF800;
	s8 =	sadd.s32 @!p0 $0x3000, s5  }
0x2fe: {  	[tilespmem:s11], [sflag:$0x3] =	stream.indirect.gather @!p0 [spmem:s14], $0x80, s8, s10, $0xb8;
	[tilespmem:$0x1DC80] =	vst v63  }
0x2ff: {  	s8 =	simm.s32 @!p0 $0x3  }
0x300: {  	_ =	swait.ge @!p0 [sflag:s8], $0xC00  }
0x301: {  	[sflag:s8] =	ssyncset.done @!p0 $0x0  }
0x302: {  	s5 =	sadd.s32 @!p0 $0x6C80, s5;
	[sflag:s8] =	ssyncadd.s32 @!p0 $0xFFFFF400  }
0x303: {  	[spmem:s3] =	stream.indirect.scatter.add.f32 @!p0 [tilespmem:s11], [sflag:$0x4], $0x80, s5, s10, $0xb8;
	[tilespmem:$0x1DC80] =	vst v63  }
.Ltmp16:
0x304: {  	_ = 	snop;
	(pc) =	sbr.rel .LBB2_25-.Ltmp16, $4  }
0x305: {  	s5 =	simm.s32 @!p0 $0x4  }
0x306: {  	_ =	swait.ge @!p0 [sflag:s5], $0xC00  }
0x307: {  	[sflag:s5] =	ssyncset.done @!p0 $0x0  }
0x308: {  	[sflag:s5] =	ssyncadd.s32 @!p0 $0xFFFFF400  }
.LBB2_26:
0x309: {  	_ =	swait.ge [sflag:s24], $0x800  }
0x30a: {  	[sflag:s24] =	ssyncset.done $0x0  }
0x30b: {  	[sflag:s24] =	ssyncadd.s32 $0xFFFFF800  }
0x30c: {  	[bflag:$0x0] =	sbarrier.arrive $0xFFFF  }
0x30d: {  	s2 =	sld [smem:$0x30]  }
0x30e: {  	s5 =	sld [smem:$0x31];
	_ =	sdelay $0x2  }
0x30f: {  	s11 =	ssub.s32 s5, s2  }
0x310: {  	s8 =	sshra.s32 s11, $0x7  }
0x311: {  	p0 =	slt.s32 s8, $0x1  }
.Ltmp17:
0x312: {  	_ = 	snop;
	(pc) =	sbr.rel @p0 .LBB2_30-.Ltmp17, $1  }
0x313: {  	_ =	sdelay $0x3  }
0x314: {  	s5 =	sshll.u32 s2, $0x2  }
0x315: {  	s10 =	sshra.s32 s5, $0x2  }
0x316: {  	s5 =	sadd.s32 $0x3000, s10  }
0x317: {  	[tilespmem:s20], [sflag:$0x3] =	stream.indirect.gather [spmem:s4], $0x80, s5, s26, $0xb8;
	[tilespmem:$0x1DC80] =	vst v63  }
0x318: {  	s12 =	sadd.s32 $0x40, s5  }
0x319: {  	[tilespmem:s28], [sflag:$0x3] =	stream.indirect.gather [spmem:s4], $0x80, s12, s26, $0xb8;
	[tilespmem:$0x1DC80] =	vst v63  }
0x31a: {  	_ =	swait.ge [sflag:s29], $0x2000  }
0x31b: {  	[sflag:s29] =	ssyncset.done $0x0  }
0x31c: {  	s15 =	sadd.s32 $0x6C80, s10;
	[sflag:s29] =	ssyncadd.s32 $0xFFFFE000  }
0x31d: {  	[spmem:s3] =	stream.indirect.scatter.add.f32 [tilespmem:s20], [sflag:$0x4], $0x80, s15, s26, $0xb8;
	[tilespmem:$0x1DC80] =	vst v63  }
0x31e: {  	_ =	swait.ge [sflag:s29], $0x2000  }
0x31f: {  	[sflag:s29] =	ssyncset.done $0x0  }
0x320: {  	p0 =	sne.s32 s8, $0x1;
	s10 =	sadd.s32 $0x40, s15;
	[sflag:s29] =	ssyncadd.s32 $0xFFFFE000  }
0x321: {  	[spmem:s3] =	stream.indirect.scatter.add.f32 [tilespmem:s28], [sflag:$0x4], $0x80, s10, s26, $0xb8;
	[tilespmem:$0x1DC80] =	vst v63  }
.Ltmp18:
0x322: {  	_ =	swait.ge [sflag:s30], $0x2000;
	(pc) =	sbr.rel @!p0 .LBB2_29-.Ltmp18, $4  }
0x323: {  	[sflag:s30] =	ssyncset.done $0x0  }
0x324: {  	[sflag:s30] =	ssyncadd.s32 $0xFFFFE000  }
0x325: {  	_ =	swait.ge [sflag:s30], $0x2000  }
0x326: {  	s8 =	sadd.s32 $0xFFFFFFFF, s8;
	[sflag:s30] =	ssyncset.done $0x0  }
.LBB2_28:
0x327: {  	[sflag:s30] =	ssyncadd.s32 $0xFFFFE000;
	s15 =	sadd.s32 $0x80, s15;
	s5 =	sadd.s32 $0x80, s5  }
0x328: {  	[tilespmem:s20], [sflag:$0x3] =	stream.indirect.gather [spmem:s4], $0x80, s5, s26, $0xb8;
	[tilespmem:$0x1DC80] =	vst v63  }
0x329: {  	p0 =	sne.s32 s8, $0x1;
	s8 =	sadd.s32 $0xFFFFFFFF, s8;
	s10 =	sadd.s32 $0x40, s5  }
0x32a: {  	[tilespmem:s28], [sflag:$0x3] =	stream.indirect.gather [spmem:s4], $0x80, s10, s26, $0xb8;
	[tilespmem:$0x1DC80] =	vst v63  }
0x32b: {  	_ =	swait.ge [sflag:s29], $0x2000  }
0x32c: {  	[sflag:s29] =	ssyncset.done $0x0  }
0x32d: {  	[sflag:s29] =	ssyncadd.s32 $0xFFFFE000  }
0x32e: {  	[spmem:s3] =	stream.indirect.scatter.add.f32 [tilespmem:s20], [sflag:$0x4], $0x80, s15, s26, $0xb8;
	[tilespmem:$0x1DC80] =	vst v63  }
0x32f: {  	_ =	swait.ge [sflag:s29], $0x2000  }
0x330: {  	[sflag:s29] =	ssyncset.done $0x0  }
0x331: {  	s10 =	sadd.s32 $0x40, s15;
	[sflag:s29] =	ssyncadd.s32 $0xFFFFE000  }
0x332: {  	[spmem:s3] =	stream.indirect.scatter.add.f32 [tilespmem:s28], [sflag:$0x4], $0x80, s10, s26, $0xb8;
	[tilespmem:$0x1DC80] =	vst v63  }
.Ltmp19:
0x333: {  	_ =	swait.ge [sflag:s30], $0x2000;
	(pc) =	sbr.rel @p0 .LBB2_28-.Ltmp19, $4  }
0x334: {  	[sflag:s30] =	ssyncset.done $0x0  }
0x335: {  	[sflag:s30] =	ssyncadd.s32 $0xFFFFE000  }
0x336: {  	_ =	swait.ge [sflag:s30], $0x2000  }
0x337: {  	[sflag:s30] =	ssyncset.done $0x0  }
.LBB2_29:
0x338: {  	[sflag:s30] =	ssyncadd.s32 $0xFFFFE000  }
.LBB2_30:
0x339: {  	s8 =	sand.u32 $0x40, s11  }
0x33a: {  	s5 =	sand.u32 $0xFFFFFFC0, s11;
	p0 =	seq.s32 s8, $0x0  }
0x33b: {  	s8 =	sadd.s32 @!p0 s2, s5  }
0x33c: {  	s12 =	simm.s32 @!p0 $0x40;
	s15 =	simm.s32 @!p0 $0xAC80;
	s10 =	sadd.s32 @!p0 $0x2FC0, s8  }
0x33d: {  	[tilespmem:s15], [sflag:$0x3] =	stream.indirect.gather @!p0 [spmem:s4], $0x80, s10, s12, $0xb8;
	[tilespmem:$0x1DC80] =	vst v63  }
0x33e: {  	s10 =	simm.s32 @!p0 $0x3  }
0x33f: {  	_ =	swait.ge @!p0 [sflag:s10], $0x2000  }
0x340: {  	s11 =	sand.u32 $0x3F, s11;
	[sflag:s10] =	ssyncset.done @!p0 $0x0  }
0x341: {  	p1 =	sgt.s32 s11, $0x1F;
	s8 =	sadd.s32 @!p0 $0x6C40, s8;
	[sflag:s10] =	ssyncadd.s32 @!p0 $0xFFFFE000  }
0x342: {  	[spmem:s3] =	stream.indirect.scatter.add.f32 @!p0 [tilespmem:s15], [sflag:$0x4], $0x80, s8, s12, $0xb8;
	[tilespmem:$0x1DC80] =	vst v63  }
.Ltmp20:
0x343: {  	_ = 	snop;
	(pc) =	sbr.rel @!p1 .LBB2_31-.Ltmp20, $4  }
0x344: {  	s8 =	simm.s32 @!p0 $0x4  }
0x345: {  	_ =	swait.ge @!p0 [sflag:s8], $0x2000  }
0x346: {  	[sflag:s8] =	ssyncset.done @!p0 $0x0  }
0x347: {  	[sflag:s8] =	ssyncadd.s32 @!p0 $0xFFFFE000  }
0x348: {  	p0 =	sgt.s32 s11, $0x2F  }
0x349: {  	p2 =	seq.s32 @p0 s11, $0x30  }
0x34a: {  	p1 =	por !p2, !p0  }
0x34b: {  	s8 =	sadd.s32 @!p1 s2, s5  }
0x34c: {  	s12 =	simm.s32 @!p1 $0x30;
	s15 =	simm.s32 @!p1 $0xAC80;
	s10 =	sadd.s32 @!p1 $0x3000, s8  }
0x34d: {  	[tilespmem:s15], [sflag:$0x3] =	stream.indirect.gather @!p1 [spmem:s4], $0x80, s10, s12, $0xb8;
	[tilespmem:$0x1DC80] =	vst v63  }
0x34e: {  	s10 =	simm.s32 @!p1 $0x3  }
0x34f: {  	_ =	swait.ge @!p1 [sflag:s10], $0x1800  }
0x350: {  	[sflag:s10] =	ssyncset.done @!p1 $0x0  }
0x351: {  	p3 =	por p2, !p0;
	s8 =	sadd.s32 @!p1 $0x6C80, s8;
	[sflag:s10] =	ssyncadd.s32 @!p1 $0xFFFFE800  }
0x352: {  	[spmem:s3] =	stream.indirect.scatter.add.f32 @!p1 [tilespmem:s15], [sflag:$0x4], $0x80, s8, s12, $0xb8;
	[tilespmem:$0x1DC80] =	vst v63  }
0x353: {  	p3 =	seq.s32 @!p3 s11, $0x38;
	s8 =	simm.s32 @!p1 $0x4  }
0x354: {  	p2 =	por @p0 !p3, p2;
	_ =	swait.ge @!p1 [sflag:s8], $0x1800  }
0x355: {  	p3 =	por p2, !p0;
	[sflag:s8] =	ssyncset.done @!p1 $0x0  }
0x356: {  	[sflag:s8] =	ssyncadd.s32 @!p1 $0xFFFFE800;
	s8 =	sadd.s32 @!p3 s2, s5  }
0x357: {  	s12 =	simm.s32 @!p3 $0x38;
	s15 =	simm.s32 @!p3 $0xAC80;
	s10 =	sadd.s32 @!p3 $0x3000, s8  }
0x358: {  	[tilespmem:s15], [sflag:$0x3] =	stream.indirect.gather @!p3 [spmem:s4], $0x80, s10, s12, $0xb8;
	[tilespmem:$0x1DC80] =	vst v63  }
0x359: {  	s10 =	simm.s32 @!p3 $0x3  }
0x35a: {  	_ =	swait.ge @!p3 [sflag:s10], $0x1C00  }
0x35b: {  	[sflag:s10] =	ssyncset.done @!p3 $0x0  }
0x35c: {  	s8 =	sadd.s32 @!p3 $0x6C80, s8;
	[sflag:s10] =	ssyncadd.s32 @!p3 $0xFFFFE400  }
0x35d: {  	[spmem:s3] =	stream.indirect.scatter.add.f32 @!p3 [tilespmem:s15], [sflag:$0x4], $0x80, s8, s12, $0xb8;
	[tilespmem:$0x1DC80] =	vst v63  }
0x35e: {  	s8 =	simm.s32 @!p3 $0x4  }
0x35f: {  	p2 =	seq.s32 @!p0 s11, $0x20;
	_ =	swait.ge @!p3 [sflag:s8], $0x1C00  }
0x360: {  	p1 =	por !p2, p0;
	[sflag:s8] =	ssyncset.done @!p3 $0x0  }
0x361: {  	[sflag:s8] =	ssyncadd.s32 @!p3 $0xFFFFE400;
	s8 =	sadd.s32 @!p1 s2, s5  }
0x362: {  	s12 =	simm.s32 @!p1 $0x20;
	s15 =	simm.s32 @!p1 $0xAC80;
	s10 =	sadd.s32 @!p1 $0x3000, s8  }
0x363: {  	[tilespmem:s15], [sflag:$0x3] =	stream.indirect.gather @!p1 [spmem:s4], $0x80, s10, s12, $0xb8;
	[tilespmem:$0x1DC80] =	vst v63  }
0x364: {  	s10 =	simm.s32 @!p1 $0x3  }
0x365: {  	p3 =	por p2, p0;
	_ =	swait.ge @!p1 [sflag:s10], $0x1000  }
0x366: {  	p3 =	seq.s32 @!p3 s11, $0x28;
	[sflag:s10] =	ssyncset.done @!p1 $0x0  }
0x367: {  	s8 =	sadd.s32 @!p1 $0x6C80, s8;
	p2 =	por @!p0 !p3, p2;
	[sflag:s10] =	ssyncadd.s32 @!p1 $0xFFFFF000  }
0x368: {  	[spmem:s3] =	stream.indirect.scatter.add.f32 @!p1 [tilespmem:s15], [sflag:$0x4], $0x80, s8, s12, $0xb8;
	[tilespmem:$0x1DC80] =	vst v63  }
0x369: {  	p0 =	por p2, p0;
	s8 =	simm.s32 @!p1 $0x4  }
0x36a: {  	s2 =	sadd.s32 @!p0 s2, s5;
	_ =	swait.ge @!p1 [sflag:s8], $0x1000  }
0x36b: {  	s5 =	sadd.s32 @!p0 $0x3000, s2;
	[sflag:s8] =	ssyncset.done @!p1 $0x0  }
0x36c: {  	s10 =	simm.s32 @!p0 $0xAC80;
	[sflag:s8] =	ssyncadd.s32 @!p1 $0xFFFFF000;
	s8 =	simm.s32 @!p0 $0x28  }
0x36d: {  	[tilespmem:s10], [sflag:$0x3] =	stream.indirect.gather @!p0 [spmem:s4], $0x80, s5, s8, $0xb8;
	[tilespmem:$0x1DC80] =	vst v63  }
0x36e: {  	s5 =	simm.s32 @!p0 $0x3  }
0x36f: {  	_ =	swait.ge @!p0 [sflag:s5], $0x1400  }
0x370: {  	[sflag:s5] =	ssyncset.done @!p0 $0x0  }
0x371: {  	s2 =	sadd.s32 @!p0 $0x6C80, s2;
	[sflag:s5] =	ssyncadd.s32 @!p0 $0xFFFFEC00  }
0x372: {  	[spmem:s3] =	stream.indirect.scatter.add.f32 @!p0 [tilespmem:s10], [sflag:$0x4], $0x80, s2, s8, $0xb8;
	[tilespmem:$0x1DC80] =	vst v63  }
.Ltmp21:
0x373: {  	_ = 	snop;
	(pc) =	sbr.rel .LBB2_33-.Ltmp21, $4  }
0x374: {  	s2 =	simm.s32 @!p0 $0x4  }
0x375: {  	_ =	swait.ge @!p0 [sflag:s2], $0x1400  }
0x376: {  	[sflag:s2] =	ssyncset.done @!p0 $0x0  }
0x377: {  	[sflag:s2] =	ssyncadd.s32 @!p0 $0xFFFFEC00  }
.LBB2_31:
0x378: {  	p0 =	seq.s32 s11, $0x8  }
0x379: {  	s8 =	sadd.s32 @p0 s2, s5  }
0x37a: {  	s12 =	simm.s32 @p0 $0x8;
	s15 =	simm.s32 @p0 $0xAC80;
	s10 =	sadd.s32 @p0 $0x3000, s8  }
0x37b: {  	[tilespmem:s15], [sflag:$0x3] =	stream.indirect.gather @p0 [spmem:s4], $0x80, s10, s12, $0xb8;
	[tilespmem:$0x1DC80] =	vst v63  }
0x37c: {  	s10 =	simm.s32 @p0 $0x3  }
0x37d: {  	_ =	swait.ge @p0 [sflag:s10], $0x400  }
0x37e: {  	[sflag:s10] =	ssyncset.done @p0 $0x0  }
0x37f: {  	s8 =	sadd.s32 @p0 $0x6C80, s8;
	[sflag:s10] =	ssyncadd.s32 @p0 $0xFFFFFC00  }
0x380: {  	[spmem:s3] =	stream.indirect.scatter.add.f32 @p0 [tilespmem:s15], [sflag:$0x4], $0x80, s8, s12, $0xb8;
	[tilespmem:$0x1DC80] =	vst v63  }
0x381: {  	s8 =	simm.s32 @p0 $0x4  }
0x382: {  	p2 =	seq.s32 @!p0 s11, $0x10;
	_ =	swait.ge @p0 [sflag:s8], $0x400  }
0x383: {  	p1 =	por !p2, p0;
	[sflag:s8] =	ssyncset.done @p0 $0x0  }
0x384: {  	[sflag:s8] =	ssyncadd.s32 @p0 $0xFFFFFC00;
	s8 =	sadd.s32 @!p1 s2, s5  }
0x385: {  	s12 =	simm.s32 @!p1 $0x10;
	s15 =	simm.s32 @!p1 $0xAC80;
	s10 =	sadd.s32 @!p1 $0x3000, s8  }
0x386: {  	[tilespmem:s15], [sflag:$0x3] =	stream.indirect.gather @!p1 [spmem:s4], $0x80, s10, s12, $0xb8;
	[tilespmem:$0x1DC80] =	vst v63  }
0x387: {  	s10 =	simm.s32 @!p1 $0x3  }
0x388: {  	p3 =	por p2, p0;
	_ =	swait.ge @!p1 [sflag:s10], $0x800  }
0x389: {  	p3 =	seq.s32 @!p3 s11, $0x18;
	[sflag:s10] =	ssyncset.done @!p1 $0x0  }
0x38a: {  	p2 =	por @!p0 !p3, p2;
	s8 =	sadd.s32 @!p1 $0x6C80, s8;
	[sflag:s10] =	ssyncadd.s32 @!p1 $0xFFFFF800  }
0x38b: {  	[spmem:s3] =	stream.indirect.scatter.add.f32 @!p1 [tilespmem:s15], [sflag:$0x4], $0x80, s8, s12, $0xb8;
	[tilespmem:$0x1DC80] =	vst v63  }
0x38c: {  	p0 =	por p2, p0;
	s8 =	simm.s32 @!p1 $0x4  }
0x38d: {  	s2 =	sadd.s32 @!p0 s2, s5;
	_ =	swait.ge @!p1 [sflag:s8], $0x800  }
0x38e: {  	s5 =	sadd.s32 @!p0 $0x3000, s2;
	[sflag:s8] =	ssyncset.done @!p1 $0x0  }
0x38f: {  	s10 =	simm.s32 @!p0 $0xAC80;
	[sflag:s8] =	ssyncadd.s32 @!p1 $0xFFFFF800;
	s8 =	simm.s32 @!p0 $0x18  }
0x390: {  	[tilespmem:s10], [sflag:$0x3] =	stream.indirect.gather @!p0 [spmem:s4], $0x80, s5, s8, $0xb8;
	[tilespmem:$0x1DC80] =	vst v63  }
0x391: {  	s5 =	simm.s32 @!p0 $0x3  }
0x392: {  	_ =	swait.ge @!p0 [sflag:s5], $0xC00  }
0x393: {  	[sflag:s5] =	ssyncset.done @!p0 $0x0  }
0x394: {  	s2 =	sadd.s32 @!p0 $0x6C80, s2;
	[sflag:s5] =	ssyncadd.s32 @!p0 $0xFFFFF400  }
0x395: {  	[spmem:s3] =	stream.indirect.scatter.add.f32 @!p0 [tilespmem:s10], [sflag:$0x4], $0x80, s2, s8, $0xb8;
	[tilespmem:$0x1DC80] =	vst v63  }
0x396: {  	s2 =	simm.s32 @!p0 $0x4  }
0x397: {  	_ =	swait.ge @!p0 [sflag:s2], $0xC00  }
0x398: {  	[sflag:s2] =	ssyncset.done @!p0 $0x0  }
0x399: {  	[sflag:s2] =	ssyncadd.s32 @!p0 $0xFFFFF400  }
.LBB2_33:
0x39a: {  	s2 =	rddreg [dreg:$0x6]  }
0x39b: {  	[tilespmem:s20], [sflag:$0x5] =	stream.linear.gather [spmem:s2], $0x2000, $0x38;
	[tilespmem:$0x1DC80] =	vst v63  }
0x39c: {  	_ =	swait.ge [sflag:s19], $0x2000  }
0x39d: {  	[sflag:s19] =	ssyncset.done $0x0  }
0x39e: {  	s17 =	rddreg [dreg:$0x8];
	[sflag:s19] =	ssyncadd.s32 $0xFFFFE000  }
0x39f: {  	[tilespmem:s28], [sflag:$0x5] =	stream.linear.gather [spmem:s17], $0x2000, $0x38;
	[tilespmem:$0x1DC80] =	vst v63  }
0x3a0: {  	s5 =	simm.s32 $0xAD40;
	_ =	swait.ge [sflag:s19], $0x2000  }
0x3a1: {  	s11 =	simm.s32 $0xCD40;
	s15 =	simm.s32 $0x0;
	[sflag:s19] =	ssyncset.done $0x0  }
0x3a2: {  	s12 =	simm.s32 $0x0;
	s2 =	simm.s32 $0x0;
	[sflag:s19] =	ssyncadd.s32 $0xFFFFE000  }
.LBB2_34:
0x3a3: {  	v5 =	vld [tilespmem:s5+$0xFFFFFF40];
	_ =	sdelay $0x1  }
0x3a4: {  	s8 =	sshrl.u32 s15, $0x3  }
0x3a5: {  	s8 =	smul.u32 $0x3000, s8;
	_ =	sdelay $0x1  }
0x3a6: {  	s10 =	sand.u32 $0x380, s2;
	s8 =	sshra.s32 s8, $0x2;
	v5 =	vmul.f32 $3.906250000e-03, v5  }
0x3a7: {  	s17 =	sor.u32 s10, s8  }
0x3a8: {  	[tilespmem:s17+$0x12C80] =	vst v5  }
0x3a9: {  	v5 =	vld [tilespmem:s5+$0xFFFFFFC0];
	_ =	sdelay $0x4  }
0x3aa: {  	v5 =	vmul.f32 $6.250000000e-02, v5;
	_ =	sdelay $0x1  }
0x3ab: {  	[tilespmem:s17+$0x13080] =	vst v5  }
0x3ac: {  	v5 =	vld [tilespmem:s5+$0x40];
	_ =	sdelay $0x4  }
0x3ad: {  	[tilespmem:s17+$0x13480] =	vst v5  }
0x3ae: {  	v5 =	vld [tilespmem:s5+$0xFFFFFF50];
	_ =	sdelay $0x4  }
0x3af: {  	v5 =	vmul.f32 $3.906250000e-03, v5  }
0x3b0: {  	s16 =	sadd.s32 $0x12C80, s17  }
0x3b1: {  	[tilespmem:s16+$0x10] =	vst v5  }
0x3b2: {  	v5 =	vld [tilespmem:s5+$0xFFFFFFD0];
	_ =	sdelay $0x4  }
0x3b3: {  	v5 =	vmul.f32 $6.250000000e-02, v5  }
0x3b4: {  	s8 =	sadd.s32 $0x13080, s17  }
0x3b5: {  	[tilespmem:s8+$0x10] =	vst v5  }
0x3b6: {  	v5 =	vld [tilespmem:s5+$0x50];
	_ =	sdelay $0x3  }
0x3b7: {  	s10 =	sadd.s32 $0x13480, s17  }
0x3b8: {  	[tilespmem:s10+$0x10] =	vst v5  }
0x3b9: {  	v5 =	vld [tilespmem:s5+$0xFFFFFF60];
	_ =	sdelay $0x4  }
0x3ba: {  	v5 =	vmul.f32 $3.906250000e-03, v5;
	_ =	sdelay $0x1  }
0x3bb: {  	[tilespmem:s16+$0x20] =	vst v5  }
0x3bc: {  	v5 =	vld [tilespmem:s5+$0xFFFFFFE0];
	_ =	sdelay $0x4  }
0x3bd: {  	v5 =	vmul.f32 $6.250000000e-02, v5;
	_ =	sdelay $0x1  }
0x3be: {  	[tilespmem:s8+$0x20] =	vst v5  }
0x3bf: {  	v5 =	vld [tilespmem:s5+$0x60];
	_ =	sdelay $0x4  }
0x3c0: {  	[tilespmem:s10+$0x20] =	vst v5  }
0x3c1: {  	v5 =	vld [tilespmem:s5+$0xFFFFFF70];
	_ =	sdelay $0x4  }
0x3c2: {  	v5 =	vmul.f32 $3.906250000e-03, v5;
	_ =	sdelay $0x1  }
0x3c3: {  	[tilespmem:s16+$0x30] =	vst v5  }
0x3c4: {  	v5 =	vld [tilespmem:s5+$0xFFFFFFF0];
	_ =	sdelay $0x4  }
0x3c5: {  	v5 =	vmul.f32 $6.250000000e-02, v5;
	_ =	sdelay $0x1  }
0x3c6: {  	[tilespmem:s8+$0x30] =	vst v5  }
0x3c7: {  	v5 =	vld [tilespmem:s5+$0x70];
	_ =	sdelay $0x4  }
0x3c8: {  	[tilespmem:s10+$0x30] =	vst v5  }
0x3c9: {  	v5 =	vld [tilespmem:s5+$0xFFFFFF80];
	_ =	sdelay $0x4  }
0x3ca: {  	v5 =	vmul.f32 $3.906250000e-03, v5;
	_ =	sdelay $0x1  }
0x3cb: {  	[tilespmem:s16+$0x40] =	vst v5  }
0x3cc: {  	v5 =	vld [tilespmem:s5+$0x0];
	_ =	sdelay $0x4  }
0x3cd: {  	v5 =	vmul.f32 $6.250000000e-02, v5;
	_ =	sdelay $0x1  }
0x3ce: {  	[tilespmem:s8+$0x40] =	vst v5  }
0x3cf: {  	v5 =	vld [tilespmem:s5+$0x80];
	_ =	sdelay $0x4  }
0x3d0: {  	[tilespmem:s10+$0x40] =	vst v5  }
0x3d1: {  	v5 =	vld [tilespmem:s5+$0xFFFFFF90];
	_ =	sdelay $0x4  }
0x3d2: {  	v5 =	vmul.f32 $3.906250000e-03, v5;
	_ =	sdelay $0x1  }
0x3d3: {  	[tilespmem:s16+$0x50] =	vst v5  }
0x3d4: {  	v5 =	vld [tilespmem:s5+$0x10];
	_ =	sdelay $0x4  }
0x3d5: {  	v5 =	vmul.f32 $6.250000000e-02, v5;
	_ =	sdelay $0x1  }
0x3d6: {  	[tilespmem:s8+$0x50] =	vst v5  }
0x3d7: {  	v5 =	vld [tilespmem:s5+$0x90];
	_ =	sdelay $0x4  }
0x3d8: {  	[tilespmem:s10+$0x50] =	vst v5  }
0x3d9: {  	v5 =	vld [tilespmem:s5+$0xFFFFFFA0];
	_ =	sdelay $0x4  }
0x3da: {  	v5 =	vmul.f32 $3.906250000e-03, v5;
	_ =	sdelay $0x1  }
0x3db: {  	[tilespmem:s16+$0x60] =	vst v5  }
0x3dc: {  	v5 =	vld [tilespmem:s5+$0x20];
	_ =	sdelay $0x4  }
0x3dd: {  	v5 =	vmul.f32 $6.250000000e-02, v5;
	_ =	sdelay $0x1  }
0x3de: {  	[tilespmem:s8+$0x60] =	vst v5  }
0x3df: {  	v5 =	vld [tilespmem:s5+$0xA0];
	_ =	sdelay $0x4  }
0x3e0: {  	[tilespmem:s10+$0x60] =	vst v5  }
0x3e1: {  	v5 =	vld [tilespmem:s5+$0xFFFFFFB0];
	_ =	sdelay $0x4  }
0x3e2: {  	v5 =	vmul.f32 $3.906250000e-03, v5;
	_ =	sdelay $0x1  }
0x3e3: {  	[tilespmem:s16+$0x70] =	vst v5  }
0x3e4: {  	v5 =	vld [tilespmem:s5+$0x30];
	_ =	sdelay $0x4  }
0x3e5: {  	v5 =	vmul.f32 $6.250000000e-02, v5;
	_ =	sdelay $0x1  }
0x3e6: {  	[tilespmem:s8+$0x70] =	vst v5  }
0x3e7: {  	v5 =	vld [tilespmem:s5+$0xB0];
	_ =	sdelay $0x4  }
0x3e8: {  	[tilespmem:s10+$0x70] =	vst v5  }
0x3e9: {  	v5 =	vld [tilespmem:s11+$0xFFFFFF40];
	_ =	sdelay $0x4  }
0x3ea: {  	v5 =	vmul.f32 $3.906250000e-03, v5;
	_ =	sdelay $0x1  }
0x3eb: {  	[tilespmem:s17+$0x14480] =	vst v5  }
0x3ec: {  	v5 =	vld [tilespmem:s11+$0xFFFFFFC0];
	_ =	sdelay $0x4  }
0x3ed: {  	v5 =	vmul.f32 $6.250000000e-02, v5;
	_ =	sdelay $0x1  }
0x3ee: {  	[tilespmem:s17+$0x14880] =	vst v5  }
0x3ef: {  	v5 =	vld [tilespmem:s11+$0x40];
	_ =	sdelay $0x4  }
0x3f0: {  	[tilespmem:s16+$0x2000] =	vst v5  }
0x3f1: {  	v5 =	vld [tilespmem:s11+$0xFFFFFF50];
	_ =	sdelay $0x4  }
0x3f2: {  	v5 =	vmul.f32 $3.906250000e-03, v5  }
0x3f3: {  	s10 =	sadd.s32 $0x14480, s17  }
0x3f4: {  	[tilespmem:s10+$0x10] =	vst v5  }
0x3f5: {  	v5 =	vld [tilespmem:s11+$0xFFFFFFD0];
	_ =	sdelay $0x4  }
0x3f6: {  	v5 =	vmul.f32 $6.250000000e-02, v5  }
0x3f7: {  	s17 =	sadd.s32 $0x14880, s17  }
0x3f8: {  	[tilespmem:s17+$0x10] =	vst v5  }
0x3f9: {  	v5 =	vld [tilespmem:s11+$0x50];
	_ =	sdelay $0x4  }
0x3fa: {  	[tilespmem:s16+$0x2010] =	vst v5  }
0x3fb: {  	v5 =	vld [tilespmem:s11+$0xFFFFFF60];
	_ =	sdelay $0x4  }
0x3fc: {  	v5 =	vmul.f32 $3.906250000e-03, v5;
	_ =	sdelay $0x1  }
0x3fd: {  	[tilespmem:s10+$0x20] =	vst v5  }
0x3fe: {  	v5 =	vld [tilespmem:s11+$0xFFFFFFE0];
	_ =	sdelay $0x4  }
0x3ff: {  	v5 =	vmul.f32 $6.250000000e-02, v5;
	_ =	sdelay $0x1  }
0x400: {  	[tilespmem:s17+$0x20] =	vst v5  }
0x401: {  	v5 =	vld [tilespmem:s11+$0x60];
	_ =	sdelay $0x4  }
0x402: {  	[tilespmem:s16+$0x2020] =	vst v5  }
0x403: {  	v5 =	vld [tilespmem:s11+$0xFFFFFF70];
	_ =	sdelay $0x4  }
0x404: {  	v5 =	vmul.f32 $3.906250000e-03, v5;
	_ =	sdelay $0x1  }
0x405: {  	[tilespmem:s10+$0x30] =	vst v5  }
0x406: {  	v5 =	vld [tilespmem:s11+$0xFFFFFFF0];
	_ =	sdelay $0x4  }
0x407: {  	v5 =	vmul.f32 $6.250000000e-02, v5;
	_ =	sdelay $0x1  }
0x408: {  	[tilespmem:s17+$0x30] =	vst v5  }
0x409: {  	v5 =	vld [tilespmem:s11+$0x70];
	_ =	sdelay $0x4  }
0x40a: {  	[tilespmem:s16+$0x2030] =	vst v5  }
0x40b: {  	v5 =	vld [tilespmem:s11+$0xFFFFFF80];
	_ =	sdelay $0x4  }
0x40c: {  	v5 =	vmul.f32 $3.906250000e-03, v5;
	_ =	sdelay $0x1  }
0x40d: {  	[tilespmem:s10+$0x40] =	vst v5  }
0x40e: {  	v5 =	vld [tilespmem:s11+$0x0];
	_ =	sdelay $0x4  }
0x40f: {  	v5 =	vmul.f32 $6.250000000e-02, v5;
	_ =	sdelay $0x1  }
0x410: {  	[tilespmem:s17+$0x40] =	vst v5  }
0x411: {  	v5 =	vld [tilespmem:s11+$0x80];
	_ =	sdelay $0x4  }
0x412: {  	[tilespmem:s16+$0x2040] =	vst v5  }
0x413: {  	v5 =	vld [tilespmem:s11+$0xFFFFFF90];
	_ =	sdelay $0x4  }
0x414: {  	v5 =	vmul.f32 $3.906250000e-03, v5;
	_ =	sdelay $0x1  }
0x415: {  	[tilespmem:s10+$0x50] =	vst v5  }
0x416: {  	v5 =	vld [tilespmem:s11+$0x10];
	_ =	sdelay $0x4  }
0x417: {  	v5 =	vmul.f32 $6.250000000e-02, v5;
	_ =	sdelay $0x1  }
0x418: {  	[tilespmem:s17+$0x50] =	vst v5  }
0x419: {  	v5 =	vld [tilespmem:s11+$0x90];
	_ =	sdelay $0x4  }
0x41a: {  	[tilespmem:s16+$0x2050] =	vst v5  }
0x41b: {  	v5 =	vld [tilespmem:s11+$0xFFFFFFA0];
	_ =	sdelay $0x4  }
0x41c: {  	v5 =	vmul.f32 $3.906250000e-03, v5;
	_ =	sdelay $0x1  }
0x41d: {  	[tilespmem:s10+$0x60] =	vst v5  }
0x41e: {  	v5 =	vld [tilespmem:s11+$0x20];
	_ =	sdelay $0x4  }
0x41f: {  	v5 =	vmul.f32 $6.250000000e-02, v5;
	_ =	sdelay $0x1  }
0x420: {  	[tilespmem:s17+$0x60] =	vst v5  }
0x421: {  	v5 =	vld [tilespmem:s11+$0xA0];
	_ =	sdelay $0x4  }
0x422: {  	[tilespmem:s16+$0x2060] =	vst v5  }
0x423: {  	v5 =	vld [tilespmem:s11+$0xFFFFFFB0];
	_ =	sdelay $0x4  }
0x424: {  	v5 =	vmul.f32 $3.906250000e-03, v5;
	_ =	sdelay $0x1  }
0x425: {  	[tilespmem:s10+$0x70] =	vst v5  }
0x426: {  	v5 =	vld [tilespmem:s11+$0x30];
	_ =	sdelay $0x4  }
0x427: {  	v5 =	vmul.f32 $6.250000000e-02, v5;
	_ =	sdelay $0x1  }
0x428: {  	[tilespmem:s17+$0x70] =	vst v5  }
0x429: {  	p0 =	sne.s32 s15, $0xF;
	v5 =	vld [tilespmem:s11+$0xB0]  }
.Ltmp22:
0x42a: {  	_ = 	snop;
	(pc) =	sbr.rel @p0 .LBB2_34-.Ltmp22, $3  }
0x42b: {  	_ =	sdelay $0x1  }
0x42c: {  	s2 =	sadd.s32 $0x80, s2  }
0x42d: {  	s15 =	sadd.s32 $0x1, s15;
	s5 =	sadd.s32 $0x200, s5;
	s11 =	sadd.s32 $0x200, s11;
	[tilespmem:s16+$0x2070] =	vst v5  }
0x42e: {  	s2 =	rddreg [dreg:$0x9];
	s5 =	simm.s32 $0x12C80  }
0x42f: {  	[hbm4b:s2+s12] =	stream.linear.scatter [tilespmem:s5], [sflag:$0x5], $0x3000, $0x38;
	[tilespmem:$0x1DC80] =	vst v63  }
0x430: {  	_ =	swait.ge [sflag:s19], $0x3000  }
0x431: {  	s0 =	sadd.s32 $0x1, s0;
	s17 =	rddreg [dreg:$0xa]  }
0x432: {  	p0 =	sne.s32 s0, s17  }
.Ltmp23:
0x433: {  	_ = 	snop;
	(pc) =	sbr.rel @p0 .LBB2_1-.Ltmp23, $3  }
0x434: {  	_ =	sdelay $0x1  }
0x435: {  	[sflag:s19] =	ssyncset.done $0x0  }
0x436: {  	[sflag:s19] =	ssyncadd.s32 $0xFFFFD000  }
0x437: {  	_ =	sfence.sel $0x180000  }
0x438: {  	[bflag:$0x0] =	sbarrier.arrive $0xFFFF  }
0x439: {  	_ =	strace $0x90000047  }
0x43a: {  	s0 =	stileid.u32;
	[bflag:$0x2] =	sbarrier.arrive $0xFFFF  }
0x43b: {  	p0 =	sne.s32 s0, $0x0;
	s0 =	rddreg [dreg:$0x4]  }
0x43c: {  	s0 =	sadd.s32 @!p0 $0x100000, s0  }
0x43d: {  	[sflag:s0] =	ssyncadd.tile.s32 @!p0 $0x1;
	_ =	shalt  }
.Lfunc_end2:
_tile_overlayer_lowered:
.L_overlay_start_2:
0x43e: {  	(tag) =	ssettag $0x2  }
0x43f: {  	s0 =	rddreg [dreg:$0x0];
	s2 =	stileid.u32  }
0x440: {  	s1 =	rddreg [dreg:$0x1];
	p0 =	sne.s32 s2, $0x0  }
0x441: {  	s3 =	rddreg [dreg:$0x2];
	[bflag:$0x3] =	sbarrier.arrive $0xFFFF;
	s2 =	simm.s32 @!p0 $0x1C05  }
0x442: {  	[timem:s3], [sflag:s2] =	dma.local @!p0 [hbm:s0], s1  }
0x443: {  	s0 =	simm.s32 @!p0 $0x5  }
0x444: {  	_ =	swait.ge @!p0 [sflag:s0], s1  }
0x445: {  	s1 =	ssub.s32 @!p0 $0x0, s1;
	[sflag:s0] =	ssyncset.done @!p0 $0x0  }
0x446: {  	[sflag:s0] =	ssyncadd.s32 @!p0 s1  }
0x447: {  	[bflag:$0x3] =	sbarrier.arrive $0xFFFF  }
0x448: {  	_ =	shalt  }

</sc_bundles>
